<compile_context>
chip_gen: v7x
topology: tpu7x:2x2x1
jax: 0.10.2.dev20260603
libtpu: 0.0.44.dev20260713+nightly
codegen_flags: <defaults>
</compile_context>

<pallas_src>
import jax
import jax.numpy as jnp
from jax import lax
from jax.experimental import pallas as pl
from jax.experimental.pallas import tpu as pltpu
from jax.experimental.pallas import tpu_sc as plsc

B, C, H, W = 4, 32, 128, 128
HW = H * W
K = 9
M = 9 * 64 * 64
J = K * M
CH = 4608
NCHUNK = M // CH
NTOT = K * NCHUNK
LANES = 16
TPC = 4
NW = 32
WPB = NW // B
UNROLL = 8

FTOT = B * J
FPS = FTOT // NW
FCH = 2304
FNC = FPS // FCH
SPB = J // FPS
J2 = J // 2
CH2 = CH // 2
FCH2 = FCH // 2


def _body(xf, yf, xif, out, ifl, t0, t1, t2, t3, ibuf, obuf, fybuf, fxbuf,
          fobuf, stab, sl0, sl1, ss0, ss1):
    tables = (t0, t1, t2, t3)
    semld = (sl0, sl1)
    semst = (ss0, ss1)
    cid = lax.axis_index("c")
    sid = lax.axis_index("s")
    b = cid * 2 + sid // 8
    cbase = (sid % 8) * TPC

    for j in range(TPC):
        pltpu.async_copy(xf.at[b, cbase + j], tables[j], stab)

    r = cid * 16 + sid
    fb = r // SPB
    foff = (r % SPB) * FPS
    foff2 = (r % SPB) * (FPS // 2)

    def fld(n, q):
        pltpu.async_copy(yf.at[r, pl.ds(n * FCH, FCH)], fybuf.at[q],
                         semld[q])
        pltpu.async_copy(xif.at[r, pl.ds(n * FCH, FCH)], fxbuf.at[q],
                         semld[q])

    def fld_wait(n, q):
        pltpu.make_async_copy(
            yf.at[r, pl.ds(n * FCH, FCH)], fybuf.at[q], semld[q]).wait()
        pltpu.make_async_copy(
            xif.at[r, pl.ds(n * FCH, FCH)], fxbuf.at[q], semld[q]).wait()

    def fst(n, q):
        pltpu.async_copy(fobuf.at[q],
                         ifl.at[fb, pl.ds(foff2 + n * FCH2, FCH2)],
                         semst[q])

    def fst_wait(n, q):
        pltpu.make_async_copy(
            fobuf.at[q], ifl.at[fb, pl.ds(foff2 + n * FCH2, FCH2)],
            semst[q]).wait()

    def fcompute(q):
        @plsc.parallel_loop(0, FCH, 2 * LANES, unroll=UNROLL)
        def _(off):
            y0 = fybuf[q, pl.ds(off, LANES)]
            x0 = fxbuf[q, pl.ds(off, LANES)]
            y1 = fybuf[q, pl.ds(off + LANES, LANES)]
            x1 = fxbuf[q, pl.ds(off + LANES, LANES)]
            f0 = x0 + y0 * W
            f1 = x1 + y1 * W
            fobuf[q, pl.ds(pl.multiple_of(off // 2, LANES), LANES)] = (
                f0 | (f1 << 16))

    fld(0, 0)
    fld(1, 1)
    fld_wait(0, 0)
    fcompute(0)
    fld(2, 0)
    fst(0, 0)
    fld_wait(1, 1)
    fcompute(1)
    fld(3, 1)
    fst(1, 1)

    def fpair(p, carry):
        for q in (0, 1):
            n = 2 * p + q
            fld_wait(n, q)
            fst_wait(n - 2, q)
            fcompute(q)

            @pl.when(n + 2 <= FNC - 1)
            def _():
                fld(n + 2, q)

            fst(n, q)
        return carry

    lax.fori_loop(1, FNC // 2, fpair, 0)

    fst_wait(FNC - 2, 0)
    fst_wait(FNC - 1, 1)

    for j in range(TPC):
        pltpu.make_async_copy(xf.at[b, cbase + j], tables[j], stab).wait()
    plsc.subcore_barrier()

    def ld(n, q):
        pltpu.async_copy(ifl.at[b, pl.ds(n * CH2, CH2)], ibuf.at[q],
                         semld[q])

    def ld_wait(n, q):
        pltpu.make_async_copy(
            ifl.at[b, pl.ds(n * CH2, CH2)], ibuf.at[q], semld[q]).wait()

    def out_slice(n):
        k = n // NCHUNK
        t = n % NCHUNK
        return out.at[b, k, pl.ds(cbase, TPC), pl.ds(t * CH, CH)]

    def st(n, q):
        pltpu.async_copy(obuf.at[q], out_slice(n), semst[q])

    def st_wait(n, q):
        pltpu.make_async_copy(obuf.at[q], out_slice(n), semst[q]).wait()

    def compute(q):
        @plsc.parallel_loop(0, CH, 2 * LANES, unroll=UNROLL)
        def _(off):
            w = ibuf[q, pl.ds(pl.multiple_of(off // 2, LANES), LANES)]
            lo = w & 0xFFFF
            hi = w >> 16
            for j in range(TPC):
                obuf[q, j, pl.ds(off, LANES)] = plsc.load_gather(
                    tables[j], [lo])
                obuf[q, j, pl.ds(off + LANES, LANES)] = plsc.load_gather(
                    tables[j], [hi])

    ld(0, 0)
    ld(1, 1)
    ld_wait(0, 0)
    compute(0)
    ld(2, 0)
    st(0, 0)
    ld_wait(1, 1)
    compute(1)
    ld(3, 1)
    st(1, 1)

    def pair(p, carry):
        for q in (0, 1):
            n = 2 * p + q
            ld_wait(n, q)
            st_wait(n - 2, q)
            compute(q)

            @pl.when(n + 2 <= NTOT - 1)
            def _():
                ld(n + 2, q)

            st(n, q)
        return carry

    lax.fori_loop(1, NTOT // 2, pair, 0)

    st_wait(NTOT - 2, 0)
    st_wait(NTOT - 1, 1)


@jax.jit
def kernel(x, inref_y, inref_x):
    xf = x.reshape(B, C, HW)
    yflat = inref_y.reshape(NW, FPS)
    xiflat = inref_x.reshape(NW, FPS)
    mesh = plsc.VectorSubcoreMesh(core_axis_name="c", subcore_axis_name="s")
    out, _ = pl.kernel(
        _body,
        out_type=(jax.ShapeDtypeStruct((B, K, C, M), jnp.float32),
                  jax.ShapeDtypeStruct((B, J2), jnp.int32)),
        mesh=mesh,
        compiler_params=pltpu.CompilerParams(needs_layout_passes=False),
        scratch_types=[
            pltpu.VMEM((HW,), jnp.float32),
            pltpu.VMEM((HW,), jnp.float32),
            pltpu.VMEM((HW,), jnp.float32),
            pltpu.VMEM((HW,), jnp.float32),
            pltpu.VMEM((2, CH2), jnp.int32),
            pltpu.VMEM((2, TPC, CH), jnp.float32),
            pltpu.VMEM((2, FCH), jnp.int32),
            pltpu.VMEM((2, FCH), jnp.int32),
            pltpu.VMEM((2, FCH2), jnp.int32),
            pltpu.SemaphoreType.DMA,
            pltpu.SemaphoreType.DMA,
            pltpu.SemaphoreType.DMA,
            pltpu.SemaphoreType.DMA,
            pltpu.SemaphoreType.DMA,
        ],
    )(xf, yflat, xiflat)
    return out

# --- scband reference (transcript-rebuilt; emitter-appended) ---
"""Pipeline reference for scband-deform-search-67430986547240 (READ-ONLY COPY).

The authoritative reference and input builder live on the scoring server;
editing this copy changes nothing except your own understanding.
"""

import jax, jax.numpy as jnp
import numpy as np


def setup_inputs(seed: int = 0) -> dict:
    key = jax.random.key(seed)
    k1, k2, k3 = jax.random.split(key, 3)
    x = jax.random.normal(k1, (4, 32, 128, 128), dtype=jnp.float32)
    inref_y = jax.random.randint(k2, (4, 9, 9, 64, 64), 0, 128, dtype=jnp.int64 if jax.config.jax_enable_x64 else jnp.int32).astype(jnp.int32)
    inref_x = jax.random.randint(k3, (4, 9, 9, 64, 64), 0, 128, dtype=jnp.int64 if jax.config.jax_enable_x64 else jnp.int32).astype(jnp.int32)
    return {"x": x, "inref_y": inref_y, "inref_x": inref_x}


def reference(x, inref_y, inref_x):
    b, k = inref_y.shape[0], inref_y.shape[1]
    c = x.shape[1]
    h1, w1 = x.shape[2], x.shape[3]
    # flat index into the (h1*w1) spatial plane
    inref = inref_x + inref_y * w1                      # [b, k, N, h, w]
    inref_flat = inref.reshape(b, -1)                   # [b, k*N*h*w]
    x_flat = x.reshape(b, c, -1)                        # [b, c, h1*w1]
    idx = jnp.broadcast_to(inref_flat[:, None, :], (b, c, inref_flat.shape[1]))
    recon = jnp.take_along_axis(x_flat, idx, axis=2)    # [b, c, k*N*h*w]
    recon = recon.reshape(b, c, k, -1).transpose(0, 2, 1, 3)  # [b, k, c, N*h*w]
    return recon

if __name__ == "__main__":
    import jax
    _d = setup_inputs()
    print(jax.jit(kernel)(*tuple(_d.values())))

</pallas_src>

<mosaic_0001>
#map = affine_map<(d0, d1) -> (0, 0, 0)>
#map1 = affine_map<(d0, d1) -> (0, 0)>
#map2 = affine_map<(d0, d1) -> (0, 0, 0, 0)>
module attributes {stable_mosaic.version = 14 : i64} {
  func.func @_body(%arg0: i32, %arg1: i32, %arg2: memref<4x32x16384xf32, #tpu.memory_space<hbm>>, %arg3: memref<32x41472xi32, #tpu.memory_space<hbm>>, %arg4: memref<32x41472xi32, #tpu.memory_space<hbm>>, %arg5: memref<4x9x32x36864xf32, #tpu.memory_space<hbm>>, %arg6: memref<4x165888xi32, #tpu.memory_space<hbm>>, %arg7: memref<16384xf32, #tpu.memory_space<vmem>>, %arg8: memref<16384xf32, #tpu.memory_space<vmem>>, %arg9: memref<16384xf32, #tpu.memory_space<vmem>>, %arg10: memref<16384xf32, #tpu.memory_space<vmem>>, %arg11: memref<2x2304xi32, #tpu.memory_space<vmem>>, %arg12: memref<2x4x4608xf32, #tpu.memory_space<vmem>>, %arg13: memref<2x2304xi32, #tpu.memory_space<vmem>>, %arg14: memref<2x2304xi32, #tpu.memory_space<vmem>>, %arg15: memref<2x1152xi32, #tpu.memory_space<vmem>>, %arg16: memref<!tpu.dma_semaphore, #tpu.memory_space<semaphore_mem>>, %arg17: memref<!tpu.dma_semaphore, #tpu.memory_space<semaphore_mem>>, %arg18: memref<!tpu.dma_semaphore, #tpu.memory_space<semaphore_mem>>, %arg19: memref<!tpu.dma_semaphore, #tpu.memory_space<semaphore_mem>>, %arg20: memref<!tpu.dma_semaphore, #tpu.memory_space<semaphore_mem>>) attributes {dimension_semantics = [#tpu.dimension_semantics<core_parallel>, #tpu.dimension_semantics<subcore_parallel>], iteration_bounds = array<i64: 2, 16>, scalar_prefetch = 0 : i64, scratch_operands = 14 : i64, tpu.core_type = #tpu.core_type<sc_vector_subcore>, window_params = [{transform_indices = #map}, {transform_indices = #map1}, {transform_indices = #map1}, {transform_indices = #map2}, {transform_indices = #map1}]} {
    %mul3A = arith.constant 2 : i32
    %mul3A_0 = arith.muli %arg0, %mul3A : i32
    %jit3A = arith.constant 8 : i32
    %div3A = arith.divsi %arg1, %jit3A : i32
    %sign3A = arith.constant 0 : i32
    %sign3A_1 = arith.cmpi sgt, %arg1, %sign3A : i32
    %sign3A_2 = arith.extui %sign3A_1 : i1 to i32
    %sign3A_3 = arith.constant 0 : i32
    %sign3A_4 = arith.cmpi slt, %arg1, %sign3A_3 : i32
    %sign3A_5 = arith.extui %sign3A_4 : i1 to i32
    %sign3A_6 = arith.subi %sign3A_2, %sign3A_5 : i32
    %sign3A_7 = arith.constant 0 : i32
    %sign3A_8 = arith.cmpi sgt, %jit3A, %sign3A_7 : i32
    %sign3A_9 = arith.extui %sign3A_8 : i1 to i32
    %sign3A_10 = arith.constant 0 : i32
    %sign3A_11 = arith.cmpi slt, %jit3A, %sign3A_10 : i32
    %sign3A_12 = arith.extui %sign3A_11 : i1 to i32
    %sign3A_13 = arith.subi %sign3A_9, %sign3A_12 : i32
    %ne3A = arith.cmpi ne, %sign3A_6, %sign3A_13 : i32
    %rem3A = arith.remsi %arg1, %jit3A : i32
    %ne3A_14 = arith.constant 0 : i32
    %ne3A_15 = arith.cmpi ne, %rem3A, %ne3A_14 : i32
    %and3A = arith.andi %ne3A, %ne3A_15 : i1
    %sub3A = arith.constant 1 : i32
    %sub3A_16 = arith.subi %div3A, %sub3A : i32
    %select_n3A = arith.select %and3A, %sub3A_16, %div3A : i32
    %add3A = arith.addi %mul3A_0, %select_n3A : i32
    %jit3A_17 = arith.constant 8 : i32
    %eq3A = arith.constant 0 : i32
    %eq3A_18 = arith.cmpi eq, %jit3A_17, %eq3A : i32
    %jit3A_19 = arith.constant 1 : i32
    %select_n3A_20 = arith.select %eq3A_18, %jit3A_19, %jit3A_17 : i32
    %rem3A_21 = arith.remsi %arg1, %select_n3A_20 : i32
    %ne3A_22 = arith.constant 0 : i32
    %ne3A_23 = arith.cmpi ne, %rem3A_21, %ne3A_22 : i32
    %lt3A = arith.constant 0 : i32
    %lt3A_24 = arith.cmpi slt, %rem3A_21, %lt3A : i32
    %lt3A_25 = arith.constant 0 : i32
    %lt3A_26 = arith.cmpi slt, %select_n3A_20, %lt3A_25 : i32
    %ne3A_27 = arith.xori %lt3A_24, %lt3A_26 : i1
    %and3A_28 = arith.andi %ne3A_27, %ne3A_23 : i1
    %add3A_29 = arith.addi %rem3A_21, %select_n3A_20 : i32
    %select_n3A_30 = arith.select %and3A_28, %add3A_29, %rem3A_21 : i32
    %mul3A_31 = arith.constant 4 : i32
    %mul3A_32 = arith.muli %select_n3A_30, %mul3A_31 : i32
    %add3A_33 = arith.constant 0 : i32
    %add3A_34 = arith.addi %mul3A_32, %add3A_33 : i32
    %dma_start3A = arith.constant 0 : i32
    %dma_start3A_35 = tpu.memref_slice %arg2[%add3A, %add3A_34, %dma_start3A] : memref<4x32x16384xf32, #tpu.memory_space<hbm>> -> memref<1x1x16384xf32, #tpu.memory_space<hbm>>
    %dma_start3A_36 = tpu.memref_squeeze %dma_start3A_35 : memref<1x1x16384xf32, #tpu.memory_space<hbm>> -> memref<16384xf32, #tpu.memory_space<hbm>>
    %dma_start3A_37 = arith.constant 0 : i32
    %dma_start3A_38 = tpu.memref_slice %arg2[%add3A, %add3A_34, %dma_start3A_37] : memref<4x32x16384xf32, #tpu.memory_space<hbm>> -> memref<1x1x16384xf32, #tpu.memory_space<hbm>>
    %dma_start3A_39 = tpu.memref_squeeze %dma_start3A_38 : memref<1x1x16384xf32, #tpu.memory_space<hbm>> -> memref<16384xf32, #tpu.memory_space<hbm>>
    tpu.enqueue_dma source(%dma_start3A_39 : memref<16384xf32, #tpu.memory_space<hbm>>) target(%arg7 : memref<16384xf32, #tpu.memory_space<vmem>>) target_semaphore(%arg16 : memref<!tpu.dma_semaphore, #tpu.memory_space<semaphore_mem>>)
    %add3A_40 = arith.constant 1 : i32
    %add3A_41 = arith.addi %mul3A_32, %add3A_40 : i32
    %dma_start3A_42 = arith.constant 0 : i32
    %dma_start3A_43 = tpu.memref_slice %arg2[%add3A, %add3A_41, %dma_start3A_42] : memref<4x32x16384xf32, #tpu.memory_space<hbm>> -> memref<1x1x16384xf32, #tpu.memory_space<hbm>>
    %dma_start3A_44 = tpu.memref_squeeze %dma_start3A_43 : memref<1x1x16384xf32, #tpu.memory_space<hbm>> -> memref<16384xf32, #tpu.memory_space<hbm>>
    %dma_start3A_45 = arith.constant 0 : i32
    %dma_start3A_46 = tpu.memref_slice %arg2[%add3A, %add3A_41, %dma_start3A_45] : memref<4x32x16384xf32, #tpu.memory_space<hbm>> -> memref<1x1x16384xf32, #tpu.memory_space<hbm>>
    %dma_start3A_47 = tpu.memref_squeeze %dma_start3A_46 : memref<1x1x16384xf32, #tpu.memory_space<hbm>> -> memref<16384xf32, #tpu.memory_space<hbm>>
    tpu.enqueue_dma source(%dma_start3A_47 : memref<16384xf32, #tpu.memory_space<hbm>>) target(%arg8 : memref<16384xf32, #tpu.memory_space<vmem>>) target_semaphore(%arg16 : memref<!tpu.dma_semaphore, #tpu.memory_space<semaphore_mem>>)
    %add3A_48 = arith.constant 2 : i32
    %add3A_49 = arith.addi %mul3A_32, %add3A_48 : i32
    %dma_start3A_50 = arith.constant 0 : i32
    %dma_start3A_51 = tpu.memref_slice %arg2[%add3A, %add3A_49, %dma_start3A_50] : memref<4x32x16384xf32, #tpu.memory_space<hbm>> -> memref<1x1x16384xf32, #tpu.memory_space<hbm>>
    %dma_start3A_52 = tpu.memref_squeeze %dma_start3A_51 : memref<1x1x16384xf32, #tpu.memory_space<hbm>> -> memref<16384xf32, #tpu.memory_space<hbm>>
    %dma_start3A_53 = arith.constant 0 : i32
    %dma_start3A_54 = tpu.memref_slice %arg2[%add3A, %add3A_49, %dma_start3A_53] : memref<4x32x16384xf32, #tpu.memory_space<hbm>> -> memref<1x1x16384xf32, #tpu.memory_space<hbm>>
    %dma_start3A_55 = tpu.memref_squeeze %dma_start3A_54 : memref<1x1x16384xf32, #tpu.memory_space<hbm>> -> memref<16384xf32, #tpu.memory_space<hbm>>
    tpu.enqueue_dma source(%dma_start3A_55 : memref<16384xf32, #tpu.memory_space<hbm>>) target(%arg9 : memref<16384xf32, #tpu.memory_space<vmem>>) target_semaphore(%arg16 : memref<!tpu.dma_semaphore, #tpu.memory_space<semaphore_mem>>)
    %add3A_56 = arith.constant 3 : i32
    %add3A_57 = arith.addi %mul3A_32, %add3A_56 : i32
    %dma_start3A_58 = arith.constant 0 : i32
    %dma_start3A_59 = tpu.memref_slice %arg2[%add3A, %add3A_57, %dma_start3A_58] : memref<4x32x16384xf32, #tpu.memory_space<hbm>> -> memref<1x1x16384xf32, #tpu.memory_space<hbm>>
    %dma_start3A_60 = tpu.memref_squeeze %dma_start3A_59 : memref<1x1x16384xf32, #tpu.memory_space<hbm>> -> memref<16384xf32, #tpu.memory_space<hbm>>
    %dma_start3A_61 = arith.constant 0 : i32
    %dma_start3A_62 = tpu.memref_slice %arg2[%add3A, %add3A_57, %dma_start3A_61] : memref<4x32x16384xf32, #tpu.memory_space<hbm>> -> memref<1x1x16384xf32, #tpu.memory_space<hbm>>
    %dma_start3A_63 = tpu.memref_squeeze %dma_start3A_62 : memref<1x1x16384xf32, #tpu.memory_space<hbm>> -> memref<16384xf32, #tpu.memory_space<hbm>>
    tpu.enqueue_dma source(%dma_start3A_63 : memref<16384xf32, #tpu.memory_space<hbm>>) target(%arg10 : memref<16384xf32, #tpu.memory_space<vmem>>) target_semaphore(%arg16 : memref<!tpu.dma_semaphore, #tpu.memory_space<semaphore_mem>>)
    %mul3A_64 = arith.constant 16 : i32
    %mul3A_65 = arith.muli %arg0, %mul3A_64 : i32
    %add3A_66 = arith.addi %mul3A_65, %arg1 : i32
    %jit3A_67 = arith.constant 8 : i32
    %div3A_68 = arith.divsi %add3A_66, %jit3A_67 : i32
    %sign3A_69 = arith.constant 0 : i32
    %sign3A_70 = arith.cmpi sgt, %add3A_66, %sign3A_69 : i32
    %sign3A_71 = arith.extui %sign3A_70 : i1 to i32
    %sign3A_72 = arith.constant 0 : i32
    %sign3A_73 = arith.cmpi slt, %add3A_66, %sign3A_72 : i32
    %sign3A_74 = arith.extui %sign3A_73 : i1 to i32
    %sign3A_75 = arith.subi %sign3A_71, %sign3A_74 : i32
    %sign3A_76 = arith.constant 0 : i32
    %sign3A_77 = arith.cmpi sgt, %jit3A_67, %sign3A_76 : i32
    %sign3A_78 = arith.extui %sign3A_77 : i1 to i32
    %sign3A_79 = arith.constant 0 : i32
    %sign3A_80 = arith.cmpi slt, %jit3A_67, %sign3A_79 : i32
    %sign3A_81 = arith.extui %sign3A_80 : i1 to i32
    %sign3A_82 = arith.subi %sign3A_78, %sign3A_81 : i32
    %ne3A_83 = arith.cmpi ne, %sign3A_75, %sign3A_82 : i32
    %rem3A_84 = arith.remsi %add3A_66, %jit3A_67 : i32
    %ne3A_85 = arith.constant 0 : i32
    %ne3A_86 = arith.cmpi ne, %rem3A_84, %ne3A_85 : i32
    %and3A_87 = arith.andi %ne3A_83, %ne3A_86 : i1
    %sub3A_88 = arith.constant 1 : i32
    %sub3A_89 = arith.subi %div3A_68, %sub3A_88 : i32
    %select_n3A_90 = arith.select %and3A_87, %sub3A_89, %div3A_68 : i32
    %jit3A_91 = arith.constant 8 : i32
    %eq3A_92 = arith.constant 0 : i32
    %eq3A_93 = arith.cmpi eq, %jit3A_91, %eq3A_92 : i32
    %jit3A_94 = arith.constant 1 : i32
    %select_n3A_95 = arith.select %eq3A_93, %jit3A_94, %jit3A_91 : i32
    %rem3A_96 = arith.remsi %add3A_66, %select_n3A_95 : i32
    %ne3A_97 = arith.constant 0 : i32
    %ne3A_98 = arith.cmpi ne, %rem3A_96, %ne3A_97 : i32
    %lt3A_99 = arith.constant 0 : i32
    %lt3A_100 = arith.cmpi slt, %rem3A_96, %lt3A_99 : i32
    %lt3A_101 = arith.constant 0 : i32
    %lt3A_102 = arith.cmpi slt, %select_n3A_95, %lt3A_101 : i32
    %ne3A_103 = arith.xori %lt3A_100, %lt3A_102 : i1
    %and3A_104 = arith.andi %ne3A_103, %ne3A_98 : i1
    %add3A_105 = arith.addi %rem3A_96, %select_n3A_95 : i32
    %select_n3A_106 = arith.select %and3A_104, %add3A_105, %rem3A_96 : i32
    %mul3A_107 = arith.constant 41472 : i32
    %mul3A_108 = arith.muli %select_n3A_106, %mul3A_107 : i32
    %jit3A_109 = arith.constant 8 : i32
    %eq3A_110 = arith.constant 0 : i32
    %eq3A_111 = arith.cmpi eq, %jit3A_109, %eq3A_110 : i32
    %jit3A_112 = arith.constant 1 : i32
    %select_n3A_113 = arith.select %eq3A_111, %jit3A_112, %jit3A_109 : i32
    %rem3A_114 = arith.remsi %add3A_66, %select_n3A_113 : i32
    %ne3A_115 = arith.constant 0 : i32
    %ne3A_116 = arith.cmpi ne, %rem3A_114, %ne3A_115 : i32
    %lt3A_117 = arith.constant 0 : i32
    %lt3A_118 = arith.cmpi slt, %rem3A_114, %lt3A_117 : i32
    %lt3A_119 = arith.constant 0 : i32
    %lt3A_120 = arith.cmpi slt, %select_n3A_113, %lt3A_119 : i32
    %ne3A_121 = arith.xori %lt3A_118, %lt3A_120 : i1
    %and3A_122 = arith.andi %ne3A_121, %ne3A_116 : i1
    %add3A_123 = arith.addi %rem3A_114, %select_n3A_113 : i32
    %select_n3A_124 = arith.select %and3A_122, %add3A_123, %rem3A_114 : i32
    %mul3A_125 = arith.constant 20736 : i32
    %mul3A_126 = arith.muli %select_n3A_124, %mul3A_125 : i32
    %dma_start3A_127 = arith.constant 0 : i32
    %dma_start3A_128 = arith.constant 0 : i32
    %dma_start3A_129 = tpu.memref_slice %arg13[%dma_start3A_127, %dma_start3A_128] : memref<2x2304xi32, #tpu.memory_space<vmem>> -> memref<1x2304xi32, #tpu.memory_space<vmem>>
    %dma_start3A_130 = tpu.memref_squeeze %dma_start3A_129 : memref<1x2304xi32, #tpu.memory_space<vmem>> -> memref<2304xi32, #tpu.memory_space<vmem>>
    %dma_start3A_131 = arith.constant 0 : i32
    %dma_start3A_132 = tpu.memref_slice %arg3[%add3A_66, %dma_start3A_131] : memref<32x41472xi32, #tpu.memory_space<hbm>> -> memref<1x2304xi32, #tpu.memory_space<hbm>>
    %dma_start3A_133 = tpu.memref_squeeze %dma_start3A_132 : memref<1x2304xi32, #tpu.memory_space<hbm>> -> memref<2304xi32, #tpu.memory_space<hbm>>
    %dma_start3A_134 = arith.constant 0 : i32
    %dma_start3A_135 = tpu.memref_slice %arg13[%dma_start3A_127, %dma_start3A_134] : memref<2x2304xi32, #tpu.memory_space<vmem>> -> memref<1x2304xi32, #tpu.memory_space<vmem>>
    %dma_start3A_136 = tpu.memref_squeeze %dma_start3A_135 : memref<1x2304xi32, #tpu.memory_space<vmem>> -> memref<2304xi32, #tpu.memory_space<vmem>>
    %dma_start3A_137 = arith.constant 0 : i32
    %dma_start3A_138 = tpu.memref_slice %arg3[%add3A_66, %dma_start3A_137] : memref<32x41472xi32, #tpu.memory_space<hbm>> -> memref<1x2304xi32, #tpu.memory_space<hbm>>
    %dma_start3A_139 = tpu.memref_squeeze %dma_start3A_138 : memref<1x2304xi32, #tpu.memory_space<hbm>> -> memref<2304xi32, #tpu.memory_space<hbm>>
    tpu.enqueue_dma source(%dma_start3A_139 : memref<2304xi32, #tpu.memory_space<hbm>>) target(%dma_start3A_136 : memref<2304xi32, #tpu.memory_space<vmem>>) target_semaphore(%arg17 : memref<!tpu.dma_semaphore, #tpu.memory_space<semaphore_mem>>)
    %dma_start3A_140 = arith.constant 0 : i32
    %dma_start3A_141 = arith.constant 0 : i32
    %dma_start3A_142 = tpu.memref_slice %arg14[%dma_start3A_140, %dma_start3A_141] : memref<2x2304xi32, #tpu.memory_space<vmem>> -> memref<1x2304xi32, #tpu.memory_space<vmem>>
    %dma_start3A_143 = tpu.memref_squeeze %dma_start3A_142 : memref<1x2304xi32, #tpu.memory_space<vmem>> -> memref<2304xi32, #tpu.memory_space<vmem>>
    %dma_start3A_144 = arith.constant 0 : i32
    %dma_start3A_145 = tpu.memref_slice %arg4[%add3A_66, %dma_start3A_144] : memref<32x41472xi32, #tpu.memory_space<hbm>> -> memref<1x2304xi32, #tpu.memory_space<hbm>>
    %dma_start3A_146 = tpu.memref_squeeze %dma_start3A_145 : memref<1x2304xi32, #tpu.memory_space<hbm>> -> memref<2304xi32, #tpu.memory_space<hbm>>
    %dma_start3A_147 = arith.constant 0 : i32
    %dma_start3A_148 = tpu.memref_slice %arg14[%dma_start3A_140, %dma_start3A_147] : memref<2x2304xi32, #tpu.memory_space<vmem>> -> memref<1x2304xi32, #tpu.memory_space<vmem>>
    %dma_start3A_149 = tpu.memref_squeeze %dma_start3A_148 : memref<1x2304xi32, #tpu.memory_space<vmem>> -> memref<2304xi32, #tpu.memory_space<vmem>>
    %dma_start3A_150 = arith.constant 0 : i32
    %dma_start3A_151 = tpu.memref_slice %arg4[%add3A_66, %dma_start3A_150] : memref<32x41472xi32, #tpu.memory_space<hbm>> -> memref<1x2304xi32, #tpu.memory_space<hbm>>
    %dma_start3A_152 = tpu.memref_squeeze %dma_start3A_151 : memref<1x2304xi32, #tpu.memory_space<hbm>> -> memref<2304xi32, #tpu.memory_space<hbm>>
    tpu.enqueue_dma source(%dma_start3A_152 : memref<2304xi32, #tpu.memory_space<hbm>>) target(%dma_start3A_149 : memref<2304xi32, #tpu.memory_space<vmem>>) target_semaphore(%arg17 : memref<!tpu.dma_semaphore, #tpu.memory_space<semaphore_mem>>)
    %dma_start3A_153 = arith.constant 1 : i32
    %dma_start3A_154 = arith.constant 0 : i32
    %dma_start3A_155 = tpu.memref_slice %arg13[%dma_start3A_153, %dma_start3A_154] : memref<2x2304xi32, #tpu.memory_space<vmem>> -> memref<1x2304xi32, #tpu.memory_space<vmem>>
    %dma_start3A_156 = tpu.memref_squeeze %dma_start3A_155 : memref<1x2304xi32, #tpu.memory_space<vmem>> -> memref<2304xi32, #tpu.memory_space<vmem>>
    %dma_start3A_157 = arith.constant 2304 : i32
    %dma_start3A_158 = tpu.memref_slice %arg3[%add3A_66, %dma_start3A_157] : memref<32x41472xi32, #tpu.memory_space<hbm>> -> memref<1x2304xi32, #tpu.memory_space<hbm>>
    %dma_start3A_159 = tpu.memref_squeeze %dma_start3A_158 : memref<1x2304xi32, #tpu.memory_space<hbm>> -> memref<2304xi32, #tpu.memory_space<hbm>>
    %dma_start3A_160 = arith.constant 0 : i32
    %dma_start3A_161 = tpu.memref_slice %arg13[%dma_start3A_153, %dma_start3A_160] : memref<2x2304xi32, #tpu.memory_space<vmem>> -> memref<1x2304xi32, #tpu.memory_space<vmem>>
    %dma_start3A_162 = tpu.memref_squeeze %dma_start3A_161 : memref<1x2304xi32, #tpu.memory_space<vmem>> -> memref<2304xi32, #tpu.memory_space<vmem>>
    %dma_start3A_163 = arith.constant 2304 : i32
    %dma_start3A_164 = tpu.memref_slice %arg3[%add3A_66, %dma_start3A_163] : memref<32x41472xi32, #tpu.memory_space<hbm>> -> memref<1x2304xi32, #tpu.memory_space<hbm>>
    %dma_start3A_165 = tpu.memref_squeeze %dma_start3A_164 : memref<1x2304xi32, #tpu.memory_space<hbm>> -> memref<2304xi32, #tpu.memory_space<hbm>>
    tpu.enqueue_dma source(%dma_start3A_165 : memref<2304xi32, #tpu.memory_space<hbm>>) target(%dma_start3A_162 : memref<2304xi32, #tpu.memory_space<vmem>>) target_semaphore(%arg18 : memref<!tpu.dma_semaphore, #tpu.memory_space<semaphore_mem>>)
    %dma_start3A_166 = arith.constant 1 : i32
    %dma_start3A_167 = arith.constant 0 : i32
    %dma_start3A_168 = tpu.memref_slice %arg14[%dma_start3A_166, %dma_start3A_167] : memref<2x2304xi32, #tpu.memory_space<vmem>> -> memref<1x2304xi32, #tpu.memory_space<vmem>>
    %dma_start3A_169 = tpu.memref_squeeze %dma_start3A_168 : memref<1x2304xi32, #tpu.memory_space<vmem>> -> memref<2304xi32, #tpu.memory_space<vmem>>
    %dma_start3A_170 = arith.constant 2304 : i32
    %dma_start3A_171 = tpu.memref_slice %arg4[%add3A_66, %dma_start3A_170] : memref<32x41472xi32, #tpu.memory_space<hbm>> -> memref<1x2304xi32, #tpu.memory_space<hbm>>
    %dma_start3A_172 = tpu.memref_squeeze %dma_start3A_171 : memref<1x2304xi32, #tpu.memory_space<hbm>> -> memref<2304xi32, #tpu.memory_space<hbm>>
    %dma_start3A_173 = arith.constant 0 : i32
    %dma_start3A_174 = tpu.memref_slice %arg14[%dma_start3A_166, %dma_start3A_173] : memref<2x2304xi32, #tpu.memory_space<vmem>> -> memref<1x2304xi32, #tpu.memory_space<vmem>>
    %dma_start3A_175 = tpu.memref_squeeze %dma_start3A_174 : memref<1x2304xi32, #tpu.memory_space<vmem>> -> memref<2304xi32, #tpu.memory_space<vmem>>
    %dma_start3A_176 = arith.constant 2304 : i32
    %dma_start3A_177 = tpu.memref_slice %arg4[%add3A_66, %dma_start3A_176] : memref<32x41472xi32, #tpu.memory_space<hbm>> -> memref<1x2304xi32, #tpu.memory_space<hbm>>
    %dma_start3A_178 = tpu.memref_squeeze %dma_start3A_177 : memref<1x2304xi32, #tpu.memory_space<hbm>> -> memref<2304xi32, #tpu.memory_space<hbm>>
    tpu.enqueue_dma source(%dma_start3A_178 : memref<2304xi32, #tpu.memory_space<hbm>>) target(%dma_start3A_175 : memref<2304xi32, #tpu.memory_space<vmem>>) target_semaphore(%arg18 : memref<!tpu.dma_semaphore, #tpu.memory_space<semaphore_mem>>)
    %dma_wait3A = arith.constant 0 : i32
    %dma_wait3A_179 = arith.constant 0 : i32
    %dma_wait3A_180 = tpu.memref_slice %arg13[%dma_wait3A, %dma_wait3A_179] : memref<2x2304xi32, #tpu.memory_space<vmem>> -> memref<1x2304xi32, #tpu.memory_space<vmem>>
    %dma_wait3A_181 = tpu.memref_squeeze %dma_wait3A_180 : memref<1x2304xi32, #tpu.memory_space<vmem>> -> memref<2304xi32, #tpu.memory_space<vmem>>
    %dma_wait3A_182 = arith.constant 0 : i32
    %dma_wait3A_183 = tpu.memref_slice %arg3[%add3A_66, %dma_wait3A_182] : memref<32x41472xi32, #tpu.memory_space<hbm>> -> memref<1x2304xi32, #tpu.memory_space<hbm>>
    %dma_wait3A_184 = tpu.memref_squeeze %dma_wait3A_183 : memref<1x2304xi32, #tpu.memory_space<hbm>> -> memref<2304xi32, #tpu.memory_space<hbm>>
    %dma_wait3A_185 = arith.constant 0 : i32
    %dma_wait3A_186 = tpu.memref_slice %arg13[%dma_wait3A, %dma_wait3A_185] : memref<2x2304xi32, #tpu.memory_space<vmem>> -> memref<1x2304xi32, #tpu.memory_space<vmem>>
    %dma_wait3A_187 = tpu.memref_squeeze %dma_wait3A_186 : memref<1x2304xi32, #tpu.memory_space<vmem>> -> memref<2304xi32, #tpu.memory_space<vmem>>
    %dma_wait3A_188 = arith.constant 0 : i32
    %dma_wait3A_189 = tpu.memref_slice %arg3[%add3A_66, %dma_wait3A_188] : memref<32x41472xi32, #tpu.memory_space<hbm>> -> memref<1x2304xi32, #tpu.memory_space<hbm>>
    %dma_wait3A_190 = tpu.memref_squeeze %dma_wait3A_189 : memref<1x2304xi32, #tpu.memory_space<hbm>> -> memref<2304xi32, #tpu.memory_space<hbm>>
    tpu.wait_dma2 semaphore(%arg17 : memref<!tpu.dma_semaphore, #tpu.memory_space<semaphore_mem>>) src(%dma_wait3A_190 : memref<2304xi32, #tpu.memory_space<hbm>>) dst(%dma_wait3A_187 : memref<2304xi32, #tpu.memory_space<vmem>>)
    %dma_wait3A_191 = arith.constant 0 : i32
    %dma_wait3A_192 = arith.constant 0 : i32
    %dma_wait3A_193 = tpu.memref_slice %arg14[%dma_wait3A_191, %dma_wait3A_192] : memref<2x2304xi32, #tpu.memory_space<vmem>> -> memref<1x2304xi32, #tpu.memory_space<vmem>>
    %dma_wait3A_194 = tpu.memref_squeeze %dma_wait3A_193 : memref<1x2304xi32, #tpu.memory_space<vmem>> -> memref<2304xi32, #tpu.memory_space<vmem>>
    %dma_wait3A_195 = arith.constant 0 : i32
    %dma_wait3A_196 = tpu.memref_slice %arg4[%add3A_66, %dma_wait3A_195] : memref<32x41472xi32, #tpu.memory_space<hbm>> -> memref<1x2304xi32, #tpu.memory_space<hbm>>
    %dma_wait3A_197 = tpu.memref_squeeze %dma_wait3A_196 : memref<1x2304xi32, #tpu.memory_space<hbm>> -> memref<2304xi32, #tpu.memory_space<hbm>>
    %dma_wait3A_198 = arith.constant 0 : i32
    %dma_wait3A_199 = tpu.memref_slice %arg14[%dma_wait3A_191, %dma_wait3A_198] : memref<2x2304xi32, #tpu.memory_space<vmem>> -> memref<1x2304xi32, #tpu.memory_space<vmem>>
    %dma_wait3A_200 = tpu.memref_squeeze %dma_wait3A_199 : memref<1x2304xi32, #tpu.memory_space<vmem>> -> memref<2304xi32, #tpu.memory_space<vmem>>
    %dma_wait3A_201 = arith.constant 0 : i32
    %dma_wait3A_202 = tpu.memref_slice %arg4[%add3A_66, %dma_wait3A_201] : memref<32x41472xi32, #tpu.memory_space<hbm>> -> memref<1x2304xi32, #tpu.memory_space<hbm>>
    %dma_wait3A_203 = tpu.memref_squeeze %dma_wait3A_202 : memref<1x2304xi32, #tpu.memory_space<hbm>> -> memref<2304xi32, #tpu.memory_space<hbm>>
    tpu.wait_dma2 semaphore(%arg17 : memref<!tpu.dma_semaphore, #tpu.memory_space<semaphore_mem>>) src(%dma_wait3A_203 : memref<2304xi32, #tpu.memory_space<hbm>>) dst(%dma_wait3A_200 : memref<2304xi32, #tpu.memory_space<vmem>>)
    %parallel_loop3A = arith.constant 0 : i32
    %parallel_loop3A_204 = arith.constant 2304 : i32
    %parallel_loop3A_205 = arith.constant 32 : i32
    scf.for %parallel_loop3A_530 = %parallel_loop3A to %parallel_loop3A_204 step %parallel_loop3A_205  : i32 {
      %parallel_loop3A_531 = arith.constant 0 : i32
      %parallel_loop3A_532 = arith.index_cast %parallel_loop3A_531 : i32 to index
      %parallel_loop3A_533 = arith.index_cast %parallel_loop3A_530 : i32 to index
      %parallel_loop3A_534 = tpu.vector_load %arg13[%parallel_loop3A_532, %parallel_loop3A_533] {strides = array<i32>} : memref<2x2304xi32, #tpu.memory_space<vmem>>, vector<16xi32>,
      %parallel_loop3A_535 = arith.constant 0 : i32
      %parallel_loop3A_536 = arith.index_cast %parallel_loop3A_535 : i32 to index
      %parallel_loop3A_537 = arith.index_cast %parallel_loop3A_530 : i32 to index
      %parallel_loop3A_538 = tpu.vector_load %arg14[%parallel_loop3A_536, %parallel_loop3A_537] {strides = array<i32>} : memref<2x2304xi32, #tpu.memory_space<vmem>>, vector<16xi32>,
      %parallel_loop3A_539 = arith.constant 16 : i32
      %parallel_loop3A_540 = arith.addi %parallel_loop3A_530, %parallel_loop3A_539 : i32
      %parallel_loop3A_541 = arith.constant 0 : i32
      %parallel_loop3A_542 = arith.index_cast %parallel_loop3A_541 : i32 to index
      %parallel_loop3A_543 = arith.index_cast %parallel_loop3A_540 : i32 to index
      %parallel_loop3A_544 = tpu.vector_load %arg13[%parallel_loop3A_542, %parallel_loop3A_543] {strides = array<i32>} : memref<2x2304xi32, #tpu.memory_space<vmem>>, vector<16xi32>,
      %parallel_loop3A_545 = arith.constant 16 : i32
      %parallel_loop3A_546 = arith.addi %parallel_loop3A_530, %parallel_loop3A_545 : i32
      %parallel_loop3A_547 = arith.constant 0 : i32
      %parallel_loop3A_548 = arith.index_cast %parallel_loop3A_547 : i32 to index
      %parallel_loop3A_549 = arith.index_cast %parallel_loop3A_546 : i32 to index
      %parallel_loop3A_550 = tpu.vector_load %arg14[%parallel_loop3A_548, %parallel_loop3A_549] {strides = array<i32>} : memref<2x2304xi32, #tpu.memory_space<vmem>>, vector<16xi32>,
      %parallel_loop3A_551 = arith.constant 128 : i32
      %parallel_loop3A_552 = vector.broadcast %parallel_loop3A_551 : i32 to vector<16xi32>
      %parallel_loop3A_553 = arith.muli %parallel_loop3A_534, %parallel_loop3A_552 : vector<16xi32>
      %parallel_loop3A_554 = arith.addi %parallel_loop3A_538, %parallel_loop3A_553 : vector<16xi32>
      %parallel_loop3A_555 = arith.constant 128 : i32
      %parallel_loop3A_556 = vector.broadcast %parallel_loop3A_555 : i32 to vector<16xi32>
      %parallel_loop3A_557 = arith.muli %parallel_loop3A_544, %parallel_loop3A_556 : vector<16xi32>
      %parallel_loop3A_558 = arith.addi %parallel_loop3A_550, %parallel_loop3A_557 : vector<16xi32>
      %parallel_loop3A_559 = arith.constant 16 : i32
      %parallel_loop3A_560 = vector.broadcast %parallel_loop3A_559 : i32 to vector<16xi32>
      %parallel_loop3A_561 = arith.shli %parallel_loop3A_558, %parallel_loop3A_560 : vector<16xi32>
      %parallel_loop3A_562 = arith.ori %parallel_loop3A_554, %parallel_loop3A_561 : vector<16xi32>
      %parallel_loop3A_563 = arith.constant 2 : i32
      %parallel_loop3A_564 = arith.divsi %parallel_loop3A_530, %parallel_loop3A_563 : i32
      %parallel_loop3A_565 = arith.constant 0 : i32
      %parallel_loop3A_566 = arith.cmpi sgt, %parallel_loop3A_530, %parallel_loop3A_565 : i32
      %parallel_loop3A_567 = arith.extui %parallel_loop3A_566 : i1 to i32
      %parallel_loop3A_568 = arith.constant 0 : i32
      %parallel_loop3A_569 = arith.cmpi slt, %parallel_loop3A_530, %parallel_loop3A_568 : i32
      %parallel_loop3A_570 = arith.extui %parallel_loop3A_569 : i1 to i32
      %parallel_loop3A_571 = arith.subi %parallel_loop3A_567, %parallel_loop3A_570 : i32
      %parallel_loop3A_572 = arith.constant 0 : i32
      %parallel_loop3A_573 = arith.cmpi sgt, %parallel_loop3A_563, %parallel_loop3A_572 : i32
      %parallel_loop3A_574 = arith.extui %parallel_loop3A_573 : i1 to i32
      %parallel_loop3A_575 = arith.constant 0 : i32
      %parallel_loop3A_576 = arith.cmpi slt, %parallel_loop3A_563, %parallel_loop3A_575 : i32
      %parallel_loop3A_577 = arith.extui %parallel_loop3A_576 : i1 to i32
      %parallel_loop3A_578 = arith.subi %parallel_loop3A_574, %parallel_loop3A_577 : i32
      %parallel_loop3A_579 = arith.cmpi ne, %parallel_loop3A_571, %parallel_loop3A_578 : i32
      %parallel_loop3A_580 = arith.remsi %parallel_loop3A_530, %parallel_loop3A_563 : i32
      %parallel_loop3A_581 = arith.constant 0 : i32
      %parallel_loop3A_582 = arith.cmpi ne, %parallel_loop3A_580, %parallel_loop3A_581 : i32
      %parallel_loop3A_583 = arith.andi %parallel_loop3A_579, %parallel_loop3A_582 : i1
      %parallel_loop3A_584 = arith.constant 1 : i32
      %parallel_loop3A_585 = arith.subi %parallel_loop3A_564, %parallel_loop3A_584 : i32
      %parallel_loop3A_586 = arith.select %parallel_loop3A_583, %parallel_loop3A_585, %parallel_loop3A_564 : i32
      %parallel_loop3A_587 = tpu.assume_multiple %parallel_loop3A_586, 16 : i32
      %parallel_loop3A_588 = arith.constant 0 : i32
      %parallel_loop3A_589 = arith.index_cast %parallel_loop3A_588 : i32 to index
      %parallel_loop3A_590 = arith.index_cast %parallel_loop3A_587 : i32 to index
      %parallel_loop3A_591 = tpu.vector_load %arg15[%parallel_loop3A_589, %parallel_loop3A_590] {strides = array<i32>} : memref<2x1152xi32, #tpu.memory_space<vmem>>, vector<16xi32>,
      tpu.vector_store %arg15[%parallel_loop3A_589, %parallel_loop3A_590], %parallel_loop3A_562 {strides = array<i32>} : memref<2x1152xi32, #tpu.memory_space<vmem>>, vector<16xi32>,
    } {sc.loop_unroll_factor = 8 : i64, sc.parallel_access}
    %dma_start3A_206 = arith.constant 0 : i32
    %dma_start3A_207 = arith.constant 0 : i32
    %dma_start3A_208 = tpu.memref_slice %arg13[%dma_start3A_206, %dma_start3A_207] : memref<2x2304xi32, #tpu.memory_space<vmem>> -> memref<1x2304xi32, #tpu.memory_space<vmem>>
    %dma_start3A_209 = tpu.memref_squeeze %dma_start3A_208 : memref<1x2304xi32, #tpu.memory_space<vmem>> -> memref<2304xi32, #tpu.memory_space<vmem>>
    %dma_start3A_210 = arith.constant 4608 : i32
    %dma_start3A_211 = tpu.memref_slice %arg3[%add3A_66, %dma_start3A_210] : memref<32x41472xi32, #tpu.memory_space<hbm>> -> memref<1x2304xi32, #tpu.memory_space<hbm>>
    %dma_start3A_212 = tpu.memref_squeeze %dma_start3A_211 : memref<1x2304xi32, #tpu.memory_space<hbm>> -> memref<2304xi32, #tpu.memory_space<hbm>>
    %dma_start3A_213 = arith.constant 0 : i32
    %dma_start3A_214 = tpu.memref_slice %arg13[%dma_start3A_206, %dma_start3A_213] : memref<2x2304xi32, #tpu.memory_space<vmem>> -> memref<1x2304xi32, #tpu.memory_space<vmem>>
    %dma_start3A_215 = tpu.memref_squeeze %dma_start3A_214 : memref<1x2304xi32, #tpu.memory_space<vmem>> -> memref<2304xi32, #tpu.memory_space<vmem>>
    %dma_start3A_216 = arith.constant 4608 : i32
    %dma_start3A_217 = tpu.memref_slice %arg3[%add3A_66, %dma_start3A_216] : memref<32x41472xi32, #tpu.memory_space<hbm>> -> memref<1x2304xi32, #tpu.memory_space<hbm>>
    %dma_start3A_218 = tpu.memref_squeeze %dma_start3A_217 : memref<1x2304xi32, #tpu.memory_space<hbm>> -> memref<2304xi32, #tpu.memory_space<hbm>>
    tpu.enqueue_dma source(%dma_start3A_218 : memref<2304xi32, #tpu.memory_space<hbm>>) target(%dma_start3A_215 : memref<2304xi32, #tpu.memory_space<vmem>>) target_semaphore(%arg17 : memref<!tpu.dma_semaphore, #tpu.memory_space<semaphore_mem>>)
    %dma_start3A_219 = arith.constant 0 : i32
    %dma_start3A_220 = arith.constant 0 : i32
    %dma_start3A_221 = tpu.memref_slice %arg14[%dma_start3A_219, %dma_start3A_220] : memref<2x2304xi32, #tpu.memory_space<vmem>> -> memref<1x2304xi32, #tpu.memory_space<vmem>>
    %dma_start3A_222 = tpu.memref_squeeze %dma_start3A_221 : memref<1x2304xi32, #tpu.memory_space<vmem>> -> memref<2304xi32, #tpu.memory_space<vmem>>
    %dma_start3A_223 = arith.constant 4608 : i32
    %dma_start3A_224 = tpu.memref_slice %arg4[%add3A_66, %dma_start3A_223] : memref<32x41472xi32, #tpu.memory_space<hbm>> -> memref<1x2304xi32, #tpu.memory_space<hbm>>
    %dma_start3A_225 = tpu.memref_squeeze %dma_start3A_224 : memref<1x2304xi32, #tpu.memory_space<hbm>> -> memref<2304xi32, #tpu.memory_space<hbm>>
    %dma_start3A_226 = arith.constant 0 : i32
    %dma_start3A_227 = tpu.memref_slice %arg14[%dma_start3A_219, %dma_start3A_226] : memref<2x2304xi32, #tpu.memory_space<vmem>> -> memref<1x2304xi32, #tpu.memory_space<vmem>>
    %dma_start3A_228 = tpu.memref_squeeze %dma_start3A_227 : memref<1x2304xi32, #tpu.memory_space<vmem>> -> memref<2304xi32, #tpu.memory_space<vmem>>
    %dma_start3A_229 = arith.constant 4608 : i32
    %dma_start3A_230 = tpu.memref_slice %arg4[%add3A_66, %dma_start3A_229] : memref<32x41472xi32, #tpu.memory_space<hbm>> -> memref<1x2304xi32, #tpu.memory_space<hbm>>
    %dma_start3A_231 = tpu.memref_squeeze %dma_start3A_230 : memref<1x2304xi32, #tpu.memory_space<hbm>> -> memref<2304xi32, #tpu.memory_space<hbm>>
    tpu.enqueue_dma source(%dma_start3A_231 : memref<2304xi32, #tpu.memory_space<hbm>>) target(%dma_start3A_228 : memref<2304xi32, #tpu.memory_space<vmem>>) target_semaphore(%arg17 : memref<!tpu.dma_semaphore, #tpu.memory_space<semaphore_mem>>)
    %add3A_232 = arith.constant 0 : i32
    %add3A_233 = arith.addi %mul3A_126, %add3A_232 : i32
    %dma_start3A_234 = arith.constant 0 : i32
    %dma_start3A_235 = arith.constant 0 : i32
    %dma_start3A_236 = tpu.memref_slice %arg15[%dma_start3A_234, %dma_start3A_235] : memref<2x1152xi32, #tpu.memory_space<vmem>> -> memref<1x1152xi32, #tpu.memory_space<vmem>>
    %dma_start3A_237 = tpu.memref_squeeze %dma_start3A_236 : memref<1x1152xi32, #tpu.memory_space<vmem>> -> memref<1152xi32, #tpu.memory_space<vmem>>
    %dma_start3A_238 = tpu.memref_slice %arg6[%select_n3A_90, %add3A_233] : memref<4x165888xi32, #tpu.memory_space<hbm>> -> memref<1x1152xi32, #tpu.memory_space<hbm>>
    %dma_start3A_239 = tpu.memref_squeeze %dma_start3A_238 : memref<1x1152xi32, #tpu.memory_space<hbm>> -> memref<1152xi32, #tpu.memory_space<hbm>>
    %dma_start3A_240 = tpu.memref_slice %arg6[%select_n3A_90, %add3A_233] : memref<4x165888xi32, #tpu.memory_space<hbm>> -> memref<1x1152xi32, #tpu.memory_space<hbm>>
    %dma_start3A_241 = tpu.memref_squeeze %dma_start3A_240 : memref<1x1152xi32, #tpu.memory_space<hbm>> -> memref<1152xi32, #tpu.memory_space<hbm>>
    %dma_start3A_242 = arith.constant 0 : i32
    %dma_start3A_243 = tpu.memref_slice %arg15[%dma_start3A_234, %dma_start3A_242] : memref<2x1152xi32, #tpu.memory_space<vmem>> -> memref<1x1152xi32, #tpu.memory_space<vmem>>
    %dma_start3A_244 = tpu.memref_squeeze %dma_start3A_243 : memref<1x1152xi32, #tpu.memory_space<vmem>> -> memref<1152xi32, #tpu.memory_space<vmem>>
    tpu.enqueue_dma source(%dma_start3A_244 : memref<1152xi32, #tpu.memory_space<vmem>>) target(%dma_start3A_241 : memref<1152xi32, #tpu.memory_space<hbm>>) target_semaphore(%arg19 : memref<!tpu.dma_semaphore, #tpu.memory_space<semaphore_mem>>)
    %dma_wait3A_245 = arith.constant 1 : i32
    %dma_wait3A_246 = arith.constant 0 : i32
    %dma_wait3A_247 = tpu.memref_slice %arg13[%dma_wait3A_245, %dma_wait3A_246] : memref<2x2304xi32, #tpu.memory_space<vmem>> -> memref<1x2304xi32, #tpu.memory_space<vmem>>
    %dma_wait3A_248 = tpu.memref_squeeze %dma_wait3A_247 : memref<1x2304xi32, #tpu.memory_space<vmem>> -> memref<2304xi32, #tpu.memory_space<vmem>>
    %dma_wait3A_249 = arith.constant 2304 : i32
    %dma_wait3A_250 = tpu.memref_slice %arg3[%add3A_66, %dma_wait3A_249] : memref<32x41472xi32, #tpu.memory_space<hbm>> -> memref<1x2304xi32, #tpu.memory_space<hbm>>
    %dma_wait3A_251 = tpu.memref_squeeze %dma_wait3A_250 : memref<1x2304xi32, #tpu.memory_space<hbm>> -> memref<2304xi32, #tpu.memory_space<hbm>>
    %dma_wait3A_252 = arith.constant 0 : i32
    %dma_wait3A_253 = tpu.memref_slice %arg13[%dma_wait3A_245, %dma_wait3A_252] : memref<2x2304xi32, #tpu.memory_space<vmem>> -> memref<1x2304xi32, #tpu.memory_space<vmem>>
    %dma_wait3A_254 = tpu.memref_squeeze %dma_wait3A_253 : memref<1x2304xi32, #tpu.memory_space<vmem>> -> memref<2304xi32, #tpu.memory_space<vmem>>
    %dma_wait3A_255 = arith.constant 2304 : i32
    %dma_wait3A_256 = tpu.memref_slice %arg3[%add3A_66, %dma_wait3A_255] : memref<32x41472xi32, #tpu.memory_space<hbm>> -> memref<1x2304xi32, #tpu.memory_space<hbm>>
    %dma_wait3A_257 = tpu.memref_squeeze %dma_wait3A_256 : memref<1x2304xi32, #tpu.memory_space<hbm>> -> memref<2304xi32, #tpu.memory_space<hbm>>
    tpu.wait_dma2 semaphore(%arg18 : memref<!tpu.dma_semaphore, #tpu.memory_space<semaphore_mem>>) src(%dma_wait3A_257 : memref<2304xi32, #tpu.memory_space<hbm>>) dst(%dma_wait3A_254 : memref<2304xi32, #tpu.memory_space<vmem>>)
    %dma_wait3A_258 = arith.constant 1 : i32
    %dma_wait3A_259 = arith.constant 0 : i32
    %dma_wait3A_260 = tpu.memref_slice %arg14[%dma_wait3A_258, %dma_wait3A_259] : memref<2x2304xi32, #tpu.memory_space<vmem>> -> memref<1x2304xi32, #tpu.memory_space<vmem>>
    %dma_wait3A_261 = tpu.memref_squeeze %dma_wait3A_260 : memref<1x2304xi32, #tpu.memory_space<vmem>> -> memref<2304xi32, #tpu.memory_space<vmem>>
    %dma_wait3A_262 = arith.constant 2304 : i32
    %dma_wait3A_263 = tpu.memref_slice %arg4[%add3A_66, %dma_wait3A_262] : memref<32x41472xi32, #tpu.memory_space<hbm>> -> memref<1x2304xi32, #tpu.memory_space<hbm>>
    %dma_wait3A_264 = tpu.memref_squeeze %dma_wait3A_263 : memref<1x2304xi32, #tpu.memory_space<hbm>> -> memref<2304xi32, #tpu.memory_space<hbm>>
    %dma_wait3A_265 = arith.constant 0 : i32
    %dma_wait3A_266 = tpu.memref_slice %arg14[%dma_wait3A_258, %dma_wait3A_265] : memref<2x2304xi32, #tpu.memory_space<vmem>> -> memref<1x2304xi32, #tpu.memory_space<vmem>>
    %dma_wait3A_267 = tpu.memref_squeeze %dma_wait3A_266 : memref<1x2304xi32, #tpu.memory_space<vmem>> -> memref<2304xi32, #tpu.memory_space<vmem>>
    %dma_wait3A_268 = arith.constant 2304 : i32
    %dma_wait3A_269 = tpu.memref_slice %arg4[%add3A_66, %dma_wait3A_268] : memref<32x41472xi32, #tpu.memory_space<hbm>> -> memref<1x2304xi32, #tpu.memory_space<hbm>>
    %dma_wait3A_270 = tpu.memref_squeeze %dma_wait3A_269 : memref<1x2304xi32, #tpu.memory_space<hbm>> -> memref<2304xi32, #tpu.memory_space<hbm>>
    tpu.wait_dma2 semaphore(%arg18 : memref<!tpu.dma_semaphore, #tpu.memory_space<semaphore_mem>>) src(%dma_wait3A_270 : memref<2304xi32, #tpu.memory_space<hbm>>) dst(%dma_wait3A_267 : memref<2304xi32, #tpu.memory_space<vmem>>)
    %parallel_loop3A_271 = arith.constant 0 : i32
    %parallel_loop3A_272 = arith.constant 2304 : i32
    %parallel_loop3A_273 = arith.constant 32 : i32
    scf.for %parallel_loop3A_530 = %parallel_loop3A_271 to %parallel_loop3A_272 step %parallel_loop3A_273  : i32 {
      %parallel_loop3A_531 = arith.constant 1 : i32
      %parallel_loop3A_532 = arith.index_cast %parallel_loop3A_531 : i32 to index
      %parallel_loop3A_533 = arith.index_cast %parallel_loop3A_530 : i32 to index
      %parallel_loop3A_534 = tpu.vector_load %arg13[%parallel_loop3A_532, %parallel_loop3A_533] {strides = array<i32>} : memref<2x2304xi32, #tpu.memory_space<vmem>>, vector<16xi32>,
      %parallel_loop3A_535 = arith.constant 1 : i32
      %parallel_loop3A_536 = arith.index_cast %parallel_loop3A_535 : i32 to index
      %parallel_loop3A_537 = arith.index_cast %parallel_loop3A_530 : i32 to index
      %parallel_loop3A_538 = tpu.vector_load %arg14[%parallel_loop3A_536, %parallel_loop3A_537] {strides = array<i32>} : memref<2x2304xi32, #tpu.memory_space<vmem>>, vector<16xi32>,
      %parallel_loop3A_539 = arith.constant 16 : i32
      %parallel_loop3A_540 = arith.addi %parallel_loop3A_530, %parallel_loop3A_539 : i32
      %parallel_loop3A_541 = arith.constant 1 : i32
      %parallel_loop3A_542 = arith.index_cast %parallel_loop3A_541 : i32 to index
      %parallel_loop3A_543 = arith.index_cast %parallel_loop3A_540 : i32 to index
      %parallel_loop3A_544 = tpu.vector_load %arg13[%parallel_loop3A_542, %parallel_loop3A_543] {strides = array<i32>} : memref<2x2304xi32, #tpu.memory_space<vmem>>, vector<16xi32>,
      %parallel_loop3A_545 = arith.constant 16 : i32
      %parallel_loop3A_546 = arith.addi %parallel_loop3A_530, %parallel_loop3A_545 : i32
      %parallel_loop3A_547 = arith.constant 1 : i32
      %parallel_loop3A_548 = arith.index_cast %parallel_loop3A_547 : i32 to index
      %parallel_loop3A_549 = arith.index_cast %parallel_loop3A_546 : i32 to index
      %parallel_loop3A_550 = tpu.vector_load %arg14[%parallel_loop3A_548, %parallel_loop3A_549] {strides = array<i32>} : memref<2x2304xi32, #tpu.memory_space<vmem>>, vector<16xi32>,
      %parallel_loop3A_551 = arith.constant 128 : i32
      %parallel_loop3A_552 = vector.broadcast %parallel_loop3A_551 : i32 to vector<16xi32>
      %parallel_loop3A_553 = arith.muli %parallel_loop3A_534, %parallel_loop3A_552 : vector<16xi32>
      %parallel_loop3A_554 = arith.addi %parallel_loop3A_538, %parallel_loop3A_553 : vector<16xi32>
      %parallel_loop3A_555 = arith.constant 128 : i32
      %parallel_loop3A_556 = vector.broadcast %parallel_loop3A_555 : i32 to vector<16xi32>
      %parallel_loop3A_557 = arith.muli %parallel_loop3A_544, %parallel_loop3A_556 : vector<16xi32>
      %parallel_loop3A_558 = arith.addi %parallel_loop3A_550, %parallel_loop3A_557 : vector<16xi32>
      %parallel_loop3A_559 = arith.constant 16 : i32
      %parallel_loop3A_560 = vector.broadcast %parallel_loop3A_559 : i32 to vector<16xi32>
      %parallel_loop3A_561 = arith.shli %parallel_loop3A_558, %parallel_loop3A_560 : vector<16xi32>
      %parallel_loop3A_562 = arith.ori %parallel_loop3A_554, %parallel_loop3A_561 : vector<16xi32>
      %parallel_loop3A_563 = arith.constant 2 : i32
      %parallel_loop3A_564 = arith.divsi %parallel_loop3A_530, %parallel_loop3A_563 : i32
      %parallel_loop3A_565 = arith.constant 0 : i32
      %parallel_loop3A_566 = arith.cmpi sgt, %parallel_loop3A_530, %parallel_loop3A_565 : i32
      %parallel_loop3A_567 = arith.extui %parallel_loop3A_566 : i1 to i32
      %parallel_loop3A_568 = arith.constant 0 : i32
      %parallel_loop3A_569 = arith.cmpi slt, %parallel_loop3A_530, %parallel_loop3A_568 : i32
      %parallel_loop3A_570 = arith.extui %parallel_loop3A_569 : i1 to i32
      %parallel_loop3A_571 = arith.subi %parallel_loop3A_567, %parallel_loop3A_570 : i32
      %parallel_loop3A_572 = arith.constant 0 : i32
      %parallel_loop3A_573 = arith.cmpi sgt, %parallel_loop3A_563, %parallel_loop3A_572 : i32
      %parallel_loop3A_574 = arith.extui %parallel_loop3A_573 : i1 to i32
      %parallel_loop3A_575 = arith.constant 0 : i32
      %parallel_loop3A_576 = arith.cmpi slt, %parallel_loop3A_563, %parallel_loop3A_575 : i32
      %parallel_loop3A_577 = arith.extui %parallel_loop3A_576 : i1 to i32
      %parallel_loop3A_578 = arith.subi %parallel_loop3A_574, %parallel_loop3A_577 : i32
      %parallel_loop3A_579 = arith.cmpi ne, %parallel_loop3A_571, %parallel_loop3A_578 : i32
      %parallel_loop3A_580 = arith.remsi %parallel_loop3A_530, %parallel_loop3A_563 : i32
      %parallel_loop3A_581 = arith.constant 0 : i32
      %parallel_loop3A_582 = arith.cmpi ne, %parallel_loop3A_580, %parallel_loop3A_581 : i32
      %parallel_loop3A_583 = arith.andi %parallel_loop3A_579, %parallel_loop3A_582 : i1
      %parallel_loop3A_584 = arith.constant 1 : i32
      %parallel_loop3A_585 = arith.subi %parallel_loop3A_564, %parallel_loop3A_584 : i32
      %parallel_loop3A_586 = arith.select %parallel_loop3A_583, %parallel_loop3A_585, %parallel_loop3A_564 : i32
      %parallel_loop3A_587 = tpu.assume_multiple %parallel_loop3A_586, 16 : i32
      %parallel_loop3A_588 = arith.constant 1 : i32
      %parallel_loop3A_589 = arith.index_cast %parallel_loop3A_588 : i32 to index
      %parallel_loop3A_590 = arith.index_cast %parallel_loop3A_587 : i32 to index
      %parallel_loop3A_591 = tpu.vector_load %arg15[%parallel_loop3A_589, %parallel_loop3A_590] {strides = array<i32>} : memref<2x1152xi32, #tpu.memory_space<vmem>>, vector<16xi32>,
      tpu.vector_store %arg15[%parallel_loop3A_589, %parallel_loop3A_590], %parallel_loop3A_562 {strides = array<i32>} : memref<2x1152xi32, #tpu.memory_space<vmem>>, vector<16xi32>,
    } {sc.loop_unroll_factor = 8 : i64, sc.parallel_access}
    %dma_start3A_274 = arith.constant 1 : i32
    %dma_start3A_275 = arith.constant 0 : i32
    %dma_start3A_276 = tpu.memref_slice %arg13[%dma_start3A_274, %dma_start3A_275] : memref<2x2304xi32, #tpu.memory_space<vmem>> -> memref<1x2304xi32, #tpu.memory_space<vmem>>
    %dma_start3A_277 = tpu.memref_squeeze %dma_start3A_276 : memref<1x2304xi32, #tpu.memory_space<vmem>> -> memref<2304xi32, #tpu.memory_space<vmem>>
    %dma_start3A_278 = arith.constant 6912 : i32
    %dma_start3A_279 = tpu.memref_slice %arg3[%add3A_66, %dma_start3A_278] : memref<32x41472xi32, #tpu.memory_space<hbm>> -> memref<1x2304xi32, #tpu.memory_space<hbm>>
    %dma_start3A_280 = tpu.memref_squeeze %dma_start3A_279 : memref<1x2304xi32, #tpu.memory_space<hbm>> -> memref<2304xi32, #tpu.memory_space<hbm>>
    %dma_start3A_281 = arith.constant 0 : i32
    %dma_start3A_282 = tpu.memref_slice %arg13[%dma_start3A_274, %dma_start3A_281] : memref<2x2304xi32, #tpu.memory_space<vmem>> -> memref<1x2304xi32, #tpu.memory_space<vmem>>
    %dma_start3A_283 = tpu.memref_squeeze %dma_start3A_282 : memref<1x2304xi32, #tpu.memory_space<vmem>> -> memref<2304xi32, #tpu.memory_space<vmem>>
    %dma_start3A_284 = arith.constant 6912 : i32
    %dma_start3A_285 = tpu.memref_slice %arg3[%add3A_66, %dma_start3A_284] : memref<32x41472xi32, #tpu.memory_space<hbm>> -> memref<1x2304xi32, #tpu.memory_space<hbm>>
    %dma_start3A_286 = tpu.memref_squeeze %dma_start3A_285 : memref<1x2304xi32, #tpu.memory_space<hbm>> -> memref<2304xi32, #tpu.memory_space<hbm>>
    tpu.enqueue_dma source(%dma_start3A_286 : memref<2304xi32, #tpu.memory_space<hbm>>) target(%dma_start3A_283 : memref<2304xi32, #tpu.memory_space<vmem>>) target_semaphore(%arg18 : memref<!tpu.dma_semaphore, #tpu.memory_space<semaphore_mem>>)
    %dma_start3A_287 = arith.constant 1 : i32
    %dma_start3A_288 = arith.constant 0 : i32
    %dma_start3A_289 = tpu.memref_slice %arg14[%dma_start3A_287, %dma_start3A_288] : memref<2x2304xi32, #tpu.memory_space<vmem>> -> memref<1x2304xi32, #tpu.memory_space<vmem>>
    %dma_start3A_290 = tpu.memref_squeeze %dma_start3A_289 : memref<1x2304xi32, #tpu.memory_space<vmem>> -> memref<2304xi32, #tpu.memory_space<vmem>>
    %dma_start3A_291 = arith.constant 6912 : i32
    %dma_start3A_292 = tpu.memref_slice %arg4[%add3A_66, %dma_start3A_291] : memref<32x41472xi32, #tpu.memory_space<hbm>> -> memref<1x2304xi32, #tpu.memory_space<hbm>>
    %dma_start3A_293 = tpu.memref_squeeze %dma_start3A_292 : memref<1x2304xi32, #tpu.memory_space<hbm>> -> memref<2304xi32, #tpu.memory_space<hbm>>
    %dma_start3A_294 = arith.constant 0 : i32
    %dma_start3A_295 = tpu.memref_slice %arg14[%dma_start3A_287, %dma_start3A_294] : memref<2x2304xi32, #tpu.memory_space<vmem>> -> memref<1x2304xi32, #tpu.memory_space<vmem>>
    %dma_start3A_296 = tpu.memref_squeeze %dma_start3A_295 : memref<1x2304xi32, #tpu.memory_space<vmem>> -> memref<2304xi32, #tpu.memory_space<vmem>>
    %dma_start3A_297 = arith.constant 6912 : i32
    %dma_start3A_298 = tpu.memref_slice %arg4[%add3A_66, %dma_start3A_297] : memref<32x41472xi32, #tpu.memory_space<hbm>> -> memref<1x2304xi32, #tpu.memory_space<hbm>>
    %dma_start3A_299 = tpu.memref_squeeze %dma_start3A_298 : memref<1x2304xi32, #tpu.memory_space<hbm>> -> memref<2304xi32, #tpu.memory_space<hbm>>
    tpu.enqueue_dma source(%dma_start3A_299 : memref<2304xi32, #tpu.memory_space<hbm>>) target(%dma_start3A_296 : memref<2304xi32, #tpu.memory_space<vmem>>) target_semaphore(%arg18 : memref<!tpu.dma_semaphore, #tpu.memory_space<semaphore_mem>>)
    %add3A_300 = arith.constant 1152 : i32
    %add3A_301 = arith.addi %mul3A_126, %add3A_300 : i32
    %dma_start3A_302 = arith.constant 1 : i32
    %dma_start3A_303 = arith.constant 0 : i32
    %dma_start3A_304 = tpu.memref_slice %arg15[%dma_start3A_302, %dma_start3A_303] : memref<2x1152xi32, #tpu.memory_space<vmem>> -> memref<1x1152xi32, #tpu.memory_space<vmem>>
    %dma_start3A_305 = tpu.memref_squeeze %dma_start3A_304 : memref<1x1152xi32, #tpu.memory_space<vmem>> -> memref<1152xi32, #tpu.memory_space<vmem>>
    %dma_start3A_306 = tpu.memref_slice %arg6[%select_n3A_90, %add3A_301] : memref<4x165888xi32, #tpu.memory_space<hbm>> -> memref<1x1152xi32, #tpu.memory_space<hbm>>
    %dma_start3A_307 = tpu.memref_squeeze %dma_start3A_306 : memref<1x1152xi32, #tpu.memory_space<hbm>> -> memref<1152xi32, #tpu.memory_space<hbm>>
    %dma_start3A_308 = tpu.memref_slice %arg6[%select_n3A_90, %add3A_301] : memref<4x165888xi32, #tpu.memory_space<hbm>> -> memref<1x1152xi32, #tpu.memory_space<hbm>>
    %dma_start3A_309 = tpu.memref_squeeze %dma_start3A_308 : memref<1x1152xi32, #tpu.memory_space<hbm>> -> memref<1152xi32, #tpu.memory_space<hbm>>
    %dma_start3A_310 = arith.constant 0 : i32
    %dma_start3A_311 = tpu.memref_slice %arg15[%dma_start3A_302, %dma_start3A_310] : memref<2x1152xi32, #tpu.memory_space<vmem>> -> memref<1x1152xi32, #tpu.memory_space<vmem>>
    %dma_start3A_312 = tpu.memref_squeeze %dma_start3A_311 : memref<1x1152xi32, #tpu.memory_space<vmem>> -> memref<1152xi32, #tpu.memory_space<vmem>>
    tpu.enqueue_dma source(%dma_start3A_312 : memref<1152xi32, #tpu.memory_space<vmem>>) target(%dma_start3A_309 : memref<1152xi32, #tpu.memory_space<hbm>>) target_semaphore(%arg20 : memref<!tpu.dma_semaphore, #tpu.memory_space<semaphore_mem>>)
    %scan3A = arith.constant 0 : i32
    %scan3A_313 = arith.constant 1 : i32
    %scan3A_314 = arith.constant 8 : i32
    %scan3A_315 = arith.addi %scan3A_313, %scan3A_314 : i32
    %scan3A_316 = arith.constant 1 : i32
    scf.for %scan3A_530 = %scan3A_313 to %scan3A_315 step %scan3A_316  : i32 {
      %mul3A_531 = arith.constant 2 : i32
      %mul3A_532 = arith.muli %mul3A_531, %scan3A_530 : i32
      %add3A_533 = arith.constant 0 : i32
      %add3A_534 = arith.addi %mul3A_532, %add3A_533 : i32
      %mul3A_535 = arith.constant 2304 : i32
      %mul3A_536 = arith.muli %add3A_534, %mul3A_535 : i32
      %dma_wait3A_537 = arith.constant 0 : i32
      %dma_wait3A_538 = arith.constant 0 : i32
      %dma_wait3A_539 = tpu.memref_slice %arg13[%dma_wait3A_537, %dma_wait3A_538] : memref<2x2304xi32, #tpu.memory_space<vmem>> -> memref<1x2304xi32, #tpu.memory_space<vmem>>
      %dma_wait3A_540 = tpu.memref_squeeze %dma_wait3A_539 : memref<1x2304xi32, #tpu.memory_space<vmem>> -> memref<2304xi32, #tpu.memory_space<vmem>>
      %dma_wait3A_541 = tpu.memref_slice %arg3[%add3A_66, %mul3A_536] : memref<32x41472xi32, #tpu.memory_space<hbm>> -> memref<1x2304xi32, #tpu.memory_space<hbm>>
      %dma_wait3A_542 = tpu.memref_squeeze %dma_wait3A_541 : memref<1x2304xi32, #tpu.memory_space<hbm>> -> memref<2304xi32, #tpu.memory_space<hbm>>
      %dma_wait3A_543 = arith.constant 0 : i32
      %dma_wait3A_544 = tpu.memref_slice %arg13[%dma_wait3A_537, %dma_wait3A_543] : memref<2x2304xi32, #tpu.memory_space<vmem>> -> memref<1x2304xi32, #tpu.memory_space<vmem>>
      %dma_wait3A_545 = tpu.memref_squeeze %dma_wait3A_544 : memref<1x2304xi32, #tpu.memory_space<vmem>> -> memref<2304xi32, #tpu.memory_space<vmem>>
      %dma_wait3A_546 = tpu.memref_slice %arg3[%add3A_66, %mul3A_536] : memref<32x41472xi32, #tpu.memory_space<hbm>> -> memref<1x2304xi32, #tpu.memory_space<hbm>>
      %dma_wait3A_547 = tpu.memref_squeeze %dma_wait3A_546 : memref<1x2304xi32, #tpu.memory_space<hbm>> -> memref<2304xi32, #tpu.memory_space<hbm>>
      tpu.wait_dma2 semaphore(%arg17 : memref<!tpu.dma_semaphore, #tpu.memory_space<semaphore_mem>>) src(%dma_wait3A_547 : memref<2304xi32, #tpu.memory_space<hbm>>) dst(%dma_wait3A_545 : memref<2304xi32, #tpu.memory_space<vmem>>)
      %mul3A_548 = arith.constant 2304 : i32
      %mul3A_549 = arith.muli %add3A_534, %mul3A_548 : i32
      %dma_wait3A_550 = arith.constant 0 : i32
      %dma_wait3A_551 = arith.constant 0 : i32
      %dma_wait3A_552 = tpu.memref_slice %arg14[%dma_wait3A_550, %dma_wait3A_551] : memref<2x2304xi32, #tpu.memory_space<vmem>> -> memref<1x2304xi32, #tpu.memory_space<vmem>>
      %dma_wait3A_553 = tpu.memref_squeeze %dma_wait3A_552 : memref<1x2304xi32, #tpu.memory_space<vmem>> -> memref<2304xi32, #tpu.memory_space<vmem>>
      %dma_wait3A_554 = tpu.memref_slice %arg4[%add3A_66, %mul3A_549] : memref<32x41472xi32, #tpu.memory_space<hbm>> -> memref<1x2304xi32, #tpu.memory_space<hbm>>
      %dma_wait3A_555 = tpu.memref_squeeze %dma_wait3A_554 : memref<1x2304xi32, #tpu.memory_space<hbm>> -> memref<2304xi32, #tpu.memory_space<hbm>>
      %dma_wait3A_556 = arith.constant 0 : i32
      %dma_wait3A_557 = tpu.memref_slice %arg14[%dma_wait3A_550, %dma_wait3A_556] : memref<2x2304xi32, #tpu.memory_space<vmem>> -> memref<1x2304xi32, #tpu.memory_space<vmem>>
      %dma_wait3A_558 = tpu.memref_squeeze %dma_wait3A_557 : memref<1x2304xi32, #tpu.memory_space<vmem>> -> memref<2304xi32, #tpu.memory_space<vmem>>
      %dma_wait3A_559 = tpu.memref_slice %arg4[%add3A_66, %mul3A_549] : memref<32x41472xi32, #tpu.memory_space<hbm>> -> memref<1x2304xi32, #tpu.memory_space<hbm>>
      %dma_wait3A_560 = tpu.memref_squeeze %dma_wait3A_559 : memref<1x2304xi32, #tpu.memory_space<hbm>> -> memref<2304xi32, #tpu.memory_space<hbm>>
      tpu.wait_dma2 semaphore(%arg17 : memref<!tpu.dma_semaphore, #tpu.memory_space<semaphore_mem>>) src(%dma_wait3A_560 : memref<2304xi32, #tpu.memory_space<hbm>>) dst(%dma_wait3A_558 : memref<2304xi32, #tpu.memory_space<vmem>>)
      %sub3A_561 = arith.constant 2 : i32
      %sub3A_562 = arith.subi %add3A_534, %sub3A_561 : i32
      %mul3A_563 = arith.constant 1152 : i32
      %mul3A_564 = arith.muli %sub3A_562, %mul3A_563 : i32
      %add3A_565 = arith.addi %mul3A_126, %mul3A_564 : i32
      %dma_wait3A_566 = arith.constant 0 : i32
      %dma_wait3A_567 = arith.constant 0 : i32
      %dma_wait3A_568 = tpu.memref_slice %arg15[%dma_wait3A_566, %dma_wait3A_567] : memref<2x1152xi32, #tpu.memory_space<vmem>> -> memref<1x1152xi32, #tpu.memory_space<vmem>>
      %dma_wait3A_569 = tpu.memref_squeeze %dma_wait3A_568 : memref<1x1152xi32, #tpu.memory_space<vmem>> -> memref<1152xi32, #tpu.memory_space<vmem>>
      %dma_wait3A_570 = tpu.memref_slice %arg6[%select_n3A_90, %add3A_565] : memref<4x165888xi32, #tpu.memory_space<hbm>> -> memref<1x1152xi32, #tpu.memory_space<hbm>>
      %dma_wait3A_571 = tpu.memref_squeeze %dma_wait3A_570 : memref<1x1152xi32, #tpu.memory_space<hbm>> -> memref<1152xi32, #tpu.memory_space<hbm>>
      %dma_wait3A_572 = tpu.memref_slice %arg6[%select_n3A_90, %add3A_565] : memref<4x165888xi32, #tpu.memory_space<hbm>> -> memref<1x1152xi32, #tpu.memory_space<hbm>>
      %dma_wait3A_573 = tpu.memref_squeeze %dma_wait3A_572 : memref<1x1152xi32, #tpu.memory_space<hbm>> -> memref<1152xi32, #tpu.memory_space<hbm>>
      %dma_wait3A_574 = arith.constant 0 : i32
      %dma_wait3A_575 = tpu.memref_slice %arg15[%dma_wait3A_566, %dma_wait3A_574] : memref<2x1152xi32, #tpu.memory_space<vmem>> -> memref<1x1152xi32, #tpu.memory_space<vmem>>
      %dma_wait3A_576 = tpu.memref_squeeze %dma_wait3A_575 : memref<1x1152xi32, #tpu.memory_space<vmem>> -> memref<1152xi32, #tpu.memory_space<vmem>>
      tpu.wait_dma2 semaphore(%arg19 : memref<!tpu.dma_semaphore, #tpu.memory_space<semaphore_mem>>) src(%dma_wait3A_576 : memref<1152xi32, #tpu.memory_space<vmem>>) dst(%dma_wait3A_573 : memref<1152xi32, #tpu.memory_space<hbm>>)
      %parallel_loop3A_577 = arith.constant 0 : i32
      %parallel_loop3A_578 = arith.constant 2304 : i32
      %parallel_loop3A_579 = arith.constant 32 : i32
      scf.for %parallel_loop3A_668 = %parallel_loop3A_577 to %parallel_loop3A_578 step %parallel_loop3A_579  : i32 {
        %parallel_loop3A_669 = arith.constant 0 : i32
        %parallel_loop3A_670 = arith.index_cast %parallel_loop3A_669 : i32 to index
        %parallel_loop3A_671 = arith.index_cast %parallel_loop3A_668 : i32 to index
        %parallel_loop3A_672 = tpu.vector_load %arg13[%parallel_loop3A_670, %parallel_loop3A_671] {strides = array<i32>} : memref<2x2304xi32, #tpu.memory_space<vmem>>, vector<16xi32>,
        %parallel_loop3A_673 = arith.constant 0 : i32
        %parallel_loop3A_674 = arith.index_cast %parallel_loop3A_673 : i32 to index
        %parallel_loop3A_675 = arith.index_cast %parallel_loop3A_668 : i32 to index
        %parallel_loop3A_676 = tpu.vector_load %arg14[%parallel_loop3A_674, %parallel_loop3A_675] {strides = array<i32>} : memref<2x2304xi32, #tpu.memory_space<vmem>>, vector<16xi32>,
        %parallel_loop3A_677 = arith.constant 16 : i32
        %parallel_loop3A_678 = arith.addi %parallel_loop3A_668, %parallel_loop3A_677 : i32
        %parallel_loop3A_679 = arith.constant 0 : i32
        %parallel_loop3A_680 = arith.index_cast %parallel_loop3A_679 : i32 to index
        %parallel_loop3A_681 = arith.index_cast %parallel_loop3A_678 : i32 to index
        %parallel_loop3A_682 = tpu.vector_load %arg13[%parallel_loop3A_680, %parallel_loop3A_681] {strides = array<i32>} : memref<2x2304xi32, #tpu.memory_space<vmem>>, vector<16xi32>,
        %parallel_loop3A_683 = arith.constant 16 : i32
        %parallel_loop3A_684 = arith.addi %parallel_loop3A_668, %parallel_loop3A_683 : i32
        %parallel_loop3A_685 = arith.constant 0 : i32
        %parallel_loop3A_686 = arith.index_cast %parallel_loop3A_685 : i32 to index
        %parallel_loop3A_687 = arith.index_cast %parallel_loop3A_684 : i32 to index
        %parallel_loop3A_688 = tpu.vector_load %arg14[%parallel_loop3A_686, %parallel_loop3A_687] {strides = array<i32>} : memref<2x2304xi32, #tpu.memory_space<vmem>>, vector<16xi32>,
        %parallel_loop3A_689 = arith.constant 128 : i32
        %parallel_loop3A_690 = vector.broadcast %parallel_loop3A_689 : i32 to vector<16xi32>
        %parallel_loop3A_691 = arith.muli %parallel_loop3A_672, %parallel_loop3A_690 : vector<16xi32>
        %parallel_loop3A_692 = arith.addi %parallel_loop3A_676, %parallel_loop3A_691 : vector<16xi32>
        %parallel_loop3A_693 = arith.constant 128 : i32
        %parallel_loop3A_694 = vector.broadcast %parallel_loop3A_693 : i32 to vector<16xi32>
        %parallel_loop3A_695 = arith.muli %parallel_loop3A_682, %parallel_loop3A_694 : vector<16xi32>
        %parallel_loop3A_696 = arith.addi %parallel_loop3A_688, %parallel_loop3A_695 : vector<16xi32>
        %parallel_loop3A_697 = arith.constant 16 : i32
        %parallel_loop3A_698 = vector.broadcast %parallel_loop3A_697 : i32 to vector<16xi32>
        %parallel_loop3A_699 = arith.shli %parallel_loop3A_696, %parallel_loop3A_698 : vector<16xi32>
        %parallel_loop3A_700 = arith.ori %parallel_loop3A_692, %parallel_loop3A_699 : vector<16xi32>
        %parallel_loop3A_701 = arith.constant 2 : i32
        %parallel_loop3A_702 = arith.divsi %parallel_loop3A_668, %parallel_loop3A_701 : i32
        %parallel_loop3A_703 = arith.constant 0 : i32
        %parallel_loop3A_704 = arith.cmpi sgt, %parallel_loop3A_668, %parallel_loop3A_703 : i32
        %parallel_loop3A_705 = arith.extui %parallel_loop3A_704 : i1 to i32
        %parallel_loop3A_706 = arith.constant 0 : i32
        %parallel_loop3A_707 = arith.cmpi slt, %parallel_loop3A_668, %parallel_loop3A_706 : i32
        %parallel_loop3A_708 = arith.extui %parallel_loop3A_707 : i1 to i32
        %parallel_loop3A_709 = arith.subi %parallel_loop3A_705, %parallel_loop3A_708 : i32
        %parallel_loop3A_710 = arith.constant 0 : i32
        %parallel_loop3A_711 = arith.cmpi sgt, %parallel_loop3A_701, %parallel_loop3A_710 : i32
        %parallel_loop3A_712 = arith.extui %parallel_loop3A_711 : i1 to i32
        %parallel_loop3A_713 = arith.constant 0 : i32
        %parallel_loop3A_714 = arith.cmpi slt, %parallel_loop3A_701, %parallel_loop3A_713 : i32
        %parallel_loop3A_715 = arith.extui %parallel_loop3A_714 : i1 to i32
        %parallel_loop3A_716 = arith.subi %parallel_loop3A_712, %parallel_loop3A_715 : i32
        %parallel_loop3A_717 = arith.cmpi ne, %parallel_loop3A_709, %parallel_loop3A_716 : i32
        %parallel_loop3A_718 = arith.remsi %parallel_loop3A_668, %parallel_loop3A_701 : i32
        %parallel_loop3A_719 = arith.constant 0 : i32
        %parallel_loop3A_720 = arith.cmpi ne, %parallel_loop3A_718, %parallel_loop3A_719 : i32
        %parallel_loop3A_721 = arith.andi %parallel_loop3A_717, %parallel_loop3A_720 : i1
        %parallel_loop3A_722 = arith.constant 1 : i32
        %parallel_loop3A_723 = arith.subi %parallel_loop3A_702, %parallel_loop3A_722 : i32
        %parallel_loop3A_724 = arith.select %parallel_loop3A_721, %parallel_loop3A_723, %parallel_loop3A_702 : i32
        %parallel_loop3A_725 = tpu.assume_multiple %parallel_loop3A_724, 16 : i32
        %parallel_loop3A_726 = arith.constant 0 : i32
        %parallel_loop3A_727 = arith.index_cast %parallel_loop3A_726 : i32 to index
        %parallel_loop3A_728 = arith.index_cast %parallel_loop3A_725 : i32 to index
        %parallel_loop3A_729 = tpu.vector_load %arg15[%parallel_loop3A_727, %parallel_loop3A_728] {strides = array<i32>} : memref<2x1152xi32, #tpu.memory_space<vmem>>, vector<16xi32>,
        tpu.vector_store %arg15[%parallel_loop3A_727, %parallel_loop3A_728], %parallel_loop3A_700 {strides = array<i32>} : memref<2x1152xi32, #tpu.memory_space<vmem>>, vector<16xi32>,
      } {sc.loop_unroll_factor = 8 : i64, sc.parallel_access}
      %add3A_580 = arith.constant 2 : i32
      %add3A_581 = arith.addi %add3A_534, %add3A_580 : i32
      %le3A = arith.constant 17 : i32
      %le3A_582 = arith.cmpi sle, %add3A_581, %le3A : i32
      %convert_element_type3A = arith.extui %le3A_582 : i1 to i32
      %cond3A = arith.constant 0 : i32
      %cond3A_583 = arith.cmpi ne, %convert_element_type3A, %cond3A : i32
      scf.if %cond3A_583 {
        %add3A_668 = arith.constant 2 : i32
        %add3A_669 = arith.addi %add3A_534, %add3A_668 : i32
        %mul3A_670 = arith.constant 2304 : i32
        %mul3A_671 = arith.muli %add3A_669, %mul3A_670 : i32
        %dma_start3A_672 = arith.constant 0 : i32
        %dma_start3A_673 = arith.constant 0 : i32
        %dma_start3A_674 = tpu.memref_slice %arg13[%dma_start3A_672, %dma_start3A_673] : memref<2x2304xi32, #tpu.memory_space<vmem>> -> memref<1x2304xi32, #tpu.memory_space<vmem>>
        %dma_start3A_675 = tpu.memref_squeeze %dma_start3A_674 : memref<1x2304xi32, #tpu.memory_space<vmem>> -> memref<2304xi32, #tpu.memory_space<vmem>>
        %dma_start3A_676 = tpu.memref_slice %arg3[%add3A_66, %mul3A_671] : memref<32x41472xi32, #tpu.memory_space<hbm>> -> memref<1x2304xi32, #tpu.memory_space<hbm>>
        %dma_start3A_677 = tpu.memref_squeeze %dma_start3A_676 : memref<1x2304xi32, #tpu.memory_space<hbm>> -> memref<2304xi32, #tpu.memory_space<hbm>>
        %dma_start3A_678 = arith.constant 0 : i32
        %dma_start3A_679 = tpu.memref_slice %arg13[%dma_start3A_672, %dma_start3A_678] : memref<2x2304xi32, #tpu.memory_space<vmem>> -> memref<1x2304xi32, #tpu.memory_space<vmem>>
        %dma_start3A_680 = tpu.memref_squeeze %dma_start3A_679 : memref<1x2304xi32, #tpu.memory_space<vmem>> -> memref<2304xi32, #tpu.memory_space<vmem>>
        %dma_start3A_681 = tpu.memref_slice %arg3[%add3A_66, %mul3A_671] : memref<32x41472xi32, #tpu.memory_space<hbm>> -> memref<1x2304xi32, #tpu.memory_space<hbm>>
        %dma_start3A_682 = tpu.memref_squeeze %dma_start3A_681 : memref<1x2304xi32, #tpu.memory_space<hbm>> -> memref<2304xi32, #tpu.memory_space<hbm>>
        tpu.enqueue_dma source(%dma_start3A_682 : memref<2304xi32, #tpu.memory_space<hbm>>) target(%dma_start3A_680 : memref<2304xi32, #tpu.memory_space<vmem>>) target_semaphore(%arg17 : memref<!tpu.dma_semaphore, #tpu.memory_space<semaphore_mem>>)
        %mul3A_683 = arith.constant 2304 : i32
        %mul3A_684 = arith.muli %add3A_669, %mul3A_683 : i32
        %dma_start3A_685 = arith.constant 0 : i32
        %dma_start3A_686 = arith.constant 0 : i32
        %dma_start3A_687 = tpu.memref_slice %arg14[%dma_start3A_685, %dma_start3A_686] : memref<2x2304xi32, #tpu.memory_space<vmem>> -> memref<1x2304xi32, #tpu.memory_space<vmem>>
        %dma_start3A_688 = tpu.memref_squeeze %dma_start3A_687 : memref<1x2304xi32, #tpu.memory_space<vmem>> -> memref<2304xi32, #tpu.memory_space<vmem>>
        %dma_start3A_689 = tpu.memref_slice %arg4[%add3A_66, %mul3A_684] : memref<32x41472xi32, #tpu.memory_space<hbm>> -> memref<1x2304xi32, #tpu.memory_space<hbm>>
        %dma_start3A_690 = tpu.memref_squeeze %dma_start3A_689 : memref<1x2304xi32, #tpu.memory_space<hbm>> -> memref<2304xi32, #tpu.memory_space<hbm>>
        %dma_start3A_691 = arith.constant 0 : i32
        %dma_start3A_692 = tpu.memref_slice %arg14[%dma_start3A_685, %dma_start3A_691] : memref<2x2304xi32, #tpu.memory_space<vmem>> -> memref<1x2304xi32, #tpu.memory_space<vmem>>
        %dma_start3A_693 = tpu.memref_squeeze %dma_start3A_692 : memref<1x2304xi32, #tpu.memory_space<vmem>> -> memref<2304xi32, #tpu.memory_space<vmem>>
        %dma_start3A_694 = tpu.memref_slice %arg4[%add3A_66, %mul3A_684] : memref<32x41472xi32, #tpu.memory_space<hbm>> -> memref<1x2304xi32, #tpu.memory_space<hbm>>
        %dma_start3A_695 = tpu.memref_squeeze %dma_start3A_694 : memref<1x2304xi32, #tpu.memory_space<hbm>> -> memref<2304xi32, #tpu.memory_space<hbm>>
        tpu.enqueue_dma source(%dma_start3A_695 : memref<2304xi32, #tpu.memory_space<hbm>>) target(%dma_start3A_693 : memref<2304xi32, #tpu.memory_space<vmem>>) target_semaphore(%arg17 : memref<!tpu.dma_semaphore, #tpu.memory_space<semaphore_mem>>)
      } else {
      }
      %mul3A_584 = arith.constant 1152 : i32
      %mul3A_585 = arith.muli %add3A_534, %mul3A_584 : i32
      %add3A_586 = arith.addi %mul3A_126, %mul3A_585 : i32
      %dma_start3A_587 = arith.constant 0 : i32
      %dma_start3A_588 = arith.constant 0 : i32
      %dma_start3A_589 = tpu.memref_slice %arg15[%dma_start3A_587, %dma_start3A_588] : memref<2x1152xi32, #tpu.memory_space<vmem>> -> memref<1x1152xi32, #tpu.memory_space<vmem>>
      %dma_start3A_590 = tpu.memref_squeeze %dma_start3A_589 : memref<1x1152xi32, #tpu.memory_space<vmem>> -> memref<1152xi32, #tpu.memory_space<vmem>>
      %dma_start3A_591 = tpu.memref_slice %arg6[%select_n3A_90, %add3A_586] : memref<4x165888xi32, #tpu.memory_space<hbm>> -> memref<1x1152xi32, #tpu.memory_space<hbm>>
      %dma_start3A_592 = tpu.memref_squeeze %dma_start3A_591 : memref<1x1152xi32, #tpu.memory_space<hbm>> -> memref<1152xi32, #tpu.memory_space<hbm>>
      %dma_start3A_593 = tpu.memref_slice %arg6[%select_n3A_90, %add3A_586] : memref<4x165888xi32, #tpu.memory_space<hbm>> -> memref<1x1152xi32, #tpu.memory_space<hbm>>
      %dma_start3A_594 = tpu.memref_squeeze %dma_start3A_593 : memref<1x1152xi32, #tpu.memory_space<hbm>> -> memref<1152xi32, #tpu.memory_space<hbm>>
      %dma_start3A_595 = arith.constant 0 : i32
      %dma_start3A_596 = tpu.memref_slice %arg15[%dma_start3A_587, %dma_start3A_595] : memref<2x1152xi32, #tpu.memory_space<vmem>> -> memref<1x1152xi32, #tpu.memory_space<vmem>>
      %dma_start3A_597 = tpu.memref_squeeze %dma_start3A_596 : memref<1x1152xi32, #tpu.memory_space<vmem>> -> memref<1152xi32, #tpu.memory_space<vmem>>
      tpu.enqueue_dma source(%dma_start3A_597 : memref<1152xi32, #tpu.memory_space<vmem>>) target(%dma_start3A_594 : memref<1152xi32, #tpu.memory_space<hbm>>) target_semaphore(%arg19 : memref<!tpu.dma_semaphore, #tpu.memory_space<semaphore_mem>>)
      %mul3A_598 = arith.constant 2 : i32
      %mul3A_599 = arith.muli %mul3A_598, %scan3A_530 : i32
      %add3A_600 = arith.constant 1 : i32
      %add3A_601 = arith.addi %mul3A_599, %add3A_600 : i32
      %mul3A_602 = arith.constant 2304 : i32
      %mul3A_603 = arith.muli %add3A_601, %mul3A_602 : i32
      %dma_wait3A_604 = arith.constant 1 : i32
      %dma_wait3A_605 = arith.constant 0 : i32
      %dma_wait3A_606 = tpu.memref_slice %arg13[%dma_wait3A_604, %dma_wait3A_605] : memref<2x2304xi32, #tpu.memory_space<vmem>> -> memref<1x2304xi32, #tpu.memory_space<vmem>>
      %dma_wait3A_607 = tpu.memref_squeeze %dma_wait3A_606 : memref<1x2304xi32, #tpu.memory_space<vmem>> -> memref<2304xi32, #tpu.memory_space<vmem>>
      %dma_wait3A_608 = tpu.memref_slice %arg3[%add3A_66, %mul3A_603] : memref<32x41472xi32, #tpu.memory_space<hbm>> -> memref<1x2304xi32, #tpu.memory_space<hbm>>
      %dma_wait3A_609 = tpu.memref_squeeze %dma_wait3A_608 : memref<1x2304xi32, #tpu.memory_space<hbm>> -> memref<2304xi32, #tpu.memory_space<hbm>>
      %dma_wait3A_610 = arith.constant 0 : i32
      %dma_wait3A_611 = tpu.memref_slice %arg13[%dma_wait3A_604, %dma_wait3A_610] : memref<2x2304xi32, #tpu.memory_space<vmem>> -> memref<1x2304xi32, #tpu.memory_space<vmem>>
      %dma_wait3A_612 = tpu.memref_squeeze %dma_wait3A_611 : memref<1x2304xi32, #tpu.memory_space<vmem>> -> memref<2304xi32, #tpu.memory_space<vmem>>
      %dma_wait3A_613 = tpu.memref_slice %arg3[%add3A_66, %mul3A_603] : memref<32x41472xi32, #tpu.memory_space<hbm>> -> memref<1x2304xi32, #tpu.memory_space<hbm>>
      %dma_wait3A_614 = tpu.memref_squeeze %dma_wait3A_613 : memref<1x2304xi32, #tpu.memory_space<hbm>> -> memref<2304xi32, #tpu.memory_space<hbm>>
      tpu.wait_dma2 semaphore(%arg18 : memref<!tpu.dma_semaphore, #tpu.memory_space<semaphore_mem>>) src(%dma_wait3A_614 : memref<2304xi32, #tpu.memory_space<hbm>>) dst(%dma_wait3A_612 : memref<2304xi32, #tpu.memory_space<vmem>>)
      %mul3A_615 = arith.constant 2304 : i32
      %mul3A_616 = arith.muli %add3A_601, %mul3A_615 : i32
      %dma_wait3A_617 = arith.constant 1 : i32
      %dma_wait3A_618 = arith.constant 0 : i32
      %dma_wait3A_619 = tpu.memref_slice %arg14[%dma_wait3A_617, %dma_wait3A_618] : memref<2x2304xi32, #tpu.memory_space<vmem>> -> memref<1x2304xi32, #tpu.memory_space<vmem>>
      %dma_wait3A_620 = tpu.memref_squeeze %dma_wait3A_619 : memref<1x2304xi32, #tpu.memory_space<vmem>> -> memref<2304xi32, #tpu.memory_space<vmem>>
      %dma_wait3A_621 = tpu.memref_slice %arg4[%add3A_66, %mul3A_616] : memref<32x41472xi32, #tpu.memory_space<hbm>> -> memref<1x2304xi32, #tpu.memory_space<hbm>>
      %dma_wait3A_622 = tpu.memref_squeeze %dma_wait3A_621 : memref<1x2304xi32, #tpu.memory_space<hbm>> -> memref<2304xi32, #tpu.memory_space<hbm>>
      %dma_wait3A_623 = arith.constant 0 : i32
      %dma_wait3A_624 = tpu.memref_slice %arg14[%dma_wait3A_617, %dma_wait3A_623] : memref<2x2304xi32, #tpu.memory_space<vmem>> -> memref<1x2304xi32, #tpu.memory_space<vmem>>
      %dma_wait3A_625 = tpu.memref_squeeze %dma_wait3A_624 : memref<1x2304xi32, #tpu.memory_space<vmem>> -> memref<2304xi32, #tpu.memory_space<vmem>>
      %dma_wait3A_626 = tpu.memref_slice %arg4[%add3A_66, %mul3A_616] : memref<32x41472xi32, #tpu.memory_space<hbm>> -> memref<1x2304xi32, #tpu.memory_space<hbm>>
      %dma_wait3A_627 = tpu.memref_squeeze %dma_wait3A_626 : memref<1x2304xi32, #tpu.memory_space<hbm>> -> memref<2304xi32, #tpu.memory_space<hbm>>
      tpu.wait_dma2 semaphore(%arg18 : memref<!tpu.dma_semaphore, #tpu.memory_space<semaphore_mem>>) src(%dma_wait3A_627 : memref<2304xi32, #tpu.memory_space<hbm>>) dst(%dma_wait3A_625 : memref<2304xi32, #tpu.memory_space<vmem>>)
      %sub3A_628 = arith.constant 2 : i32
      %sub3A_629 = arith.subi %add3A_601, %sub3A_628 : i32
      %mul3A_630 = arith.constant 1152 : i32
      %mul3A_631 = arith.muli %sub3A_629, %mul3A_630 : i32
      %add3A_632 = arith.addi %mul3A_126, %mul3A_631 : i32
      %dma_wait3A_633 = arith.constant 1 : i32
      %dma_wait3A_634 = arith.constant 0 : i32
      %dma_wait3A_635 = tpu.memref_slice %arg15[%dma_wait3A_633, %dma_wait3A_634] : memref<2x1152xi32, #tpu.memory_space<vmem>> -> memref<1x1152xi32, #tpu.memory_space<vmem>>
      %dma_wait3A_636 = tpu.memref_squeeze %dma_wait3A_635 : memref<1x1152xi32, #tpu.memory_space<vmem>> -> memref<1152xi32, #tpu.memory_space<vmem>>
      %dma_wait3A_637 = tpu.memref_slice %arg6[%select_n3A_90, %add3A_632] : memref<4x165888xi32, #tpu.memory_space<hbm>> -> memref<1x1152xi32, #tpu.memory_space<hbm>>
      %dma_wait3A_638 = tpu.memref_squeeze %dma_wait3A_637 : memref<1x1152xi32, #tpu.memory_space<hbm>> -> memref<1152xi32, #tpu.memory_space<hbm>>
      %dma_wait3A_639 = tpu.memref_slice %arg6[%select_n3A_90, %add3A_632] : memref<4x165888xi32, #tpu.memory_space<hbm>> -> memref<1x1152xi32, #tpu.memory_space<hbm>>
      %dma_wait3A_640 = tpu.memref_squeeze %dma_wait3A_639 : memref<1x1152xi32, #tpu.memory_space<hbm>> -> memref<1152xi32, #tpu.memory_space<hbm>>
      %dma_wait3A_641 = arith.constant 0 : i32
      %dma_wait3A_642 = tpu.memref_slice %arg15[%dma_wait3A_633, %dma_wait3A_641] : memref<2x1152xi32, #tpu.memory_space<vmem>> -> memref<1x1152xi32, #tpu.memory_space<vmem>>
      %dma_wait3A_643 = tpu.memref_squeeze %dma_wait3A_642 : memref<1x1152xi32, #tpu.memory_space<vmem>> -> memref<1152xi32, #tpu.memory_space<vmem>>
      tpu.wait_dma2 semaphore(%arg20 : memref<!tpu.dma_semaphore, #tpu.memory_space<semaphore_mem>>) src(%dma_wait3A_643 : memref<1152xi32, #tpu.memory_space<vmem>>) dst(%dma_wait3A_640 : memref<1152xi32, #tpu.memory_space<hbm>>)
      %parallel_loop3A_644 = arith.constant 0 : i32
      %parallel_loop3A_645 = arith.constant 2304 : i32
      %parallel_loop3A_646 = arith.constant 32 : i32
      scf.for %parallel_loop3A_668 = %parallel_loop3A_644 to %parallel_loop3A_645 step %parallel_loop3A_646  : i32 {
        %parallel_loop3A_669 = arith.constant 1 : i32
        %parallel_loop3A_670 = arith.index_cast %parallel_loop3A_669 : i32 to index
        %parallel_loop3A_671 = arith.index_cast %parallel_loop3A_668 : i32 to index
        %parallel_loop3A_672 = tpu.vector_load %arg13[%parallel_loop3A_670, %parallel_loop3A_671] {strides = array<i32>} : memref<2x2304xi32, #tpu.memory_space<vmem>>, vector<16xi32>,
        %parallel_loop3A_673 = arith.constant 1 : i32
        %parallel_loop3A_674 = arith.index_cast %parallel_loop3A_673 : i32 to index
        %parallel_loop3A_675 = arith.index_cast %parallel_loop3A_668 : i32 to index
        %parallel_loop3A_676 = tpu.vector_load %arg14[%parallel_loop3A_674, %parallel_loop3A_675] {strides = array<i32>} : memref<2x2304xi32, #tpu.memory_space<vmem>>, vector<16xi32>,
        %parallel_loop3A_677 = arith.constant 16 : i32
        %parallel_loop3A_678 = arith.addi %parallel_loop3A_668, %parallel_loop3A_677 : i32
        %parallel_loop3A_679 = arith.constant 1 : i32
        %parallel_loop3A_680 = arith.index_cast %parallel_loop3A_679 : i32 to index
        %parallel_loop3A_681 = arith.index_cast %parallel_loop3A_678 : i32 to index
        %parallel_loop3A_682 = tpu.vector_load %arg13[%parallel_loop3A_680, %parallel_loop3A_681] {strides = array<i32>} : memref<2x2304xi32, #tpu.memory_space<vmem>>, vector<16xi32>,
        %parallel_loop3A_683 = arith.constant 16 : i32
        %parallel_loop3A_684 = arith.addi %parallel_loop3A_668, %parallel_loop3A_683 : i32
        %parallel_loop3A_685 = arith.constant 1 : i32
        %parallel_loop3A_686 = arith.index_cast %parallel_loop3A_685 : i32 to index
        %parallel_loop3A_687 = arith.index_cast %parallel_loop3A_684 : i32 to index
        %parallel_loop3A_688 = tpu.vector_load %arg14[%parallel_loop3A_686, %parallel_loop3A_687] {strides = array<i32>} : memref<2x2304xi32, #tpu.memory_space<vmem>>, vector<16xi32>,
        %parallel_loop3A_689 = arith.constant 128 : i32
        %parallel_loop3A_690 = vector.broadcast %parallel_loop3A_689 : i32 to vector<16xi32>
        %parallel_loop3A_691 = arith.muli %parallel_loop3A_672, %parallel_loop3A_690 : vector<16xi32>
        %parallel_loop3A_692 = arith.addi %parallel_loop3A_676, %parallel_loop3A_691 : vector<16xi32>
        %parallel_loop3A_693 = arith.constant 128 : i32
        %parallel_loop3A_694 = vector.broadcast %parallel_loop3A_693 : i32 to vector<16xi32>
        %parallel_loop3A_695 = arith.muli %parallel_loop3A_682, %parallel_loop3A_694 : vector<16xi32>
        %parallel_loop3A_696 = arith.addi %parallel_loop3A_688, %parallel_loop3A_695 : vector<16xi32>
        %parallel_loop3A_697 = arith.constant 16 : i32
        %parallel_loop3A_698 = vector.broadcast %parallel_loop3A_697 : i32 to vector<16xi32>
        %parallel_loop3A_699 = arith.shli %parallel_loop3A_696, %parallel_loop3A_698 : vector<16xi32>
        %parallel_loop3A_700 = arith.ori %parallel_loop3A_692, %parallel_loop3A_699 : vector<16xi32>
        %parallel_loop3A_701 = arith.constant 2 : i32
        %parallel_loop3A_702 = arith.divsi %parallel_loop3A_668, %parallel_loop3A_701 : i32
        %parallel_loop3A_703 = arith.constant 0 : i32
        %parallel_loop3A_704 = arith.cmpi sgt, %parallel_loop3A_668, %parallel_loop3A_703 : i32
        %parallel_loop3A_705 = arith.extui %parallel_loop3A_704 : i1 to i32
        %parallel_loop3A_706 = arith.constant 0 : i32
        %parallel_loop3A_707 = arith.cmpi slt, %parallel_loop3A_668, %parallel_loop3A_706 : i32
        %parallel_loop3A_708 = arith.extui %parallel_loop3A_707 : i1 to i32
        %parallel_loop3A_709 = arith.subi %parallel_loop3A_705, %parallel_loop3A_708 : i32
        %parallel_loop3A_710 = arith.constant 0 : i32
        %parallel_loop3A_711 = arith.cmpi sgt, %parallel_loop3A_701, %parallel_loop3A_710 : i32
        %parallel_loop3A_712 = arith.extui %parallel_loop3A_711 : i1 to i32
        %parallel_loop3A_713 = arith.constant 0 : i32
        %parallel_loop3A_714 = arith.cmpi slt, %parallel_loop3A_701, %parallel_loop3A_713 : i32
        %parallel_loop3A_715 = arith.extui %parallel_loop3A_714 : i1 to i32
        %parallel_loop3A_716 = arith.subi %parallel_loop3A_712, %parallel_loop3A_715 : i32
        %parallel_loop3A_717 = arith.cmpi ne, %parallel_loop3A_709, %parallel_loop3A_716 : i32
        %parallel_loop3A_718 = arith.remsi %parallel_loop3A_668, %parallel_loop3A_701 : i32
        %parallel_loop3A_719 = arith.constant 0 : i32
        %parallel_loop3A_720 = arith.cmpi ne, %parallel_loop3A_718, %parallel_loop3A_719 : i32
        %parallel_loop3A_721 = arith.andi %parallel_loop3A_717, %parallel_loop3A_720 : i1
        %parallel_loop3A_722 = arith.constant 1 : i32
        %parallel_loop3A_723 = arith.subi %parallel_loop3A_702, %parallel_loop3A_722 : i32
        %parallel_loop3A_724 = arith.select %parallel_loop3A_721, %parallel_loop3A_723, %parallel_loop3A_702 : i32
        %parallel_loop3A_725 = tpu.assume_multiple %parallel_loop3A_724, 16 : i32
        %parallel_loop3A_726 = arith.constant 1 : i32
        %parallel_loop3A_727 = arith.index_cast %parallel_loop3A_726 : i32 to index
        %parallel_loop3A_728 = arith.index_cast %parallel_loop3A_725 : i32 to index
        %parallel_loop3A_729 = tpu.vector_load %arg15[%parallel_loop3A_727, %parallel_loop3A_728] {strides = array<i32>} : memref<2x1152xi32, #tpu.memory_space<vmem>>, vector<16xi32>,
        tpu.vector_store %arg15[%parallel_loop3A_727, %parallel_loop3A_728], %parallel_loop3A_700 {strides = array<i32>} : memref<2x1152xi32, #tpu.memory_space<vmem>>, vector<16xi32>,
      } {sc.loop_unroll_factor = 8 : i64, sc.parallel_access}
      %add3A_647 = arith.constant 2 : i32
      %add3A_648 = arith.addi %add3A_601, %add3A_647 : i32
      %le3A_649 = arith.constant 17 : i32
      %le3A_650 = arith.cmpi sle, %add3A_648, %le3A_649 : i32
      %convert_element_type3A_651 = arith.extui %le3A_650 : i1 to i32
      %cond3A_652 = arith.constant 0 : i32
      %cond3A_653 = arith.cmpi ne, %convert_element_type3A_651, %cond3A_652 : i32
      scf.if %cond3A_653 {
        %add3A_668 = arith.constant 2 : i32
        %add3A_669 = arith.addi %add3A_601, %add3A_668 : i32
        %mul3A_670 = arith.constant 2304 : i32
        %mul3A_671 = arith.muli %add3A_669, %mul3A_670 : i32
        %dma_start3A_672 = arith.constant 1 : i32
        %dma_start3A_673 = arith.constant 0 : i32
        %dma_start3A_674 = tpu.memref_slice %arg13[%dma_start3A_672, %dma_start3A_673] : memref<2x2304xi32, #tpu.memory_space<vmem>> -> memref<1x2304xi32, #tpu.memory_space<vmem>>
        %dma_start3A_675 = tpu.memref_squeeze %dma_start3A_674 : memref<1x2304xi32, #tpu.memory_space<vmem>> -> memref<2304xi32, #tpu.memory_space<vmem>>
        %dma_start3A_676 = tpu.memref_slice %arg3[%add3A_66, %mul3A_671] : memref<32x41472xi32, #tpu.memory_space<hbm>> -> memref<1x2304xi32, #tpu.memory_space<hbm>>
        %dma_start3A_677 = tpu.memref_squeeze %dma_start3A_676 : memref<1x2304xi32, #tpu.memory_space<hbm>> -> memref<2304xi32, #tpu.memory_space<hbm>>
        %dma_start3A_678 = arith.constant 0 : i32
        %dma_start3A_679 = tpu.memref_slice %arg13[%dma_start3A_672, %dma_start3A_678] : memref<2x2304xi32, #tpu.memory_space<vmem>> -> memref<1x2304xi32, #tpu.memory_space<vmem>>
        %dma_start3A_680 = tpu.memref_squeeze %dma_start3A_679 : memref<1x2304xi32, #tpu.memory_space<vmem>> -> memref<2304xi32, #tpu.memory_space<vmem>>
        %dma_start3A_681 = tpu.memref_slice %arg3[%add3A_66, %mul3A_671] : memref<32x41472xi32, #tpu.memory_space<hbm>> -> memref<1x2304xi32, #tpu.memory_space<hbm>>
        %dma_start3A_682 = tpu.memref_squeeze %dma_start3A_681 : memref<1x2304xi32, #tpu.memory_space<hbm>> -> memref<2304xi32, #tpu.memory_space<hbm>>
        tpu.enqueue_dma source(%dma_start3A_682 : memref<2304xi32, #tpu.memory_space<hbm>>) target(%dma_start3A_680 : memref<2304xi32, #tpu.memory_space<vmem>>) target_semaphore(%arg18 : memref<!tpu.dma_semaphore, #tpu.memory_space<semaphore_mem>>)
        %mul3A_683 = arith.constant 2304 : i32
        %mul3A_684 = arith.muli %add3A_669, %mul3A_683 : i32
        %dma_start3A_685 = arith.constant 1 : i32
        %dma_start3A_686 = arith.constant 0 : i32
        %dma_start3A_687 = tpu.memref_slice %arg14[%dma_start3A_685, %dma_start3A_686] : memref<2x2304xi32, #tpu.memory_space<vmem>> -> memref<1x2304xi32, #tpu.memory_space<vmem>>
        %dma_start3A_688 = tpu.memref_squeeze %dma_start3A_687 : memref<1x2304xi32, #tpu.memory_space<vmem>> -> memref<2304xi32, #tpu.memory_space<vmem>>
        %dma_start3A_689 = tpu.memref_slice %arg4[%add3A_66, %mul3A_684] : memref<32x41472xi32, #tpu.memory_space<hbm>> -> memref<1x2304xi32, #tpu.memory_space<hbm>>
        %dma_start3A_690 = tpu.memref_squeeze %dma_start3A_689 : memref<1x2304xi32, #tpu.memory_space<hbm>> -> memref<2304xi32, #tpu.memory_space<hbm>>
        %dma_start3A_691 = arith.constant 0 : i32
        %dma_start3A_692 = tpu.memref_slice %arg14[%dma_start3A_685, %dma_start3A_691] : memref<2x2304xi32, #tpu.memory_space<vmem>> -> memref<1x2304xi32, #tpu.memory_space<vmem>>
        %dma_start3A_693 = tpu.memref_squeeze %dma_start3A_692 : memref<1x2304xi32, #tpu.memory_space<vmem>> -> memref<2304xi32, #tpu.memory_space<vmem>>
        %dma_start3A_694 = tpu.memref_slice %arg4[%add3A_66, %mul3A_684] : memref<32x41472xi32, #tpu.memory_space<hbm>> -> memref<1x2304xi32, #tpu.memory_space<hbm>>
        %dma_start3A_695 = tpu.memref_squeeze %dma_start3A_694 : memref<1x2304xi32, #tpu.memory_space<hbm>> -> memref<2304xi32, #tpu.memory_space<hbm>>
        tpu.enqueue_dma source(%dma_start3A_695 : memref<2304xi32, #tpu.memory_space<hbm>>) target(%dma_start3A_693 : memref<2304xi32, #tpu.memory_space<vmem>>) target_semaphore(%arg18 : memref<!tpu.dma_semaphore, #tpu.memory_space<semaphore_mem>>)
      } else {
      }
      %mul3A_654 = arith.constant 1152 : i32
      %mul3A_655 = arith.muli %add3A_601, %mul3A_654 : i32
      %add3A_656 = arith.addi %mul3A_126, %mul3A_655 : i32
      %dma_start3A_657 = arith.constant 1 : i32
      %dma_start3A_658 = arith.constant 0 : i32
      %dma_start3A_659 = tpu.memref_slice %arg15[%dma_start3A_657, %dma_start3A_658] : memref<2x1152xi32, #tpu.memory_space<vmem>> -> memref<1x1152xi32, #tpu.memory_space<vmem>>
      %dma_start3A_660 = tpu.memref_squeeze %dma_start3A_659 : memref<1x1152xi32, #tpu.memory_space<vmem>> -> memref<1152xi32, #tpu.memory_space<vmem>>
      %dma_start3A_661 = tpu.memref_slice %arg6[%select_n3A_90, %add3A_656] : memref<4x165888xi32, #tpu.memory_space<hbm>> -> memref<1x1152xi32, #tpu.memory_space<hbm>>
      %dma_start3A_662 = tpu.memref_squeeze %dma_start3A_661 : memref<1x1152xi32, #tpu.memory_space<hbm>> -> memref<1152xi32, #tpu.memory_space<hbm>>
      %dma_start3A_663 = tpu.memref_slice %arg6[%select_n3A_90, %add3A_656] : memref<4x165888xi32, #tpu.memory_space<hbm>> -> memref<1x1152xi32, #tpu.memory_space<hbm>>
      %dma_start3A_664 = tpu.memref_squeeze %dma_start3A_663 : memref<1x1152xi32, #tpu.memory_space<hbm>> -> memref<1152xi32, #tpu.memory_space<hbm>>
      %dma_start3A_665 = arith.constant 0 : i32
      %dma_start3A_666 = tpu.memref_slice %arg15[%dma_start3A_657, %dma_start3A_665] : memref<2x1152xi32, #tpu.memory_space<vmem>> -> memref<1x1152xi32, #tpu.memory_space<vmem>>
      %dma_start3A_667 = tpu.memref_squeeze %dma_start3A_666 : memref<1x1152xi32, #tpu.memory_space<vmem>> -> memref<1152xi32, #tpu.memory_space<vmem>>
      tpu.enqueue_dma source(%dma_start3A_667 : memref<1152xi32, #tpu.memory_space<vmem>>) target(%dma_start3A_664 : memref<1152xi32, #tpu.memory_space<hbm>>) target_semaphore(%arg20 : memref<!tpu.dma_semaphore, #tpu.memory_space<semaphore_mem>>)
    }
    %scan3A_317 = arith.constant 8 : i32
    %add3A_318 = arith.constant 18432 : i32
    %add3A_319 = arith.addi %mul3A_126, %add3A_318 : i32
    %dma_wait3A_320 = arith.constant 0 : i32
    %dma_wait3A_321 = arith.constant 0 : i32
    %dma_wait3A_322 = tpu.memref_slice %arg15[%dma_wait3A_320, %dma_wait3A_321] : memref<2x1152xi32, #tpu.memory_space<vmem>> -> memref<1x1152xi32, #tpu.memory_space<vmem>>
    %dma_wait3A_323 = tpu.memref_squeeze %dma_wait3A_322 : memref<1x1152xi32, #tpu.memory_space<vmem>> -> memref<1152xi32, #tpu.memory_space<vmem>>
    %dma_wait3A_324 = tpu.memref_slice %arg6[%select_n3A_90, %add3A_319] : memref<4x165888xi32, #tpu.memory_space<hbm>> -> memref<1x1152xi32, #tpu.memory_space<hbm>>
    %dma_wait3A_325 = tpu.memref_squeeze %dma_wait3A_324 : memref<1x1152xi32, #tpu.memory_space<hbm>> -> memref<1152xi32, #tpu.memory_space<hbm>>
    %dma_wait3A_326 = tpu.memref_slice %arg6[%select_n3A_90, %add3A_319] : memref<4x165888xi32, #tpu.memory_space<hbm>> -> memref<1x1152xi32, #tpu.memory_space<hbm>>
    %dma_wait3A_327 = tpu.memref_squeeze %dma_wait3A_326 : memref<1x1152xi32, #tpu.memory_space<hbm>> -> memref<1152xi32, #tpu.memory_space<hbm>>
    %dma_wait3A_328 = arith.constant 0 : i32
    %dma_wait3A_329 = tpu.memref_slice %arg15[%dma_wait3A_320, %dma_wait3A_328] : memref<2x1152xi32, #tpu.memory_space<vmem>> -> memref<1x1152xi32, #tpu.memory_space<vmem>>
    %dma_wait3A_330 = tpu.memref_squeeze %dma_wait3A_329 : memref<1x1152xi32, #tpu.memory_space<vmem>> -> memref<1152xi32, #tpu.memory_space<vmem>>
    tpu.wait_dma2 semaphore(%arg19 : memref<!tpu.dma_semaphore, #tpu.memory_space<semaphore_mem>>) src(%dma_wait3A_330 : memref<1152xi32, #tpu.memory_space<vmem>>) dst(%dma_wait3A_327 : memref<1152xi32, #tpu.memory_space<hbm>>)
    %add3A_331 = arith.constant 19584 : i32
    %add3A_332 = arith.addi %mul3A_126, %add3A_331 : i32
    %dma_wait3A_333 = arith.constant 1 : i32
    %dma_wait3A_334 = arith.constant 0 : i32
    %dma_wait3A_335 = tpu.memref_slice %arg15[%dma_wait3A_333, %dma_wait3A_334] : memref<2x1152xi32, #tpu.memory_space<vmem>> -> memref<1x1152xi32, #tpu.memory_space<vmem>>
    %dma_wait3A_336 = tpu.memref_squeeze %dma_wait3A_335 : memref<1x1152xi32, #tpu.memory_space<vmem>> -> memref<1152xi32, #tpu.memory_space<vmem>>
    %dma_wait3A_337 = tpu.memref_slice %arg6[%select_n3A_90, %add3A_332] : memref<4x165888xi32, #tpu.memory_space<hbm>> -> memref<1x1152xi32, #tpu.memory_space<hbm>>
    %dma_wait3A_338 = tpu.memref_squeeze %dma_wait3A_337 : memref<1x1152xi32, #tpu.memory_space<hbm>> -> memref<1152xi32, #tpu.memory_space<hbm>>
    %dma_wait3A_339 = tpu.memref_slice %arg6[%select_n3A_90, %add3A_332] : memref<4x165888xi32, #tpu.memory_space<hbm>> -> memref<1x1152xi32, #tpu.memory_space<hbm>>
    %dma_wait3A_340 = tpu.memref_squeeze %dma_wait3A_339 : memref<1x1152xi32, #tpu.memory_space<hbm>> -> memref<1152xi32, #tpu.memory_space<hbm>>
    %dma_wait3A_341 = arith.constant 0 : i32
    %dma_wait3A_342 = tpu.memref_slice %arg15[%dma_wait3A_333, %dma_wait3A_341] : memref<2x1152xi32, #tpu.memory_space<vmem>> -> memref<1x1152xi32, #tpu.memory_space<vmem>>
    %dma_wait3A_343 = tpu.memref_squeeze %dma_wait3A_342 : memref<1x1152xi32, #tpu.memory_space<vmem>> -> memref<1152xi32, #tpu.memory_space<vmem>>
    tpu.wait_dma2 semaphore(%arg20 : memref<!tpu.dma_semaphore, #tpu.memory_space<semaphore_mem>>) src(%dma_wait3A_343 : memref<1152xi32, #tpu.memory_space<vmem>>) dst(%dma_wait3A_340 : memref<1152xi32, #tpu.memory_space<hbm>>)
    %add3A_344 = arith.constant 0 : i32
    %add3A_345 = arith.addi %mul3A_32, %add3A_344 : i32
    %dma_wait3A_346 = arith.constant 0 : i32
    %dma_wait3A_347 = tpu.memref_slice %arg2[%add3A, %add3A_345, %dma_wait3A_346] : memref<4x32x16384xf32, #tpu.memory_space<hbm>> -> memref<1x1x16384xf32, #tpu.memory_space<hbm>>
    %dma_wait3A_348 = tpu.memref_squeeze %dma_wait3A_347 : memref<1x1x16384xf32, #tpu.memory_space<hbm>> -> memref<16384xf32, #tpu.memory_space<hbm>>
    %dma_wait3A_349 = arith.constant 0 : i32
    %dma_wait3A_350 = tpu.memref_slice %arg2[%add3A, %add3A_345, %dma_wait3A_349] : memref<4x32x16384xf32, #tpu.memory_space<hbm>> -> memref<1x1x16384xf32, #tpu.memory_space<hbm>>
    %dma_wait3A_351 = tpu.memref_squeeze %dma_wait3A_350 : memref<1x1x16384xf32, #tpu.memory_space<hbm>> -> memref<16384xf32, #tpu.memory_space<hbm>>
    tpu.wait_dma2 semaphore(%arg16 : memref<!tpu.dma_semaphore, #tpu.memory_space<semaphore_mem>>) src(%dma_wait3A_351 : memref<16384xf32, #tpu.memory_space<hbm>>) dst(%arg7 : memref<16384xf32, #tpu.memory_space<vmem>>)
    %add3A_352 = arith.constant 1 : i32
    %add3A_353 = arith.addi %mul3A_32, %add3A_352 : i32
    %dma_wait3A_354 = arith.constant 0 : i32
    %dma_wait3A_355 = tpu.memref_slice %arg2[%add3A, %add3A_353, %dma_wait3A_354] : memref<4x32x16384xf32, #tpu.memory_space<hbm>> -> memref<1x1x16384xf32, #tpu.memory_space<hbm>>
    %dma_wait3A_356 = tpu.memref_squeeze %dma_wait3A_355 : memref<1x1x16384xf32, #tpu.memory_space<hbm>> -> memref<16384xf32, #tpu.memory_space<hbm>>
    %dma_wait3A_357 = arith.constant 0 : i32
    %dma_wait3A_358 = tpu.memref_slice %arg2[%add3A, %add3A_353, %dma_wait3A_357] : memref<4x32x16384xf32, #tpu.memory_space<hbm>> -> memref<1x1x16384xf32, #tpu.memory_space<hbm>>
    %dma_wait3A_359 = tpu.memref_squeeze %dma_wait3A_358 : memref<1x1x16384xf32, #tpu.memory_space<hbm>> -> memref<16384xf32, #tpu.memory_space<hbm>>
    tpu.wait_dma2 semaphore(%arg16 : memref<!tpu.dma_semaphore, #tpu.memory_space<semaphore_mem>>) src(%dma_wait3A_359 : memref<16384xf32, #tpu.memory_space<hbm>>) dst(%arg8 : memref<16384xf32, #tpu.memory_space<vmem>>)
    %add3A_360 = arith.constant 2 : i32
    %add3A_361 = arith.addi %mul3A_32, %add3A_360 : i32
    %dma_wait3A_362 = arith.constant 0 : i32
    %dma_wait3A_363 = tpu.memref_slice %arg2[%add3A, %add3A_361, %dma_wait3A_362] : memref<4x32x16384xf32, #tpu.memory_space<hbm>> -> memref<1x1x16384xf32, #tpu.memory_space<hbm>>
    %dma_wait3A_364 = tpu.memref_squeeze %dma_wait3A_363 : memref<1x1x16384xf32, #tpu.memory_space<hbm>> -> memref<16384xf32, #tpu.memory_space<hbm>>
    %dma_wait3A_365 = arith.constant 0 : i32
    %dma_wait3A_366 = tpu.memref_slice %arg2[%add3A, %add3A_361, %dma_wait3A_365] : memref<4x32x16384xf32, #tpu.memory_space<hbm>> -> memref<1x1x16384xf32, #tpu.memory_space<hbm>>
    %dma_wait3A_367 = tpu.memref_squeeze %dma_wait3A_366 : memref<1x1x16384xf32, #tpu.memory_space<hbm>> -> memref<16384xf32, #tpu.memory_space<hbm>>
    tpu.wait_dma2 semaphore(%arg16 : memref<!tpu.dma_semaphore, #tpu.memory_space<semaphore_mem>>) src(%dma_wait3A_367 : memref<16384xf32, #tpu.memory_space<hbm>>) dst(%arg9 : memref<16384xf32, #tpu.memory_space<vmem>>)
    %add3A_368 = arith.constant 3 : i32
    %add3A_369 = arith.addi %mul3A_32, %add3A_368 : i32
    %dma_wait3A_370 = arith.constant 0 : i32
    %dma_wait3A_371 = tpu.memref_slice %arg2[%add3A, %add3A_369, %dma_wait3A_370] : memref<4x32x16384xf32, #tpu.memory_space<hbm>> -> memref<1x1x16384xf32, #tpu.memory_space<hbm>>
    %dma_wait3A_372 = tpu.memref_squeeze %dma_wait3A_371 : memref<1x1x16384xf32, #tpu.memory_space<hbm>> -> memref<16384xf32, #tpu.memory_space<hbm>>
    %dma_wait3A_373 = arith.constant 0 : i32
    %dma_wait3A_374 = tpu.memref_slice %arg2[%add3A, %add3A_369, %dma_wait3A_373] : memref<4x32x16384xf32, #tpu.memory_space<hbm>> -> memref<1x1x16384xf32, #tpu.memory_space<hbm>>
    %dma_wait3A_375 = tpu.memref_squeeze %dma_wait3A_374 : memref<1x1x16384xf32, #tpu.memory_space<hbm>> -> memref<16384xf32, #tpu.memory_space<hbm>>
    tpu.wait_dma2 semaphore(%arg16 : memref<!tpu.dma_semaphore, #tpu.memory_space<semaphore_mem>>) src(%dma_wait3A_375 : memref<16384xf32, #tpu.memory_space<hbm>>) dst(%arg10 : memref<16384xf32, #tpu.memory_space<vmem>>)
    %barrier3A = arith.constant 0 : index
    tpu.barrier barrier_id(%barrier3A)
    %dma_start3A_376 = arith.constant 0 : i32
    %dma_start3A_377 = arith.constant 0 : i32
    %dma_start3A_378 = tpu.memref_slice %arg11[%dma_start3A_376, %dma_start3A_377] : memref<2x2304xi32, #tpu.memory_space<vmem>> -> memref<1x2304xi32, #tpu.memory_space<vmem>>
    %dma_start3A_379 = tpu.memref_squeeze %dma_start3A_378 : memref<1x2304xi32, #tpu.memory_space<vmem>> -> memref<2304xi32, #tpu.memory_space<vmem>>
    %dma_start3A_380 = arith.constant 0 : i32
    %dma_start3A_381 = tpu.memref_slice %arg6[%add3A, %dma_start3A_380] : memref<4x165888xi32, #tpu.memory_space<hbm>> -> memref<1x2304xi32, #tpu.memory_space<hbm>>
    %dma_start3A_382 = tpu.memref_squeeze %dma_start3A_381 : memref<1x2304xi32, #tpu.memory_space<hbm>> -> memref<2304xi32, #tpu.memory_space<hbm>>
    %dma_start3A_383 = arith.constant 0 : i32
    %dma_start3A_384 = tpu.memref_slice %arg11[%dma_start3A_376, %dma_start3A_383] : memref<2x2304xi32, #tpu.memory_space<vmem>> -> memref<1x2304xi32, #tpu.memory_space<vmem>>
    %dma_start3A_385 = tpu.memref_squeeze %dma_start3A_384 : memref<1x2304xi32, #tpu.memory_space<vmem>> -> memref<2304xi32, #tpu.memory_space<vmem>>
    %dma_start3A_386 = arith.constant 0 : i32
    %dma_start3A_387 = tpu.memref_slice %arg6[%add3A, %dma_start3A_386] : memref<4x165888xi32, #tpu.memory_space<hbm>> -> memref<1x2304xi32, #tpu.memory_space<hbm>>
    %dma_start3A_388 = tpu.memref_squeeze %dma_start3A_387 : memref<1x2304xi32, #tpu.memory_space<hbm>> -> memref<2304xi32, #tpu.memory_space<hbm>>
    tpu.enqueue_dma source(%dma_start3A_388 : memref<2304xi32, #tpu.memory_space<hbm>>) target(%dma_start3A_385 : memref<2304xi32, #tpu.memory_space<vmem>>) target_semaphore(%arg17 : memref<!tpu.dma_semaphore, #tpu.memory_space<semaphore_mem>>)
    %dma_start3A_389 = arith.constant 1 : i32
    %dma_start3A_390 = arith.constant 0 : i32
    %dma_start3A_391 = tpu.memref_slice %arg11[%dma_start3A_389, %dma_start3A_390] : memref<2x2304xi32, #tpu.memory_space<vmem>> -> memref<1x2304xi32, #tpu.memory_space<vmem>>
    %dma_start3A_392 = tpu.memref_squeeze %dma_start3A_391 : memref<1x2304xi32, #tpu.memory_space<vmem>> -> memref<2304xi32, #tpu.memory_space<vmem>>
    %dma_start3A_393 = arith.constant 2304 : i32
    %dma_start3A_394 = tpu.memref_slice %arg6[%add3A, %dma_start3A_393] : memref<4x165888xi32, #tpu.memory_space<hbm>> -> memref<1x2304xi32, #tpu.memory_space<hbm>>
    %dma_start3A_395 = tpu.memref_squeeze %dma_start3A_394 : memref<1x2304xi32, #tpu.memory_space<hbm>> -> memref<2304xi32, #tpu.memory_space<hbm>>
    %dma_start3A_396 = arith.constant 0 : i32
    %dma_start3A_397 = tpu.memref_slice %arg11[%dma_start3A_389, %dma_start3A_396] : memref<2x2304xi32, #tpu.memory_space<vmem>> -> memref<1x2304xi32, #tpu.memory_space<vmem>>
    %dma_start3A_398 = tpu.memref_squeeze %dma_start3A_397 : memref<1x2304xi32, #tpu.memory_space<vmem>> -> memref<2304xi32, #tpu.memory_space<vmem>>
    %dma_start3A_399 = arith.constant 2304 : i32
    %dma_start3A_400 = tpu.memref_slice %arg6[%add3A, %dma_start3A_399] : memref<4x165888xi32, #tpu.memory_space<hbm>> -> memref<1x2304xi32, #tpu.memory_space<hbm>>
    %dma_start3A_401 = tpu.memref_squeeze %dma_start3A_400 : memref<1x2304xi32, #tpu.memory_space<hbm>> -> memref<2304xi32, #tpu.memory_space<hbm>>
    tpu.enqueue_dma source(%dma_start3A_401 : memref<2304xi32, #tpu.memory_space<hbm>>) target(%dma_start3A_398 : memref<2304xi32, #tpu.memory_space<vmem>>) target_semaphore(%arg18 : memref<!tpu.dma_semaphore, #tpu.memory_space<semaphore_mem>>)
    %dma_wait3A_402 = arith.constant 0 : i32
    %dma_wait3A_403 = arith.constant 0 : i32
    %dma_wait3A_404 = tpu.memref_slice %arg11[%dma_wait3A_402, %dma_wait3A_403] : memref<2x2304xi32, #tpu.memory_space<vmem>> -> memref<1x2304xi32, #tpu.memory_space<vmem>>
    %dma_wait3A_405 = tpu.memref_squeeze %dma_wait3A_404 : memref<1x2304xi32, #tpu.memory_space<vmem>> -> memref<2304xi32, #tpu.memory_space<vmem>>
    %dma_wait3A_406 = arith.constant 0 : i32
    %dma_wait3A_407 = tpu.memref_slice %arg6[%add3A, %dma_wait3A_406] : memref<4x165888xi32, #tpu.memory_space<hbm>> -> memref<1x2304xi32, #tpu.memory_space<hbm>>
    %dma_wait3A_408 = tpu.memref_squeeze %dma_wait3A_407 : memref<1x2304xi32, #tpu.memory_space<hbm>> -> memref<2304xi32, #tpu.memory_space<hbm>>
    %dma_wait3A_409 = arith.constant 0 : i32
    %dma_wait3A_410 = tpu.memref_slice %arg11[%dma_wait3A_402, %dma_wait3A_409] : memref<2x2304xi32, #tpu.memory_space<vmem>> -> memref<1x2304xi32, #tpu.memory_space<vmem>>
    %dma_wait3A_411 = tpu.memref_squeeze %dma_wait3A_410 : memref<1x2304xi32, #tpu.memory_space<vmem>> -> memref<2304xi32, #tpu.memory_space<vmem>>
    %dma_wait3A_412 = arith.constant 0 : i32
    %dma_wait3A_413 = tpu.memref_slice %arg6[%add3A, %dma_wait3A_412] : memref<4x165888xi32, #tpu.memory_space<hbm>> -> memref<1x2304xi32, #tpu.memory_space<hbm>>
    %dma_wait3A_414 = tpu.memref_squeeze %dma_wait3A_413 : memref<1x2304xi32, #tpu.memory_space<hbm>> -> memref<2304xi32, #tpu.memory_space<hbm>>
    tpu.wait_dma2 semaphore(%arg17 : memref<!tpu.dma_semaphore, #tpu.memory_space<semaphore_mem>>) src(%dma_wait3A_414 : memref<2304xi32, #tpu.memory_space<hbm>>) dst(%dma_wait3A_411 : memref<2304xi32, #tpu.memory_space<vmem>>)
    %parallel_loop3A_415 = arith.constant 0 : i32
    %parallel_loop3A_416 = arith.constant 4608 : i32
    %parallel_loop3A_417 = arith.constant 32 : i32
    scf.for %parallel_loop3A_530 = %parallel_loop3A_415 to %parallel_loop3A_416 step %parallel_loop3A_417  : i32 {
      %parallel_loop3A_531 = arith.constant 2 : i32
      %parallel_loop3A_532 = arith.divsi %parallel_loop3A_530, %parallel_loop3A_531 : i32
      %parallel_loop3A_533 = arith.constant 0 : i32
      %parallel_loop3A_534 = arith.cmpi sgt, %parallel_loop3A_530, %parallel_loop3A_533 : i32
      %parallel_loop3A_535 = arith.extui %parallel_loop3A_534 : i1 to i32
      %parallel_loop3A_536 = arith.constant 0 : i32
      %parallel_loop3A_537 = arith.cmpi slt, %parallel_loop3A_530, %parallel_loop3A_536 : i32
      %parallel_loop3A_538 = arith.extui %parallel_loop3A_537 : i1 to i32
      %parallel_loop3A_539 = arith.subi %parallel_loop3A_535, %parallel_loop3A_538 : i32
      %parallel_loop3A_540 = arith.constant 0 : i32
      %parallel_loop3A_541 = arith.cmpi sgt, %parallel_loop3A_531, %parallel_loop3A_540 : i32
      %parallel_loop3A_542 = arith.extui %parallel_loop3A_541 : i1 to i32
      %parallel_loop3A_543 = arith.constant 0 : i32
      %parallel_loop3A_544 = arith.cmpi slt, %parallel_loop3A_531, %parallel_loop3A_543 : i32
      %parallel_loop3A_545 = arith.extui %parallel_loop3A_544 : i1 to i32
      %parallel_loop3A_546 = arith.subi %parallel_loop3A_542, %parallel_loop3A_545 : i32
      %parallel_loop3A_547 = arith.cmpi ne, %parallel_loop3A_539, %parallel_loop3A_546 : i32
      %parallel_loop3A_548 = arith.remsi %parallel_loop3A_530, %parallel_loop3A_531 : i32
      %parallel_loop3A_549 = arith.constant 0 : i32
      %parallel_loop3A_550 = arith.cmpi ne, %parallel_loop3A_548, %parallel_loop3A_549 : i32
      %parallel_loop3A_551 = arith.andi %parallel_loop3A_547, %parallel_loop3A_550 : i1
      %parallel_loop3A_552 = arith.constant 1 : i32
      %parallel_loop3A_553 = arith.subi %parallel_loop3A_532, %parallel_loop3A_552 : i32
      %parallel_loop3A_554 = arith.select %parallel_loop3A_551, %parallel_loop3A_553, %parallel_loop3A_532 : i32
      %parallel_loop3A_555 = tpu.assume_multiple %parallel_loop3A_554, 16 : i32
      %parallel_loop3A_556 = arith.constant 0 : i32
      %parallel_loop3A_557 = arith.index_cast %parallel_loop3A_556 : i32 to index
      %parallel_loop3A_558 = arith.index_cast %parallel_loop3A_555 : i32 to index
      %parallel_loop3A_559 = tpu.vector_load %arg11[%parallel_loop3A_557, %parallel_loop3A_558] {strides = array<i32>} : memref<2x2304xi32, #tpu.memory_space<vmem>>, vector<16xi32>,
      %parallel_loop3A_560 = arith.constant 65535 : i32
      %parallel_loop3A_561 = vector.broadcast %parallel_loop3A_560 : i32 to vector<16xi32>
      %parallel_loop3A_562 = arith.andi %parallel_loop3A_559, %parallel_loop3A_561 : vector<16xi32>
      %parallel_loop3A_563 = arith.constant 16 : i32
      %parallel_loop3A_564 = vector.broadcast %parallel_loop3A_563 : i32 to vector<16xi32>
      %parallel_loop3A_565 = arith.shrsi %parallel_loop3A_559, %parallel_loop3A_564 : vector<16xi32>
      %parallel_loop3A_566 = tpu.vector_load_idx %arg7[%parallel_loop3A_562] : memref<16384xf32, #tpu.memory_space<vmem>>[vector<16xi32>], vector<16xf32>,
      %parallel_loop3A_567 = arith.constant 0 : i32
      %parallel_loop3A_568 = arith.constant 0 : i32
      %parallel_loop3A_569 = arith.index_cast %parallel_loop3A_567 : i32 to index
      %parallel_loop3A_570 = arith.index_cast %parallel_loop3A_568 : i32 to index
      %parallel_loop3A_571 = arith.index_cast %parallel_loop3A_530 : i32 to index
      %parallel_loop3A_572 = tpu.vector_load %arg12[%parallel_loop3A_569, %parallel_loop3A_570, %parallel_loop3A_571] {strides = array<i32>} : memref<2x4x4608xf32, #tpu.memory_space<vmem>>, vector<16xf32>,
      tpu.vector_store %arg12[%parallel_loop3A_569, %parallel_loop3A_570, %parallel_loop3A_571], %parallel_loop3A_566 {strides = array<i32>} : memref<2x4x4608xf32, #tpu.memory_space<vmem>>, vector<16xf32>,
      %parallel_loop3A_573 = tpu.vector_load_idx %arg7[%parallel_loop3A_565] : memref<16384xf32, #tpu.memory_space<vmem>>[vector<16xi32>], vector<16xf32>,
      %parallel_loop3A_574 = arith.constant 16 : i32
      %parallel_loop3A_575 = arith.addi %parallel_loop3A_530, %parallel_loop3A_574 : i32
      %parallel_loop3A_576 = arith.constant 0 : i32
      %parallel_loop3A_577 = arith.constant 0 : i32
      %parallel_loop3A_578 = arith.index_cast %parallel_loop3A_576 : i32 to index
      %parallel_loop3A_579 = arith.index_cast %parallel_loop3A_577 : i32 to index
      %parallel_loop3A_580 = arith.index_cast %parallel_loop3A_575 : i32 to index
      %parallel_loop3A_581 = tpu.vector_load %arg12[%parallel_loop3A_578, %parallel_loop3A_579, %parallel_loop3A_580] {strides = array<i32>} : memref<2x4x4608xf32, #tpu.memory_space<vmem>>, vector<16xf32>,
      tpu.vector_store %arg12[%parallel_loop3A_578, %parallel_loop3A_579, %parallel_loop3A_580], %parallel_loop3A_573 {strides = array<i32>} : memref<2x4x4608xf32, #tpu.memory_space<vmem>>, vector<16xf32>,
      %parallel_loop3A_582 = tpu.vector_load_idx %arg8[%parallel_loop3A_562] : memref<16384xf32, #tpu.memory_space<vmem>>[vector<16xi32>], vector<16xf32>,
      %parallel_loop3A_583 = arith.constant 0 : i32
      %parallel_loop3A_584 = arith.constant 1 : i32
      %parallel_loop3A_585 = arith.index_cast %parallel_loop3A_583 : i32 to index
      %parallel_loop3A_586 = arith.index_cast %parallel_loop3A_584 : i32 to index
      %parallel_loop3A_587 = arith.index_cast %parallel_loop3A_530 : i32 to index
      %parallel_loop3A_588 = tpu.vector_load %arg12[%parallel_loop3A_585, %parallel_loop3A_586, %parallel_loop3A_587] {strides = array<i32>} : memref<2x4x4608xf32, #tpu.memory_space<vmem>>, vector<16xf32>,
      tpu.vector_store %arg12[%parallel_loop3A_585, %parallel_loop3A_586, %parallel_loop3A_587], %parallel_loop3A_582 {strides = array<i32>} : memref<2x4x4608xf32, #tpu.memory_space<vmem>>, vector<16xf32>,
      %parallel_loop3A_589 = tpu.vector_load_idx %arg8[%parallel_loop3A_565] : memref<16384xf32, #tpu.memory_space<vmem>>[vector<16xi32>], vector<16xf32>,
      %parallel_loop3A_590 = arith.constant 16 : i32
      %parallel_loop3A_591 = arith.addi %parallel_loop3A_530, %parallel_loop3A_590 : i32
      %parallel_loop3A_592 = arith.constant 0 : i32
      %parallel_loop3A_593 = arith.constant 1 : i32
      %parallel_loop3A_594 = arith.index_cast %parallel_loop3A_592 : i32 to index
      %parallel_loop3A_595 = arith.index_cast %parallel_loop3A_593 : i32 to index
      %parallel_loop3A_596 = arith.index_cast %parallel_loop3A_591 : i32 to index
      %parallel_loop3A_597 = tpu.vector_load %arg12[%parallel_loop3A_594, %parallel_loop3A_595, %parallel_loop3A_596] {strides = array<i32>} : memref<2x4x4608xf32, #tpu.memory_space<vmem>>, vector<16xf32>,
      tpu.vector_store %arg12[%parallel_loop3A_594, %parallel_loop3A_595, %parallel_loop3A_596], %parallel_loop3A_589 {strides = array<i32>} : memref<2x4x4608xf32, #tpu.memory_space<vmem>>, vector<16xf32>,
      %parallel_loop3A_598 = tpu.vector_load_idx %arg9[%parallel_loop3A_562] : memref<16384xf32, #tpu.memory_space<vmem>>[vector<16xi32>], vector<16xf32>,
      %parallel_loop3A_599 = arith.constant 0 : i32
      %parallel_loop3A_600 = arith.constant 2 : i32
      %parallel_loop3A_601 = arith.index_cast %parallel_loop3A_599 : i32 to index
      %parallel_loop3A_602 = arith.index_cast %parallel_loop3A_600 : i32 to index
      %parallel_loop3A_603 = arith.index_cast %parallel_loop3A_530 : i32 to index
      %parallel_loop3A_604 = tpu.vector_load %arg12[%parallel_loop3A_601, %parallel_loop3A_602, %parallel_loop3A_603] {strides = array<i32>} : memref<2x4x4608xf32, #tpu.memory_space<vmem>>, vector<16xf32>,
      tpu.vector_store %arg12[%parallel_loop3A_601, %parallel_loop3A_602, %parallel_loop3A_603], %parallel_loop3A_598 {strides = array<i32>} : memref<2x4x4608xf32, #tpu.memory_space<vmem>>, vector<16xf32>,
      %parallel_loop3A_605 = tpu.vector_load_idx %arg9[%parallel_loop3A_565] : memref<16384xf32, #tpu.memory_space<vmem>>[vector<16xi32>], vector<16xf32>,
      %parallel_loop3A_606 = arith.constant 16 : i32
      %parallel_loop3A_607 = arith.addi %parallel_loop3A_530, %parallel_loop3A_606 : i32
      %parallel_loop3A_608 = arith.constant 0 : i32
      %parallel_loop3A_609 = arith.constant 2 : i32
      %parallel_loop3A_610 = arith.index_cast %parallel_loop3A_608 : i32 to index
      %parallel_loop3A_611 = arith.index_cast %parallel_loop3A_609 : i32 to index
      %parallel_loop3A_612 = arith.index_cast %parallel_loop3A_607 : i32 to index
      %parallel_loop3A_613 = tpu.vector_load %arg12[%parallel_loop3A_610, %parallel_loop3A_611, %parallel_loop3A_612] {strides = array<i32>} : memref<2x4x4608xf32, #tpu.memory_space<vmem>>, vector<16xf32>,
      tpu.vector_store %arg12[%parallel_loop3A_610, %parallel_loop3A_611, %parallel_loop3A_612], %parallel_loop3A_605 {strides = array<i32>} : memref<2x4x4608xf32, #tpu.memory_space<vmem>>, vector<16xf32>,
      %parallel_loop3A_614 = tpu.vector_load_idx %arg10[%parallel_loop3A_562] : memref<16384xf32, #tpu.memory_space<vmem>>[vector<16xi32>], vector<16xf32>,
      %parallel_loop3A_615 = arith.constant 0 : i32
      %parallel_loop3A_616 = arith.constant 3 : i32
      %parallel_loop3A_617 = arith.index_cast %parallel_loop3A_615 : i32 to index
      %parallel_loop3A_618 = arith.index_cast %parallel_loop3A_616 : i32 to index
      %parallel_loop3A_619 = arith.index_cast %parallel_loop3A_530 : i32 to index
      %parallel_loop3A_620 = tpu.vector_load %arg12[%parallel_loop3A_617, %parallel_loop3A_618, %parallel_loop3A_619] {strides = array<i32>} : memref<2x4x4608xf32, #tpu.memory_space<vmem>>, vector<16xf32>,
      tpu.vector_store %arg12[%parallel_loop3A_617, %parallel_loop3A_618, %parallel_loop3A_619], %parallel_loop3A_614 {strides = array<i32>} : memref<2x4x4608xf32, #tpu.memory_space<vmem>>, vector<16xf32>,
      %parallel_loop3A_621 = tpu.vector_load_idx %arg10[%parallel_loop3A_565] : memref<16384xf32, #tpu.memory_space<vmem>>[vector<16xi32>], vector<16xf32>,
      %parallel_loop3A_622 = arith.constant 16 : i32
      %parallel_loop3A_623 = arith.addi %parallel_loop3A_530, %parallel_loop3A_622 : i32
      %parallel_loop3A_624 = arith.constant 0 : i32
      %parallel_loop3A_625 = arith.constant 3 : i32
      %parallel_loop3A_626 = arith.index_cast %parallel_loop3A_624 : i32 to index
      %parallel_loop3A_627 = arith.index_cast %parallel_loop3A_625 : i32 to index
      %parallel_loop3A_628 = arith.index_cast %parallel_loop3A_623 : i32 to index
      %parallel_loop3A_629 = tpu.vector_load %arg12[%parallel_loop3A_626, %parallel_loop3A_627, %parallel_loop3A_628] {strides = array<i32>} : memref<2x4x4608xf32, #tpu.memory_space<vmem>>, vector<16xf32>,
      tpu.vector_store %arg12[%parallel_loop3A_626, %parallel_loop3A_627, %parallel_loop3A_628], %parallel_loop3A_621 {strides = array<i32>} : memref<2x4x4608xf32, #tpu.memory_space<vmem>>, vector<16xf32>,
    } {sc.loop_unroll_factor = 8 : i64, sc.parallel_access}
    %dma_start3A_418 = arith.constant 0 : i32
    %dma_start3A_419 = arith.constant 0 : i32
    %dma_start3A_420 = tpu.memref_slice %arg11[%dma_start3A_418, %dma_start3A_419] : memref<2x2304xi32, #tpu.memory_space<vmem>> -> memref<1x2304xi32, #tpu.memory_space<vmem>>
    %dma_start3A_421 = tpu.memref_squeeze %dma_start3A_420 : memref<1x2304xi32, #tpu.memory_space<vmem>> -> memref<2304xi32, #tpu.memory_space<vmem>>
    %dma_start3A_422 = arith.constant 4608 : i32
    %dma_start3A_423 = tpu.memref_slice %arg6[%add3A, %dma_start3A_422] : memref<4x165888xi32, #tpu.memory_space<hbm>> -> memref<1x2304xi32, #tpu.memory_space<hbm>>
    %dma_start3A_424 = tpu.memref_squeeze %dma_start3A_423 : memref<1x2304xi32, #tpu.memory_space<hbm>> -> memref<2304xi32, #tpu.memory_space<hbm>>
    %dma_start3A_425 = arith.constant 0 : i32
    %dma_start3A_426 = tpu.memref_slice %arg11[%dma_start3A_418, %dma_start3A_425] : memref<2x2304xi32, #tpu.memory_space<vmem>> -> memref<1x2304xi32, #tpu.memory_space<vmem>>
    %dma_start3A_427 = tpu.memref_squeeze %dma_start3A_426 : memref<1x2304xi32, #tpu.memory_space<vmem>> -> memref<2304xi32, #tpu.memory_space<vmem>>
    %dma_start3A_428 = arith.constant 4608 : i32
    %dma_start3A_429 = tpu.memref_slice %arg6[%add3A, %dma_start3A_428] : memref<4x165888xi32, #tpu.memory_space<hbm>> -> memref<1x2304xi32, #tpu.memory_space<hbm>>
    %dma_start3A_430 = tpu.memref_squeeze %dma_start3A_429 : memref<1x2304xi32, #tpu.memory_space<hbm>> -> memref<2304xi32, #tpu.memory_space<hbm>>
    tpu.enqueue_dma source(%dma_start3A_430 : memref<2304xi32, #tpu.memory_space<hbm>>) target(%dma_start3A_427 : memref<2304xi32, #tpu.memory_space<vmem>>) target_semaphore(%arg17 : memref<!tpu.dma_semaphore, #tpu.memory_space<semaphore_mem>>)
    %dma_start3A_431 = arith.constant 0 : i32
    %dma_start3A_432 = arith.constant 0 : i32
    %dma_start3A_433 = arith.constant 0 : i32
    %dma_start3A_434 = arith.constant 0 : i32
    %dma_start3A_435 = tpu.memref_slice %arg12[%dma_start3A_431, %dma_start3A_433, %dma_start3A_434] : memref<2x4x4608xf32, #tpu.memory_space<vmem>> -> memref<1x4x4608xf32, #tpu.memory_space<vmem>>
    %dma_start3A_436 = tpu.memref_squeeze %dma_start3A_435 : memref<1x4x4608xf32, #tpu.memory_space<vmem>> -> memref<4x4608xf32, #tpu.memory_space<vmem>>
    %dma_start3A_437 = arith.constant 0 : i32
    %dma_start3A_438 = tpu.memref_slice %arg5[%add3A, %dma_start3A_432, %mul3A_32, %dma_start3A_437] : memref<4x9x32x36864xf32, #tpu.memory_space<hbm>> -> memref<1x1x4x4608xf32, #tpu.memory_space<hbm>>
    %dma_start3A_439 = tpu.memref_squeeze %dma_start3A_438 : memref<1x1x4x4608xf32, #tpu.memory_space<hbm>> -> memref<4x4608xf32, #tpu.memory_space<hbm>>
    %dma_start3A_440 = arith.constant 0 : i32
    %dma_start3A_441 = tpu.memref_slice %arg5[%add3A, %dma_start3A_432, %mul3A_32, %dma_start3A_440] : memref<4x9x32x36864xf32, #tpu.memory_space<hbm>> -> memref<1x1x4x4608xf32, #tpu.memory_space<hbm>>
    %dma_start3A_442 = tpu.memref_squeeze %dma_start3A_441 : memref<1x1x4x4608xf32, #tpu.memory_space<hbm>> -> memref<4x4608xf32, #tpu.memory_space<hbm>>
    %dma_start3A_443 = arith.constant 0 : i32
    %dma_start3A_444 = arith.constant 0 : i32
    %dma_start3A_445 = tpu.memref_slice %arg12[%dma_start3A_431, %dma_start3A_443, %dma_start3A_444] : memref<2x4x4608xf32, #tpu.memory_space<vmem>> -> memref<1x4x4608xf32, #tpu.memory_space<vmem>>
    %dma_start3A_446 = tpu.memref_squeeze %dma_start3A_445 : memref<1x4x4608xf32, #tpu.memory_space<vmem>> -> memref<4x4608xf32, #tpu.memory_space<vmem>>
    tpu.enqueue_dma source(%dma_start3A_446 : memref<4x4608xf32, #tpu.memory_space<vmem>>) target(%dma_start3A_442 : memref<4x4608xf32, #tpu.memory_space<hbm>>) target_semaphore(%arg19 : memref<!tpu.dma_semaphore, #tpu.memory_space<semaphore_mem>>)
    %dma_wait3A_447 = arith.constant 1 : i32
    %dma_wait3A_448 = arith.constant 0 : i32
    %dma_wait3A_449 = tpu.memref_slice %arg11[%dma_wait3A_447, %dma_wait3A_448] : memref<2x2304xi32, #tpu.memory_space<vmem>> -> memref<1x2304xi32, #tpu.memory_space<vmem>>
    %dma_wait3A_450 = tpu.memref_squeeze %dma_wait3A_449 : memref<1x2304xi32, #tpu.memory_space<vmem>> -> memref<2304xi32, #tpu.memory_space<vmem>>
    %dma_wait3A_451 = arith.constant 2304 : i32
    %dma_wait3A_452 = tpu.memref_slice %arg6[%add3A, %dma_wait3A_451] : memref<4x165888xi32, #tpu.memory_space<hbm>> -> memref<1x2304xi32, #tpu.memory_space<hbm>>
    %dma_wait3A_453 = tpu.memref_squeeze %dma_wait3A_452 : memref<1x2304xi32, #tpu.memory_space<hbm>> -> memref<2304xi32, #tpu.memory_space<hbm>>
    %dma_wait3A_454 = arith.constant 0 : i32
    %dma_wait3A_455 = tpu.memref_slice %arg11[%dma_wait3A_447, %dma_wait3A_454] : memref<2x2304xi32, #tpu.memory_space<vmem>> -> memref<1x2304xi32, #tpu.memory_space<vmem>>
    %dma_wait3A_456 = tpu.memref_squeeze %dma_wait3A_455 : memref<1x2304xi32, #tpu.memory_space<vmem>> -> memref<2304xi32, #tpu.memory_space<vmem>>
    %dma_wait3A_457 = arith.constant 2304 : i32
    %dma_wait3A_458 = tpu.memref_slice %arg6[%add3A, %dma_wait3A_457] : memref<4x165888xi32, #tpu.memory_space<hbm>> -> memref<1x2304xi32, #tpu.memory_space<hbm>>
    %dma_wait3A_459 = tpu.memref_squeeze %dma_wait3A_458 : memref<1x2304xi32, #tpu.memory_space<hbm>> -> memref<2304xi32, #tpu.memory_space<hbm>>
    tpu.wait_dma2 semaphore(%arg18 : memref<!tpu.dma_semaphore, #tpu.memory_space<semaphore_mem>>) src(%dma_wait3A_459 : memref<2304xi32, #tpu.memory_space<hbm>>) dst(%dma_wait3A_456 : memref<2304xi32, #tpu.memory_space<vmem>>)
    %parallel_loop3A_460 = arith.constant 0 : i32
    %parallel_loop3A_461 = arith.constant 4608 : i32
    %parallel_loop3A_462 = arith.constant 32 : i32
    scf.for %parallel_loop3A_530 = %parallel_loop3A_460 to %parallel_loop3A_461 step %parallel_loop3A_462  : i32 {
      %parallel_loop3A_531 = arith.constant 2 : i32
      %parallel_loop3A_532 = arith.divsi %parallel_loop3A_530, %parallel_loop3A_531 : i32
      %parallel_loop3A_533 = arith.constant 0 : i32
      %parallel_loop3A_534 = arith.cmpi sgt, %parallel_loop3A_530, %parallel_loop3A_533 : i32
      %parallel_loop3A_535 = arith.extui %parallel_loop3A_534 : i1 to i32
      %parallel_loop3A_536 = arith.constant 0 : i32
      %parallel_loop3A_537 = arith.cmpi slt, %parallel_loop3A_530, %parallel_loop3A_536 : i32
      %parallel_loop3A_538 = arith.extui %parallel_loop3A_537 : i1 to i32
      %parallel_loop3A_539 = arith.subi %parallel_loop3A_535, %parallel_loop3A_538 : i32
      %parallel_loop3A_540 = arith.constant 0 : i32
      %parallel_loop3A_541 = arith.cmpi sgt, %parallel_loop3A_531, %parallel_loop3A_540 : i32
      %parallel_loop3A_542 = arith.extui %parallel_loop3A_541 : i1 to i32
      %parallel_loop3A_543 = arith.constant 0 : i32
      %parallel_loop3A_544 = arith.cmpi slt, %parallel_loop3A_531, %parallel_loop3A_543 : i32
      %parallel_loop3A_545 = arith.extui %parallel_loop3A_544 : i1 to i32
      %parallel_loop3A_546 = arith.subi %parallel_loop3A_542, %parallel_loop3A_545 : i32
      %parallel_loop3A_547 = arith.cmpi ne, %parallel_loop3A_539, %parallel_loop3A_546 : i32
      %parallel_loop3A_548 = arith.remsi %parallel_loop3A_530, %parallel_loop3A_531 : i32
      %parallel_loop3A_549 = arith.constant 0 : i32
      %parallel_loop3A_550 = arith.cmpi ne, %parallel_loop3A_548, %parallel_loop3A_549 : i32
      %parallel_loop3A_551 = arith.andi %parallel_loop3A_547, %parallel_loop3A_550 : i1
      %parallel_loop3A_552 = arith.constant 1 : i32
      %parallel_loop3A_553 = arith.subi %parallel_loop3A_532, %parallel_loop3A_552 : i32
      %parallel_loop3A_554 = arith.select %parallel_loop3A_551, %parallel_loop3A_553, %parallel_loop3A_532 : i32
      %parallel_loop3A_555 = tpu.assume_multiple %parallel_loop3A_554, 16 : i32
      %parallel_loop3A_556 = arith.constant 1 : i32
      %parallel_loop3A_557 = arith.index_cast %parallel_loop3A_556 : i32 to index
      %parallel_loop3A_558 = arith.index_cast %parallel_loop3A_555 : i32 to index
      %parallel_loop3A_559 = tpu.vector_load %arg11[%parallel_loop3A_557, %parallel_loop3A_558] {strides = array<i32>} : memref<2x2304xi32, #tpu.memory_space<vmem>>, vector<16xi32>,
      %parallel_loop3A_560 = arith.constant 65535 : i32
      %parallel_loop3A_561 = vector.broadcast %parallel_loop3A_560 : i32 to vector<16xi32>
      %parallel_loop3A_562 = arith.andi %parallel_loop3A_559, %parallel_loop3A_561 : vector<16xi32>
      %parallel_loop3A_563 = arith.constant 16 : i32
      %parallel_loop3A_564 = vector.broadcast %parallel_loop3A_563 : i32 to vector<16xi32>
      %parallel_loop3A_565 = arith.shrsi %parallel_loop3A_559, %parallel_loop3A_564 : vector<16xi32>
      %parallel_loop3A_566 = tpu.vector_load_idx %arg7[%parallel_loop3A_562] : memref<16384xf32, #tpu.memory_space<vmem>>[vector<16xi32>], vector<16xf32>,
      %parallel_loop3A_567 = arith.constant 1 : i32
      %parallel_loop3A_568 = arith.constant 0 : i32
      %parallel_loop3A_569 = arith.index_cast %parallel_loop3A_567 : i32 to index
      %parallel_loop3A_570 = arith.index_cast %parallel_loop3A_568 : i32 to index
      %parallel_loop3A_571 = arith.index_cast %parallel_loop3A_530 : i32 to index
      %parallel_loop3A_572 = tpu.vector_load %arg12[%parallel_loop3A_569, %parallel_loop3A_570, %parallel_loop3A_571] {strides = array<i32>} : memref<2x4x4608xf32, #tpu.memory_space<vmem>>, vector<16xf32>,
      tpu.vector_store %arg12[%parallel_loop3A_569, %parallel_loop3A_570, %parallel_loop3A_571], %parallel_loop3A_566 {strides = array<i32>} : memref<2x4x4608xf32, #tpu.memory_space<vmem>>, vector<16xf32>,
      %parallel_loop3A_573 = tpu.vector_load_idx %arg7[%parallel_loop3A_565] : memref<16384xf32, #tpu.memory_space<vmem>>[vector<16xi32>], vector<16xf32>,
      %parallel_loop3A_574 = arith.constant 16 : i32
      %parallel_loop3A_575 = arith.addi %parallel_loop3A_530, %parallel_loop3A_574 : i32
      %parallel_loop3A_576 = arith.constant 1 : i32
      %parallel_loop3A_577 = arith.constant 0 : i32
      %parallel_loop3A_578 = arith.index_cast %parallel_loop3A_576 : i32 to index
      %parallel_loop3A_579 = arith.index_cast %parallel_loop3A_577 : i32 to index
      %parallel_loop3A_580 = arith.index_cast %parallel_loop3A_575 : i32 to index
      %parallel_loop3A_581 = tpu.vector_load %arg12[%parallel_loop3A_578, %parallel_loop3A_579, %parallel_loop3A_580] {strides = array<i32>} : memref<2x4x4608xf32, #tpu.memory_space<vmem>>, vector<16xf32>,
      tpu.vector_store %arg12[%parallel_loop3A_578, %parallel_loop3A_579, %parallel_loop3A_580], %parallel_loop3A_573 {strides = array<i32>} : memref<2x4x4608xf32, #tpu.memory_space<vmem>>, vector<16xf32>,
      %parallel_loop3A_582 = tpu.vector_load_idx %arg8[%parallel_loop3A_562] : memref<16384xf32, #tpu.memory_space<vmem>>[vector<16xi32>], vector<16xf32>,
      %parallel_loop3A_583 = arith.constant 1 : i32
      %parallel_loop3A_584 = arith.constant 1 : i32
      %parallel_loop3A_585 = arith.index_cast %parallel_loop3A_583 : i32 to index
      %parallel_loop3A_586 = arith.index_cast %parallel_loop3A_584 : i32 to index
      %parallel_loop3A_587 = arith.index_cast %parallel_loop3A_530 : i32 to index
      %parallel_loop3A_588 = tpu.vector_load %arg12[%parallel_loop3A_585, %parallel_loop3A_586, %parallel_loop3A_587] {strides = array<i32>} : memref<2x4x4608xf32, #tpu.memory_space<vmem>>, vector<16xf32>,
      tpu.vector_store %arg12[%parallel_loop3A_585, %parallel_loop3A_586, %parallel_loop3A_587], %parallel_loop3A_582 {strides = array<i32>} : memref<2x4x4608xf32, #tpu.memory_space<vmem>>, vector<16xf32>,
      %parallel_loop3A_589 = tpu.vector_load_idx %arg8[%parallel_loop3A_565] : memref<16384xf32, #tpu.memory_space<vmem>>[vector<16xi32>], vector<16xf32>,
      %parallel_loop3A_590 = arith.constant 16 : i32
      %parallel_loop3A_591 = arith.addi %parallel_loop3A_530, %parallel_loop3A_590 : i32
      %parallel_loop3A_592 = arith.constant 1 : i32
      %parallel_loop3A_593 = arith.constant 1 : i32
      %parallel_loop3A_594 = arith.index_cast %parallel_loop3A_592 : i32 to index
      %parallel_loop3A_595 = arith.index_cast %parallel_loop3A_593 : i32 to index
      %parallel_loop3A_596 = arith.index_cast %parallel_loop3A_591 : i32 to index
      %parallel_loop3A_597 = tpu.vector_load %arg12[%parallel_loop3A_594, %parallel_loop3A_595, %parallel_loop3A_596] {strides = array<i32>} : memref<2x4x4608xf32, #tpu.memory_space<vmem>>, vector<16xf32>,
      tpu.vector_store %arg12[%parallel_loop3A_594, %parallel_loop3A_595, %parallel_loop3A_596], %parallel_loop3A_589 {strides = array<i32>} : memref<2x4x4608xf32, #tpu.memory_space<vmem>>, vector<16xf32>,
      %parallel_loop3A_598 = tpu.vector_load_idx %arg9[%parallel_loop3A_562] : memref<16384xf32, #tpu.memory_space<vmem>>[vector<16xi32>], vector<16xf32>,
      %parallel_loop3A_599 = arith.constant 1 : i32
      %parallel_loop3A_600 = arith.constant 2 : i32
      %parallel_loop3A_601 = arith.index_cast %parallel_loop3A_599 : i32 to index
      %parallel_loop3A_602 = arith.index_cast %parallel_loop3A_600 : i32 to index
      %parallel_loop3A_603 = arith.index_cast %parallel_loop3A_530 : i32 to index
      %parallel_loop3A_604 = tpu.vector_load %arg12[%parallel_loop3A_601, %parallel_loop3A_602, %parallel_loop3A_603] {strides = array<i32>} : memref<2x4x4608xf32, #tpu.memory_space<vmem>>, vector<16xf32>,
      tpu.vector_store %arg12[%parallel_loop3A_601, %parallel_loop3A_602, %parallel_loop3A_603], %parallel_loop3A_598 {strides = array<i32>} : memref<2x4x4608xf32, #tpu.memory_space<vmem>>, vector<16xf32>,
      %parallel_loop3A_605 = tpu.vector_load_idx %arg9[%parallel_loop3A_565] : memref<16384xf32, #tpu.memory_space<vmem>>[vector<16xi32>], vector<16xf32>,
      %parallel_loop3A_606 = arith.constant 16 : i32
      %parallel_loop3A_607 = arith.addi %parallel_loop3A_530, %parallel_loop3A_606 : i32
      %parallel_loop3A_608 = arith.constant 1 : i32
      %parallel_loop3A_609 = arith.constant 2 : i32
      %parallel_loop3A_610 = arith.index_cast %parallel_loop3A_608 : i32 to index
      %parallel_loop3A_611 = arith.index_cast %parallel_loop3A_609 : i32 to index
      %parallel_loop3A_612 = arith.index_cast %parallel_loop3A_607 : i32 to index
      %parallel_loop3A_613 = tpu.vector_load %arg12[%parallel_loop3A_610, %parallel_loop3A_611, %parallel_loop3A_612] {strides = array<i32>} : memref<2x4x4608xf32, #tpu.memory_space<vmem>>, vector<16xf32>,
      tpu.vector_store %arg12[%parallel_loop3A_610, %parallel_loop3A_611, %parallel_loop3A_612], %parallel_loop3A_605 {strides = array<i32>} : memref<2x4x4608xf32, #tpu.memory_space<vmem>>, vector<16xf32>,
      %parallel_loop3A_614 = tpu.vector_load_idx %arg10[%parallel_loop3A_562] : memref<16384xf32, #tpu.memory_space<vmem>>[vector<16xi32>], vector<16xf32>,
      %parallel_loop3A_615 = arith.constant 1 : i32
      %parallel_loop3A_616 = arith.constant 3 : i32
      %parallel_loop3A_617 = arith.index_cast %parallel_loop3A_615 : i32 to index
      %parallel_loop3A_618 = arith.index_cast %parallel_loop3A_616 : i32 to index
      %parallel_loop3A_619 = arith.index_cast %parallel_loop3A_530 : i32 to index
      %parallel_loop3A_620 = tpu.vector_load %arg12[%parallel_loop3A_617, %parallel_loop3A_618, %parallel_loop3A_619] {strides = array<i32>} : memref<2x4x4608xf32, #tpu.memory_space<vmem>>, vector<16xf32>,
      tpu.vector_store %arg12[%parallel_loop3A_617, %parallel_loop3A_618, %parallel_loop3A_619], %parallel_loop3A_614 {strides = array<i32>} : memref<2x4x4608xf32, #tpu.memory_space<vmem>>, vector<16xf32>,
      %parallel_loop3A_621 = tpu.vector_load_idx %arg10[%parallel_loop3A_565] : memref<16384xf32, #tpu.memory_space<vmem>>[vector<16xi32>], vector<16xf32>,
      %parallel_loop3A_622 = arith.constant 16 : i32
      %parallel_loop3A_623 = arith.addi %parallel_loop3A_530, %parallel_loop3A_622 : i32
      %parallel_loop3A_624 = arith.constant 1 : i32
      %parallel_loop3A_625 = arith.constant 3 : i32
      %parallel_loop3A_626 = arith.index_cast %parallel_loop3A_624 : i32 to index
      %parallel_loop3A_627 = arith.index_cast %parallel_loop3A_625 : i32 to index
      %parallel_loop3A_628 = arith.index_cast %parallel_loop3A_623 : i32 to index
      %parallel_loop3A_629 = tpu.vector_load %arg12[%parallel_loop3A_626, %parallel_loop3A_627, %parallel_loop3A_628] {strides = array<i32>} : memref<2x4x4608xf32, #tpu.memory_space<vmem>>, vector<16xf32>,
      tpu.vector_store %arg12[%parallel_loop3A_626, %parallel_loop3A_627, %parallel_loop3A_628], %parallel_loop3A_621 {strides = array<i32>} : memref<2x4x4608xf32, #tpu.memory_space<vmem>>, vector<16xf32>,
    } {sc.loop_unroll_factor = 8 : i64, sc.parallel_access}
    %dma_start3A_463 = arith.constant 1 : i32
    %dma_start3A_464 = arith.constant 0 : i32
    %dma_start3A_465 = tpu.memref_slice %arg11[%dma_start3A_463, %dma_start3A_464] : memref<2x2304xi32, #tpu.memory_space<vmem>> -> memref<1x2304xi32, #tpu.memory_space<vmem>>
    %dma_start3A_466 = tpu.memref_squeeze %dma_start3A_465 : memref<1x2304xi32, #tpu.memory_space<vmem>> -> memref<2304xi32, #tpu.memory_space<vmem>>
    %dma_start3A_467 = arith.constant 6912 : i32
    %dma_start3A_468 = tpu.memref_slice %arg6[%add3A, %dma_start3A_467] : memref<4x165888xi32, #tpu.memory_space<hbm>> -> memref<1x2304xi32, #tpu.memory_space<hbm>>
    %dma_start3A_469 = tpu.memref_squeeze %dma_start3A_468 : memref<1x2304xi32, #tpu.memory_space<hbm>> -> memref<2304xi32, #tpu.memory_space<hbm>>
    %dma_start3A_470 = arith.constant 0 : i32
    %dma_start3A_471 = tpu.memref_slice %arg11[%dma_start3A_463, %dma_start3A_470] : memref<2x2304xi32, #tpu.memory_space<vmem>> -> memref<1x2304xi32, #tpu.memory_space<vmem>>
    %dma_start3A_472 = tpu.memref_squeeze %dma_start3A_471 : memref<1x2304xi32, #tpu.memory_space<vmem>> -> memref<2304xi32, #tpu.memory_space<vmem>>
    %dma_start3A_473 = arith.constant 6912 : i32
    %dma_start3A_474 = tpu.memref_slice %arg6[%add3A, %dma_start3A_473] : memref<4x165888xi32, #tpu.memory_space<hbm>> -> memref<1x2304xi32, #tpu.memory_space<hbm>>
    %dma_start3A_475 = tpu.memref_squeeze %dma_start3A_474 : memref<1x2304xi32, #tpu.memory_space<hbm>> -> memref<2304xi32, #tpu.memory_space<hbm>>
    tpu.enqueue_dma source(%dma_start3A_475 : memref<2304xi32, #tpu.memory_space<hbm>>) target(%dma_start3A_472 : memref<2304xi32, #tpu.memory_space<vmem>>) target_semaphore(%arg18 : memref<!tpu.dma_semaphore, #tpu.memory_space<semaphore_mem>>)
    %dma_start3A_476 = arith.constant 1 : i32
    %dma_start3A_477 = arith.constant 0 : i32
    %dma_start3A_478 = arith.constant 0 : i32
    %dma_start3A_479 = arith.constant 0 : i32
    %dma_start3A_480 = tpu.memref_slice %arg12[%dma_start3A_476, %dma_start3A_478, %dma_start3A_479] : memref<2x4x4608xf32, #tpu.memory_space<vmem>> -> memref<1x4x4608xf32, #tpu.memory_space<vmem>>
    %dma_start3A_481 = tpu.memref_squeeze %dma_start3A_480 : memref<1x4x4608xf32, #tpu.memory_space<vmem>> -> memref<4x4608xf32, #tpu.memory_space<vmem>>
    %dma_start3A_482 = arith.constant 4608 : i32
    %dma_start3A_483 = tpu.memref_slice %arg5[%add3A, %dma_start3A_477, %mul3A_32, %dma_start3A_482] : memref<4x9x32x36864xf32, #tpu.memory_space<hbm>> -> memref<1x1x4x4608xf32, #tpu.memory_space<hbm>>
    %dma_start3A_484 = tpu.memref_squeeze %dma_start3A_483 : memref<1x1x4x4608xf32, #tpu.memory_space<hbm>> -> memref<4x4608xf32, #tpu.memory_space<hbm>>
    %dma_start3A_485 = arith.constant 4608 : i32
    %dma_start3A_486 = tpu.memref_slice %arg5[%add3A, %dma_start3A_477, %mul3A_32, %dma_start3A_485] : memref<4x9x32x36864xf32, #tpu.memory_space<hbm>> -> memref<1x1x4x4608xf32, #tpu.memory_space<hbm>>
    %dma_start3A_487 = tpu.memref_squeeze %dma_start3A_486 : memref<1x1x4x4608xf32, #tpu.memory_space<hbm>> -> memref<4x4608xf32, #tpu.memory_space<hbm>>
    %dma_start3A_488 = arith.constant 0 : i32
    %dma_start3A_489 = arith.constant 0 : i32
    %dma_start3A_490 = tpu.memref_slice %arg12[%dma_start3A_476, %dma_start3A_488, %dma_start3A_489] : memref<2x4x4608xf32, #tpu.memory_space<vmem>> -> memref<1x4x4608xf32, #tpu.memory_space<vmem>>
    %dma_start3A_491 = tpu.memref_squeeze %dma_start3A_490 : memref<1x4x4608xf32, #tpu.memory_space<vmem>> -> memref<4x4608xf32, #tpu.memory_space<vmem>>
    tpu.enqueue_dma source(%dma_start3A_491 : memref<4x4608xf32, #tpu.memory_space<vmem>>) target(%dma_start3A_487 : memref<4x4608xf32, #tpu.memory_space<hbm>>) target_semaphore(%arg20 : memref<!tpu.dma_semaphore, #tpu.memory_space<semaphore_mem>>)
    %scan3A_492 = arith.constant 0 : i32
    %scan3A_493 = arith.constant 1 : i32
    %scan3A_494 = arith.constant 35 : i32
    %scan3A_495 = arith.addi %scan3A_493, %scan3A_494 : i32
    %scan3A_496 = arith.constant 1 : i32
    scf.for %scan3A_530 = %scan3A_493 to %scan3A_495 step %scan3A_496  : i32 {
      %mul3A_531 = arith.constant 2 : i32
      %mul3A_532 = arith.muli %mul3A_531, %scan3A_530 : i32
      %add3A_533 = arith.constant 0 : i32
      %add3A_534 = arith.addi %mul3A_532, %add3A_533 : i32
      %mul3A_535 = arith.constant 2304 : i32
      %mul3A_536 = arith.muli %add3A_534, %mul3A_535 : i32
      %dma_wait3A_537 = arith.constant 0 : i32
      %dma_wait3A_538 = arith.constant 0 : i32
      %dma_wait3A_539 = tpu.memref_slice %arg11[%dma_wait3A_537, %dma_wait3A_538] : memref<2x2304xi32, #tpu.memory_space<vmem>> -> memref<1x2304xi32, #tpu.memory_space<vmem>>
      %dma_wait3A_540 = tpu.memref_squeeze %dma_wait3A_539 : memref<1x2304xi32, #tpu.memory_space<vmem>> -> memref<2304xi32, #tpu.memory_space<vmem>>
      %dma_wait3A_541 = tpu.memref_slice %arg6[%add3A, %mul3A_536] : memref<4x165888xi32, #tpu.memory_space<hbm>> -> memref<1x2304xi32, #tpu.memory_space<hbm>>
      %dma_wait3A_542 = tpu.memref_squeeze %dma_wait3A_541 : memref<1x2304xi32, #tpu.memory_space<hbm>> -> memref<2304xi32, #tpu.memory_space<hbm>>
      %dma_wait3A_543 = arith.constant 0 : i32
      %dma_wait3A_544 = tpu.memref_slice %arg11[%dma_wait3A_537, %dma_wait3A_543] : memref<2x2304xi32, #tpu.memory_space<vmem>> -> memref<1x2304xi32, #tpu.memory_space<vmem>>
      %dma_wait3A_545 = tpu.memref_squeeze %dma_wait3A_544 : memref<1x2304xi32, #tpu.memory_space<vmem>> -> memref<2304xi32, #tpu.memory_space<vmem>>
      %dma_wait3A_546 = tpu.memref_slice %arg6[%add3A, %mul3A_536] : memref<4x165888xi32, #tpu.memory_space<hbm>> -> memref<1x2304xi32, #tpu.memory_space<hbm>>
      %dma_wait3A_547 = tpu.memref_squeeze %dma_wait3A_546 : memref<1x2304xi32, #tpu.memory_space<hbm>> -> memref<2304xi32, #tpu.memory_space<hbm>>
      tpu.wait_dma2 semaphore(%arg17 : memref<!tpu.dma_semaphore, #tpu.memory_space<semaphore_mem>>) src(%dma_wait3A_547 : memref<2304xi32, #tpu.memory_space<hbm>>) dst(%dma_wait3A_545 : memref<2304xi32, #tpu.memory_space<vmem>>)
      %sub3A_548 = arith.constant 2 : i32
      %sub3A_549 = arith.subi %add3A_534, %sub3A_548 : i32
      %jit3A_550 = arith.constant 8 : i32
      %div3A_551 = arith.divsi %sub3A_549, %jit3A_550 : i32
      %sign3A_552 = arith.constant 0 : i32
      %sign3A_553 = arith.cmpi sgt, %sub3A_549, %sign3A_552 : i32
      %sign3A_554 = arith.extui %sign3A_553 : i1 to i32
      %sign3A_555 = arith.constant 0 : i32
      %sign3A_556 = arith.cmpi slt, %sub3A_549, %sign3A_555 : i32
      %sign3A_557 = arith.extui %sign3A_556 : i1 to i32
      %sign3A_558 = arith.subi %sign3A_554, %sign3A_557 : i32
      %sign3A_559 = arith.constant 0 : i32
      %sign3A_560 = arith.cmpi sgt, %jit3A_550, %sign3A_559 : i32
      %sign3A_561 = arith.extui %sign3A_560 : i1 to i32
      %sign3A_562 = arith.constant 0 : i32
      %sign3A_563 = arith.cmpi slt, %jit3A_550, %sign3A_562 : i32
      %sign3A_564 = arith.extui %sign3A_563 : i1 to i32
      %sign3A_565 = arith.subi %sign3A_561, %sign3A_564 : i32
      %ne3A_566 = arith.cmpi ne, %sign3A_558, %sign3A_565 : i32
      %rem3A_567 = arith.remsi %sub3A_549, %jit3A_550 : i32
      %ne3A_568 = arith.constant 0 : i32
      %ne3A_569 = arith.cmpi ne, %rem3A_567, %ne3A_568 : i32
      %and3A_570 = arith.andi %ne3A_566, %ne3A_569 : i1
      %sub3A_571 = arith.constant 1 : i32
      %sub3A_572 = arith.subi %div3A_551, %sub3A_571 : i32
      %select_n3A_573 = arith.select %and3A_570, %sub3A_572, %div3A_551 : i32
      %jit3A_574 = arith.constant 8 : i32
      %eq3A_575 = arith.constant 0 : i32
      %eq3A_576 = arith.cmpi eq, %jit3A_574, %eq3A_575 : i32
      %jit3A_577 = arith.constant 1 : i32
      %select_n3A_578 = arith.select %eq3A_576, %jit3A_577, %jit3A_574 : i32
      %rem3A_579 = arith.remsi %sub3A_549, %select_n3A_578 : i32
      %ne3A_580 = arith.constant 0 : i32
      %ne3A_581 = arith.cmpi ne, %rem3A_579, %ne3A_580 : i32
      %lt3A_582 = arith.constant 0 : i32
      %lt3A_583 = arith.cmpi slt, %rem3A_579, %lt3A_582 : i32
      %lt3A_584 = arith.constant 0 : i32
      %lt3A_585 = arith.cmpi slt, %select_n3A_578, %lt3A_584 : i32
      %ne3A_586 = arith.xori %lt3A_583, %lt3A_585 : i1
      %and3A_587 = arith.andi %ne3A_586, %ne3A_581 : i1
      %add3A_588 = arith.addi %rem3A_579, %select_n3A_578 : i32
      %select_n3A_589 = arith.select %and3A_587, %add3A_588, %rem3A_579 : i32
      %mul3A_590 = arith.constant 4608 : i32
      %mul3A_591 = arith.muli %select_n3A_589, %mul3A_590 : i32
      %dma_wait3A_592 = arith.constant 0 : i32
      %dma_wait3A_593 = arith.constant 0 : i32
      %dma_wait3A_594 = arith.constant 0 : i32
      %dma_wait3A_595 = tpu.memref_slice %arg12[%dma_wait3A_592, %dma_wait3A_593, %dma_wait3A_594] : memref<2x4x4608xf32, #tpu.memory_space<vmem>> -> memref<1x4x4608xf32, #tpu.memory_space<vmem>>
      %dma_wait3A_596 = tpu.memref_squeeze %dma_wait3A_595 : memref<1x4x4608xf32, #tpu.memory_space<vmem>> -> memref<4x4608xf32, #tpu.memory_space<vmem>>
      %dma_wait3A_597 = tpu.memref_slice %arg5[%add3A, %select_n3A_573, %mul3A_32, %mul3A_591] : memref<4x9x32x36864xf32, #tpu.memory_space<hbm>> -> memref<1x1x4x4608xf32, #tpu.memory_space<hbm>>
      %dma_wait3A_598 = tpu.memref_squeeze %dma_wait3A_597 : memref<1x1x4x4608xf32, #tpu.memory_space<hbm>> -> memref<4x4608xf32, #tpu.memory_space<hbm>>
      %dma_wait3A_599 = tpu.memref_slice %arg5[%add3A, %select_n3A_573, %mul3A_32, %mul3A_591] : memref<4x9x32x36864xf32, #tpu.memory_space<hbm>> -> memref<1x1x4x4608xf32, #tpu.memory_space<hbm>>
      %dma_wait3A_600 = tpu.memref_squeeze %dma_wait3A_599 : memref<1x1x4x4608xf32, #tpu.memory_space<hbm>> -> memref<4x4608xf32, #tpu.memory_space<hbm>>
      %dma_wait3A_601 = arith.constant 0 : i32
      %dma_wait3A_602 = arith.constant 0 : i32
      %dma_wait3A_603 = tpu.memref_slice %arg12[%dma_wait3A_592, %dma_wait3A_601, %dma_wait3A_602] : memref<2x4x4608xf32, #tpu.memory_space<vmem>> -> memref<1x4x4608xf32, #tpu.memory_space<vmem>>
      %dma_wait3A_604 = tpu.memref_squeeze %dma_wait3A_603 : memref<1x4x4608xf32, #tpu.memory_space<vmem>> -> memref<4x4608xf32, #tpu.memory_space<vmem>>
      tpu.wait_dma2 semaphore(%arg19 : memref<!tpu.dma_semaphore, #tpu.memory_space<semaphore_mem>>) src(%dma_wait3A_604 : memref<4x4608xf32, #tpu.memory_space<vmem>>) dst(%dma_wait3A_600 : memref<4x4608xf32, #tpu.memory_space<hbm>>)
      %parallel_loop3A_605 = arith.constant 0 : i32
      %parallel_loop3A_606 = arith.constant 4608 : i32
      %parallel_loop3A_607 = arith.constant 32 : i32
      scf.for %parallel_loop3A_806 = %parallel_loop3A_605 to %parallel_loop3A_606 step %parallel_loop3A_607  : i32 {
        %parallel_loop3A_807 = arith.constant 2 : i32
        %parallel_loop3A_808 = arith.divsi %parallel_loop3A_806, %parallel_loop3A_807 : i32
        %parallel_loop3A_809 = arith.constant 0 : i32
        %parallel_loop3A_810 = arith.cmpi sgt, %parallel_loop3A_806, %parallel_loop3A_809 : i32
        %parallel_loop3A_811 = arith.extui %parallel_loop3A_810 : i1 to i32
        %parallel_loop3A_812 = arith.constant 0 : i32
        %parallel_loop3A_813 = arith.cmpi slt, %parallel_loop3A_806, %parallel_loop3A_812 : i32
        %parallel_loop3A_814 = arith.extui %parallel_loop3A_813 : i1 to i32
        %parallel_loop3A_815 = arith.subi %parallel_loop3A_811, %parallel_loop3A_814 : i32
        %parallel_loop3A_816 = arith.constant 0 : i32
        %parallel_loop3A_817 = arith.cmpi sgt, %parallel_loop3A_807, %parallel_loop3A_816 : i32
        %parallel_loop3A_818 = arith.extui %parallel_loop3A_817 : i1 to i32
        %parallel_loop3A_819 = arith.constant 0 : i32
        %parallel_loop3A_820 = arith.cmpi slt, %parallel_loop3A_807, %parallel_loop3A_819 : i32
        %parallel_loop3A_821 = arith.extui %parallel_loop3A_820 : i1 to i32
        %parallel_loop3A_822 = arith.subi %parallel_loop3A_818, %parallel_loop3A_821 : i32
        %parallel_loop3A_823 = arith.cmpi ne, %parallel_loop3A_815, %parallel_loop3A_822 : i32
        %parallel_loop3A_824 = arith.remsi %parallel_loop3A_806, %parallel_loop3A_807 : i32
        %parallel_loop3A_825 = arith.constant 0 : i32
        %parallel_loop3A_826 = arith.cmpi ne, %parallel_loop3A_824, %parallel_loop3A_825 : i32
        %parallel_loop3A_827 = arith.andi %parallel_loop3A_823, %parallel_loop3A_826 : i1
        %parallel_loop3A_828 = arith.constant 1 : i32
        %parallel_loop3A_829 = arith.subi %parallel_loop3A_808, %parallel_loop3A_828 : i32
        %parallel_loop3A_830 = arith.select %parallel_loop3A_827, %parallel_loop3A_829, %parallel_loop3A_808 : i32
        %parallel_loop3A_831 = tpu.assume_multiple %parallel_loop3A_830, 16 : i32
        %parallel_loop3A_832 = arith.constant 0 : i32
        %parallel_loop3A_833 = arith.index_cast %parallel_loop3A_832 : i32 to index
        %parallel_loop3A_834 = arith.index_cast %parallel_loop3A_831 : i32 to index
        %parallel_loop3A_835 = tpu.vector_load %arg11[%parallel_loop3A_833, %parallel_loop3A_834] {strides = array<i32>} : memref<2x2304xi32, #tpu.memory_space<vmem>>, vector<16xi32>,
        %parallel_loop3A_836 = arith.constant 65535 : i32
        %parallel_loop3A_837 = vector.broadcast %parallel_loop3A_836 : i32 to vector<16xi32>
        %parallel_loop3A_838 = arith.andi %parallel_loop3A_835, %parallel_loop3A_837 : vector<16xi32>
        %parallel_loop3A_839 = arith.constant 16 : i32
        %parallel_loop3A_840 = vector.broadcast %parallel_loop3A_839 : i32 to vector<16xi32>
        %parallel_loop3A_841 = arith.shrsi %parallel_loop3A_835, %parallel_loop3A_840 : vector<16xi32>
        %parallel_loop3A_842 = tpu.vector_load_idx %arg7[%parallel_loop3A_838] : memref<16384xf32, #tpu.memory_space<vmem>>[vector<16xi32>], vector<16xf32>,
        %parallel_loop3A_843 = arith.constant 0 : i32
        %parallel_loop3A_844 = arith.constant 0 : i32
        %parallel_loop3A_845 = arith.index_cast %parallel_loop3A_843 : i32 to index
        %parallel_loop3A_846 = arith.index_cast %parallel_loop3A_844 : i32 to index
        %parallel_loop3A_847 = arith.index_cast %parallel_loop3A_806 : i32 to index
        %parallel_loop3A_848 = tpu.vector_load %arg12[%parallel_loop3A_845, %parallel_loop3A_846, %parallel_loop3A_847] {strides = array<i32>} : memref<2x4x4608xf32, #tpu.memory_space<vmem>>, vector<16xf32>,
        tpu.vector_store %arg12[%parallel_loop3A_845, %parallel_loop3A_846, %parallel_loop3A_847], %parallel_loop3A_842 {strides = array<i32>} : memref<2x4x4608xf32, #tpu.memory_space<vmem>>, vector<16xf32>,
        %parallel_loop3A_849 = tpu.vector_load_idx %arg7[%parallel_loop3A_841] : memref<16384xf32, #tpu.memory_space<vmem>>[vector<16xi32>], vector<16xf32>,
        %parallel_loop3A_850 = arith.constant 16 : i32
        %parallel_loop3A_851 = arith.addi %parallel_loop3A_806, %parallel_loop3A_850 : i32
        %parallel_loop3A_852 = arith.constant 0 : i32
        %parallel_loop3A_853 = arith.constant 0 : i32
        %parallel_loop3A_854 = arith.index_cast %parallel_loop3A_852 : i32 to index
        %parallel_loop3A_855 = arith.index_cast %parallel_loop3A_853 : i32 to index
        %parallel_loop3A_856 = arith.index_cast %parallel_loop3A_851 : i32 to index
        %parallel_loop3A_857 = tpu.vector_load %arg12[%parallel_loop3A_854, %parallel_loop3A_855, %parallel_loop3A_856] {strides = array<i32>} : memref<2x4x4608xf32, #tpu.memory_space<vmem>>, vector<16xf32>,
        tpu.vector_store %arg12[%parallel_loop3A_854, %parallel_loop3A_855, %parallel_loop3A_856], %parallel_loop3A_849 {strides = array<i32>} : memref<2x4x4608xf32, #tpu.memory_space<vmem>>, vector<16xf32>,
        %parallel_loop3A_858 = tpu.vector_load_idx %arg8[%parallel_loop3A_838] : memref<16384xf32, #tpu.memory_space<vmem>>[vector<16xi32>], vector<16xf32>,
        %parallel_loop3A_859 = arith.constant 0 : i32
        %parallel_loop3A_860 = arith.constant 1 : i32
        %parallel_loop3A_861 = arith.index_cast %parallel_loop3A_859 : i32 to index
        %parallel_loop3A_862 = arith.index_cast %parallel_loop3A_860 : i32 to index
        %parallel_loop3A_863 = arith.index_cast %parallel_loop3A_806 : i32 to index
        %parallel_loop3A_864 = tpu.vector_load %arg12[%parallel_loop3A_861, %parallel_loop3A_862, %parallel_loop3A_863] {strides = array<i32>} : memref<2x4x4608xf32, #tpu.memory_space<vmem>>, vector<16xf32>,
        tpu.vector_store %arg12[%parallel_loop3A_861, %parallel_loop3A_862, %parallel_loop3A_863], %parallel_loop3A_858 {strides = array<i32>} : memref<2x4x4608xf32, #tpu.memory_space<vmem>>, vector<16xf32>,
        %parallel_loop3A_865 = tpu.vector_load_idx %arg8[%parallel_loop3A_841] : memref<16384xf32, #tpu.memory_space<vmem>>[vector<16xi32>], vector<16xf32>,
        %parallel_loop3A_866 = arith.constant 16 : i32
        %parallel_loop3A_867 = arith.addi %parallel_loop3A_806, %parallel_loop3A_866 : i32
        %parallel_loop3A_868 = arith.constant 0 : i32
        %parallel_loop3A_869 = arith.constant 1 : i32
        %parallel_loop3A_870 = arith.index_cast %parallel_loop3A_868 : i32 to index
        %parallel_loop3A_871 = arith.index_cast %parallel_loop3A_869 : i32 to index
        %parallel_loop3A_872 = arith.index_cast %parallel_loop3A_867 : i32 to index
        %parallel_loop3A_873 = tpu.vector_load %arg12[%parallel_loop3A_870, %parallel_loop3A_871, %parallel_loop3A_872] {strides = array<i32>} : memref<2x4x4608xf32, #tpu.memory_space<vmem>>, vector<16xf32>,
        tpu.vector_store %arg12[%parallel_loop3A_870, %parallel_loop3A_871, %parallel_loop3A_872], %parallel_loop3A_865 {strides = array<i32>} : memref<2x4x4608xf32, #tpu.memory_space<vmem>>, vector<16xf32>,
        %parallel_loop3A_874 = tpu.vector_load_idx %arg9[%parallel_loop3A_838] : memref<16384xf32, #tpu.memory_space<vmem>>[vector<16xi32>], vector<16xf32>,
        %parallel_loop3A_875 = arith.constant 0 : i32
        %parallel_loop3A_876 = arith.constant 2 : i32
        %parallel_loop3A_877 = arith.index_cast %parallel_loop3A_875 : i32 to index
        %parallel_loop3A_878 = arith.index_cast %parallel_loop3A_876 : i32 to index
        %parallel_loop3A_879 = arith.index_cast %parallel_loop3A_806 : i32 to index
        %parallel_loop3A_880 = tpu.vector_load %arg12[%parallel_loop3A_877, %parallel_loop3A_878, %parallel_loop3A_879] {strides = array<i32>} : memref<2x4x4608xf32, #tpu.memory_space<vmem>>, vector<16xf32>,
        tpu.vector_store %arg12[%parallel_loop3A_877, %parallel_loop3A_878, %parallel_loop3A_879], %parallel_loop3A_874 {strides = array<i32>} : memref<2x4x4608xf32, #tpu.memory_space<vmem>>, vector<16xf32>,
        %parallel_loop3A_881 = tpu.vector_load_idx %arg9[%parallel_loop3A_841] : memref<16384xf32, #tpu.memory_space<vmem>>[vector<16xi32>], vector<16xf32>,
        %parallel_loop3A_882 = arith.constant 16 : i32
        %parallel_loop3A_883 = arith.addi %parallel_loop3A_806, %parallel_loop3A_882 : i32
        %parallel_loop3A_884 = arith.constant 0 : i32
        %parallel_loop3A_885 = arith.constant 2 : i32
        %parallel_loop3A_886 = arith.index_cast %parallel_loop3A_884 : i32 to index
        %parallel_loop3A_887 = arith.index_cast %parallel_loop3A_885 : i32 to index
        %parallel_loop3A_888 = arith.index_cast %parallel_loop3A_883 : i32 to index
        %parallel_loop3A_889 = tpu.vector_load %arg12[%parallel_loop3A_886, %parallel_loop3A_887, %parallel_loop3A_888] {strides = array<i32>} : memref<2x4x4608xf32, #tpu.memory_space<vmem>>, vector<16xf32>,
        tpu.vector_store %arg12[%parallel_loop3A_886, %parallel_loop3A_887, %parallel_loop3A_888], %parallel_loop3A_881 {strides = array<i32>} : memref<2x4x4608xf32, #tpu.memory_space<vmem>>, vector<16xf32>,
        %parallel_loop3A_890 = tpu.vector_load_idx %arg10[%parallel_loop3A_838] : memref<16384xf32, #tpu.memory_space<vmem>>[vector<16xi32>], vector<16xf32>,
        %parallel_loop3A_891 = arith.constant 0 : i32
        %parallel_loop3A_892 = arith.constant 3 : i32
        %parallel_loop3A_893 = arith.index_cast %parallel_loop3A_891 : i32 to index
        %parallel_loop3A_894 = arith.index_cast %parallel_loop3A_892 : i32 to index
        %parallel_loop3A_895 = arith.index_cast %parallel_loop3A_806 : i32 to index
        %parallel_loop3A_896 = tpu.vector_load %arg12[%parallel_loop3A_893, %parallel_loop3A_894, %parallel_loop3A_895] {strides = array<i32>} : memref<2x4x4608xf32, #tpu.memory_space<vmem>>, vector<16xf32>,
        tpu.vector_store %arg12[%parallel_loop3A_893, %parallel_loop3A_894, %parallel_loop3A_895], %parallel_loop3A_890 {strides = array<i32>} : memref<2x4x4608xf32, #tpu.memory_space<vmem>>, vector<16xf32>,
        %parallel_loop3A_897 = tpu.vector_load_idx %arg10[%parallel_loop3A_841] : memref<16384xf32, #tpu.memory_space<vmem>>[vector<16xi32>], vector<16xf32>,
        %parallel_loop3A_898 = arith.constant 16 : i32
        %parallel_loop3A_899 = arith.addi %parallel_loop3A_806, %parallel_loop3A_898 : i32
        %parallel_loop3A_900 = arith.constant 0 : i32
        %parallel_loop3A_901 = arith.constant 3 : i32
        %parallel_loop3A_902 = arith.index_cast %parallel_loop3A_900 : i32 to index
        %parallel_loop3A_903 = arith.index_cast %parallel_loop3A_901 : i32 to index
        %parallel_loop3A_904 = arith.index_cast %parallel_loop3A_899 : i32 to index
        %parallel_loop3A_905 = tpu.vector_load %arg12[%parallel_loop3A_902, %parallel_loop3A_903, %parallel_loop3A_904] {strides = array<i32>} : memref<2x4x4608xf32, #tpu.memory_space<vmem>>, vector<16xf32>,
        tpu.vector_store %arg12[%parallel_loop3A_902, %parallel_loop3A_903, %parallel_loop3A_904], %parallel_loop3A_897 {strides = array<i32>} : memref<2x4x4608xf32, #tpu.memory_space<vmem>>, vector<16xf32>,
      } {sc.loop_unroll_factor = 8 : i64, sc.parallel_access}
      %add3A_608 = arith.constant 2 : i32
      %add3A_609 = arith.addi %add3A_534, %add3A_608 : i32
      %le3A = arith.constant 71 : i32
      %le3A_610 = arith.cmpi sle, %add3A_609, %le3A : i32
      %convert_element_type3A = arith.extui %le3A_610 : i1 to i32
      %cond3A = arith.constant 0 : i32
      %cond3A_611 = arith.cmpi ne, %convert_element_type3A, %cond3A : i32
      scf.if %cond3A_611 {
        %add3A_806 = arith.constant 2 : i32
        %add3A_807 = arith.addi %add3A_534, %add3A_806 : i32
        %mul3A_808 = arith.constant 2304 : i32
        %mul3A_809 = arith.muli %add3A_807, %mul3A_808 : i32
        %dma_start3A_810 = arith.constant 0 : i32
        %dma_start3A_811 = arith.constant 0 : i32
        %dma_start3A_812 = tpu.memref_slice %arg11[%dma_start3A_810, %dma_start3A_811] : memref<2x2304xi32, #tpu.memory_space<vmem>> -> memref<1x2304xi32, #tpu.memory_space<vmem>>
        %dma_start3A_813 = tpu.memref_squeeze %dma_start3A_812 : memref<1x2304xi32, #tpu.memory_space<vmem>> -> memref<2304xi32, #tpu.memory_space<vmem>>
        %dma_start3A_814 = tpu.memref_slice %arg6[%add3A, %mul3A_809] : memref<4x165888xi32, #tpu.memory_space<hbm>> -> memref<1x2304xi32, #tpu.memory_space<hbm>>
        %dma_start3A_815 = tpu.memref_squeeze %dma_start3A_814 : memref<1x2304xi32, #tpu.memory_space<hbm>> -> memref<2304xi32, #tpu.memory_space<hbm>>
        %dma_start3A_816 = arith.constant 0 : i32
        %dma_start3A_817 = tpu.memref_slice %arg11[%dma_start3A_810, %dma_start3A_816] : memref<2x2304xi32, #tpu.memory_space<vmem>> -> memref<1x2304xi32, #tpu.memory_space<vmem>>
        %dma_start3A_818 = tpu.memref_squeeze %dma_start3A_817 : memref<1x2304xi32, #tpu.memory_space<vmem>> -> memref<2304xi32, #tpu.memory_space<vmem>>
        %dma_start3A_819 = tpu.memref_slice %arg6[%add3A, %mul3A_809] : memref<4x165888xi32, #tpu.memory_space<hbm>> -> memref<1x2304xi32, #tpu.memory_space<hbm>>
        %dma_start3A_820 = tpu.memref_squeeze %dma_start3A_819 : memref<1x2304xi32, #tpu.memory_space<hbm>> -> memref<2304xi32, #tpu.memory_space<hbm>>
        tpu.enqueue_dma source(%dma_start3A_820 : memref<2304xi32, #tpu.memory_space<hbm>>) target(%dma_start3A_818 : memref<2304xi32, #tpu.memory_space<vmem>>) target_semaphore(%arg17 : memref<!tpu.dma_semaphore, #tpu.memory_space<semaphore_mem>>)
      } else {
      }
      %jit3A_612 = arith.constant 8 : i32
      %div3A_613 = arith.divsi %add3A_534, %jit3A_612 : i32
      %sign3A_614 = arith.constant 0 : i32
      %sign3A_615 = arith.cmpi sgt, %add3A_534, %sign3A_614 : i32
      %sign3A_616 = arith.extui %sign3A_615 : i1 to i32
      %sign3A_617 = arith.constant 0 : i32
      %sign3A_618 = arith.cmpi slt, %add3A_534, %sign3A_617 : i32
      %sign3A_619 = arith.extui %sign3A_618 : i1 to i32
      %sign3A_620 = arith.subi %sign3A_616, %sign3A_619 : i32
      %sign3A_621 = arith.constant 0 : i32
      %sign3A_622 = arith.cmpi sgt, %jit3A_612, %sign3A_621 : i32
      %sign3A_623 = arith.extui %sign3A_622 : i1 to i32
      %sign3A_624 = arith.constant 0 : i32
      %sign3A_625 = arith.cmpi slt, %jit3A_612, %sign3A_624 : i32
      %sign3A_626 = arith.extui %sign3A_625 : i1 to i32
      %sign3A_627 = arith.subi %sign3A_623, %sign3A_626 : i32
      %ne3A_628 = arith.cmpi ne, %sign3A_620, %sign3A_627 : i32
      %rem3A_629 = arith.remsi %add3A_534, %jit3A_612 : i32
      %ne3A_630 = arith.constant 0 : i32
      %ne3A_631 = arith.cmpi ne, %rem3A_629, %ne3A_630 : i32
      %and3A_632 = arith.andi %ne3A_628, %ne3A_631 : i1
      %sub3A_633 = arith.constant 1 : i32
      %sub3A_634 = arith.subi %div3A_613, %sub3A_633 : i32
      %select_n3A_635 = arith.select %and3A_632, %sub3A_634, %div3A_613 : i32
      %jit3A_636 = arith.constant 8 : i32
      %eq3A_637 = arith.constant 0 : i32
      %eq3A_638 = arith.cmpi eq, %jit3A_636, %eq3A_637 : i32
      %jit3A_639 = arith.constant 1 : i32
      %select_n3A_640 = arith.select %eq3A_638, %jit3A_639, %jit3A_636 : i32
      %rem3A_641 = arith.remsi %add3A_534, %select_n3A_640 : i32
      %ne3A_642 = arith.constant 0 : i32
      %ne3A_643 = arith.cmpi ne, %rem3A_641, %ne3A_642 : i32
      %lt3A_644 = arith.constant 0 : i32
      %lt3A_645 = arith.cmpi slt, %rem3A_641, %lt3A_644 : i32
      %lt3A_646 = arith.constant 0 : i32
      %lt3A_647 = arith.cmpi slt, %select_n3A_640, %lt3A_646 : i32
      %ne3A_648 = arith.xori %lt3A_645, %lt3A_647 : i1
      %and3A_649 = arith.andi %ne3A_648, %ne3A_643 : i1
      %add3A_650 = arith.addi %rem3A_641, %select_n3A_640 : i32
      %select_n3A_651 = arith.select %and3A_649, %add3A_650, %rem3A_641 : i32
      %mul3A_652 = arith.constant 4608 : i32
      %mul3A_653 = arith.muli %select_n3A_651, %mul3A_652 : i32
      %dma_start3A_654 = arith.constant 0 : i32
      %dma_start3A_655 = arith.constant 0 : i32
      %dma_start3A_656 = arith.constant 0 : i32
      %dma_start3A_657 = tpu.memref_slice %arg12[%dma_start3A_654, %dma_start3A_655, %dma_start3A_656] : memref<2x4x4608xf32, #tpu.memory_space<vmem>> -> memref<1x4x4608xf32, #tpu.memory_space<vmem>>
      %dma_start3A_658 = tpu.memref_squeeze %dma_start3A_657 : memref<1x4x4608xf32, #tpu.memory_space<vmem>> -> memref<4x4608xf32, #tpu.memory_space<vmem>>
      %dma_start3A_659 = tpu.memref_slice %arg5[%add3A, %select_n3A_635, %mul3A_32, %mul3A_653] : memref<4x9x32x36864xf32, #tpu.memory_space<hbm>> -> memref<1x1x4x4608xf32, #tpu.memory_space<hbm>>
      %dma_start3A_660 = tpu.memref_squeeze %dma_start3A_659 : memref<1x1x4x4608xf32, #tpu.memory_space<hbm>> -> memref<4x4608xf32, #tpu.memory_space<hbm>>
      %dma_start3A_661 = tpu.memref_slice %arg5[%add3A, %select_n3A_635, %mul3A_32, %mul3A_653] : memref<4x9x32x36864xf32, #tpu.memory_space<hbm>> -> memref<1x1x4x4608xf32, #tpu.memory_space<hbm>>
      %dma_start3A_662 = tpu.memref_squeeze %dma_start3A_661 : memref<1x1x4x4608xf32, #tpu.memory_space<hbm>> -> memref<4x4608xf32, #tpu.memory_space<hbm>>
      %dma_start3A_663 = arith.constant 0 : i32
      %dma_start3A_664 = arith.constant 0 : i32
      %dma_start3A_665 = tpu.memref_slice %arg12[%dma_start3A_654, %dma_start3A_663, %dma_start3A_664] : memref<2x4x4608xf32, #tpu.memory_space<vmem>> -> memref<1x4x4608xf32, #tpu.memory_space<vmem>>
      %dma_start3A_666 = tpu.memref_squeeze %dma_start3A_665 : memref<1x4x4608xf32, #tpu.memory_space<vmem>> -> memref<4x4608xf32, #tpu.memory_space<vmem>>
      tpu.enqueue_dma source(%dma_start3A_666 : memref<4x4608xf32, #tpu.memory_space<vmem>>) target(%dma_start3A_662 : memref<4x4608xf32, #tpu.memory_space<hbm>>) target_semaphore(%arg19 : memref<!tpu.dma_semaphore, #tpu.memory_space<semaphore_mem>>)
      %mul3A_667 = arith.constant 2 : i32
      %mul3A_668 = arith.muli %mul3A_667, %scan3A_530 : i32
      %add3A_669 = arith.constant 1 : i32
      %add3A_670 = arith.addi %mul3A_668, %add3A_669 : i32
      %mul3A_671 = arith.constant 2304 : i32
      %mul3A_672 = arith.muli %add3A_670, %mul3A_671 : i32
      %dma_wait3A_673 = arith.constant 1 : i32
      %dma_wait3A_674 = arith.constant 0 : i32
      %dma_wait3A_675 = tpu.memref_slice %arg11[%dma_wait3A_673, %dma_wait3A_674] : memref<2x2304xi32, #tpu.memory_space<vmem>> -> memref<1x2304xi32, #tpu.memory_space<vmem>>
      %dma_wait3A_676 = tpu.memref_squeeze %dma_wait3A_675 : memref<1x2304xi32, #tpu.memory_space<vmem>> -> memref<2304xi32, #tpu.memory_space<vmem>>
      %dma_wait3A_677 = tpu.memref_slice %arg6[%add3A, %mul3A_672] : memref<4x165888xi32, #tpu.memory_space<hbm>> -> memref<1x2304xi32, #tpu.memory_space<hbm>>
      %dma_wait3A_678 = tpu.memref_squeeze %dma_wait3A_677 : memref<1x2304xi32, #tpu.memory_space<hbm>> -> memref<2304xi32, #tpu.memory_space<hbm>>
      %dma_wait3A_679 = arith.constant 0 : i32
      %dma_wait3A_680 = tpu.memref_slice %arg11[%dma_wait3A_673, %dma_wait3A_679] : memref<2x2304xi32, #tpu.memory_space<vmem>> -> memref<1x2304xi32, #tpu.memory_space<vmem>>
      %dma_wait3A_681 = tpu.memref_squeeze %dma_wait3A_680 : memref<1x2304xi32, #tpu.memory_space<vmem>> -> memref<2304xi32, #tpu.memory_space<vmem>>
      %dma_wait3A_682 = tpu.memref_slice %arg6[%add3A, %mul3A_672] : memref<4x165888xi32, #tpu.memory_space<hbm>> -> memref<1x2304xi32, #tpu.memory_space<hbm>>
      %dma_wait3A_683 = tpu.memref_squeeze %dma_wait3A_682 : memref<1x2304xi32, #tpu.memory_space<hbm>> -> memref<2304xi32, #tpu.memory_space<hbm>>
      tpu.wait_dma2 semaphore(%arg18 : memref<!tpu.dma_semaphore, #tpu.memory_space<semaphore_mem>>) src(%dma_wait3A_683 : memref<2304xi32, #tpu.memory_space<hbm>>) dst(%dma_wait3A_681 : memref<2304xi32, #tpu.memory_space<vmem>>)
      %sub3A_684 = arith.constant 2 : i32
      %sub3A_685 = arith.subi %add3A_670, %sub3A_684 : i32
      %jit3A_686 = arith.constant 8 : i32
      %div3A_687 = arith.divsi %sub3A_685, %jit3A_686 : i32
      %sign3A_688 = arith.constant 0 : i32
      %sign3A_689 = arith.cmpi sgt, %sub3A_685, %sign3A_688 : i32
      %sign3A_690 = arith.extui %sign3A_689 : i1 to i32
      %sign3A_691 = arith.constant 0 : i32
      %sign3A_692 = arith.cmpi slt, %sub3A_685, %sign3A_691 : i32
      %sign3A_693 = arith.extui %sign3A_692 : i1 to i32
      %sign3A_694 = arith.subi %sign3A_690, %sign3A_693 : i32
      %sign3A_695 = arith.constant 0 : i32
      %sign3A_696 = arith.cmpi sgt, %jit3A_686, %sign3A_695 : i32
      %sign3A_697 = arith.extui %sign3A_696 : i1 to i32
      %sign3A_698 = arith.constant 0 : i32
      %sign3A_699 = arith.cmpi slt, %jit3A_686, %sign3A_698 : i32
      %sign3A_700 = arith.extui %sign3A_699 : i1 to i32
      %sign3A_701 = arith.subi %sign3A_697, %sign3A_700 : i32
      %ne3A_702 = arith.cmpi ne, %sign3A_694, %sign3A_701 : i32
      %rem3A_703 = arith.remsi %sub3A_685, %jit3A_686 : i32
      %ne3A_704 = arith.constant 0 : i32
      %ne3A_705 = arith.cmpi ne, %rem3A_703, %ne3A_704 : i32
      %and3A_706 = arith.andi %ne3A_702, %ne3A_705 : i1
      %sub3A_707 = arith.constant 1 : i32
      %sub3A_708 = arith.subi %div3A_687, %sub3A_707 : i32
      %select_n3A_709 = arith.select %and3A_706, %sub3A_708, %div3A_687 : i32
      %jit3A_710 = arith.constant 8 : i32
      %eq3A_711 = arith.constant 0 : i32
      %eq3A_712 = arith.cmpi eq, %jit3A_710, %eq3A_711 : i32
      %jit3A_713 = arith.constant 1 : i32
      %select_n3A_714 = arith.select %eq3A_712, %jit3A_713, %jit3A_710 : i32
      %rem3A_715 = arith.remsi %sub3A_685, %select_n3A_714 : i32
      %ne3A_716 = arith.constant 0 : i32
      %ne3A_717 = arith.cmpi ne, %rem3A_715, %ne3A_716 : i32
      %lt3A_718 = arith.constant 0 : i32
      %lt3A_719 = arith.cmpi slt, %rem3A_715, %lt3A_718 : i32
      %lt3A_720 = arith.constant 0 : i32
      %lt3A_721 = arith.cmpi slt, %select_n3A_714, %lt3A_720 : i32
      %ne3A_722 = arith.xori %lt3A_719, %lt3A_721 : i1
      %and3A_723 = arith.andi %ne3A_722, %ne3A_717 : i1
      %add3A_724 = arith.addi %rem3A_715, %select_n3A_714 : i32
      %select_n3A_725 = arith.select %and3A_723, %add3A_724, %rem3A_715 : i32
      %mul3A_726 = arith.constant 4608 : i32
      %mul3A_727 = arith.muli %select_n3A_725, %mul3A_726 : i32
      %dma_wait3A_728 = arith.constant 1 : i32
      %dma_wait3A_729 = arith.constant 0 : i32
      %dma_wait3A_730 = arith.constant 0 : i32
      %dma_wait3A_731 = tpu.memref_slice %arg12[%dma_wait3A_728, %dma_wait3A_729, %dma_wait3A_730] : memref<2x4x4608xf32, #tpu.memory_space<vmem>> -> memref<1x4x4608xf32, #tpu.memory_space<vmem>>
      %dma_wait3A_732 = tpu.memref_squeeze %dma_wait3A_731 : memref<1x4x4608xf32, #tpu.memory_space<vmem>> -> memref<4x4608xf32, #tpu.memory_space<vmem>>
      %dma_wait3A_733 = tpu.memref_slice %arg5[%add3A, %select_n3A_709, %mul3A_32, %mul3A_727] : memref<4x9x32x36864xf32, #tpu.memory_space<hbm>> -> memref<1x1x4x4608xf32, #tpu.memory_space<hbm>>
      %dma_wait3A_734 = tpu.memref_squeeze %dma_wait3A_733 : memref<1x1x4x4608xf32, #tpu.memory_space<hbm>> -> memref<4x4608xf32, #tpu.memory_space<hbm>>
      %dma_wait3A_735 = tpu.memref_slice %arg5[%add3A, %select_n3A_709, %mul3A_32, %mul3A_727] : memref<4x9x32x36864xf32, #tpu.memory_space<hbm>> -> memref<1x1x4x4608xf32, #tpu.memory_space<hbm>>
      %dma_wait3A_736 = tpu.memref_squeeze %dma_wait3A_735 : memref<1x1x4x4608xf32, #tpu.memory_space<hbm>> -> memref<4x4608xf32, #tpu.memory_space<hbm>>
      %dma_wait3A_737 = arith.constant 0 : i32
      %dma_wait3A_738 = arith.constant 0 : i32
      %dma_wait3A_739 = tpu.memref_slice %arg12[%dma_wait3A_728, %dma_wait3A_737, %dma_wait3A_738] : memref<2x4x4608xf32, #tpu.memory_space<vmem>> -> memref<1x4x4608xf32, #tpu.memory_space<vmem>>
      %dma_wait3A_740 = tpu.memref_squeeze %dma_wait3A_739 : memref<1x4x4608xf32, #tpu.memory_space<vmem>> -> memref<4x4608xf32, #tpu.memory_space<vmem>>
      tpu.wait_dma2 semaphore(%arg20 : memref<!tpu.dma_semaphore, #tpu.memory_space<semaphore_mem>>) src(%dma_wait3A_740 : memref<4x4608xf32, #tpu.memory_space<vmem>>) dst(%dma_wait3A_736 : memref<4x4608xf32, #tpu.memory_space<hbm>>)
      %parallel_loop3A_741 = arith.constant 0 : i32
      %parallel_loop3A_742 = arith.constant 4608 : i32
      %parallel_loop3A_743 = arith.constant 32 : i32
      scf.for %parallel_loop3A_806 = %parallel_loop3A_741 to %parallel_loop3A_742 step %parallel_loop3A_743  : i32 {
        %parallel_loop3A_807 = arith.constant 2 : i32
        %parallel_loop3A_808 = arith.divsi %parallel_loop3A_806, %parallel_loop3A_807 : i32
        %parallel_loop3A_809 = arith.constant 0 : i32
        %parallel_loop3A_810 = arith.cmpi sgt, %parallel_loop3A_806, %parallel_loop3A_809 : i32
        %parallel_loop3A_811 = arith.extui %parallel_loop3A_810 : i1 to i32
        %parallel_loop3A_812 = arith.constant 0 : i32
        %parallel_loop3A_813 = arith.cmpi slt, %parallel_loop3A_806, %parallel_loop3A_812 : i32
        %parallel_loop3A_814 = arith.extui %parallel_loop3A_813 : i1 to i32
        %parallel_loop3A_815 = arith.subi %parallel_loop3A_811, %parallel_loop3A_814 : i32
        %parallel_loop3A_816 = arith.constant 0 : i32
        %parallel_loop3A_817 = arith.cmpi sgt, %parallel_loop3A_807, %parallel_loop3A_816 : i32
        %parallel_loop3A_818 = arith.extui %parallel_loop3A_817 : i1 to i32
        %parallel_loop3A_819 = arith.constant 0 : i32
        %parallel_loop3A_820 = arith.cmpi slt, %parallel_loop3A_807, %parallel_loop3A_819 : i32
        %parallel_loop3A_821 = arith.extui %parallel_loop3A_820 : i1 to i32
        %parallel_loop3A_822 = arith.subi %parallel_loop3A_818, %parallel_loop3A_821 : i32
        %parallel_loop3A_823 = arith.cmpi ne, %parallel_loop3A_815, %parallel_loop3A_822 : i32
        %parallel_loop3A_824 = arith.remsi %parallel_loop3A_806, %parallel_loop3A_807 : i32
        %parallel_loop3A_825 = arith.constant 0 : i32
        %parallel_loop3A_826 = arith.cmpi ne, %parallel_loop3A_824, %parallel_loop3A_825 : i32
        %parallel_loop3A_827 = arith.andi %parallel_loop3A_823, %parallel_loop3A_826 : i1
        %parallel_loop3A_828 = arith.constant 1 : i32
        %parallel_loop3A_829 = arith.subi %parallel_loop3A_808, %parallel_loop3A_828 : i32
        %parallel_loop3A_830 = arith.select %parallel_loop3A_827, %parallel_loop3A_829, %parallel_loop3A_808 : i32
        %parallel_loop3A_831 = tpu.assume_multiple %parallel_loop3A_830, 16 : i32
        %parallel_loop3A_832 = arith.constant 1 : i32
        %parallel_loop3A_833 = arith.index_cast %parallel_loop3A_832 : i32 to index
        %parallel_loop3A_834 = arith.index_cast %parallel_loop3A_831 : i32 to index
        %parallel_loop3A_835 = tpu.vector_load %arg11[%parallel_loop3A_833, %parallel_loop3A_834] {strides = array<i32>} : memref<2x2304xi32, #tpu.memory_space<vmem>>, vector<16xi32>,
        %parallel_loop3A_836 = arith.constant 65535 : i32
        %parallel_loop3A_837 = vector.broadcast %parallel_loop3A_836 : i32 to vector<16xi32>
        %parallel_loop3A_838 = arith.andi %parallel_loop3A_835, %parallel_loop3A_837 : vector<16xi32>
        %parallel_loop3A_839 = arith.constant 16 : i32
        %parallel_loop3A_840 = vector.broadcast %parallel_loop3A_839 : i32 to vector<16xi32>
        %parallel_loop3A_841 = arith.shrsi %parallel_loop3A_835, %parallel_loop3A_840 : vector<16xi32>
        %parallel_loop3A_842 = tpu.vector_load_idx %arg7[%parallel_loop3A_838] : memref<16384xf32, #tpu.memory_space<vmem>>[vector<16xi32>], vector<16xf32>,
        %parallel_loop3A_843 = arith.constant 1 : i32
        %parallel_loop3A_844 = arith.constant 0 : i32
        %parallel_loop3A_845 = arith.index_cast %parallel_loop3A_843 : i32 to index
        %parallel_loop3A_846 = arith.index_cast %parallel_loop3A_844 : i32 to index
        %parallel_loop3A_847 = arith.index_cast %parallel_loop3A_806 : i32 to index
        %parallel_loop3A_848 = tpu.vector_load %arg12[%parallel_loop3A_845, %parallel_loop3A_846, %parallel_loop3A_847] {strides = array<i32>} : memref<2x4x4608xf32, #tpu.memory_space<vmem>>, vector<16xf32>,
        tpu.vector_store %arg12[%parallel_loop3A_845, %parallel_loop3A_846, %parallel_loop3A_847], %parallel_loop3A_842 {strides = array<i32>} : memref<2x4x4608xf32, #tpu.memory_space<vmem>>, vector<16xf32>,
        %parallel_loop3A_849 = tpu.vector_load_idx %arg7[%parallel_loop3A_841] : memref<16384xf32, #tpu.memory_space<vmem>>[vector<16xi32>], vector<16xf32>,
        %parallel_loop3A_850 = arith.constant 16 : i32
        %parallel_loop3A_851 = arith.addi %parallel_loop3A_806, %parallel_loop3A_850 : i32
        %parallel_loop3A_852 = arith.constant 1 : i32
        %parallel_loop3A_853 = arith.constant 0 : i32
        %parallel_loop3A_854 = arith.index_cast %parallel_loop3A_852 : i32 to index
        %parallel_loop3A_855 = arith.index_cast %parallel_loop3A_853 : i32 to index
        %parallel_loop3A_856 = arith.index_cast %parallel_loop3A_851 : i32 to index
        %parallel_loop3A_857 = tpu.vector_load %arg12[%parallel_loop3A_854, %parallel_loop3A_855, %parallel_loop3A_856] {strides = array<i32>} : memref<2x4x4608xf32, #tpu.memory_space<vmem>>, vector<16xf32>,
        tpu.vector_store %arg12[%parallel_loop3A_854, %parallel_loop3A_855, %parallel_loop3A_856], %parallel_loop3A_849 {strides = array<i32>} : memref<2x4x4608xf32, #tpu.memory_space<vmem>>, vector<16xf32>,
        %parallel_loop3A_858 = tpu.vector_load_idx %arg8[%parallel_loop3A_838] : memref<16384xf32, #tpu.memory_space<vmem>>[vector<16xi32>], vector<16xf32>,
        %parallel_loop3A_859 = arith.constant 1 : i32
        %parallel_loop3A_860 = arith.constant 1 : i32
        %parallel_loop3A_861 = arith.index_cast %parallel_loop3A_859 : i32 to index
        %parallel_loop3A_862 = arith.index_cast %parallel_loop3A_860 : i32 to index
        %parallel_loop3A_863 = arith.index_cast %parallel_loop3A_806 : i32 to index
        %parallel_loop3A_864 = tpu.vector_load %arg12[%parallel_loop3A_861, %parallel_loop3A_862, %parallel_loop3A_863] {strides = array<i32>} : memref<2x4x4608xf32, #tpu.memory_space<vmem>>, vector<16xf32>,
        tpu.vector_store %arg12[%parallel_loop3A_861, %parallel_loop3A_862, %parallel_loop3A_863], %parallel_loop3A_858 {strides = array<i32>} : memref<2x4x4608xf32, #tpu.memory_space<vmem>>, vector<16xf32>,
        %parallel_loop3A_865 = tpu.vector_load_idx %arg8[%parallel_loop3A_841] : memref<16384xf32, #tpu.memory_space<vmem>>[vector<16xi32>], vector<16xf32>,
        %parallel_loop3A_866 = arith.constant 16 : i32
        %parallel_loop3A_867 = arith.addi %parallel_loop3A_806, %parallel_loop3A_866 : i32
        %parallel_loop3A_868 = arith.constant 1 : i32
        %parallel_loop3A_869 = arith.constant 1 : i32
        %parallel_loop3A_870 = arith.index_cast %parallel_loop3A_868 : i32 to index
        %parallel_loop3A_871 = arith.index_cast %parallel_loop3A_869 : i32 to index
        %parallel_loop3A_872 = arith.index_cast %parallel_loop3A_867 : i32 to index
        %parallel_loop3A_873 = tpu.vector_load %arg12[%parallel_loop3A_870, %parallel_loop3A_871, %parallel_loop3A_872] {strides = array<i32>} : memref<2x4x4608xf32, #tpu.memory_space<vmem>>, vector<16xf32>,
        tpu.vector_store %arg12[%parallel_loop3A_870, %parallel_loop3A_871, %parallel_loop3A_872], %parallel_loop3A_865 {strides = array<i32>} : memref<2x4x4608xf32, #tpu.memory_space<vmem>>, vector<16xf32>,
        %parallel_loop3A_874 = tpu.vector_load_idx %arg9[%parallel_loop3A_838] : memref<16384xf32, #tpu.memory_space<vmem>>[vector<16xi32>], vector<16xf32>,
        %parallel_loop3A_875 = arith.constant 1 : i32
        %parallel_loop3A_876 = arith.constant 2 : i32
        %parallel_loop3A_877 = arith.index_cast %parallel_loop3A_875 : i32 to index
        %parallel_loop3A_878 = arith.index_cast %parallel_loop3A_876 : i32 to index
        %parallel_loop3A_879 = arith.index_cast %parallel_loop3A_806 : i32 to index
        %parallel_loop3A_880 = tpu.vector_load %arg12[%parallel_loop3A_877, %parallel_loop3A_878, %parallel_loop3A_879] {strides = array<i32>} : memref<2x4x4608xf32, #tpu.memory_space<vmem>>, vector<16xf32>,
        tpu.vector_store %arg12[%parallel_loop3A_877, %parallel_loop3A_878, %parallel_loop3A_879], %parallel_loop3A_874 {strides = array<i32>} : memref<2x4x4608xf32, #tpu.memory_space<vmem>>, vector<16xf32>,
        %parallel_loop3A_881 = tpu.vector_load_idx %arg9[%parallel_loop3A_841] : memref<16384xf32, #tpu.memory_space<vmem>>[vector<16xi32>], vector<16xf32>,
        %parallel_loop3A_882 = arith.constant 16 : i32
        %parallel_loop3A_883 = arith.addi %parallel_loop3A_806, %parallel_loop3A_882 : i32
        %parallel_loop3A_884 = arith.constant 1 : i32
        %parallel_loop3A_885 = arith.constant 2 : i32
        %parallel_loop3A_886 = arith.index_cast %parallel_loop3A_884 : i32 to index
        %parallel_loop3A_887 = arith.index_cast %parallel_loop3A_885 : i32 to index
        %parallel_loop3A_888 = arith.index_cast %parallel_loop3A_883 : i32 to index
        %parallel_loop3A_889 = tpu.vector_load %arg12[%parallel_loop3A_886, %parallel_loop3A_887, %parallel_loop3A_888] {strides = array<i32>} : memref<2x4x4608xf32, #tpu.memory_space<vmem>>, vector<16xf32>,
        tpu.vector_store %arg12[%parallel_loop3A_886, %parallel_loop3A_887, %parallel_loop3A_888], %parallel_loop3A_881 {strides = array<i32>} : memref<2x4x4608xf32, #tpu.memory_space<vmem>>, vector<16xf32>,
        %parallel_loop3A_890 = tpu.vector_load_idx %arg10[%parallel_loop3A_838] : memref<16384xf32, #tpu.memory_space<vmem>>[vector<16xi32>], vector<16xf32>,
        %parallel_loop3A_891 = arith.constant 1 : i32
        %parallel_loop3A_892 = arith.constant 3 : i32
        %parallel_loop3A_893 = arith.index_cast %parallel_loop3A_891 : i32 to index
        %parallel_loop3A_894 = arith.index_cast %parallel_loop3A_892 : i32 to index
        %parallel_loop3A_895 = arith.index_cast %parallel_loop3A_806 : i32 to index
        %parallel_loop3A_896 = tpu.vector_load %arg12[%parallel_loop3A_893, %parallel_loop3A_894, %parallel_loop3A_895] {strides = array<i32>} : memref<2x4x4608xf32, #tpu.memory_space<vmem>>, vector<16xf32>,
        tpu.vector_store %arg12[%parallel_loop3A_893, %parallel_loop3A_894, %parallel_loop3A_895], %parallel_loop3A_890 {strides = array<i32>} : memref<2x4x4608xf32, #tpu.memory_space<vmem>>, vector<16xf32>,
        %parallel_loop3A_897 = tpu.vector_load_idx %arg10[%parallel_loop3A_841] : memref<16384xf32, #tpu.memory_space<vmem>>[vector<16xi32>], vector<16xf32>,
        %parallel_loop3A_898 = arith.constant 16 : i32
        %parallel_loop3A_899 = arith.addi %parallel_loop3A_806, %parallel_loop3A_898 : i32
        %parallel_loop3A_900 = arith.constant 1 : i32
        %parallel_loop3A_901 = arith.constant 3 : i32
        %parallel_loop3A_902 = arith.index_cast %parallel_loop3A_900 : i32 to index
        %parallel_loop3A_903 = arith.index_cast %parallel_loop3A_901 : i32 to index
        %parallel_loop3A_904 = arith.index_cast %parallel_loop3A_899 : i32 to index
        %parallel_loop3A_905 = tpu.vector_load %arg12[%parallel_loop3A_902, %parallel_loop3A_903, %parallel_loop3A_904] {strides = array<i32>} : memref<2x4x4608xf32, #tpu.memory_space<vmem>>, vector<16xf32>,
        tpu.vector_store %arg12[%parallel_loop3A_902, %parallel_loop3A_903, %parallel_loop3A_904], %parallel_loop3A_897 {strides = array<i32>} : memref<2x4x4608xf32, #tpu.memory_space<vmem>>, vector<16xf32>,
      } {sc.loop_unroll_factor = 8 : i64, sc.parallel_access}
      %add3A_744 = arith.constant 2 : i32
      %add3A_745 = arith.addi %add3A_670, %add3A_744 : i32
      %le3A_746 = arith.constant 71 : i32
      %le3A_747 = arith.cmpi sle, %add3A_745, %le3A_746 : i32
      %convert_element_type3A_748 = arith.extui %le3A_747 : i1 to i32
      %cond3A_749 = arith.constant 0 : i32
      %cond3A_750 = arith.cmpi ne, %convert_element_type3A_748, %cond3A_749 : i32
      scf.if %cond3A_750 {
        %add3A_806 = arith.constant 2 : i32
        %add3A_807 = arith.addi %add3A_670, %add3A_806 : i32
        %mul3A_808 = arith.constant 2304 : i32
        %mul3A_809 = arith.muli %add3A_807, %mul3A_808 : i32
        %dma_start3A_810 = arith.constant 1 : i32
        %dma_start3A_811 = arith.constant 0 : i32
        %dma_start3A_812 = tpu.memref_slice %arg11[%dma_start3A_810, %dma_start3A_811] : memref<2x2304xi32, #tpu.memory_space<vmem>> -> memref<1x2304xi32, #tpu.memory_space<vmem>>
        %dma_start3A_813 = tpu.memref_squeeze %dma_start3A_812 : memref<1x2304xi32, #tpu.memory_space<vmem>> -> memref<2304xi32, #tpu.memory_space<vmem>>
        %dma_start3A_814 = tpu.memref_slice %arg6[%add3A, %mul3A_809] : memref<4x165888xi32, #tpu.memory_space<hbm>> -> memref<1x2304xi32, #tpu.memory_space<hbm>>
        %dma_start3A_815 = tpu.memref_squeeze %dma_start3A_814 : memref<1x2304xi32, #tpu.memory_space<hbm>> -> memref<2304xi32, #tpu.memory_space<hbm>>
        %dma_start3A_816 = arith.constant 0 : i32
        %dma_start3A_817 = tpu.memref_slice %arg11[%dma_start3A_810, %dma_start3A_816] : memref<2x2304xi32, #tpu.memory_space<vmem>> -> memref<1x2304xi32, #tpu.memory_space<vmem>>
        %dma_start3A_818 = tpu.memref_squeeze %dma_start3A_817 : memref<1x2304xi32, #tpu.memory_space<vmem>> -> memref<2304xi32, #tpu.memory_space<vmem>>
        %dma_start3A_819 = tpu.memref_slice %arg6[%add3A, %mul3A_809] : memref<4x165888xi32, #tpu.memory_space<hbm>> -> memref<1x2304xi32, #tpu.memory_space<hbm>>
        %dma_start3A_820 = tpu.memref_squeeze %dma_start3A_819 : memref<1x2304xi32, #tpu.memory_space<hbm>> -> memref<2304xi32, #tpu.memory_space<hbm>>
        tpu.enqueue_dma source(%dma_start3A_820 : memref<2304xi32, #tpu.memory_space<hbm>>) target(%dma_start3A_818 : memref<2304xi32, #tpu.memory_space<vmem>>) target_semaphore(%arg18 : memref<!tpu.dma_semaphore, #tpu.memory_space<semaphore_mem>>)
      } else {
      }
      %jit3A_751 = arith.constant 8 : i32
      %div3A_752 = arith.divsi %add3A_670, %jit3A_751 : i32
      %sign3A_753 = arith.constant 0 : i32
      %sign3A_754 = arith.cmpi sgt, %add3A_670, %sign3A_753 : i32
      %sign3A_755 = arith.extui %sign3A_754 : i1 to i32
      %sign3A_756 = arith.constant 0 : i32
      %sign3A_757 = arith.cmpi slt, %add3A_670, %sign3A_756 : i32
      %sign3A_758 = arith.extui %sign3A_757 : i1 to i32
      %sign3A_759 = arith.subi %sign3A_755, %sign3A_758 : i32
      %sign3A_760 = arith.constant 0 : i32
      %sign3A_761 = arith.cmpi sgt, %jit3A_751, %sign3A_760 : i32
      %sign3A_762 = arith.extui %sign3A_761 : i1 to i32
      %sign3A_763 = arith.constant 0 : i32
      %sign3A_764 = arith.cmpi slt, %jit3A_751, %sign3A_763 : i32
      %sign3A_765 = arith.extui %sign3A_764 : i1 to i32
      %sign3A_766 = arith.subi %sign3A_762, %sign3A_765 : i32
      %ne3A_767 = arith.cmpi ne, %sign3A_759, %sign3A_766 : i32
      %rem3A_768 = arith.remsi %add3A_670, %jit3A_751 : i32
      %ne3A_769 = arith.constant 0 : i32
      %ne3A_770 = arith.cmpi ne, %rem3A_768, %ne3A_769 : i32
      %and3A_771 = arith.andi %ne3A_767, %ne3A_770 : i1
      %sub3A_772 = arith.constant 1 : i32
      %sub3A_773 = arith.subi %div3A_752, %sub3A_772 : i32
      %select_n3A_774 = arith.select %and3A_771, %sub3A_773, %div3A_752 : i32
      %jit3A_775 = arith.constant 8 : i32
      %eq3A_776 = arith.constant 0 : i32
      %eq3A_777 = arith.cmpi eq, %jit3A_775, %eq3A_776 : i32
      %jit3A_778 = arith.constant 1 : i32
      %select_n3A_779 = arith.select %eq3A_777, %jit3A_778, %jit3A_775 : i32
      %rem3A_780 = arith.remsi %add3A_670, %select_n3A_779 : i32
      %ne3A_781 = arith.constant 0 : i32
      %ne3A_782 = arith.cmpi ne, %rem3A_780, %ne3A_781 : i32
      %lt3A_783 = arith.constant 0 : i32
      %lt3A_784 = arith.cmpi slt, %rem3A_780, %lt3A_783 : i32
      %lt3A_785 = arith.constant 0 : i32
      %lt3A_786 = arith.cmpi slt, %select_n3A_779, %lt3A_785 : i32
      %ne3A_787 = arith.xori %lt3A_784, %lt3A_786 : i1
      %and3A_788 = arith.andi %ne3A_787, %ne3A_782 : i1
      %add3A_789 = arith.addi %rem3A_780, %select_n3A_779 : i32
      %select_n3A_790 = arith.select %and3A_788, %add3A_789, %rem3A_780 : i32
      %mul3A_791 = arith.constant 4608 : i32
      %mul3A_792 = arith.muli %select_n3A_790, %mul3A_791 : i32
      %dma_start3A_793 = arith.constant 1 : i32
      %dma_start3A_794 = arith.constant 0 : i32
      %dma_start3A_795 = arith.constant 0 : i32
      %dma_start3A_796 = tpu.memref_slice %arg12[%dma_start3A_793, %dma_start3A_794, %dma_start3A_795] : memref<2x4x4608xf32, #tpu.memory_space<vmem>> -> memref<1x4x4608xf32, #tpu.memory_space<vmem>>
      %dma_start3A_797 = tpu.memref_squeeze %dma_start3A_796 : memref<1x4x4608xf32, #tpu.memory_space<vmem>> -> memref<4x4608xf32, #tpu.memory_space<vmem>>
      %dma_start3A_798 = tpu.memref_slice %arg5[%add3A, %select_n3A_774, %mul3A_32, %mul3A_792] : memref<4x9x32x36864xf32, #tpu.memory_space<hbm>> -> memref<1x1x4x4608xf32, #tpu.memory_space<hbm>>
      %dma_start3A_799 = tpu.memref_squeeze %dma_start3A_798 : memref<1x1x4x4608xf32, #tpu.memory_space<hbm>> -> memref<4x4608xf32, #tpu.memory_space<hbm>>
      %dma_start3A_800 = tpu.memref_slice %arg5[%add3A, %select_n3A_774, %mul3A_32, %mul3A_792] : memref<4x9x32x36864xf32, #tpu.memory_space<hbm>> -> memref<1x1x4x4608xf32, #tpu.memory_space<hbm>>
      %dma_start3A_801 = tpu.memref_squeeze %dma_start3A_800 : memref<1x1x4x4608xf32, #tpu.memory_space<hbm>> -> memref<4x4608xf32, #tpu.memory_space<hbm>>
      %dma_start3A_802 = arith.constant 0 : i32
      %dma_start3A_803 = arith.constant 0 : i32
      %dma_start3A_804 = tpu.memref_slice %arg12[%dma_start3A_793, %dma_start3A_802, %dma_start3A_803] : memref<2x4x4608xf32, #tpu.memory_space<vmem>> -> memref<1x4x4608xf32, #tpu.memory_space<vmem>>
      %dma_start3A_805 = tpu.memref_squeeze %dma_start3A_804 : memref<1x4x4608xf32, #tpu.memory_space<vmem>> -> memref<4x4608xf32, #tpu.memory_space<vmem>>
      tpu.enqueue_dma source(%dma_start3A_805 : memref<4x4608xf32, #tpu.memory_space<vmem>>) target(%dma_start3A_801 : memref<4x4608xf32, #tpu.memory_space<hbm>>) target_semaphore(%arg20 : memref<!tpu.dma_semaphore, #tpu.memory_space<semaphore_mem>>)
    }
    %scan3A_497 = arith.constant 35 : i32
    %dma_wait3A_498 = arith.constant 0 : i32
    %dma_wait3A_499 = arith.constant 8 : i32
    %dma_wait3A_500 = arith.constant 0 : i32
    %dma_wait3A_501 = arith.constant 0 : i32
    %dma_wait3A_502 = tpu.memref_slice %arg12[%dma_wait3A_498, %dma_wait3A_500, %dma_wait3A_501] : memref<2x4x4608xf32, #tpu.memory_space<vmem>> -> memref<1x4x4608xf32, #tpu.memory_space<vmem>>
    %dma_wait3A_503 = tpu.memref_squeeze %dma_wait3A_502 : memref<1x4x4608xf32, #tpu.memory_space<vmem>> -> memref<4x4608xf32, #tpu.memory_space<vmem>>
    %dma_wait3A_504 = arith.constant 27648 : i32
    %dma_wait3A_505 = tpu.memref_slice %arg5[%add3A, %dma_wait3A_499, %mul3A_32, %dma_wait3A_504] : memref<4x9x32x36864xf32, #tpu.memory_space<hbm>> -> memref<1x1x4x4608xf32, #tpu.memory_space<hbm>>
    %dma_wait3A_506 = tpu.memref_squeeze %dma_wait3A_505 : memref<1x1x4x4608xf32, #tpu.memory_space<hbm>> -> memref<4x4608xf32, #tpu.memory_space<hbm>>
    %dma_wait3A_507 = arith.constant 27648 : i32
    %dma_wait3A_508 = tpu.memref_slice %arg5[%add3A, %dma_wait3A_499, %mul3A_32, %dma_wait3A_507] : memref<4x9x32x36864xf32, #tpu.memory_space<hbm>> -> memref<1x1x4x4608xf32, #tpu.memory_space<hbm>>
    %dma_wait3A_509 = tpu.memref_squeeze %dma_wait3A_508 : memref<1x1x4x4608xf32, #tpu.memory_space<hbm>> -> memref<4x4608xf32, #tpu.memory_space<hbm>>
    %dma_wait3A_510 = arith.constant 0 : i32
    %dma_wait3A_511 = arith.constant 0 : i32
    %dma_wait3A_512 = tpu.memref_slice %arg12[%dma_wait3A_498, %dma_wait3A_510, %dma_wait3A_511] : memref<2x4x4608xf32, #tpu.memory_space<vmem>> -> memref<1x4x4608xf32, #tpu.memory_space<vmem>>
    %dma_wait3A_513 = tpu.memref_squeeze %dma_wait3A_512 : memref<1x4x4608xf32, #tpu.memory_space<vmem>> -> memref<4x4608xf32, #tpu.memory_space<vmem>>
    tpu.wait_dma2 semaphore(%arg19 : memref<!tpu.dma_semaphore, #tpu.memory_space<semaphore_mem>>) src(%dma_wait3A_513 : memref<4x4608xf32, #tpu.memory_space<vmem>>) dst(%dma_wait3A_509 : memref<4x4608xf32, #tpu.memory_space<hbm>>)
    %dma_wait3A_514 = arith.constant 1 : i32
    %dma_wait3A_515 = arith.constant 8 : i32
    %dma_wait3A_516 = arith.constant 0 : i32
    %dma_wait3A_517 = arith.constant 0 : i32
    %dma_wait3A_518 = tpu.memref_slice %arg12[%dma_wait3A_514, %dma_wait3A_516, %dma_wait3A_517] : memref<2x4x4608xf32, #tpu.memory_space<vmem>> -> memref<1x4x4608xf32, #tpu.memory_space<vmem>>
    %dma_wait3A_519 = tpu.memref_squeeze %dma_wait3A_518 : memref<1x4x4608xf32, #tpu.memory_space<vmem>> -> memref<4x4608xf32, #tpu.memory_space<vmem>>
    %dma_wait3A_520 = arith.constant 32256 : i32
    %dma_wait3A_521 = tpu.memref_slice %arg5[%add3A, %dma_wait3A_515, %mul3A_32, %dma_wait3A_520] : memref<4x9x32x36864xf32, #tpu.memory_space<hbm>> -> memref<1x1x4x4608xf32, #tpu.memory_space<hbm>>
    %dma_wait3A_522 = tpu.memref_squeeze %dma_wait3A_521 : memref<1x1x4x4608xf32, #tpu.memory_space<hbm>> -> memref<4x4608xf32, #tpu.memory_space<hbm>>
    %dma_wait3A_523 = arith.constant 32256 : i32
    %dma_wait3A_524 = tpu.memref_slice %arg5[%add3A, %dma_wait3A_515, %mul3A_32, %dma_wait3A_523] : memref<4x9x32x36864xf32, #tpu.memory_space<hbm>> -> memref<1x1x4x4608xf32, #tpu.memory_space<hbm>>
    %dma_wait3A_525 = tpu.memref_squeeze %dma_wait3A_524 : memref<1x1x4x4608xf32, #tpu.memory_space<hbm>> -> memref<4x4608xf32, #tpu.memory_space<hbm>>
    %dma_wait3A_526 = arith.constant 0 : i32
    %dma_wait3A_527 = arith.constant 0 : i32
    %dma_wait3A_528 = tpu.memref_slice %arg12[%dma_wait3A_514, %dma_wait3A_526, %dma_wait3A_527] : memref<2x4x4608xf32, #tpu.memory_space<vmem>> -> memref<1x4x4608xf32, #tpu.memory_space<vmem>>
    %dma_wait3A_529 = tpu.memref_squeeze %dma_wait3A_528 : memref<1x4x4608xf32, #tpu.memory_space<vmem>> -> memref<4x4608xf32, #tpu.memory_space<vmem>>
    tpu.wait_dma2 semaphore(%arg20 : memref<!tpu.dma_semaphore, #tpu.memory_space<semaphore_mem>>) src(%dma_wait3A_529 : memref<4x4608xf32, #tpu.memory_space<vmem>>) dst(%dma_wait3A_525 : memref<4x4608xf32, #tpu.memory_space<hbm>>)
    return
  }
}

</mosaic_0001>

<sc_bundles>
// kernel: kernel.3.cloned.1.call-start
scs
__scs_entry_jumppad:
0x0: {  	(pc) =	sbr.rel $0x88, $3  }
0x1: {  	(tag) =	ssettag $0x0;
	lr =	simm.s32 $0x1  }
0x2: {  	[smem:$0x3F9E] =	sst lr;
	_ =	strace $0xD0000000  }
0x3: {  	_ = 	snop  }
0x4: {  	_ = 	snop  }
0x5: {  	_ = 	snop  }
0x6: {  	_ = 	snop  }
0x7: {  	_ = 	snop  }
__scs_overlays_trampoline_lowered:
0x8: {  	[smem:$0x3FAD] =	sst s0  }
0x9: {  	[smem:$0x3FAE] =	sst s1  }
0xa: {  	[smem:$0x3FAF] =	sst s2  }
0xb: {  	[smem:$0x3FB0] =	sst s3  }
0xc: {  	[smem:$0x3FB1] =	sst s4  }
0xd: {  	[smem:$0x3FB2] =	sst s5  }
0xe: {  	[smem:$0x3FB3] =	sst s6  }
0xf: {  	[smem:$0x3FB4] =	sst s7  }
0x10: {  	[smem:$0x3FB5] =	sst s8  }
0x11: {  	[smem:$0x3FB6] =	sst s9;
	s0 =	simm.s32 @!p0 $0x0  }
0x12: {  	s1 =	sld [smem:$0x3F9C];
	s0 =	simm.s32 @p0 $0x1  }
0x13: {  	[smem:$0x3FB7] =	sst s0;
	s0 =	simm.s32 @!p1 $0x0  }
0x14: {  	s2 =	sld [smem:$0x3F9B];
	s0 =	simm.s32 @p1 $0x1  }
0x15: {  	[smem:$0x3FB8] =	sst s0;
	s0 =	simm.s32 @!p2 $0x0  }
0x16: {  	s3 =	sld [smem:$0x3FDB];
	s0 =	simm.s32 @p2 $0x1  }
0x17: {  	s4 =	simm.s32 $0x1BF5;
	[smem:$0x3FBA] =	sst s0  }
0x18: {  	s0 =	sld [smem:$0x3F9D];
	_ =	swait.ge [sflag:s4], $0x0  }
0x19: {  	s7 =	sld [smem:$0x3F9E]  }
0x1a: {  	s8 =	sadd.s32 $0xFFFFE003, lr  }
0x1b: {  	s9 =	sadd.s32 $0xFFFFFEF7, lr;
	s5 =	simm.s32 $0xFFFFFFFF;
	p2 =	slt.u32 s8, $0xFFFFF086  }
0x1c: {  	p1 =	slt.u32 s9, $0xF7A;
	s5 =	simm.s32 @!p2 $0x0  }
0x1d: {  	s5 =	simm.s32 @p1 $0x1;
	p0 =	seq.s32 s7, s2  }
0x1e: {  	s7 =	smul.u32 @!p0 $0xF7A, s2;
	p2 =	seq.s32 @!p0 s5, $0x0  }
0x1f: {  	s9 =	smul.u32 $0xF7A, s1;
	s8 =	simm.s32 @!p0 $0x1BF5;
	p2 =	por !p2, p0  }
0x20: {  	[sflag:s8] =	ssyncset.s32 @!p0 $0xFFFFF086;
	s6 =	sadd.s32 @!p0 s3, s7;
	s7 =	simm.s32 @!p0 $0x108  }
0x21: {  	s3 =	sadd.s32 s3, s9;
	s6 =	sadd.s32 @!p0 $0x88, s6;
	s7 =	simm.s32 @p2 $0x1082  }
0x22: {  	[simem:s7], [sflag:s8] =	dma.local @!p0 [hbm:s6], $0xF7A  }
0x23: {  	s9 =	sor.u32 $0xD0000000, s2;
	s6 =	simm.s32 $0x108;
	_ =	swait.ge @!p0 [sflag:s8], $0x0  }
0x24: {  	s3 =	sadd.s32 $0x88, s3;
	s6 =	simm.s32 @!p1 $0x1082;
	[sflag:s4] =	ssyncset.s32 $0xFFFFF086  }
0x25: {  	[simem:s6], [sflag:s4] =	dma.local [hbm:s3], $0xF7A  }
0x26: {  	[smem:$0x3F9E] =	sst s1;
	(tag) =	ssettag s2;
	_ =	strace s9  }
0x27: {  	s1 =	sld [smem:$0x3FAE]  }
0x28: {  	s2 =	sld [smem:$0x3FAF]  }
0x29: {  	s4 =	sld [smem:$0x3FB1]  }
0x2a: {  	p0 =	seq.s32 s5, $0x0;
	s5 =	sld [smem:$0x3FB2]  }
0x2b: {  	s6 =	sld [smem:$0x3FB3]  }
0x2c: {  	s7 =	sld [smem:$0x3FB4]  }
0x2d: {  	s3 =	simm.s32 $0x108;
	s8 =	sld [smem:$0x3FB5]  }
0x2e: {  	s3 =	simm.s32 @!p0 $0x1082;
	s9 =	sld [smem:$0x3FB6]  }
0x2f: {  	lr =	sadd.s32 s0, s3;
	s0 =	sld [smem:$0x3FAD]  }
0x30: {  	s3 =	sld [smem:$0x3FB0]  }
0x31: {  	[smem:$0x3FB9] =	sst s10  }
0x32: {  	s10 =	sld [smem:$0x3FB7];
	_ =	sdelay $0x3  }
0x33: {  	p0 =	seq.s32 s10, $0x1;
	s10 =	sld [smem:$0x3FB9];
	_ =	sdelay $0x3  }
0x34: {  	[smem:$0x3FB9] =	sst s10  }
0x35: {  	s10 =	sld [smem:$0x3FB8];
	_ =	sdelay $0x3  }
0x36: {  	p1 =	seq.s32 s10, $0x1;
	s10 =	sld [smem:$0x3FB9];
	_ =	sdelay $0x3  }
0x37: {  	[smem:$0x3FB9] =	sst s10  }
0x38: {  	s10 =	sld [smem:$0x3FBA]  }
0x39: {  	_ = 	snop;
	(pc) =	sbr.ind lr, $3  }
0x3a: {  	_ = 	snop  }
0x3b: {  	_ = 	snop  }
0x3c: {  	p2 =	seq.s32 s10, $0x1;
	s10 =	sld [smem:$0x3FB9]  }
0x3d: {  	_ =	shalt  }
0x3e: {  	_ =	shalt  }
0x3f: {  	_ =	shalt  }
0x40: {  	_ =	shalt  }
0x41: {  	_ =	shalt  }
0x42: {  	_ =	shalt  }
0x43: {  	_ =	shalt  }
0x44: {  	_ =	shalt  }
0x45: {  	_ =	shalt  }
0x46: {  	_ =	shalt  }
0x47: {  	_ =	shalt  }
0x48: {  	_ =	shalt  }
0x49: {  	_ =	shalt  }
0x4a: {  	_ =	shalt  }
0x4b: {  	_ =	shalt  }
0x4c: {  	_ =	shalt  }
0x4d: {  	_ =	shalt  }
0x4e: {  	_ =	shalt  }
0x4f: {  	_ =	shalt  }
0x50: {  	_ =	shalt  }
0x51: {  	_ =	shalt  }
0x52: {  	_ =	shalt  }
0x53: {  	_ =	shalt  }
0x54: {  	_ =	shalt  }
0x55: {  	_ =	shalt  }
0x56: {  	_ =	shalt  }
0x57: {  	_ =	shalt  }
0x58: {  	_ =	shalt  }
0x59: {  	_ =	shalt  }
0x5a: {  	_ =	shalt  }
0x5b: {  	_ =	shalt  }
0x5c: {  	_ =	shalt  }
0x5d: {  	_ =	shalt  }
0x5e: {  	_ =	shalt  }
0x5f: {  	_ =	shalt  }
0x60: {  	_ =	shalt  }
0x61: {  	_ =	shalt  }
0x62: {  	_ =	shalt  }
0x63: {  	_ =	shalt  }
0x64: {  	_ =	shalt  }
0x65: {  	_ =	shalt  }
0x66: {  	_ =	shalt  }
0x67: {  	_ =	shalt  }
0x68: {  	_ =	shalt  }
0x69: {  	_ =	shalt  }
0x6a: {  	_ =	shalt  }
0x6b: {  	_ =	shalt  }
0x6c: {  	_ =	shalt  }
0x6d: {  	_ =	shalt  }
0x6e: {  	_ =	shalt  }
0x6f: {  	_ =	shalt  }
0x70: {  	_ =	shalt  }
0x71: {  	_ =	shalt  }
0x72: {  	_ =	shalt  }
0x73: {  	_ =	shalt  }
0x74: {  	_ =	shalt  }
0x75: {  	_ =	shalt  }
0x76: {  	_ =	shalt  }
0x77: {  	_ =	shalt  }
0x78: {  	_ =	shalt  }
0x79: {  	_ =	shalt  }
0x7a: {  	_ =	shalt  }
0x7b: {  	_ =	shalt  }
0x7c: {  	_ =	shalt  }
0x7d: {  	_ =	shalt  }
0x7e: {  	_ =	shalt  }
0x7f: {  	_ =	shalt  }
0x80: {  	_ =	shalt  }
0x81: {  	_ =	shalt  }
0x82: {  	_ =	shalt  }
0x83: {  	_ =	shalt  }
0x84: {  	_ =	shalt  }
0x85: {  	_ =	shalt  }
0x86: {  	_ =	shalt  }
0x87: {  	_ =	shalt  }
.Lfunc_end0:
.L_simem_size_0:
called_computation_lowered:
.L_overlay_start_0:
0x88: {  	s2 =	sld [smem:$0x3FD9]  }
0x89: {  	s3 =	sld [smem:$0x3FFE];
	_ =	sdelay $0x1  }
0x8a: {  	s1 =	srdreg.scid  }
0x8b: {  	s0 =	sand.u32 $0x1, s1  }
0x8c: {  	s17 =	sshll.u32 s0, $0xA;
	s2 =	sadd.s32 s3, s2  }
0x8d: {  	s2 =	sadd.s32 s2, s17  }
0x8e: {  	[smem:$0x3FC5] =	sst s2  }
0x8f: {  	_ = 	snop  }
0x90: {  	s2 =	sld [smem:$0x3FD0];
	(tm) =	ssettm $0x1  }
0x91: {  	s18 =	sld [smem:$0x3FFB];
	_ =	sdelay $0x3  }
0x92: {  	_ =	strace s18  }
0x93: {  	s3 =	sld [smem:$0x3FFC];
	_ =	sdelay $0x3  }
0x94: {  	_ =	strace s3  }
0x95: {  	s3 =	sld [smem:$0x3FFD];
	_ =	sdelay $0x3  }
0x96: {  	_ =	strace s3  }
0x97: {  	_ =	strace $0x8FFFFFFF  }
0x98: {  	s19 =	sld [smem:$0x3FDB];
	_ =	sdelay $0x1  }
0x99: {  	s4 =	simm.s32 $_scs_section_size  }
0x9a: {  	s5 =	simm.s32 $_size__tile_overlayer_lowered;
	s6 =	simm.s32 $_tile_overlayer_lowered  }
0x9b: {  	s22 =	simm.s32 $0x1BFF;
	s21 =	sshll.u32 s6, $0x1;
	s3 =	sadd.s32 s4, s19  }
0x9c: {  	s7 =	simm.s32 $0x0;
	s20 =	sshll.u32 s5, $0x1;
	s5 =	sadd.s32 s21, s3  }
0x9d: {  	[timem:s7], [sflag:s22] =	dma.local [hbm:s5], s20  }
0x9e: {  	_ =	swait.ge [sflag:s22], s20  }
0x9f: {  	s4 =	ssub.s32 $0x0, s20;
	[sflag:s22] =	ssyncset.done $0x0  }
0xa0: {  	[sflag:s22] =	ssyncadd.s32 s4;
	_ =	sdelay $0x1  }
0xa1: {  	s23 =	simm.s32 $0x1B8B  }
0xa2: {  	_ =	swait.ge [sflag:s23], $0x1  }
0xa3: {  	[sflag:s23] =	ssyncset.done $0x0  }
0xa4: {  	s25 =	simm.s32 $0x1B8E;
	s24 =	sld [smem:$0x3FFE];
	[sflag:s23] =	ssyncadd.s32 $0xFFFFFFFF  }
0xa5: {  	s26 =	simm.s32 $execute0_lowered;
	[smem:$0x3FD2] =	sst s25  }
0xa6: {  	s5 =	sshll.u32 s26, $0x1;
	_ =	strace $0x80000046;
	[dreg:$0x1] =	wrdreg $0xFFFFFFFF  }
0xa7: {  	s28 =	simm.s32 $_size_execute0_lowered;
	s3 =	sadd.s32 s3, s5;
	[dreg:$0x0] =	wrdreg $0x0  }
0xa8: {  	s5 =	sshll.u32 s28, $0x1;
	[dreg:$0x2] =	wrdreg s3  }
0xa9: {  	[dreg:$0x3] =	wrdreg s5  }
0xaa: {  	[dreg:$0x4] =	wrdreg $0xC0  }
0xab: {  	_ =	task [dreg:s7], $0x5FFFF  }
0xac: {  	[dreg:$0x1] =	wrdreg $0xFFFFFFFF  }
0xad: {  	[dreg:$0x0] =	wrdreg $0x60  }
0xae: {  	[dreg:$0x2] =	wrdreg s24  }
0xaf: {  	[dreg:$0x3] =	wrdreg s2  }
0xb0: {  	[dreg:$0x4] =	wrdreg $0x9  }
0xb1: {  	_ =	task.clear_ibuf [dreg:s7], $0x5FFFF;
	_ =	strace $0x90000046  }
0xb2: {  	s29 =	simm.s32 $0x9;
	_ =	strace $0x80000048  }
0xb3: {  	_ =	swait.ge [sflag:s29], $0x1  }
0xb4: {  	[sflag:s29] =	ssyncadd.s32 $0xFFFFFFFF  }
0xb5: {  	_ =	strace $0x90000048  }
0xb6: {  	_ =	sfence  }
0xb7: {  	s30 =	sld [smem:$0x0];
	_ =	sdelay $0x2  }
0xb8: {  	s31 =	sshll.u32 s1, $0xD;
	s1 =	sshrl.u32 s1, $0x2  }
0xb9: {  	s3 =	sand.u32 $0x4000, s31;
	s1 =	sadd.s32 s1, s30  }
0xba: {  	s0 =	sor.u32 s3, s0;
	s1 =	sshll.u32 s1, $0x11  }
0xbb: {  	s0 =	sor.u32 s1, s0  }
0xbc: {  	s0 =	sadd.s32 $0x8F2B, s0  }
0xbd: {  	[sflag:s0] =	ssyncadd.remote.s32 $0x1  }
0xbe: {  	_ =	sfence.sel $0xFFFF  }
0xbf: {  	[dreg:$0x0] =	wrdreg $0xFFFFFFFF;
	(pc) =	sbr.abs _section_cstart, $3  }
0xc0: {  	[dreg:$0x1] =	wrdreg $0xFFFFFFFF  }
0xc1: {  	_ =	task.clear_ibuf [dreg:s7], $0x2FFFF;
	_ =	strace $0x9FFFFFFF  }
0xc2: {  	(tm) =	ssettm $0x7FFFFFFF  }
0xc3: {  	_ =	shalt  }
tec
execute0_lowered:
.L_overlay_start_1:
0x0: {  	(tag) =	ssettag $0x1  }
0x1: {  	s0 =	rddreg [dreg:$0x0]  }
0x2: {  	s1 =	rddreg [dreg:$0x1]  }
0x3: {  	s2 =	simm.s32 $0x0;
	s3 =	srdreg.scid;
	s16 =	stileid.u32  }
0x4: {  	[smem:$0x7FF] =	sst s2;
	s8 =	sadd.s32 $0x52200, s0;
	s4 =	sadd.s32 $0x1200, s0  }
0x5: {  	s5 =	sadd.s32 $0x29A00, s0;
	s9 =	sand.u32 $0x1, s3;
	s6 =	sadd.s32 $0x92200, s0  }
0x6: {  	s28 =	sshrl.u32 s16, $0x3;
	s11 =	sand.u32 $0x7, s16;
	s29 =	sshll.u32 s16, $0x10  }
0x7: {  	s7 =	sshll.u32 s16, $0x9;
	s20 =	sshll.u32 s16, $0x7;
	_ =	strace $0x80000047  }
0x8: {  	s26 =	sshll.u32 s9, $0x1;
	s10 =	ssub.s32 $0x2, s9;
	s13 =	sshrl.u32 s11, $0x1  }
0x9: {  	s3 =	sor.u32 s7, s29;
	s7 =	sand.u32 $0x200, s7;
	s9 =	sshll.u32 s9, $0x4  }
0xa: {  	p1 =	sne.s32 s11, $0x0;
	s0 =	sor.u32 s28, s26;
	s14 =	sshll.u32 s13, $0x11  }
0xb: {  	s3 =	sand.u32 $0x60200, s3;
	s15 =	sshrl.u32 s10, $0x1;
	s28 =	smul.u32 $0x14400, s11  }
0xc: {  	s9 =	sor.u32 s16, s9;
	s13 =	smul.u32 $0x48000, s13;
	s12 =	sshll.u32 s0, $0x13  }
0xd: {  	s18 =	sshrl.u32 s9, $0x3;
	p0 =	seq.s32 s9, $0x0;
	s29 =	smul.u32 $0xA20000, s0  }
0xe: {  	s14 =	sor.u32 s14, s12;
	s12 =	sor.u32 s12, s3;
	s3 =	ssub.s32 s10, s15  }
0xf: {  	p0 =	por !p1, !p0;
	s19 =	smul.u32 $0x51000, s18;
	s14 =	sor.u32 s7, s14  }
0x10: {  	s12 =	sshrl.u32 s12, $0x3;
	s3 =	smax.u32 s3, $0x1;
	s14 =	sshrl.u32 s14, $0x3  }
0x11: {  	[dreg:$0x15] =	wrdreg s3;
	s10 =	sadd.s32 s8, s14;
	s8 =	sadd.s32 s12, s8  }
0x12: {  	p0 =	por !p0, !p0;
	[dreg:$0x3] =	wrdreg s10;
	s15 =	sadd.s32 $0x10, s8  }
0x13: {  	s14 =	simm.s32 $0x1;
	s17 =	sadd.s32 $0x20, s8;
	[dreg:$0x4] =	wrdreg s15  }
0x14: {  	s12 =	sand.u32 $0x380, s20;
	s8 =	sadd.s32 $0x30, s8;
	[dreg:$0x5] =	wrdreg s17  }
0x15: {  	s14 =	simm.s32 @!p0 $0x0;
	[dreg:$0x6] =	wrdreg s8;
	s8 =	sor.u32 s12, s19  }
0x16: {  	s21 =	ssub.s32 s18, s14;
	s12 =	smul.u32 $0x5100, s11;
	s19 =	sadd.s32 s13, s29  }
0x17: {  	s13 =	sshll.u32 s0, $0x7;
	s0 =	sshll.u32 s0, $0x4;
	s22 =	sshrl.u32 s8, $0x3  }
0x18: {  	s23 =	sadd.s32 $0x4800, s8;
	s24 =	sshrl.u32 s21, $0x2;
	s9 =	sshll.u32 s21, $0x7  }
0x19: {  	s16 =	sadd.s32 s4, s22;
	s17 =	sadd.s32 s5, s22;
	s22 =	sadd.s32 $0xD800, s8  }
0x1a: {  	s11 =	sor.u32 s7, s19;
	s31 =	sor.u32 $0x4800, s13;
	[dreg:$0xd] =	wrdreg s22  }
0x1b: {  	s25 =	sshrl.u32 s23, $0x3;
	s26 =	smul.u32 $0xA2000, s24;
	[dreg:$0x7] =	wrdreg s16  }
0x1c: {  	s9 =	sand.u32 $0x180, s9;
	s15 =	sadd.s32 s4, s25;
	[dreg:$0x8] =	wrdreg s17  }
0x1d: {  	s20 =	sadd.s32 s5, s25;
	s25 =	sadd.s32 $0x9000, s8;
	[dreg:$0x9] =	wrdreg s15  }
0x1e: {  	s10 =	sadd.s32 s28, s26;
	s14 =	sshrl.u32 s25, $0x3;
	[dreg:$0xa] =	wrdreg s20  }
0x1f: {  	s18 =	sor.u32 s9, s26;
	[dreg:$0xb] =	wrdreg s25;
	s21 =	sadd.s32 s4, s14  }
0x20: {  	s26 =	sshrl.u32 s22, $0x3;
	s23 =	sadd.s32 s5, s14;
	[dreg:$0xc] =	wrdreg s21  }
0x21: {  	s10 =	sor.u32 s9, s10;
	s29 =	sadd.s32 s4, s26;
	[dreg:$0xe] =	wrdreg s23  }
0x22: {  	s9 =	sadd.s32 s5, s26;
	s14 =	sadd.s32 $0x9000, s11;
	[dreg:$0x10] =	wrdreg s29  }
0x23: {  	s24 =	sshrl.u32 s10, $0x3;
	[dreg:$0x11] =	wrdreg s9;
	s21 =	sadd.s32 s6, s0  }
0x24: {  	s28 =	sadd.s32 $0x1200, s10;
	s29 =	sadd.s32 $0x80, s16;
	[smem:$0x7C0] =	sst s21  }
0x25: {  	s9 =	sshrl.u32 s11, $0x3;
	s11 =	sadd.s32 $0x200, s16;
	[dreg:$0x18] =	wrdreg s29  }
0x26: {  	s0 =	sor.u32 $0x6C00, s13;
	s13 =	sadd.s32 $0x280, s16;
	[dreg:$0x1b] =	wrdreg s11  }
0x27: {  	s10 =	sshrl.u32 s14, $0x3;
	s14 =	sadd.s32 $0x300, s16;
	[dreg:$0x1c] =	wrdreg s13  }
0x28: {  	s8 =	sadd.s32 s6, s24;
	[dreg:$0x1d] =	wrdreg s14  }
0x29: {  	s22 =	sadd.s32 s1, s9;
	[dreg:$0xf] =	wrdreg s8  }
0x2a: {  	s23 =	sadd.s32 s1, s10;
	[dreg:$0x13] =	wrdreg s22  }
0x2b: {  	s24 =	sadd.s32 $0x480, s21;
	[dreg:$0x14] =	wrdreg s23  }
0x2c: {  	s26 =	sadd.s32 $0x900, s21;
	[dreg:$0x16] =	wrdreg s24  }
0x2d: {  	s10 =	sadd.s32 $0x180, s16;
	[dreg:$0x17] =	wrdreg s26  }
0x2e: {  	s29 =	sadd.s32 $0x680, s16;
	[dreg:$0x1a] =	wrdreg s10  }
0x2f: {  	s11 =	sadd.s32 $0x800, s16;
	[smem:$0x7C6] =	sst s29  }
0x30: {  	s13 =	sadd.s32 $0x880, s16;
	[smem:$0x7C9] =	sst s11  }
0x31: {  	s14 =	sadd.s32 $0x80, s17;
	[smem:$0x7CA] =	sst s13  }
0x32: {  	s8 =	sshrl.u32 s28, $0x3;
	s28 =	sadd.s32 $0xD80, s21;
	[smem:$0x7CB] =	sst s14  }
0x33: {  	s21 =	sadd.s32 $0x380, s16;
	[smem:$0x7C1] =	sst s28  }
0x34: {  	s22 =	sadd.s32 $0x400, s16;
	[dreg:$0x1e] =	wrdreg s21  }
0x35: {  	s23 =	sadd.s32 $0x480, s16;
	[dreg:$0x1f] =	wrdreg s22  }
0x36: {  	s24 =	sadd.s32 $0x500, s16;
	[smem:$0x7C2] =	sst s23  }
0x37: {  	s26 =	sadd.s32 $0x580, s16;
	[smem:$0x7C3] =	sst s24  }
0x38: {  	s10 =	sadd.s32 $0x780, s16;
	[smem:$0x7C4] =	sst s26  }
0x39: {  	s29 =	sadd.s32 $0x480, s17;
	[smem:$0x7C8] =	sst s10  }
0x3a: {  	s11 =	sadd.s32 $0x600, s17;
	[smem:$0x7D3] =	sst s29  }
0x3b: {  	s13 =	sadd.s32 $0x680, s17;
	[smem:$0x7D6] =	sst s11  }
0x3c: {  	s14 =	sadd.s32 $0x700, s17;
	[smem:$0x7D7] =	sst s13  }
0x3d: {  	s8 =	sadd.s32 s6, s8;
	[smem:$0x7D8] =	sst s14  }
0x3e: {  	s28 =	sadd.s32 $0x600, s16;
	[dreg:$0x12] =	wrdreg s8  }
0x3f: {  	s21 =	sadd.s32 $0x180, s17;
	[smem:$0x7C5] =	sst s28  }
0x40: {  	s22 =	sadd.s32 $0x200, s17;
	[smem:$0x7CD] =	sst s21  }
0x41: {  	s23 =	sadd.s32 $0x280, s17;
	[smem:$0x7CE] =	sst s22  }
0x42: {  	s24 =	sadd.s32 $0x300, s17;
	[smem:$0x7CF] =	sst s23  }
0x43: {  	s26 =	sadd.s32 $0x380, s17;
	[smem:$0x7D0] =	sst s24  }
0x44: {  	s10 =	sadd.s32 $0x580, s17;
	[smem:$0x7D1] =	sst s26  }
0x45: {  	s29 =	sadd.s32 $0x280, s15;
	[smem:$0x7D5] =	sst s10  }
0x46: {  	s11 =	sadd.s32 $0x400, s15;
	[smem:$0x7E0] =	sst s29  }
0x47: {  	s13 =	sadd.s32 $0x480, s15;
	[smem:$0x7E3] =	sst s11  }
0x48: {  	s14 =	sadd.s32 $0x500, s15;
	[smem:$0x7E4] =	sst s13  }
0x49: {  	s8 =	sadd.s32 $0x100, s16;
	[smem:$0x7E5] =	sst s14  }
0x4a: {  	s28 =	sadd.s32 $0x400, s17;
	[dreg:$0x19] =	wrdreg s8  }
0x4b: {  	s21 =	sadd.s32 $0x800, s17;
	[smem:$0x7D2] =	sst s28  }
0x4c: {  	s22 =	sadd.s32 $0x880, s17;
	[smem:$0x7DA] =	sst s21  }
0x4d: {  	s23 =	sadd.s32 $0x80, s15;
	[smem:$0x7DB] =	sst s22  }
0x4e: {  	s24 =	sadd.s32 $0x100, s15;
	[smem:$0x7DC] =	sst s23  }
0x4f: {  	s26 =	sadd.s32 $0x180, s15;
	[smem:$0x7DD] =	sst s24  }
0x50: {  	s10 =	sadd.s32 $0x380, s15;
	[smem:$0x7DE] =	sst s26  }
0x51: {  	s29 =	sadd.s32 $0x100, s20;
	[smem:$0x7E2] =	sst s10  }
0x52: {  	s11 =	sadd.s32 $0x280, s20;
	[smem:$0x7EE] =	sst s29  }
0x53: {  	s13 =	sadd.s32 $0x300, s20;
	[smem:$0x7F1] =	sst s11  }
0x54: {  	s14 =	sadd.s32 $0x380, s20;
	[smem:$0x7F2] =	sst s13  }
0x55: {  	s8 =	sadd.s32 $0x700, s16;
	[smem:$0x7F3] =	sst s14  }
0x56: {  	s16 =	sadd.s32 $0x100, s17;
	[smem:$0x7C7] =	sst s8  }
0x57: {  	s28 =	sadd.s32 $0x200, s15;
	[smem:$0x7CC] =	sst s16  }
0x58: {  	s21 =	sadd.s32 $0x680, s15;
	[smem:$0x7DF] =	sst s28  }
0x59: {  	s22 =	sadd.s32 $0x700, s15;
	[smem:$0x7E8] =	sst s21  }
0x5a: {  	s23 =	sadd.s32 $0x780, s15;
	[smem:$0x7E9] =	sst s22  }
0x5b: {  	s24 =	sadd.s32 $0x800, s15;
	[smem:$0x7EA] =	sst s23  }
0x5c: {  	s26 =	sadd.s32 $0x880, s15;
	[smem:$0x7EB] =	sst s24  }
0x5d: {  	s10 =	sadd.s32 $0x200, s20;
	[smem:$0x7EC] =	sst s26  }
0x5e: {  	s29 =	sadd.s32 $0x880, s20;
	[smem:$0x7F0] =	sst s10  }
0x5f: {  	s8 =	sadd.s32 $0x500, s17;
	[smem:$0x7FD] =	sst s29  }
0x60: {  	s16 =	sadd.s32 $0x780, s17;
	[smem:$0x7D4] =	sst s8  }
0x61: {  	s17 =	sadd.s32 $0x600, s15;
	[smem:$0x7D9] =	sst s16  }
0x62: {  	s28 =	sadd.s32 $0x80, s20;
	[smem:$0x7E7] =	sst s17  }
0x63: {  	s21 =	sadd.s32 $0x580, s20;
	[smem:$0x7ED] =	sst s28  }
0x64: {  	s22 =	sadd.s32 $0x600, s20;
	[smem:$0x7F7] =	sst s21  }
0x65: {  	s30 =	sor.u32 $0x9000, s7;
	s23 =	sadd.s32 $0x680, s20;
	[smem:$0x7F8] =	sst s22  }
0x66: {  	s9 =	sadd.s32 $0x480, s12;
	s24 =	sadd.s32 $0x700, s20;
	[smem:$0x7F9] =	sst s23  }
0x67: {  	s13 =	simm.s32 $0x400;
	s26 =	sadd.s32 $0x780, s20;
	[smem:$0x7FA] =	sst s24  }
0x68: {  	s14 =	simm.s32 $0x4000;
	s8 =	sadd.s32 $0x300, s15;
	[smem:$0x7FB] =	sst s26  }
0x69: {  	s10 =	simm.s32 $0x0;
	s16 =	sadd.s32 $0x580, s15;
	[smem:$0x7E1] =	sst s8  }
0x6a: {  	s15 =	sadd.s32 $0x400, s20;
	s17 =	sadd.s32 $0x500, s20;
	[smem:$0x7E6] =	sst s16  }
0x6b: {  	s28 =	sadd.s32 $0x800, s20;
	s23 =	simm.s32 $0x2;
	[smem:$0x7F4] =	sst s15  }
0x6c: {  	s21 =	simm.s32 $0x4;
	s26 =	simm.s32 $0x200;
	[smem:$0x7F6] =	sst s17  }
0x6d: {  	s8 =	sadd.s32 $0x180, s20;
	s16 =	sadd.s32 $0x480, s20;
	[smem:$0x7FC] =	sst s28  }
0x6e: {  	s15 =	simm.s32 $0x8000;
	s17 =	simm.s32 $0x5;
	[smem:$0x7EF] =	sst s8  }
0x6f: {  	[smem:$0x7F5] =	sst s16;
	s16 =	simm.s32 $0xC000;
	s8 =	simm.s32 $0x3  }
.LBB2_1:
0x70: {  	[smem:$0x7BF] =	sst s10  }
0x71: {  	s3 =	rddreg [dreg:$0x3]  }
0x72: {  	s11 =	simm.s32 $0x80;
	s20 =	rddreg [dreg:$0x4]  }
0x73: {  	[tilespmem:s2], [sflag:$0x1] =	stream.strided.gather [hbm4b:s3+s11], $0x4000, s13, s11, $0x38;
	[tilespmem:$0x1CF00] =	vst v63  }
0x74: {  	s22 =	rddreg [dreg:$0x5]  }
0x75: {  	[tilespmem:s14], [sflag:$0x1] =	stream.strided.gather [hbm4b:s20+s11], $0x4000, s13, s11, $0x38;
	[tilespmem:$0x1CF00] =	vst v63  }
0x76: {  	s24 =	rddreg [dreg:$0x6]  }
0x77: {  	[tilespmem:s15], [sflag:$0x1] =	stream.strided.gather [hbm4b:s22+s11], $0x4000, s13, s11, $0x38;
	[tilespmem:$0x1CF00] =	vst v63  }
0x78: {  	s10 =	rddreg [dreg:$0x7]  }
0x79: {  	[tilespmem:s16], [sflag:$0x1] =	stream.strided.gather [hbm4b:s24+s11], $0x4000, s13, s11, $0x38;
	[tilespmem:$0x1CF00] =	vst v63  }
0x7a: {  	s20 =	rddreg [dreg:$0x18];
	s11 =	simm.s32 $0x1A200  }
0x7b: {  	[tilespmem:s11], [sflag:$0x2] =	stream.linear.gather [hbm4b:s10+s2], $0x80, $0x38;
	[tilespmem:$0x1CF00] =	vst v63  }
0x7c: {  	s22 =	rddreg [dreg:$0x19];
	s11 =	simm.s32 $0x1A300  }
0x7d: {  	[tilespmem:s11], [sflag:$0x2] =	stream.linear.gather [hbm4b:s20+s2], $0x80, $0x38;
	[tilespmem:$0x1CF00] =	vst v63  }
0x7e: {  	s24 =	simm.s32 $0x1A400;
	s10 =	rddreg [dreg:$0x1a]  }
0x7f: {  	[tilespmem:s24], [sflag:$0x2] =	stream.linear.gather [hbm4b:s22+s2], $0x80, $0x38;
	[tilespmem:$0x1CF00] =	vst v63  }
0x80: {  	s20 =	simm.s32 $0x1A500;
	s22 =	rddreg [dreg:$0x1b]  }
0x81: {  	[tilespmem:s20], [sflag:$0x2] =	stream.linear.gather [hbm4b:s10+s2], $0x80, $0x38;
	[tilespmem:$0x1CF00] =	vst v63  }
0x82: {  	s24 =	simm.s32 $0x1A600;
	s10 =	rddreg [dreg:$0x1c]  }
0x83: {  	[tilespmem:s24], [sflag:$0x2] =	stream.linear.gather [hbm4b:s22+s2], $0x80, $0x38;
	[tilespmem:$0x1CF00] =	vst v63  }
0x84: {  	s20 =	simm.s32 $0x1A700;
	s22 =	rddreg [dreg:$0x1d]  }
0x85: {  	[tilespmem:s20], [sflag:$0x2] =	stream.linear.gather [hbm4b:s10+s2], $0x80, $0x38;
	[tilespmem:$0x1CF00] =	vst v63  }
0x86: {  	s24 =	simm.s32 $0x1A800;
	s10 =	rddreg [dreg:$0x1e]  }
0x87: {  	[tilespmem:s24], [sflag:$0x2] =	stream.linear.gather [hbm4b:s22+s2], $0x80, $0x38;
	[tilespmem:$0x1CF00] =	vst v63  }
0x88: {  	s20 =	simm.s32 $0x1A900;
	s22 =	rddreg [dreg:$0x1f]  }
0x89: {  	[tilespmem:s20], [sflag:$0x2] =	stream.linear.gather [hbm4b:s10+s2], $0x80, $0x38;
	[tilespmem:$0x1CF00] =	vst v63  }
0x8a: {  	s24 =	simm.s32 $0x1AA00;
	s10 =	sld [smem:$0x7C2]  }
0x8b: {  	[tilespmem:s24], [sflag:$0x2] =	stream.linear.gather [hbm4b:s22+s2], $0x80, $0x38;
	[tilespmem:$0x1CF00] =	vst v63  }
0x8c: {  	s20 =	simm.s32 $0x1AB00;
	s22 =	sld [smem:$0x7C3]  }
0x8d: {  	[tilespmem:s20], [sflag:$0x2] =	stream.linear.gather [hbm4b:s10+s2], $0x80, $0x38;
	[tilespmem:$0x1CF00] =	vst v63  }
0x8e: {  	s24 =	simm.s32 $0x1AC00;
	s10 =	sld [smem:$0x7C4]  }
0x8f: {  	[tilespmem:s24], [sflag:$0x2] =	stream.linear.gather [hbm4b:s22+s2], $0x80, $0x38;
	[tilespmem:$0x1CF00] =	vst v63  }
0x90: {  	s20 =	simm.s32 $0x1AD00;
	s22 =	sld [smem:$0x7C5]  }
0x91: {  	[tilespmem:s20], [sflag:$0x2] =	stream.linear.gather [hbm4b:s10+s2], $0x80, $0x38;
	[tilespmem:$0x1CF00] =	vst v63  }
0x92: {  	s24 =	simm.s32 $0x1AE00;
	s10 =	sld [smem:$0x7C6]  }
0x93: {  	[tilespmem:s24], [sflag:$0x2] =	stream.linear.gather [hbm4b:s22+s2], $0x80, $0x38;
	[tilespmem:$0x1CF00] =	vst v63  }
0x94: {  	s20 =	simm.s32 $0x1AF00;
	s22 =	sld [smem:$0x7C7]  }
0x95: {  	[tilespmem:s20], [sflag:$0x2] =	stream.linear.gather [hbm4b:s10+s2], $0x80, $0x38;
	[tilespmem:$0x1CF00] =	vst v63  }
0x96: {  	s24 =	simm.s32 $0x1B000;
	s10 =	sld [smem:$0x7C8]  }
0x97: {  	[tilespmem:s24], [sflag:$0x2] =	stream.linear.gather [hbm4b:s22+s2], $0x80, $0x38;
	[tilespmem:$0x1CF00] =	vst v63  }
0x98: {  	s20 =	simm.s32 $0x1B100;
	s22 =	sld [smem:$0x7C9]  }
0x99: {  	[tilespmem:s20], [sflag:$0x2] =	stream.linear.gather [hbm4b:s10+s2], $0x80, $0x38;
	[tilespmem:$0x1CF00] =	vst v63  }
0x9a: {  	s24 =	simm.s32 $0x1B200;
	s10 =	sld [smem:$0x7CA]  }
0x9b: {  	[tilespmem:s24], [sflag:$0x2] =	stream.linear.gather [hbm4b:s22+s2], $0x80, $0x38;
	[tilespmem:$0x1CF00] =	vst v63  }
0x9c: {  	s20 =	simm.s32 $0x1B300;
	s22 =	rddreg [dreg:$0x8]  }
0x9d: {  	[tilespmem:s20], [sflag:$0x2] =	stream.linear.gather [hbm4b:s10+s2], $0x80, $0x38;
	[tilespmem:$0x1CF00] =	vst v63  }
0x9e: {  	s24 =	simm.s32 $0x1B400;
	s10 =	sld [smem:$0x7CB]  }
0x9f: {  	[tilespmem:s24], [sflag:$0x2] =	stream.linear.gather [hbm4b:s22+s2], $0x80, $0x38;
	[tilespmem:$0x1CF00] =	vst v63  }
0xa0: {  	s20 =	simm.s32 $0x1B500;
	s22 =	sld [smem:$0x7CC]  }
0xa1: {  	[tilespmem:s20], [sflag:$0x2] =	stream.linear.gather [hbm4b:s10+s2], $0x80, $0x38;
	[tilespmem:$0x1CF00] =	vst v63  }
0xa2: {  	s24 =	simm.s32 $0x1B600  }
0xa3: {  	[tilespmem:s24], [sflag:$0x2] =	stream.linear.gather [hbm4b:s22+s2], $0x80, $0x38;
	[tilespmem:$0x1CF00] =	vst v63  }
0xa4: {  	s22 =	sld [smem:$0x7CD];
	_ =	sdelay $0x1  }
0xa5: {  	s24 =	simm.s32 $0x1B700  }
0xa6: {  	[tilespmem:s24], [sflag:$0x2] =	stream.linear.gather [hbm4b:s22+s2], $0x80, $0x38;
	[tilespmem:$0x1CF00] =	vst v63  }
0xa7: {  	s22 =	sld [smem:$0x7CE];
	_ =	sdelay $0x1  }
0xa8: {  	s24 =	simm.s32 $0x1B800  }
0xa9: {  	[tilespmem:s24], [sflag:$0x2] =	stream.linear.gather [hbm4b:s22+s2], $0x80, $0x38;
	[tilespmem:$0x1CF00] =	vst v63  }
0xaa: {  	s22 =	sld [smem:$0x7CF];
	_ =	sdelay $0x1  }
0xab: {  	s24 =	simm.s32 $0x1B900  }
0xac: {  	[tilespmem:s24], [sflag:$0x2] =	stream.linear.gather [hbm4b:s22+s2], $0x80, $0x38;
	[tilespmem:$0x1CF00] =	vst v63  }
0xad: {  	s22 =	sld [smem:$0x7D0];
	_ =	sdelay $0x1  }
0xae: {  	s24 =	simm.s32 $0x1BA00  }
0xaf: {  	[tilespmem:s24], [sflag:$0x2] =	stream.linear.gather [hbm4b:s22+s2], $0x80, $0x38;
	[tilespmem:$0x1CF00] =	vst v63  }
0xb0: {  	s22 =	sld [smem:$0x7D1];
	_ =	sdelay $0x1  }
0xb1: {  	s24 =	simm.s32 $0x1BB00  }
0xb2: {  	[tilespmem:s24], [sflag:$0x2] =	stream.linear.gather [hbm4b:s22+s2], $0x80, $0x38;
	[tilespmem:$0x1CF00] =	vst v63  }
0xb3: {  	s22 =	sld [smem:$0x7D2];
	_ =	sdelay $0x1  }
0xb4: {  	s24 =	simm.s32 $0x1BC00  }
0xb5: {  	[tilespmem:s24], [sflag:$0x2] =	stream.linear.gather [hbm4b:s22+s2], $0x80, $0x38;
	[tilespmem:$0x1CF00] =	vst v63  }
0xb6: {  	s22 =	sld [smem:$0x7D3];
	_ =	sdelay $0x1  }
0xb7: {  	s24 =	simm.s32 $0x1BD00  }
0xb8: {  	[tilespmem:s24], [sflag:$0x2] =	stream.linear.gather [hbm4b:s22+s2], $0x80, $0x38;
	[tilespmem:$0x1CF00] =	vst v63  }
0xb9: {  	s22 =	sld [smem:$0x7D4];
	_ =	sdelay $0x1  }
0xba: {  	s24 =	simm.s32 $0x1BE00  }
0xbb: {  	[tilespmem:s24], [sflag:$0x2] =	stream.linear.gather [hbm4b:s22+s2], $0x80, $0x38;
	[tilespmem:$0x1CF00] =	vst v63  }
0xbc: {  	s22 =	sld [smem:$0x7D5];
	_ =	sdelay $0x1  }
0xbd: {  	s24 =	simm.s32 $0x1BF00  }
0xbe: {  	[tilespmem:s24], [sflag:$0x2] =	stream.linear.gather [hbm4b:s22+s2], $0x80, $0x38;
	[tilespmem:$0x1CF00] =	vst v63  }
0xbf: {  	s22 =	sld [smem:$0x7D6];
	_ =	sdelay $0x1  }
0xc0: {  	s24 =	simm.s32 $0x1C000  }
0xc1: {  	[tilespmem:s24], [sflag:$0x2] =	stream.linear.gather [hbm4b:s22+s2], $0x80, $0x38;
	[tilespmem:$0x1CF00] =	vst v63  }
0xc2: {  	s22 =	sld [smem:$0x7D7];
	_ =	sdelay $0x1  }
0xc3: {  	s24 =	simm.s32 $0x1C100  }
0xc4: {  	[tilespmem:s24], [sflag:$0x2] =	stream.linear.gather [hbm4b:s22+s2], $0x80, $0x38;
	[tilespmem:$0x1CF00] =	vst v63  }
0xc5: {  	s22 =	sld [smem:$0x7D8];
	_ =	sdelay $0x1  }
0xc6: {  	s24 =	simm.s32 $0x1C200  }
0xc7: {  	[tilespmem:s24], [sflag:$0x2] =	stream.linear.gather [hbm4b:s22+s2], $0x80, $0x38;
	[tilespmem:$0x1CF00] =	vst v63  }
0xc8: {  	s22 =	sld [smem:$0x7D9];
	_ =	sdelay $0x1  }
0xc9: {  	s24 =	simm.s32 $0x1C300  }
0xca: {  	[tilespmem:s24], [sflag:$0x2] =	stream.linear.gather [hbm4b:s22+s2], $0x80, $0x38;
	[tilespmem:$0x1CF00] =	vst v63  }
0xcb: {  	s22 =	sld [smem:$0x7DA];
	_ =	sdelay $0x1  }
0xcc: {  	s24 =	simm.s32 $0x1C400  }
0xcd: {  	[tilespmem:s24], [sflag:$0x2] =	stream.linear.gather [hbm4b:s22+s2], $0x80, $0x38;
	[tilespmem:$0x1CF00] =	vst v63  }
0xce: {  	s22 =	sld [smem:$0x7DB];
	_ =	sdelay $0x1  }
0xcf: {  	s24 =	simm.s32 $0x1C500  }
0xd0: {  	[tilespmem:s24], [sflag:$0x2] =	stream.linear.gather [hbm4b:s22+s2], $0x80, $0x38;
	[tilespmem:$0x1CF00] =	vst v63  }
0xd1: {  	s22 =	rddreg [dreg:$0x9];
	s24 =	simm.s32 $0x1A280  }
0xd2: {  	[tilespmem:s24], [sflag:$0x3] =	stream.linear.gather [hbm4b:s22+s2], $0x80, $0x38;
	[tilespmem:$0x1CF00] =	vst v63  }
0xd3: {  	s22 =	sld [smem:$0x7DC];
	_ =	sdelay $0x1  }
0xd4: {  	s24 =	simm.s32 $0x1A380  }
0xd5: {  	[tilespmem:s24], [sflag:$0x3] =	stream.linear.gather [hbm4b:s22+s2], $0x80, $0x38;
	[tilespmem:$0x1CF00] =	vst v63  }
0xd6: {  	s22 =	sld [smem:$0x7DD];
	_ =	sdelay $0x1  }
0xd7: {  	s24 =	simm.s32 $0x1A480  }
0xd8: {  	[tilespmem:s24], [sflag:$0x3] =	stream.linear.gather [hbm4b:s22+s2], $0x80, $0x38;
	[tilespmem:$0x1CF00] =	vst v63  }
0xd9: {  	s22 =	sld [smem:$0x7DE];
	_ =	sdelay $0x1  }
0xda: {  	s24 =	simm.s32 $0x1A580  }
0xdb: {  	[tilespmem:s24], [sflag:$0x3] =	stream.linear.gather [hbm4b:s22+s2], $0x80, $0x38;
	[tilespmem:$0x1CF00] =	vst v63  }
0xdc: {  	s22 =	sld [smem:$0x7DF];
	_ =	sdelay $0x1  }
0xdd: {  	s24 =	simm.s32 $0x1A680  }
0xde: {  	[tilespmem:s24], [sflag:$0x3] =	stream.linear.gather [hbm4b:s22+s2], $0x80, $0x38;
	[tilespmem:$0x1CF00] =	vst v63  }
0xdf: {  	s22 =	sld [smem:$0x7E0];
	_ =	sdelay $0x1  }
0xe0: {  	s24 =	simm.s32 $0x1A780  }
0xe1: {  	[tilespmem:s24], [sflag:$0x3] =	stream.linear.gather [hbm4b:s22+s2], $0x80, $0x38;
	[tilespmem:$0x1CF00] =	vst v63  }
0xe2: {  	s22 =	sld [smem:$0x7E1];
	_ =	sdelay $0x1  }
0xe3: {  	s24 =	simm.s32 $0x1A880  }
0xe4: {  	[tilespmem:s24], [sflag:$0x3] =	stream.linear.gather [hbm4b:s22+s2], $0x80, $0x38;
	[tilespmem:$0x1CF00] =	vst v63  }
0xe5: {  	s22 =	sld [smem:$0x7E2];
	_ =	sdelay $0x1  }
0xe6: {  	s24 =	simm.s32 $0x1A980  }
0xe7: {  	[tilespmem:s24], [sflag:$0x3] =	stream.linear.gather [hbm4b:s22+s2], $0x80, $0x38;
	[tilespmem:$0x1CF00] =	vst v63  }
0xe8: {  	s22 =	sld [smem:$0x7E3];
	_ =	sdelay $0x1  }
0xe9: {  	s24 =	simm.s32 $0x1AA80  }
0xea: {  	[tilespmem:s24], [sflag:$0x3] =	stream.linear.gather [hbm4b:s22+s2], $0x80, $0x38;
	[tilespmem:$0x1CF00] =	vst v63  }
0xeb: {  	s22 =	sld [smem:$0x7E4];
	_ =	sdelay $0x1  }
0xec: {  	s24 =	simm.s32 $0x1AB80  }
0xed: {  	[tilespmem:s24], [sflag:$0x3] =	stream.linear.gather [hbm4b:s22+s2], $0x80, $0x38;
	[tilespmem:$0x1CF00] =	vst v63  }
0xee: {  	s22 =	sld [smem:$0x7E5];
	_ =	sdelay $0x1  }
0xef: {  	s24 =	simm.s32 $0x1AC80  }
0xf0: {  	[tilespmem:s24], [sflag:$0x3] =	stream.linear.gather [hbm4b:s22+s2], $0x80, $0x38;
	[tilespmem:$0x1CF00] =	vst v63  }
0xf1: {  	s22 =	sld [smem:$0x7E6];
	_ =	sdelay $0x1  }
0xf2: {  	s24 =	simm.s32 $0x1AD80  }
0xf3: {  	[tilespmem:s24], [sflag:$0x3] =	stream.linear.gather [hbm4b:s22+s2], $0x80, $0x38;
	[tilespmem:$0x1CF00] =	vst v63  }
0xf4: {  	s22 =	sld [smem:$0x7E7];
	_ =	sdelay $0x1  }
0xf5: {  	s24 =	simm.s32 $0x1AE80  }
0xf6: {  	[tilespmem:s24], [sflag:$0x3] =	stream.linear.gather [hbm4b:s22+s2], $0x80, $0x38;
	[tilespmem:$0x1CF00] =	vst v63  }
0xf7: {  	s22 =	sld [smem:$0x7E8];
	_ =	sdelay $0x1  }
0xf8: {  	s24 =	simm.s32 $0x1AF80  }
0xf9: {  	[tilespmem:s24], [sflag:$0x3] =	stream.linear.gather [hbm4b:s22+s2], $0x80, $0x38;
	[tilespmem:$0x1CF00] =	vst v63  }
0xfa: {  	s22 =	sld [smem:$0x7E9];
	_ =	sdelay $0x1  }
0xfb: {  	s24 =	simm.s32 $0x1B080  }
0xfc: {  	[tilespmem:s24], [sflag:$0x3] =	stream.linear.gather [hbm4b:s22+s2], $0x80, $0x38;
	[tilespmem:$0x1CF00] =	vst v63  }
0xfd: {  	s22 =	sld [smem:$0x7EA];
	_ =	sdelay $0x1  }
0xfe: {  	s24 =	simm.s32 $0x1B180  }
0xff: {  	[tilespmem:s24], [sflag:$0x3] =	stream.linear.gather [hbm4b:s22+s2], $0x80, $0x38;
	[tilespmem:$0x1CF00] =	vst v63  }
0x100: {  	s22 =	sld [smem:$0x7EB];
	_ =	sdelay $0x1  }
0x101: {  	s24 =	simm.s32 $0x1B280  }
0x102: {  	[tilespmem:s24], [sflag:$0x3] =	stream.linear.gather [hbm4b:s22+s2], $0x80, $0x38;
	[tilespmem:$0x1CF00] =	vst v63  }
0x103: {  	s22 =	sld [smem:$0x7EC];
	_ =	sdelay $0x1  }
0x104: {  	s24 =	simm.s32 $0x1B380  }
0x105: {  	[tilespmem:s24], [sflag:$0x3] =	stream.linear.gather [hbm4b:s22+s2], $0x80, $0x38;
	[tilespmem:$0x1CF00] =	vst v63  }
0x106: {  	s22 =	rddreg [dreg:$0xa];
	s24 =	simm.s32 $0x1B480  }
0x107: {  	[tilespmem:s24], [sflag:$0x3] =	stream.linear.gather [hbm4b:s22+s2], $0x80, $0x38;
	[tilespmem:$0x1CF00] =	vst v63  }
0x108: {  	s22 =	sld [smem:$0x7ED];
	_ =	sdelay $0x1  }
0x109: {  	s24 =	simm.s32 $0x1B580  }
0x10a: {  	[tilespmem:s24], [sflag:$0x3] =	stream.linear.gather [hbm4b:s22+s2], $0x80, $0x38;
	[tilespmem:$0x1CF00] =	vst v63  }
0x10b: {  	s22 =	sld [smem:$0x7EE];
	_ =	sdelay $0x1  }
0x10c: {  	s24 =	simm.s32 $0x1B680  }
0x10d: {  	[tilespmem:s24], [sflag:$0x3] =	stream.linear.gather [hbm4b:s22+s2], $0x80, $0x38;
	[tilespmem:$0x1CF00] =	vst v63  }
0x10e: {  	s22 =	sld [smem:$0x7EF];
	_ =	sdelay $0x1  }
0x10f: {  	s24 =	simm.s32 $0x1B780  }
0x110: {  	[tilespmem:s24], [sflag:$0x3] =	stream.linear.gather [hbm4b:s22+s2], $0x80, $0x38;
	[tilespmem:$0x1CF00] =	vst v63  }
0x111: {  	s22 =	sld [smem:$0x7F0];
	_ =	sdelay $0x1  }
0x112: {  	s24 =	simm.s32 $0x1B880  }
0x113: {  	[tilespmem:s24], [sflag:$0x3] =	stream.linear.gather [hbm4b:s22+s2], $0x80, $0x38;
	[tilespmem:$0x1CF00] =	vst v63  }
0x114: {  	s22 =	sld [smem:$0x7F1];
	_ =	sdelay $0x1  }
0x115: {  	s24 =	simm.s32 $0x1B980  }
0x116: {  	[tilespmem:s24], [sflag:$0x3] =	stream.linear.gather [hbm4b:s22+s2], $0x80, $0x38;
	[tilespmem:$0x1CF00] =	vst v63  }
0x117: {  	s22 =	sld [smem:$0x7F2];
	_ =	sdelay $0x1  }
0x118: {  	s24 =	simm.s32 $0x1BA80  }
0x119: {  	[tilespmem:s24], [sflag:$0x3] =	stream.linear.gather [hbm4b:s22+s2], $0x80, $0x38;
	[tilespmem:$0x1CF00] =	vst v63  }
0x11a: {  	s22 =	sld [smem:$0x7F3];
	_ =	sdelay $0x1  }
0x11b: {  	s24 =	simm.s32 $0x1BB80  }
0x11c: {  	[tilespmem:s24], [sflag:$0x3] =	stream.linear.gather [hbm4b:s22+s2], $0x80, $0x38;
	[tilespmem:$0x1CF00] =	vst v63  }
0x11d: {  	s22 =	sld [smem:$0x7F4];
	_ =	sdelay $0x1  }
0x11e: {  	s24 =	simm.s32 $0x1BC80  }
0x11f: {  	[tilespmem:s24], [sflag:$0x3] =	stream.linear.gather [hbm4b:s22+s2], $0x80, $0x38;
	[tilespmem:$0x1CF00] =	vst v63  }
0x120: {  	s22 =	sld [smem:$0x7F5];
	_ =	sdelay $0x1  }
0x121: {  	s24 =	simm.s32 $0x1BD80  }
0x122: {  	[tilespmem:s24], [sflag:$0x3] =	stream.linear.gather [hbm4b:s22+s2], $0x80, $0x38;
	[tilespmem:$0x1CF00] =	vst v63  }
0x123: {  	s22 =	sld [smem:$0x7F6];
	_ =	sdelay $0x1  }
0x124: {  	s24 =	simm.s32 $0x1BE80  }
0x125: {  	[tilespmem:s24], [sflag:$0x3] =	stream.linear.gather [hbm4b:s22+s2], $0x80, $0x38;
	[tilespmem:$0x1CF00] =	vst v63  }
0x126: {  	s22 =	sld [smem:$0x7F7];
	_ =	sdelay $0x1  }
0x127: {  	s24 =	simm.s32 $0x1BF80  }
0x128: {  	[tilespmem:s24], [sflag:$0x3] =	stream.linear.gather [hbm4b:s22+s2], $0x80, $0x38;
	[tilespmem:$0x1CF00] =	vst v63  }
0x129: {  	s22 =	sld [smem:$0x7F8];
	_ =	sdelay $0x1  }
0x12a: {  	s24 =	simm.s32 $0x1C080  }
0x12b: {  	[tilespmem:s24], [sflag:$0x3] =	stream.linear.gather [hbm4b:s22+s2], $0x80, $0x38;
	[tilespmem:$0x1CF00] =	vst v63  }
0x12c: {  	s22 =	sld [smem:$0x7F9];
	_ =	sdelay $0x1  }
0x12d: {  	s24 =	simm.s32 $0x1C180  }
0x12e: {  	[tilespmem:s24], [sflag:$0x3] =	stream.linear.gather [hbm4b:s22+s2], $0x80, $0x38;
	[tilespmem:$0x1CF00] =	vst v63  }
0x12f: {  	s22 =	sld [smem:$0x7FA];
	_ =	sdelay $0x1  }
0x130: {  	s24 =	simm.s32 $0x1C280  }
0x131: {  	[tilespmem:s24], [sflag:$0x3] =	stream.linear.gather [hbm4b:s22+s2], $0x80, $0x38;
	[tilespmem:$0x1CF00] =	vst v63  }
0x132: {  	s22 =	sld [smem:$0x7FB];
	_ =	sdelay $0x1  }
0x133: {  	s24 =	simm.s32 $0x1C380  }
0x134: {  	[tilespmem:s24], [sflag:$0x3] =	stream.linear.gather [hbm4b:s22+s2], $0x80, $0x38;
	[tilespmem:$0x1CF00] =	vst v63  }
0x135: {  	s22 =	sld [smem:$0x7FC];
	_ =	sdelay $0x1  }
0x136: {  	s24 =	simm.s32 $0x1C480  }
0x137: {  	[tilespmem:s24], [sflag:$0x3] =	stream.linear.gather [hbm4b:s22+s2], $0x80, $0x38;
	[tilespmem:$0x1CF00] =	vst v63  }
0x138: {  	s22 =	sld [smem:$0x7FD];
	_ =	sdelay $0x1  }
0x139: {  	s24 =	simm.s32 $0x1C580  }
0x13a: {  	[tilespmem:s24], [sflag:$0x3] =	stream.linear.gather [hbm4b:s22+s2], $0x80, $0x38;
	[tilespmem:$0x1CF00] =	vst v63  }
0x13b: {  	_ =	swait.ge [sflag:s23], $0x900  }
0x13c: {  	[sflag:s23] =	ssyncset.done $0x0  }
0x13d: {  	[sflag:s23] =	ssyncadd.s32 $0xFFFFF700  }
0x13e: {  	_ =	swait.ge [sflag:s23], $0x900  }
0x13f: {  	[sflag:s23] =	ssyncset.done $0x0  }
0x140: {  	[sflag:s23] =	ssyncadd.s32 $0xFFFFF700  }
0x141: {  	v0 =	vld [tilespmem:s11+$0x60]  }
0x142: {  	v1 =	vld [tilespmem:s11+$0x70]  }
0x143: {  	v2 =	vld [tilespmem:s20+$0x70]  }
0x144: {  	v3 =	vld [tilespmem:s20+$0x60]  }
0x145: {  	v4 =	vld [tilespmem:s11+$0xFFFFFF10]  }
0x146: {  	v5 =	vld [tilespmem:s20+$0xFFFFFF10]  }
0x147: {  	v6 =	vld [tilespmem:s11+$0xFFFFFF20]  }
0x148: {  	v7 =	vld [tilespmem:s11+$0xFFFFFF30]  }
0x149: {  	v8 =	vld [tilespmem:s20+$0xFFFFFF30]  }
0x14a: {  	v9 =	vld [tilespmem:s11+$0xFFFFFF40]  }
0x14b: {  	v10 =	vld [tilespmem:s11+$0xFFFFFF50]  }
0x14c: {  	v11 =	vld [tilespmem:s20+$0xFFFFFF50]  }
0x14d: {  	v12 =	vld [tilespmem:s11+$0xFFFFFF60]  }
0x14e: {  	v13 =	vld [tilespmem:s11+$0xFFFFFF70]  }
0x14f: {  	v14 =	vld [tilespmem:s20+$0xFFFFFF70]  }
0x150: {  	v15 =	vld [tilespmem:s11+$0x0]  }
0x151: {  	v16 =	vld [tilespmem:s11+$0x10]  }
0x152: {  	v17 =	vld [tilespmem:s20+$0x10]  }
0x153: {  	v18 =	vld [tilespmem:s11+$0x20]  }
0x154: {  	v19 =	vld [tilespmem:s11+$0x30];
	v0 =	vshll.u32 v0, $0x7  }
0x155: {  	v23 =	vld [tilespmem:s11+$0x50];
	v1 =	vshll.u32 v1, $0x17;
	v2 =	vshll.u32 v2, $0x10;
	v25 =	vshll.u32 v6, $0x7  }
0x156: {  	v20 =	vld [tilespmem:s20+$0x30];
	v6 =	vshll.u32 v16, $0x17;
	v0 =	vadd.s32 v0, v3;
	v1 =	vadd.s32 v1, v2  }
0x157: {  	v22 =	vld [tilespmem:s11+$0x40];
	v2 =	vshll.u32 v4, $0x17;
	v21 =	vor.u32 v0, v1;
	v0 =	vshll.u32 v5, $0x10  }
0x158: {  	v26 =	vld [tilespmem:s20+$0x50];
	v3 =	vshll.u32 v8, $0x10;
	v1 =	vshll.u32 v7, $0x17;
	v24 =	vadd.s32 v2, v0  }
0x159: {  	v0 =	vadd.s32 v1, v3;
	v2 =	vshll.u32 v10, $0x17;
	v3 =	vshll.u32 v11, $0x10;
	v10 =	vld [tilespmem:s11+$0xFFFFFF00]  }
0x15a: {  	v16 =	vshll.u32 v23, $0x17;
	v2 =	vadd.s32 v2, v3;
	v3 =	vshll.u32 v12, $0x7;
	v12 =	vld [tilespmem:s20+$0xFFFFFF00]  }
0x15b: {  	v4 =	vshll.u32 v13, $0x17;
	v8 =	vshll.u32 v19, $0x17;
	v5 =	vshll.u32 v14, $0x10;
	v14 =	vld [tilespmem:s20+$0xFFFFFF20]  }
0x15c: {  	v7 =	vshll.u32 v17, $0x10;
	v4 =	vadd.s32 v4, v5;
	v5 =	vshll.u32 v15, $0x7;
	v15 =	vld [tilespmem:s20+$0xFFFFFF40]  }
0x15d: {  	v13 =	vld [tilespmem:s20+$0xFFFFFF60];
	v17 =	vshll.u32 v26, $0x10;
	v1 =	vshll.u32 v9, $0x7;
	v6 =	vadd.s32 v6, v7  }
0x15e: {  	v7 =	vshll.u32 v18, $0x7;
	v9 =	vshll.u32 v20, $0x10;
	v11 =	vld [tilespmem:s20+$0x0];
	v10 =	vshll.u32 v10, $0x7  }
0x15f: {  	s29 =	simm.s32 $0x1A300;
	s28 =	simm.s32 $0x1B500;
	s3 =	simm.s32 $0x1C640;
	v8 =	vadd.s32 v8, v9;
	v9 =	vshll.u32 v22, $0x7;
	v18 =	vadd.s32 v10, v12;
	v12 =	vld [tilespmem:s20+$0x20]  }
0x160: {  	s10 =	simm.s32 $0x0;
	[tilespmem:s3+$0x30] =	vst v21;
	s11 =	simm.s32 $0x1A500;
	v10 =	vadd.s32 v16, v17;
	v17 =	vadd.s32 v25, v14;
	v14 =	vld [tilespmem:s20+$0x40];
	s20 =	simm.s32 $0x1B500;
	v16 =	vor.u32 v18, v24  }
.LBB2_2:
0x161: {  	v18 =	vld [tilespmem:s11+$0x60];
	[tilespmem:s3+$0xFFFFFFC0] =	vst v16;
	v0 =	vor.u32 v17, v0;
	v1 =	vadd.s32 v1, v15  }
0x162: {  	s20 =	sadd.s32 $0x200, s20;
	v15 =	vld [tilespmem:s11+$0x70];
	[tilespmem:s3+$0xFFFFFFD0] =	vst v0;
	v0 =	vor.u32 v1, v2;
	v1 =	vadd.s32 v3, v13  }
0x163: {  	s10 =	sadd.s32 $0x100, s10;
	v2 =	vld [tilespmem:s20+$0x70];
	[tilespmem:s3+$0xFFFFFFE0] =	vst v0;
	v0 =	vor.u32 v1, v4;
	v1 =	vadd.s32 v5, v11  }
0x164: {  	p0 =	slt.u32 s10, $0x800;
	v3 =	vld [tilespmem:s20+$0x60];
	[tilespmem:s3+$0xFFFFFFF0] =	vst v0;
	v0 =	vor.u32 v1, v6;
	v1 =	vadd.s32 v7, v12  }
0x165: {  	v4 =	vld [tilespmem:s11+$0xFFFFFF10];
	[tilespmem:s3+$0x0] =	vst v0;
	v0 =	vor.u32 v1, v8;
	v1 =	vadd.s32 v9, v14  }
0x166: {  	v5 =	vld [tilespmem:s20+$0xFFFFFF10];
	[tilespmem:s3+$0x10] =	vst v0;
	v0 =	vor.u32 v1, v10  }
0x167: {  	v1 =	vld [tilespmem:s11+$0xFFFFFF20];
	[tilespmem:s3+$0x20] =	vst v0  }
0x168: {  	v6 =	vshll.u32 v18, $0x7;
	v7 =	vshll.u32 v15, $0x17;
	v0 =	vld [tilespmem:s11+$0xFFFFFF30];
	v2 =	vshll.u32 v2, $0x10  }
0x169: {  	v8 =	vld [tilespmem:s20+$0xFFFFFF30];
	v3 =	vadd.s32 v6, v3;
	v2 =	vadd.s32 v7, v2  }
0x16a: {  	s3 =	sadd.s32 $0x100, s3;
	v4 =	vshll.u32 v4, $0x17;
	v6 =	vld [tilespmem:s11+$0xFFFFFF40];
	v2 =	vor.u32 v3, v2  }
0x16b: {  	v3 =	vshll.u32 v5, $0x10;
	v5 =	vld [tilespmem:s11+$0xFFFFFF50];
	[tilespmem:s3+$0x30] =	vst v2  }
0x16c: {  	v14 =	vadd.s32 v4, v3;
	v17 =	vshll.u32 v1, $0x7;
	v2 =	vld [tilespmem:s20+$0xFFFFFF50]  }
0x16d: {  	v0 =	vshll.u32 v0, $0x17;
	v3 =	vld [tilespmem:s11+$0xFFFFFF60]  }
0x16e: {  	v1 =	vshll.u32 v8, $0x10;
	v4 =	vld [tilespmem:s11+$0xFFFFFF70]  }
0x16f: {  	v0 =	vadd.s32 v0, v1;
	v1 =	vshll.u32 v6, $0x7;
	v6 =	vld [tilespmem:s20+$0xFFFFFF70]  }
0x170: {  	v5 =	vshll.u32 v5, $0x17;
	v7 =	vld [tilespmem:s11+$0x0]  }
0x171: {  	v2 =	vshll.u32 v2, $0x10;
	v8 =	vld [tilespmem:s11+$0x10]  }
0x172: {  	v2 =	vadd.s32 v5, v2;
	v3 =	vshll.u32 v3, $0x7;
	v9 =	vld [tilespmem:s20+$0x10]  }
0x173: {  	v4 =	vshll.u32 v4, $0x17;
	v10 =	vld [tilespmem:s11+$0x20]  }
0x174: {  	v5 =	vshll.u32 v6, $0x10;
	v11 =	vld [tilespmem:s11+$0x30]  }
0x175: {  	v4 =	vadd.s32 v4, v5;
	v5 =	vshll.u32 v7, $0x7;
	v12 =	vld [tilespmem:s20+$0x30]  }
0x176: {  	v6 =	vshll.u32 v8, $0x17;
	v13 =	vld [tilespmem:s11+$0x40]  }
0x177: {  	v7 =	vshll.u32 v9, $0x10;
	v16 =	vld [tilespmem:s11+$0x50]  }
0x178: {  	v6 =	vadd.s32 v6, v7;
	v7 =	vshll.u32 v10, $0x7;
	v10 =	vld [tilespmem:s20+$0x50]  }
0x179: {  	v18 =	vld [tilespmem:s11+$0xFFFFFF00];
	v8 =	vshll.u32 v11, $0x17  }
0x17a: {  	v19 =	vld [tilespmem:s20+$0xFFFFFF00];
	v9 =	vshll.u32 v12, $0x10  }
0x17b: {  	v20 =	vld [tilespmem:s20+$0xFFFFFF20];
	v8 =	vadd.s32 v8, v9;
	v9 =	vshll.u32 v13, $0x7  }
.Ltmp0:
0x17c: {  	v15 =	vld [tilespmem:s20+$0xFFFFFF40];
	v12 =	vshll.u32 v16, $0x17;
	(pc) =	sbr.rel @p0 .LBB2_2-.Ltmp0, $4  }
0x17d: {  	v13 =	vld [tilespmem:s20+$0xFFFFFF60];
	v10 =	vshll.u32 v10, $0x10  }
0x17e: {  	v16 =	vshll.u32 v18, $0x7;
	v11 =	vld [tilespmem:s20+$0x0];
	v10 =	vadd.s32 v12, v10  }
0x17f: {  	v16 =	vadd.s32 v16, v19;
	v12 =	vld [tilespmem:s20+$0x20]  }
0x180: {  	s11 =	sadd.s32 $0x200, s11;
	v16 =	vor.u32 v16, v14;
	v17 =	vadd.s32 v17, v20;
	v14 =	vld [tilespmem:s20+$0x40]  }
0x181: {  	[tilespmem:s3+$0xFFFFFFC0] =	vst v16;
	v0 =	vor.u32 v17, v0;
	v1 =	vadd.s32 v1, v15  }
0x182: {  	[tilespmem:s3+$0xFFFFFFD0] =	vst v0;
	v0 =	vor.u32 v1, v2;
	v1 =	vadd.s32 v3, v13  }
0x183: {  	[tilespmem:s3+$0xFFFFFFE0] =	vst v0;
	v0 =	vor.u32 v1, v4;
	v1 =	vadd.s32 v5, v11  }
0x184: {  	[tilespmem:s3+$0xFFFFFFF0] =	vst v0;
	v0 =	vor.u32 v1, v6;
	v1 =	vadd.s32 v7, v12  }
0x185: {  	[tilespmem:s3+$0x0] =	vst v0;
	v0 =	vor.u32 v1, v8;
	v1 =	vadd.s32 v9, v14  }
0x186: {  	[tilespmem:s3+$0x10] =	vst v0;
	v0 =	vor.u32 v1, v10  }
0x187: {  	[tilespmem:s3+$0x20] =	vst v0  }
0x188: {  	s24 =	simm.s32 $0x1A200;
	s10 =	rddreg [dreg:$0xc]  }
0x189: {  	[tilespmem:s24], [sflag:$0x2] =	stream.linear.gather [hbm4b:s10+s2], $0x80, $0x38;
	[tilespmem:$0x1CF00] =	vst v63  }
0x18a: {  	s11 =	sadd.s32 $0x80, s10  }
0x18b: {  	[tilespmem:s29], [sflag:$0x2] =	stream.linear.gather [hbm4b:s11+s2], $0x80, $0x38;
	[tilespmem:$0x1CF00] =	vst v63  }
0x18c: {  	s20 =	sadd.s32 $0x100, s10;
	s11 =	simm.s32 $0x1A400  }
0x18d: {  	[tilespmem:s11], [sflag:$0x2] =	stream.linear.gather [hbm4b:s20+s2], $0x80, $0x38;
	[tilespmem:$0x1CF00] =	vst v63  }
0x18e: {  	s22 =	sadd.s32 $0x180, s10;
	s24 =	simm.s32 $0x1A500  }
0x18f: {  	[tilespmem:s24], [sflag:$0x2] =	stream.linear.gather [hbm4b:s22+s2], $0x80, $0x38;
	[tilespmem:$0x1CF00] =	vst v63  }
0x190: {  	s11 =	sadd.s32 $0x200, s10;
	s20 =	simm.s32 $0x1A600  }
0x191: {  	[tilespmem:s20], [sflag:$0x2] =	stream.linear.gather [hbm4b:s11+s2], $0x80, $0x38;
	[tilespmem:$0x1CF00] =	vst v63  }
0x192: {  	s22 =	sadd.s32 $0x280, s10;
	s24 =	simm.s32 $0x1A700  }
0x193: {  	[tilespmem:s24], [sflag:$0x2] =	stream.linear.gather [hbm4b:s22+s2], $0x80, $0x38;
	[tilespmem:$0x1CF00] =	vst v63  }
0x194: {  	s11 =	sadd.s32 $0x300, s10;
	s20 =	simm.s32 $0x1A800  }
0x195: {  	[tilespmem:s20], [sflag:$0x2] =	stream.linear.gather [hbm4b:s11+s2], $0x80, $0x38;
	[tilespmem:$0x1CF00] =	vst v63  }
0x196: {  	s22 =	sadd.s32 $0x380, s10;
	s24 =	simm.s32 $0x1A900  }
0x197: {  	[tilespmem:s24], [sflag:$0x2] =	stream.linear.gather [hbm4b:s22+s2], $0x80, $0x38;
	[tilespmem:$0x1CF00] =	vst v63  }
0x198: {  	s11 =	sadd.s32 $0x400, s10;
	s20 =	simm.s32 $0x1AA00  }
0x199: {  	[tilespmem:s20], [sflag:$0x2] =	stream.linear.gather [hbm4b:s11+s2], $0x80, $0x38;
	[tilespmem:$0x1CF00] =	vst v63  }
0x19a: {  	s22 =	sadd.s32 $0x480, s10;
	s24 =	simm.s32 $0x1AB00  }
0x19b: {  	[tilespmem:s24], [sflag:$0x2] =	stream.linear.gather [hbm4b:s22+s2], $0x80, $0x38;
	[tilespmem:$0x1CF00] =	vst v63  }
0x19c: {  	s11 =	sadd.s32 $0x500, s10;
	s20 =	simm.s32 $0x1AC00  }
0x19d: {  	[tilespmem:s20], [sflag:$0x2] =	stream.linear.gather [hbm4b:s11+s2], $0x80, $0x38;
	[tilespmem:$0x1CF00] =	vst v63  }
0x19e: {  	s22 =	sadd.s32 $0x580, s10;
	s24 =	simm.s32 $0x1AD00  }
0x19f: {  	[tilespmem:s24], [sflag:$0x2] =	stream.linear.gather [hbm4b:s22+s2], $0x80, $0x38;
	[tilespmem:$0x1CF00] =	vst v63  }
0x1a0: {  	s11 =	sadd.s32 $0x600, s10;
	s20 =	simm.s32 $0x1AE00  }
0x1a1: {  	[tilespmem:s20], [sflag:$0x2] =	stream.linear.gather [hbm4b:s11+s2], $0x80, $0x38;
	[tilespmem:$0x1CF00] =	vst v63  }
0x1a2: {  	s22 =	sadd.s32 $0x680, s10;
	s24 =	simm.s32 $0x1AF00  }
0x1a3: {  	[tilespmem:s24], [sflag:$0x2] =	stream.linear.gather [hbm4b:s22+s2], $0x80, $0x38;
	[tilespmem:$0x1CF00] =	vst v63  }
0x1a4: {  	s11 =	sadd.s32 $0x700, s10;
	s20 =	simm.s32 $0x1B000  }
0x1a5: {  	[tilespmem:s20], [sflag:$0x2] =	stream.linear.gather [hbm4b:s11+s2], $0x80, $0x38;
	[tilespmem:$0x1CF00] =	vst v63  }
0x1a6: {  	s22 =	sadd.s32 $0x780, s10;
	s24 =	simm.s32 $0x1B100  }
0x1a7: {  	[tilespmem:s24], [sflag:$0x2] =	stream.linear.gather [hbm4b:s22+s2], $0x80, $0x38;
	[tilespmem:$0x1CF00] =	vst v63  }
0x1a8: {  	s11 =	sadd.s32 $0x800, s10;
	s20 =	simm.s32 $0x1B200  }
0x1a9: {  	[tilespmem:s20], [sflag:$0x2] =	stream.linear.gather [hbm4b:s11+s2], $0x80, $0x38;
	[tilespmem:$0x1CF00] =	vst v63  }
0x1aa: {  	s22 =	sadd.s32 $0x880, s10;
	s24 =	simm.s32 $0x1B300  }
0x1ab: {  	[tilespmem:s24], [sflag:$0x2] =	stream.linear.gather [hbm4b:s22+s2], $0x80, $0x38;
	[tilespmem:$0x1CF00] =	vst v63  }
0x1ac: {  	s10 =	rddreg [dreg:$0xe];
	s11 =	simm.s32 $0x1B400  }
0x1ad: {  	[tilespmem:s11], [sflag:$0x2] =	stream.linear.gather [hbm4b:s10+s2], $0x80, $0x38;
	[tilespmem:$0x1CF00] =	vst v63  }
0x1ae: {  	s20 =	sadd.s32 $0x80, s10  }
0x1af: {  	[tilespmem:s28], [sflag:$0x2] =	stream.linear.gather [hbm4b:s20+s2], $0x80, $0x38;
	[tilespmem:$0x1CF00] =	vst v63  }
0x1b0: {  	s22 =	sadd.s32 $0x100, s10;
	s24 =	simm.s32 $0x1B600  }
0x1b1: {  	[tilespmem:s24], [sflag:$0x2] =	stream.linear.gather [hbm4b:s22+s2], $0x80, $0x38;
	[tilespmem:$0x1CF00] =	vst v63  }
0x1b2: {  	s11 =	sadd.s32 $0x180, s10;
	s20 =	simm.s32 $0x1B700  }
0x1b3: {  	[tilespmem:s20], [sflag:$0x2] =	stream.linear.gather [hbm4b:s11+s2], $0x80, $0x38;
	[tilespmem:$0x1CF00] =	vst v63  }
0x1b4: {  	s22 =	sadd.s32 $0x200, s10;
	s24 =	simm.s32 $0x1B800  }
0x1b5: {  	[tilespmem:s24], [sflag:$0x2] =	stream.linear.gather [hbm4b:s22+s2], $0x80, $0x38;
	[tilespmem:$0x1CF00] =	vst v63  }
0x1b6: {  	s11 =	sadd.s32 $0x280, s10;
	s20 =	simm.s32 $0x1B900  }
0x1b7: {  	[tilespmem:s20], [sflag:$0x2] =	stream.linear.gather [hbm4b:s11+s2], $0x80, $0x38;
	[tilespmem:$0x1CF00] =	vst v63  }
0x1b8: {  	s22 =	sadd.s32 $0x300, s10;
	s24 =	simm.s32 $0x1BA00  }
0x1b9: {  	[tilespmem:s24], [sflag:$0x2] =	stream.linear.gather [hbm4b:s22+s2], $0x80, $0x38;
	[tilespmem:$0x1CF00] =	vst v63  }
0x1ba: {  	s11 =	sadd.s32 $0x380, s10;
	s20 =	simm.s32 $0x1BB00  }
0x1bb: {  	[tilespmem:s20], [sflag:$0x2] =	stream.linear.gather [hbm4b:s11+s2], $0x80, $0x38;
	[tilespmem:$0x1CF00] =	vst v63  }
0x1bc: {  	s22 =	sadd.s32 $0x400, s10;
	s24 =	simm.s32 $0x1BC00  }
0x1bd: {  	[tilespmem:s24], [sflag:$0x2] =	stream.linear.gather [hbm4b:s22+s2], $0x80, $0x38;
	[tilespmem:$0x1CF00] =	vst v63  }
0x1be: {  	s11 =	sadd.s32 $0x480, s10;
	s20 =	simm.s32 $0x1BD00  }
0x1bf: {  	[tilespmem:s20], [sflag:$0x2] =	stream.linear.gather [hbm4b:s11+s2], $0x80, $0x38;
	[tilespmem:$0x1CF00] =	vst v63  }
0x1c0: {  	s22 =	sadd.s32 $0x500, s10;
	s24 =	simm.s32 $0x1BE00  }
0x1c1: {  	[tilespmem:s24], [sflag:$0x2] =	stream.linear.gather [hbm4b:s22+s2], $0x80, $0x38;
	[tilespmem:$0x1CF00] =	vst v63  }
0x1c2: {  	s11 =	sadd.s32 $0x580, s10;
	s20 =	simm.s32 $0x1BF00  }
0x1c3: {  	[tilespmem:s20], [sflag:$0x2] =	stream.linear.gather [hbm4b:s11+s2], $0x80, $0x38;
	[tilespmem:$0x1CF00] =	vst v63  }
0x1c4: {  	s22 =	sadd.s32 $0x600, s10;
	s24 =	simm.s32 $0x1C000  }
0x1c5: {  	[tilespmem:s24], [sflag:$0x2] =	stream.linear.gather [hbm4b:s22+s2], $0x80, $0x38;
	[tilespmem:$0x1CF00] =	vst v63  }
0x1c6: {  	s11 =	sadd.s32 $0x680, s10;
	s20 =	simm.s32 $0x1C100  }
0x1c7: {  	[tilespmem:s20], [sflag:$0x2] =	stream.linear.gather [hbm4b:s11+s2], $0x80, $0x38;
	[tilespmem:$0x1CF00] =	vst v63  }
0x1c8: {  	s22 =	sadd.s32 $0x700, s10;
	s24 =	simm.s32 $0x1C200  }
0x1c9: {  	[tilespmem:s24], [sflag:$0x2] =	stream.linear.gather [hbm4b:s22+s2], $0x80, $0x38;
	[tilespmem:$0x1CF00] =	vst v63  }
0x1ca: {  	s11 =	sadd.s32 $0x780, s10;
	s20 =	simm.s32 $0x1C300  }
0x1cb: {  	[tilespmem:s20], [sflag:$0x2] =	stream.linear.gather [hbm4b:s11+s2], $0x80, $0x38;
	[tilespmem:$0x1CF00] =	vst v63  }
0x1cc: {  	s22 =	sadd.s32 $0x800, s10;
	s24 =	simm.s32 $0x1C400  }
0x1cd: {  	[tilespmem:s24], [sflag:$0x2] =	stream.linear.gather [hbm4b:s22+s2], $0x80, $0x38;
	[tilespmem:$0x1CF00] =	vst v63  }
0x1ce: {  	s10 =	sadd.s32 $0x880, s10;
	s11 =	simm.s32 $0x1C500  }
0x1cf: {  	[tilespmem:s11], [sflag:$0x2] =	stream.linear.gather [hbm4b:s10+s2], $0x80, $0x38;
	[tilespmem:$0x1CF00] =	vst v63  }
0x1d0: {  	s20 =	simm.s32 $0x1C600;
	s10 =	rddreg [dreg:$0xf]  }
0x1d1: {  	[hbm4b:s10+s2] =	stream.linear.scatter [tilespmem:s20], [sflag:$0x4], $0x80, $0x38;
	[tilespmem:$0x1CF00] =	vst v63  }
0x1d2: {  	s24 =	simm.s32 $0x1C700;
	s22 =	sadd.s32 $0x40, s10  }
0x1d3: {  	[hbm4b:s22+s2] =	stream.linear.scatter [tilespmem:s24], [sflag:$0x4], $0x80, $0x38;
	[tilespmem:$0x1CF00] =	vst v63  }
0x1d4: {  	s11 =	sadd.s32 $0x80, s10;
	s20 =	simm.s32 $0x1C800  }
0x1d5: {  	[hbm4b:s11+s2] =	stream.linear.scatter [tilespmem:s20], [sflag:$0x4], $0x80, $0x38;
	[tilespmem:$0x1CF00] =	vst v63  }
0x1d6: {  	s22 =	sadd.s32 $0xC0, s10;
	s24 =	simm.s32 $0x1C900  }
0x1d7: {  	[hbm4b:s22+s2] =	stream.linear.scatter [tilespmem:s24], [sflag:$0x4], $0x80, $0x38;
	[tilespmem:$0x1CF00] =	vst v63  }
0x1d8: {  	s11 =	sadd.s32 $0x100, s10;
	s20 =	simm.s32 $0x1CA00  }
0x1d9: {  	[hbm4b:s11+s2] =	stream.linear.scatter [tilespmem:s20], [sflag:$0x4], $0x80, $0x38;
	[tilespmem:$0x1CF00] =	vst v63  }
0x1da: {  	s22 =	sadd.s32 $0x140, s10;
	s24 =	simm.s32 $0x1CB00  }
0x1db: {  	[hbm4b:s22+s2] =	stream.linear.scatter [tilespmem:s24], [sflag:$0x4], $0x80, $0x38;
	[tilespmem:$0x1CF00] =	vst v63  }
0x1dc: {  	s11 =	sadd.s32 $0x180, s10;
	s20 =	simm.s32 $0x1CC00  }
0x1dd: {  	[hbm4b:s11+s2] =	stream.linear.scatter [tilespmem:s20], [sflag:$0x4], $0x80, $0x38;
	[tilespmem:$0x1CF00] =	vst v63  }
0x1de: {  	s22 =	sadd.s32 $0x1C0, s10;
	s24 =	simm.s32 $0x1CD00  }
0x1df: {  	[hbm4b:s22+s2] =	stream.linear.scatter [tilespmem:s24], [sflag:$0x4], $0x80, $0x38;
	[tilespmem:$0x1CF00] =	vst v63  }
0x1e0: {  	s20 =	sadd.s32 $0x200, s10;
	s22 =	simm.s32 $0x1CE00  }
0x1e1: {  	[hbm4b:s20+s2] =	stream.linear.scatter [tilespmem:s22], [sflag:$0x4], $0x80, $0x38;
	[tilespmem:$0x1CF00] =	vst v63  }
0x1e2: {  	_ =	swait.ge [sflag:s8], $0x900  }
0x1e3: {  	[sflag:s8] =	ssyncset.done $0x0  }
0x1e4: {  	[sflag:s8] =	ssyncadd.s32 $0xFFFFF700  }
0x1e5: {  	_ =	swait.ge [sflag:s8], $0x900  }
0x1e6: {  	[sflag:s8] =	ssyncset.done $0x0  }
0x1e7: {  	s24 =	simm.s32 $0x1A380;
	[sflag:s8] =	ssyncadd.s32 $0xFFFFF700  }
0x1e8: {  	v0 =	vld [tilespmem:s24+$0x60]  }
0x1e9: {  	s3 =	simm.s32 $0x1B580;
	v1 =	vld [tilespmem:s24+$0x70]  }
0x1ea: {  	v2 =	vld [tilespmem:s3+$0x70]  }
0x1eb: {  	v3 =	vld [tilespmem:s3+$0x60]  }
0x1ec: {  	v4 =	vld [tilespmem:s24+$0xFFFFFF10]  }
0x1ed: {  	v5 =	vld [tilespmem:s3+$0xFFFFFF10]  }
0x1ee: {  	v6 =	vld [tilespmem:s24+$0xFFFFFF20]  }
0x1ef: {  	v7 =	vld [tilespmem:s24+$0xFFFFFF30]  }
0x1f0: {  	v8 =	vld [tilespmem:s3+$0xFFFFFF30]  }
0x1f1: {  	v9 =	vld [tilespmem:s24+$0xFFFFFF40]  }
0x1f2: {  	v10 =	vld [tilespmem:s24+$0xFFFFFF50]  }
0x1f3: {  	v11 =	vld [tilespmem:s3+$0xFFFFFF50]  }
0x1f4: {  	v12 =	vld [tilespmem:s24+$0xFFFFFF60]  }
0x1f5: {  	v13 =	vld [tilespmem:s24+$0xFFFFFF70]  }
0x1f6: {  	v14 =	vld [tilespmem:s3+$0xFFFFFF70]  }
0x1f7: {  	v15 =	vld [tilespmem:s24+$0x0]  }
0x1f8: {  	v16 =	vld [tilespmem:s24+$0x10]  }
0x1f9: {  	v17 =	vld [tilespmem:s3+$0x10]  }
0x1fa: {  	v18 =	vld [tilespmem:s24+$0x20]  }
0x1fb: {  	v19 =	vld [tilespmem:s24+$0x30];
	v0 =	vshll.u32 v0, $0x7  }
0x1fc: {  	v23 =	vld [tilespmem:s24+$0x50];
	v1 =	vshll.u32 v1, $0x17;
	v2 =	vshll.u32 v2, $0x10;
	v25 =	vshll.u32 v6, $0x7  }
0x1fd: {  	v20 =	vld [tilespmem:s3+$0x30];
	v6 =	vshll.u32 v16, $0x17;
	v0 =	vadd.s32 v0, v3;
	v1 =	vadd.s32 v1, v2  }
0x1fe: {  	v22 =	vld [tilespmem:s24+$0x40];
	v2 =	vshll.u32 v4, $0x17;
	v21 =	vor.u32 v0, v1;
	v0 =	vshll.u32 v5, $0x10  }
0x1ff: {  	v26 =	vld [tilespmem:s3+$0x50];
	v3 =	vshll.u32 v8, $0x10;
	v1 =	vshll.u32 v7, $0x17;
	v24 =	vadd.s32 v2, v0  }
0x200: {  	v0 =	vadd.s32 v1, v3;
	v2 =	vshll.u32 v10, $0x17;
	v3 =	vshll.u32 v11, $0x10;
	v10 =	vld [tilespmem:s24+$0xFFFFFF00]  }
0x201: {  	v16 =	vshll.u32 v23, $0x17;
	v2 =	vadd.s32 v2, v3;
	v3 =	vshll.u32 v12, $0x7;
	v12 =	vld [tilespmem:s3+$0xFFFFFF00]  }
0x202: {  	v4 =	vshll.u32 v13, $0x17;
	v8 =	vshll.u32 v19, $0x17;
	v5 =	vshll.u32 v14, $0x10;
	v14 =	vld [tilespmem:s3+$0xFFFFFF20]  }
0x203: {  	v7 =	vshll.u32 v17, $0x10;
	v4 =	vadd.s32 v4, v5;
	v5 =	vshll.u32 v15, $0x7;
	v15 =	vld [tilespmem:s3+$0xFFFFFF40]  }
0x204: {  	v13 =	vld [tilespmem:s3+$0xFFFFFF60];
	v17 =	vshll.u32 v26, $0x10;
	v1 =	vshll.u32 v9, $0x7;
	v6 =	vadd.s32 v6, v7  }
0x205: {  	v7 =	vshll.u32 v18, $0x7;
	v9 =	vshll.u32 v20, $0x10;
	v11 =	vld [tilespmem:s3+$0x0];
	v10 =	vshll.u32 v10, $0x7  }
0x206: {  	s10 =	simm.s32 $0x1C6F0;
	v8 =	vadd.s32 v8, v9;
	v9 =	vshll.u32 v22, $0x7;
	v18 =	vadd.s32 v10, v12;
	v12 =	vld [tilespmem:s3+$0x20]  }
0x207: {  	s11 =	simm.s32 $0x0;
	s20 =	simm.s32 $0x1A580;
	[tilespmem:s10+$0x0] =	vst v21;
	v10 =	vadd.s32 v16, v17;
	v17 =	vadd.s32 v25, v14;
	v14 =	vld [tilespmem:s3+$0x40];
	v16 =	vor.u32 v18, v24  }
.LBB2_4:
0x208: {  	v18 =	vld [tilespmem:s20+$0x60];
	[tilespmem:s10+$0xFFFFFF90] =	vst v16;
	v0 =	vor.u32 v17, v0;
	v1 =	vadd.s32 v1, v15  }
0x209: {  	s3 =	sadd.s32 $0x200, s3;
	v15 =	vld [tilespmem:s20+$0x70];
	[tilespmem:s10+$0xFFFFFFA0] =	vst v0;
	v0 =	vor.u32 v1, v2;
	v1 =	vadd.s32 v3, v13  }
0x20a: {  	s11 =	sadd.s32 $0x100, s11;
	v2 =	vld [tilespmem:s3+$0x70];
	[tilespmem:s10+$0xFFFFFFB0] =	vst v0;
	v0 =	vor.u32 v1, v4;
	v1 =	vadd.s32 v5, v11  }
0x20b: {  	p0 =	slt.u32 s11, $0x800;
	v3 =	vld [tilespmem:s3+$0x60];
	[tilespmem:s10+$0xFFFFFFC0] =	vst v0;
	v0 =	vor.u32 v1, v6;
	v1 =	vadd.s32 v7, v12  }
0x20c: {  	v4 =	vld [tilespmem:s20+$0xFFFFFF10];
	[tilespmem:s10+$0xFFFFFFD0] =	vst v0;
	v0 =	vor.u32 v1, v8;
	v1 =	vadd.s32 v9, v14  }
0x20d: {  	v5 =	vld [tilespmem:s3+$0xFFFFFF10];
	[tilespmem:s10+$0xFFFFFFE0] =	vst v0;
	v0 =	vor.u32 v1, v10  }
0x20e: {  	v1 =	vld [tilespmem:s20+$0xFFFFFF20];
	[tilespmem:s10+$0xFFFFFFF0] =	vst v0  }
0x20f: {  	v6 =	vshll.u32 v18, $0x7;
	v7 =	vshll.u32 v15, $0x17;
	v0 =	vld [tilespmem:s20+$0xFFFFFF30];
	v2 =	vshll.u32 v2, $0x10  }
0x210: {  	v8 =	vld [tilespmem:s3+$0xFFFFFF30];
	v3 =	vadd.s32 v6, v3;
	v2 =	vadd.s32 v7, v2  }
0x211: {  	s10 =	sadd.s32 $0x100, s10;
	v4 =	vshll.u32 v4, $0x17;
	v6 =	vld [tilespmem:s20+$0xFFFFFF40];
	v2 =	vor.u32 v3, v2  }
0x212: {  	v3 =	vshll.u32 v5, $0x10;
	v5 =	vld [tilespmem:s20+$0xFFFFFF50];
	[tilespmem:s10+$0x0] =	vst v2  }
0x213: {  	v14 =	vadd.s32 v4, v3;
	v17 =	vshll.u32 v1, $0x7;
	v2 =	vld [tilespmem:s3+$0xFFFFFF50]  }
0x214: {  	v0 =	vshll.u32 v0, $0x17;
	v3 =	vld [tilespmem:s20+$0xFFFFFF60]  }
0x215: {  	v1 =	vshll.u32 v8, $0x10;
	v4 =	vld [tilespmem:s20+$0xFFFFFF70]  }
0x216: {  	v0 =	vadd.s32 v0, v1;
	v1 =	vshll.u32 v6, $0x7;
	v6 =	vld [tilespmem:s3+$0xFFFFFF70]  }
0x217: {  	v5 =	vshll.u32 v5, $0x17;
	v7 =	vld [tilespmem:s20+$0x0]  }
0x218: {  	v2 =	vshll.u32 v2, $0x10;
	v8 =	vld [tilespmem:s20+$0x10]  }
0x219: {  	v2 =	vadd.s32 v5, v2;
	v3 =	vshll.u32 v3, $0x7;
	v9 =	vld [tilespmem:s3+$0x10]  }
0x21a: {  	v4 =	vshll.u32 v4, $0x17;
	v10 =	vld [tilespmem:s20+$0x20]  }
0x21b: {  	v5 =	vshll.u32 v6, $0x10;
	v11 =	vld [tilespmem:s20+$0x30]  }
0x21c: {  	v4 =	vadd.s32 v4, v5;
	v5 =	vshll.u32 v7, $0x7;
	v12 =	vld [tilespmem:s3+$0x30]  }
0x21d: {  	v6 =	vshll.u32 v8, $0x17;
	v13 =	vld [tilespmem:s20+$0x40]  }
0x21e: {  	v7 =	vshll.u32 v9, $0x10;
	v16 =	vld [tilespmem:s20+$0x50]  }
0x21f: {  	v6 =	vadd.s32 v6, v7;
	v7 =	vshll.u32 v10, $0x7;
	v10 =	vld [tilespmem:s3+$0x50]  }
0x220: {  	v18 =	vld [tilespmem:s20+$0xFFFFFF00];
	v8 =	vshll.u32 v11, $0x17  }
0x221: {  	v19 =	vld [tilespmem:s3+$0xFFFFFF00];
	v9 =	vshll.u32 v12, $0x10  }
0x222: {  	v20 =	vld [tilespmem:s3+$0xFFFFFF20];
	v8 =	vadd.s32 v8, v9;
	v9 =	vshll.u32 v13, $0x7  }
.Ltmp1:
0x223: {  	v15 =	vld [tilespmem:s3+$0xFFFFFF40];
	v12 =	vshll.u32 v16, $0x17;
	(pc) =	sbr.rel @p0 .LBB2_4-.Ltmp1, $4  }
0x224: {  	v13 =	vld [tilespmem:s3+$0xFFFFFF60];
	v10 =	vshll.u32 v10, $0x10  }
0x225: {  	v16 =	vshll.u32 v18, $0x7;
	v11 =	vld [tilespmem:s3+$0x0];
	v10 =	vadd.s32 v12, v10  }
0x226: {  	v16 =	vadd.s32 v16, v19;
	v12 =	vld [tilespmem:s3+$0x20]  }
0x227: {  	s20 =	sadd.s32 $0x200, s20;
	v16 =	vor.u32 v16, v14;
	v17 =	vadd.s32 v17, v20;
	v14 =	vld [tilespmem:s3+$0x40]  }
0x228: {  	[tilespmem:s10+$0xFFFFFF90] =	vst v16;
	v0 =	vor.u32 v17, v0;
	v1 =	vadd.s32 v1, v15  }
0x229: {  	[tilespmem:s10+$0xFFFFFFA0] =	vst v0;
	v55 =	vor.u32 v1, v2;
	v56 =	vadd.s32 v3, v13  }
0x22a: {  	[tilespmem:s10+$0xFFFFFFB0] =	vst v55;
	v57 =	vor.u32 v56, v4;
	v58 =	vadd.s32 v5, v11  }
0x22b: {  	[tilespmem:s10+$0xFFFFFFC0] =	vst v57;
	v59 =	vor.u32 v58, v6;
	v60 =	vadd.s32 v7, v12  }
0x22c: {  	[tilespmem:s10+$0xFFFFFFD0] =	vst v59;
	v61 =	vor.u32 v60, v8;
	v62 =	vadd.s32 v9, v14  }
0x22d: {  	[tilespmem:s10+$0xFFFFFFE0] =	vst v61;
	v63 =	vor.u32 v62, v10  }
0x22e: {  	[tilespmem:s10+$0xFFFFFFF0] =	vst v63  }
0x22f: {  	s3 =	simm.s32 $0x1A280;
	s10 =	rddreg [dreg:$0x10]  }
0x230: {  	[tilespmem:s3], [sflag:$0x3] =	stream.linear.gather [hbm4b:s10+s2], $0x80, $0x38;
	[tilespmem:$0x1CF00] =	vst v63  }
0x231: {  	s11 =	simm.s32 $0x1A380;
	s20 =	sadd.s32 $0x80, s10  }
0x232: {  	[tilespmem:s11], [sflag:$0x3] =	stream.linear.gather [hbm4b:s20+s2], $0x80, $0x38;
	[tilespmem:$0x1CF00] =	vst v63  }
0x233: {  	s24 =	simm.s32 $0x1A480;
	s22 =	sadd.s32 $0x100, s10  }
0x234: {  	[tilespmem:s24], [sflag:$0x3] =	stream.linear.gather [hbm4b:s22+s2], $0x80, $0x38;
	[tilespmem:$0x1CF00] =	vst v63  }
0x235: {  	s11 =	sadd.s32 $0x180, s10;
	s20 =	simm.s32 $0x1A580  }
0x236: {  	[tilespmem:s20], [sflag:$0x3] =	stream.linear.gather [hbm4b:s11+s2], $0x80, $0x38;
	[tilespmem:$0x1CF00] =	vst v63  }
0x237: {  	s22 =	sadd.s32 $0x200, s10;
	s24 =	simm.s32 $0x1A680  }
0x238: {  	[tilespmem:s24], [sflag:$0x3] =	stream.linear.gather [hbm4b:s22+s2], $0x80, $0x38;
	[tilespmem:$0x1CF00] =	vst v63  }
0x239: {  	s11 =	sadd.s32 $0x280, s10;
	s20 =	simm.s32 $0x1A780  }
0x23a: {  	[tilespmem:s20], [sflag:$0x3] =	stream.linear.gather [hbm4b:s11+s2], $0x80, $0x38;
	[tilespmem:$0x1CF00] =	vst v63  }
0x23b: {  	s22 =	sadd.s32 $0x300, s10;
	s24 =	simm.s32 $0x1A880  }
0x23c: {  	[tilespmem:s24], [sflag:$0x3] =	stream.linear.gather [hbm4b:s22+s2], $0x80, $0x38;
	[tilespmem:$0x1CF00] =	vst v63  }
0x23d: {  	s11 =	sadd.s32 $0x380, s10;
	s20 =	simm.s32 $0x1A980  }
0x23e: {  	[tilespmem:s20], [sflag:$0x3] =	stream.linear.gather [hbm4b:s11+s2], $0x80, $0x38;
	[tilespmem:$0x1CF00] =	vst v63  }
0x23f: {  	s22 =	sadd.s32 $0x400, s10;
	s24 =	simm.s32 $0x1AA80  }
0x240: {  	[tilespmem:s24], [sflag:$0x3] =	stream.linear.gather [hbm4b:s22+s2], $0x80, $0x38;
	[tilespmem:$0x1CF00] =	vst v63  }
0x241: {  	s11 =	sadd.s32 $0x480, s10;
	s20 =	simm.s32 $0x1AB80  }
0x242: {  	[tilespmem:s20], [sflag:$0x3] =	stream.linear.gather [hbm4b:s11+s2], $0x80, $0x38;
	[tilespmem:$0x1CF00] =	vst v63  }
0x243: {  	s22 =	sadd.s32 $0x500, s10;
	s24 =	simm.s32 $0x1AC80  }
0x244: {  	[tilespmem:s24], [sflag:$0x3] =	stream.linear.gather [hbm4b:s22+s2], $0x80, $0x38;
	[tilespmem:$0x1CF00] =	vst v63  }
0x245: {  	s11 =	sadd.s32 $0x580, s10;
	s20 =	simm.s32 $0x1AD80  }
0x246: {  	[tilespmem:s20], [sflag:$0x3] =	stream.linear.gather [hbm4b:s11+s2], $0x80, $0x38;
	[tilespmem:$0x1CF00] =	vst v63  }
0x247: {  	s22 =	sadd.s32 $0x600, s10;
	s24 =	simm.s32 $0x1AE80  }
0x248: {  	[tilespmem:s24], [sflag:$0x3] =	stream.linear.gather [hbm4b:s22+s2], $0x80, $0x38;
	[tilespmem:$0x1CF00] =	vst v63  }
0x249: {  	s11 =	sadd.s32 $0x680, s10;
	s20 =	simm.s32 $0x1AF80  }
0x24a: {  	[tilespmem:s20], [sflag:$0x3] =	stream.linear.gather [hbm4b:s11+s2], $0x80, $0x38;
	[tilespmem:$0x1CF00] =	vst v63  }
0x24b: {  	s22 =	sadd.s32 $0x700, s10;
	s24 =	simm.s32 $0x1B080  }
0x24c: {  	[tilespmem:s24], [sflag:$0x3] =	stream.linear.gather [hbm4b:s22+s2], $0x80, $0x38;
	[tilespmem:$0x1CF00] =	vst v63  }
0x24d: {  	s11 =	sadd.s32 $0x780, s10;
	s20 =	simm.s32 $0x1B180  }
0x24e: {  	[tilespmem:s20], [sflag:$0x3] =	stream.linear.gather [hbm4b:s11+s2], $0x80, $0x38;
	[tilespmem:$0x1CF00] =	vst v63  }
0x24f: {  	s22 =	sadd.s32 $0x800, s10;
	s24 =	simm.s32 $0x1B280  }
0x250: {  	[tilespmem:s24], [sflag:$0x3] =	stream.linear.gather [hbm4b:s22+s2], $0x80, $0x38;
	[tilespmem:$0x1CF00] =	vst v63  }
0x251: {  	s20 =	sadd.s32 $0x880, s10;
	s22 =	simm.s32 $0x1B380  }
0x252: {  	[tilespmem:s22], [sflag:$0x3] =	stream.linear.gather [hbm4b:s20+s2], $0x80, $0x38;
	[tilespmem:$0x1CF00] =	vst v63  }
0x253: {  	s10 =	rddreg [dreg:$0x11];
	s24 =	simm.s32 $0x1B480  }
0x254: {  	[tilespmem:s24], [sflag:$0x3] =	stream.linear.gather [hbm4b:s10+s2], $0x80, $0x38;
	[tilespmem:$0x1CF00] =	vst v63  }
0x255: {  	s11 =	sadd.s32 $0x80, s10;
	s20 =	simm.s32 $0x1B580  }
0x256: {  	[tilespmem:s20], [sflag:$0x3] =	stream.linear.gather [hbm4b:s11+s2], $0x80, $0x38;
	[tilespmem:$0x1CF00] =	vst v63  }
0x257: {  	s22 =	sadd.s32 $0x100, s10;
	s24 =	simm.s32 $0x1B680  }
0x258: {  	[tilespmem:s24], [sflag:$0x3] =	stream.linear.gather [hbm4b:s22+s2], $0x80, $0x38;
	[tilespmem:$0x1CF00] =	vst v63  }
0x259: {  	s11 =	sadd.s32 $0x180, s10;
	s20 =	simm.s32 $0x1B780  }
0x25a: {  	[tilespmem:s20], [sflag:$0x3] =	stream.linear.gather [hbm4b:s11+s2], $0x80, $0x38;
	[tilespmem:$0x1CF00] =	vst v63  }
0x25b: {  	s22 =	sadd.s32 $0x200, s10;
	s24 =	simm.s32 $0x1B880  }
0x25c: {  	[tilespmem:s24], [sflag:$0x3] =	stream.linear.gather [hbm4b:s22+s2], $0x80, $0x38;
	[tilespmem:$0x1CF00] =	vst v63  }
0x25d: {  	s11 =	sadd.s32 $0x280, s10;
	s20 =	simm.s32 $0x1B980  }
0x25e: {  	[tilespmem:s20], [sflag:$0x3] =	stream.linear.gather [hbm4b:s11+s2], $0x80, $0x38;
	[tilespmem:$0x1CF00] =	vst v63  }
0x25f: {  	s22 =	sadd.s32 $0x300, s10;
	s24 =	simm.s32 $0x1BA80  }
0x260: {  	[tilespmem:s24], [sflag:$0x3] =	stream.linear.gather [hbm4b:s22+s2], $0x80, $0x38;
	[tilespmem:$0x1CF00] =	vst v63  }
0x261: {  	s11 =	sadd.s32 $0x380, s10;
	s20 =	simm.s32 $0x1BB80  }
0x262: {  	[tilespmem:s20], [sflag:$0x3] =	stream.linear.gather [hbm4b:s11+s2], $0x80, $0x38;
	[tilespmem:$0x1CF00] =	vst v63  }
0x263: {  	s22 =	sadd.s32 $0x400, s10;
	s24 =	simm.s32 $0x1BC80  }
0x264: {  	[tilespmem:s24], [sflag:$0x3] =	stream.linear.gather [hbm4b:s22+s2], $0x80, $0x38;
	[tilespmem:$0x1CF00] =	vst v63  }
0x265: {  	s11 =	sadd.s32 $0x480, s10;
	s20 =	simm.s32 $0x1BD80  }
0x266: {  	[tilespmem:s20], [sflag:$0x3] =	stream.linear.gather [hbm4b:s11+s2], $0x80, $0x38;
	[tilespmem:$0x1CF00] =	vst v63  }
0x267: {  	s22 =	sadd.s32 $0x500, s10;
	s24 =	simm.s32 $0x1BE80  }
0x268: {  	[tilespmem:s24], [sflag:$0x3] =	stream.linear.gather [hbm4b:s22+s2], $0x80, $0x38;
	[tilespmem:$0x1CF00] =	vst v63  }
0x269: {  	s11 =	sadd.s32 $0x580, s10;
	s20 =	simm.s32 $0x1BF80  }
0x26a: {  	[tilespmem:s20], [sflag:$0x3] =	stream.linear.gather [hbm4b:s11+s2], $0x80, $0x38;
	[tilespmem:$0x1CF00] =	vst v63  }
0x26b: {  	s22 =	sadd.s32 $0x600, s10;
	s24 =	simm.s32 $0x1C080  }
0x26c: {  	[tilespmem:s24], [sflag:$0x3] =	stream.linear.gather [hbm4b:s22+s2], $0x80, $0x38;
	[tilespmem:$0x1CF00] =	vst v63  }
0x26d: {  	s11 =	sadd.s32 $0x680, s10;
	s20 =	simm.s32 $0x1C180  }
0x26e: {  	[tilespmem:s20], [sflag:$0x3] =	stream.linear.gather [hbm4b:s11+s2], $0x80, $0x38;
	[tilespmem:$0x1CF00] =	vst v63  }
0x26f: {  	s22 =	sadd.s32 $0x700, s10;
	s24 =	simm.s32 $0x1C280  }
0x270: {  	[tilespmem:s24], [sflag:$0x3] =	stream.linear.gather [hbm4b:s22+s2], $0x80, $0x38;
	[tilespmem:$0x1CF00] =	vst v63  }
0x271: {  	s11 =	sadd.s32 $0x780, s10;
	s20 =	simm.s32 $0x1C380  }
0x272: {  	[tilespmem:s20], [sflag:$0x3] =	stream.linear.gather [hbm4b:s11+s2], $0x80, $0x38;
	[tilespmem:$0x1CF00] =	vst v63  }
0x273: {  	s22 =	sadd.s32 $0x800, s10;
	s24 =	simm.s32 $0x1C480  }
0x274: {  	[tilespmem:s24], [sflag:$0x3] =	stream.linear.gather [hbm4b:s22+s2], $0x80, $0x38;
	[tilespmem:$0x1CF00] =	vst v63  }
0x275: {  	s20 =	sadd.s32 $0x880, s10;
	s22 =	simm.s32 $0x1C580  }
0x276: {  	[tilespmem:s22], [sflag:$0x3] =	stream.linear.gather [hbm4b:s20+s2], $0x80, $0x38;
	[tilespmem:$0x1CF00] =	vst v63  }
0x277: {  	s10 =	rddreg [dreg:$0x12];
	s24 =	simm.s32 $0x1C680  }
0x278: {  	[hbm4b:s10+s2] =	stream.linear.scatter [tilespmem:s24], [sflag:$0x5], $0x80, $0x38;
	[tilespmem:$0x1CF00] =	vst v63  }
0x279: {  	s11 =	sadd.s32 $0x40, s10;
	s20 =	simm.s32 $0x1C780  }
0x27a: {  	[hbm4b:s11+s2] =	stream.linear.scatter [tilespmem:s20], [sflag:$0x5], $0x80, $0x38;
	[tilespmem:$0x1CF00] =	vst v63  }
0x27b: {  	s22 =	sadd.s32 $0x80, s10;
	s24 =	simm.s32 $0x1C880  }
0x27c: {  	[hbm4b:s22+s2] =	stream.linear.scatter [tilespmem:s24], [sflag:$0x5], $0x80, $0x38;
	[tilespmem:$0x1CF00] =	vst v63  }
0x27d: {  	s11 =	sadd.s32 $0xC0, s10;
	s20 =	simm.s32 $0x1C980  }
0x27e: {  	[hbm4b:s11+s2] =	stream.linear.scatter [tilespmem:s20], [sflag:$0x5], $0x80, $0x38;
	[tilespmem:$0x1CF00] =	vst v63  }
0x27f: {  	s22 =	sadd.s32 $0x100, s10;
	s24 =	simm.s32 $0x1CA80  }
0x280: {  	[hbm4b:s22+s2] =	stream.linear.scatter [tilespmem:s24], [sflag:$0x5], $0x80, $0x38;
	[tilespmem:$0x1CF00] =	vst v63  }
0x281: {  	s11 =	sadd.s32 $0x140, s10;
	s20 =	simm.s32 $0x1CB80  }
0x282: {  	[hbm4b:s11+s2] =	stream.linear.scatter [tilespmem:s20], [sflag:$0x5], $0x80, $0x38;
	[tilespmem:$0x1CF00] =	vst v63  }
0x283: {  	s22 =	sadd.s32 $0x180, s10;
	s24 =	simm.s32 $0x1CC80  }
0x284: {  	[hbm4b:s22+s2] =	stream.linear.scatter [tilespmem:s24], [sflag:$0x5], $0x80, $0x38;
	[tilespmem:$0x1CF00] =	vst v63  }
.Ltmp2:
0x285: {  	_ = 	snop;
	(pc) =	sbr.rel .LBB2_6-.Ltmp2, $4  }
0x286: {  	s11 =	sadd.s32 $0x1C0, s10;
	s20 =	simm.s32 $0x1CD80  }
0x287: {  	[hbm4b:s11+s2] =	stream.linear.scatter [tilespmem:s20], [sflag:$0x5], $0x80, $0x38;
	[tilespmem:$0x1CF00] =	vst v63  }
0x288: {  	s3 =	simm.s32 $0x1;
	s22 =	sadd.s32 $0x200, s10;
	s24 =	simm.s32 $0x1CE80  }
0x289: {  	[hbm4b:s22+s2] =	stream.linear.scatter [tilespmem:s24], [sflag:$0x5], $0x80, $0x38;
	[tilespmem:$0x1CF00] =	vst v63  }
.LBB2_14:
0x28a: {  	s10 =	sadd.s32 s20, s9  }
0x28b: {  	s10 =	sshll.u32 s10, $0x2  }
0x28c: {  	s10 =	sadd.s32 s18, s10  }
0x28d: {  	s10 =	sshrl.u32 s10, $0x3  }
0x28e: {  	s11 =	simm.s32 $0x1C680;
	s10 =	sadd.s32 s6, s10  }
0x28f: {  	[hbm4b:s10+s2] =	stream.linear.scatter [tilespmem:s11], [sflag:$0x5], $0x80, $0x38;
	[tilespmem:$0x1CF00] =	vst v63  }
0x290: {  	s24 =	simm.s32 $0x1C780;
	s22 =	sadd.s32 $0x40, s10  }
0x291: {  	[hbm4b:s22+s2] =	stream.linear.scatter [tilespmem:s24], [sflag:$0x5], $0x80, $0x38;
	[tilespmem:$0x1CF00] =	vst v63  }
0x292: {  	s22 =	sadd.s32 $0x80, s10;
	s24 =	simm.s32 $0x1C880  }
0x293: {  	[hbm4b:s22+s2] =	stream.linear.scatter [tilespmem:s24], [sflag:$0x5], $0x80, $0x38;
	[tilespmem:$0x1CF00] =	vst v63  }
0x294: {  	s22 =	sadd.s32 $0xC0, s10;
	s24 =	simm.s32 $0x1C980  }
0x295: {  	[hbm4b:s22+s2] =	stream.linear.scatter [tilespmem:s24], [sflag:$0x5], $0x80, $0x38;
	[tilespmem:$0x1CF00] =	vst v63  }
0x296: {  	s22 =	sadd.s32 $0x100, s10;
	s24 =	simm.s32 $0x1CA80  }
0x297: {  	[hbm4b:s22+s2] =	stream.linear.scatter [tilespmem:s24], [sflag:$0x5], $0x80, $0x38;
	[tilespmem:$0x1CF00] =	vst v63  }
0x298: {  	s3 =	sadd.s32 $0x1, s3;
	s22 =	sadd.s32 $0x140, s10;
	s24 =	simm.s32 $0x1CB80  }
0x299: {  	[hbm4b:s22+s2] =	stream.linear.scatter [tilespmem:s24], [sflag:$0x5], $0x80, $0x38;
	[tilespmem:$0x1CF00] =	vst v63  }
0x29a: {  	p0 =	sne.s32 s3, $0x9;
	s22 =	sadd.s32 $0x180, s10;
	s24 =	simm.s32 $0x1CC80  }
0x29b: {  	[hbm4b:s22+s2] =	stream.linear.scatter [tilespmem:s24], [sflag:$0x5], $0x80, $0x38;
	[tilespmem:$0x1CF00] =	vst v63  }
.Ltmp3:
0x29c: {  	_ = 	snop;
	(pc) =	sbr.rel @!p0 .LBB2_15-.Ltmp3, $4  }
0x29d: {  	s20 =	sadd.s32 $0x1C0, s10;
	s22 =	simm.s32 $0x1CD80  }
0x29e: {  	[hbm4b:s20+s2] =	stream.linear.scatter [tilespmem:s22], [sflag:$0x5], $0x80, $0x38;
	[tilespmem:$0x1CF00] =	vst v63  }
0x29f: {  	s10 =	sadd.s32 $0x200, s10;
	s24 =	simm.s32 $0x1CE80  }
0x2a0: {  	[hbm4b:s10+s2] =	stream.linear.scatter [tilespmem:s24], [sflag:$0x5], $0x80, $0x38;
	[tilespmem:$0x1CF00] =	vst v63  }
.LBB2_6:
0x2a1: {  	_ =	swait.ge [sflag:s23], $0x900  }
0x2a2: {  	[sflag:s23] =	ssyncset.done $0x0  }
0x2a3: {  	[sflag:s23] =	ssyncadd.s32 $0xFFFFF700  }
0x2a4: {  	_ =	swait.ge [sflag:s23], $0x900  }
0x2a5: {  	[sflag:s23] =	ssyncset.done $0x0  }
0x2a6: {  	[sflag:s23] =	ssyncadd.s32 $0xFFFFF700  }
0x2a7: {  	_ =	swait.ge [sflag:s21], $0x480  }
0x2a8: {  	[sflag:s21] =	ssyncset.done $0x0  }
0x2a9: {  	s11 =	simm.s32 $0x1A300;
	[sflag:s21] =	ssyncadd.s32 $0xFFFFFB80  }
0x2aa: {  	v0 =	vld [tilespmem:s11+$0x60]  }
0x2ab: {  	s10 =	simm.s32 $0x1B500;
	v1 =	vld [tilespmem:s11+$0x70]  }
0x2ac: {  	v2 =	vld [tilespmem:s10+$0x70]  }
0x2ad: {  	v3 =	vld [tilespmem:s10+$0x60]  }
0x2ae: {  	v4 =	vld [tilespmem:s11+$0xFFFFFF10]  }
0x2af: {  	v5 =	vld [tilespmem:s10+$0xFFFFFF10]  }
0x2b0: {  	v6 =	vld [tilespmem:s11+$0xFFFFFF20]  }
0x2b1: {  	v7 =	vld [tilespmem:s11+$0xFFFFFF30]  }
0x2b2: {  	v8 =	vld [tilespmem:s10+$0xFFFFFF30]  }
0x2b3: {  	v9 =	vld [tilespmem:s11+$0xFFFFFF40]  }
0x2b4: {  	v10 =	vld [tilespmem:s11+$0xFFFFFF50]  }
0x2b5: {  	v11 =	vld [tilespmem:s10+$0xFFFFFF50]  }
0x2b6: {  	v12 =	vld [tilespmem:s11+$0xFFFFFF60]  }
0x2b7: {  	v13 =	vld [tilespmem:s11+$0xFFFFFF70]  }
0x2b8: {  	v14 =	vld [tilespmem:s10+$0xFFFFFF70]  }
0x2b9: {  	v15 =	vld [tilespmem:s11+$0x0]  }
0x2ba: {  	v16 =	vld [tilespmem:s11+$0x10]  }
0x2bb: {  	v17 =	vld [tilespmem:s10+$0x10]  }
0x2bc: {  	v18 =	vld [tilespmem:s11+$0x20]  }
0x2bd: {  	v19 =	vld [tilespmem:s11+$0x30];
	v0 =	vshll.u32 v0, $0x7  }
0x2be: {  	v23 =	vld [tilespmem:s11+$0x50];
	v1 =	vshll.u32 v1, $0x17;
	v2 =	vshll.u32 v2, $0x10;
	v25 =	vshll.u32 v6, $0x7  }
0x2bf: {  	v20 =	vld [tilespmem:s10+$0x30];
	v6 =	vshll.u32 v16, $0x17;
	v0 =	vadd.s32 v0, v3;
	v1 =	vadd.s32 v1, v2  }
0x2c0: {  	v22 =	vld [tilespmem:s11+$0x40];
	v2 =	vshll.u32 v4, $0x17;
	v21 =	vor.u32 v0, v1;
	v0 =	vshll.u32 v5, $0x10  }
0x2c1: {  	v26 =	vld [tilespmem:s10+$0x50];
	v3 =	vshll.u32 v8, $0x10;
	v1 =	vshll.u32 v7, $0x17;
	v24 =	vadd.s32 v2, v0  }
0x2c2: {  	v0 =	vadd.s32 v1, v3;
	v2 =	vshll.u32 v10, $0x17;
	v3 =	vshll.u32 v11, $0x10;
	v10 =	vld [tilespmem:s11+$0xFFFFFF00]  }
0x2c3: {  	v16 =	vshll.u32 v23, $0x17;
	v2 =	vadd.s32 v2, v3;
	v3 =	vshll.u32 v12, $0x7;
	v12 =	vld [tilespmem:s10+$0xFFFFFF00]  }
0x2c4: {  	v4 =	vshll.u32 v13, $0x17;
	v8 =	vshll.u32 v19, $0x17;
	v5 =	vshll.u32 v14, $0x10;
	v14 =	vld [tilespmem:s10+$0xFFFFFF20]  }
0x2c5: {  	v7 =	vshll.u32 v17, $0x10;
	v4 =	vadd.s32 v4, v5;
	v5 =	vshll.u32 v15, $0x7;
	v15 =	vld [tilespmem:s10+$0xFFFFFF40]  }
0x2c6: {  	v13 =	vld [tilespmem:s10+$0xFFFFFF60];
	v17 =	vshll.u32 v26, $0x10;
	v1 =	vshll.u32 v9, $0x7;
	v6 =	vadd.s32 v6, v7  }
0x2c7: {  	v7 =	vshll.u32 v18, $0x7;
	v9 =	vshll.u32 v20, $0x10;
	v11 =	vld [tilespmem:s10+$0x0];
	v10 =	vshll.u32 v10, $0x7  }
0x2c8: {  	s11 =	simm.s32 $0x1C640;
	v8 =	vadd.s32 v8, v9;
	v9 =	vshll.u32 v22, $0x7;
	v18 =	vadd.s32 v10, v12;
	v12 =	vld [tilespmem:s10+$0x20]  }
0x2c9: {  	s20 =	simm.s32 $0x0;
	s22 =	simm.s32 $0x1A500;
	[tilespmem:s11+$0x30] =	vst v21;
	v10 =	vadd.s32 v16, v17;
	v17 =	vadd.s32 v25, v14;
	v14 =	vld [tilespmem:s10+$0x40];
	v16 =	vor.u32 v18, v24  }
.LBB2_7:
0x2ca: {  	v18 =	vld [tilespmem:s22+$0x60];
	[tilespmem:s11+$0xFFFFFFC0] =	vst v16;
	v0 =	vor.u32 v17, v0;
	v1 =	vadd.s32 v1, v15  }
0x2cb: {  	s10 =	sadd.s32 $0x200, s10;
	v15 =	vld [tilespmem:s22+$0x70];
	[tilespmem:s11+$0xFFFFFFD0] =	vst v0;
	v0 =	vor.u32 v1, v2;
	v1 =	vadd.s32 v3, v13  }
0x2cc: {  	s20 =	sadd.s32 $0x100, s20;
	v2 =	vld [tilespmem:s10+$0x70];
	[tilespmem:s11+$0xFFFFFFE0] =	vst v0;
	v0 =	vor.u32 v1, v4;
	v1 =	vadd.s32 v5, v11  }
0x2cd: {  	p0 =	slt.u32 s20, $0x800;
	v3 =	vld [tilespmem:s10+$0x60];
	[tilespmem:s11+$0xFFFFFFF0] =	vst v0;
	v0 =	vor.u32 v1, v6;
	v1 =	vadd.s32 v7, v12  }
0x2ce: {  	v4 =	vld [tilespmem:s22+$0xFFFFFF10];
	[tilespmem:s11+$0x0] =	vst v0;
	v0 =	vor.u32 v1, v8;
	v1 =	vadd.s32 v9, v14  }
0x2cf: {  	v5 =	vld [tilespmem:s10+$0xFFFFFF10];
	[tilespmem:s11+$0x10] =	vst v0;
	v0 =	vor.u32 v1, v10  }
0x2d0: {  	v1 =	vld [tilespmem:s22+$0xFFFFFF20];
	[tilespmem:s11+$0x20] =	vst v0  }
0x2d1: {  	v6 =	vshll.u32 v18, $0x7;
	v7 =	vshll.u32 v15, $0x17;
	v0 =	vld [tilespmem:s22+$0xFFFFFF30];
	v2 =	vshll.u32 v2, $0x10  }
0x2d2: {  	v8 =	vld [tilespmem:s10+$0xFFFFFF30];
	v3 =	vadd.s32 v6, v3;
	v2 =	vadd.s32 v7, v2  }
0x2d3: {  	s11 =	sadd.s32 $0x100, s11;
	v4 =	vshll.u32 v4, $0x17;
	v6 =	vld [tilespmem:s22+$0xFFFFFF40];
	v2 =	vor.u32 v3, v2  }
0x2d4: {  	v3 =	vshll.u32 v5, $0x10;
	v5 =	vld [tilespmem:s22+$0xFFFFFF50];
	[tilespmem:s11+$0x30] =	vst v2  }
0x2d5: {  	v14 =	vadd.s32 v4, v3;
	v17 =	vshll.u32 v1, $0x7;
	v2 =	vld [tilespmem:s10+$0xFFFFFF50]  }
0x2d6: {  	v0 =	vshll.u32 v0, $0x17;
	v3 =	vld [tilespmem:s22+$0xFFFFFF60]  }
0x2d7: {  	v1 =	vshll.u32 v8, $0x10;
	v4 =	vld [tilespmem:s22+$0xFFFFFF70]  }
0x2d8: {  	v0 =	vadd.s32 v0, v1;
	v1 =	vshll.u32 v6, $0x7;
	v6 =	vld [tilespmem:s10+$0xFFFFFF70]  }
0x2d9: {  	v5 =	vshll.u32 v5, $0x17;
	v7 =	vld [tilespmem:s22+$0x0]  }
0x2da: {  	v2 =	vshll.u32 v2, $0x10;
	v8 =	vld [tilespmem:s22+$0x10]  }
0x2db: {  	v2 =	vadd.s32 v5, v2;
	v3 =	vshll.u32 v3, $0x7;
	v9 =	vld [tilespmem:s10+$0x10]  }
0x2dc: {  	v4 =	vshll.u32 v4, $0x17;
	v10 =	vld [tilespmem:s22+$0x20]  }
0x2dd: {  	v5 =	vshll.u32 v6, $0x10;
	v11 =	vld [tilespmem:s22+$0x30]  }
0x2de: {  	v4 =	vadd.s32 v4, v5;
	v5 =	vshll.u32 v7, $0x7;
	v12 =	vld [tilespmem:s10+$0x30]  }
0x2df: {  	v6 =	vshll.u32 v8, $0x17;
	v13 =	vld [tilespmem:s22+$0x40]  }
0x2e0: {  	v7 =	vshll.u32 v9, $0x10;
	v16 =	vld [tilespmem:s22+$0x50]  }
0x2e1: {  	v6 =	vadd.s32 v6, v7;
	v7 =	vshll.u32 v10, $0x7;
	v10 =	vld [tilespmem:s10+$0x50]  }
0x2e2: {  	v18 =	vld [tilespmem:s22+$0xFFFFFF00];
	v8 =	vshll.u32 v11, $0x17  }
0x2e3: {  	v19 =	vld [tilespmem:s10+$0xFFFFFF00];
	v9 =	vshll.u32 v12, $0x10  }
0x2e4: {  	v20 =	vld [tilespmem:s10+$0xFFFFFF20];
	v8 =	vadd.s32 v8, v9;
	v9 =	vshll.u32 v13, $0x7  }
.Ltmp4:
0x2e5: {  	v15 =	vld [tilespmem:s10+$0xFFFFFF40];
	v12 =	vshll.u32 v16, $0x17;
	(pc) =	sbr.rel @p0 .LBB2_7-.Ltmp4, $4  }
0x2e6: {  	v13 =	vld [tilespmem:s10+$0xFFFFFF60];
	v10 =	vshll.u32 v10, $0x10  }
0x2e7: {  	v16 =	vshll.u32 v18, $0x7;
	v11 =	vld [tilespmem:s10+$0x0];
	v10 =	vadd.s32 v12, v10  }
0x2e8: {  	v16 =	vadd.s32 v16, v19;
	v12 =	vld [tilespmem:s10+$0x20]  }
0x2e9: {  	s22 =	sadd.s32 $0x200, s22;
	v16 =	vor.u32 v16, v14;
	v17 =	vadd.s32 v17, v20;
	v14 =	vld [tilespmem:s10+$0x40]  }
0x2ea: {  	[tilespmem:s11+$0xFFFFFFC0] =	vst v16;
	v0 =	vor.u32 v17, v0;
	v1 =	vadd.s32 v1, v15  }
0x2eb: {  	p0 =	seq.s32 s3, $0x8;
	[tilespmem:s11+$0xFFFFFFD0] =	vst v0;
	v55 =	vor.u32 v1, v2;
	v56 =	vadd.s32 v3, v13  }
.Ltmp5:
0x2ec: {  	[tilespmem:s11+$0xFFFFFFE0] =	vst v55;
	v57 =	vor.u32 v56, v4;
	v58 =	vadd.s32 v5, v11;
	(pc) =	sbr.rel @p0 .LBB2_10-.Ltmp5, $4  }
0x2ed: {  	[tilespmem:s11+$0xFFFFFFF0] =	vst v57;
	v59 =	vor.u32 v58, v6;
	v60 =	vadd.s32 v7, v12  }
0x2ee: {  	[tilespmem:s11+$0x0] =	vst v59;
	v61 =	vor.u32 v60, v8;
	v62 =	vadd.s32 v9, v14  }
0x2ef: {  	[tilespmem:s11+$0x10] =	vst v61;
	v63 =	vor.u32 v62, v10  }
0x2f0: {  	[tilespmem:s11+$0x20] =	vst v63  }
0x2f1: {  	s10 =	smul.u32 $0x9000, s3;
	_ =	sdelay $0x1  }
0x2f2: {  	s10 =	sadd.s32 s10, s25  }
0x2f3: {  	s10 =	sshrl.u32 s10, $0x3  }
0x2f4: {  	s20 =	simm.s32 $0x1A200;
	s11 =	sadd.s32 s4, s10  }
0x2f5: {  	[tilespmem:s20], [sflag:$0x2] =	stream.linear.gather [hbm4b:s11+s2], $0x80, $0x38;
	[tilespmem:$0x1CF00] =	vst v63  }
0x2f6: {  	s22 =	sadd.s32 $0x80, s11  }
0x2f7: {  	[tilespmem:s29], [sflag:$0x2] =	stream.linear.gather [hbm4b:s22+s2], $0x80, $0x38;
	[tilespmem:$0x1CF00] =	vst v63  }
0x2f8: {  	s24 =	sadd.s32 $0x100, s11;
	s22 =	simm.s32 $0x1A400  }
0x2f9: {  	[tilespmem:s22], [sflag:$0x2] =	stream.linear.gather [hbm4b:s24+s2], $0x80, $0x38;
	[tilespmem:$0x1CF00] =	vst v63  }
0x2fa: {  	s22 =	sadd.s32 $0x180, s11;
	s24 =	simm.s32 $0x1A500  }
0x2fb: {  	[tilespmem:s24], [sflag:$0x2] =	stream.linear.gather [hbm4b:s22+s2], $0x80, $0x38;
	[tilespmem:$0x1CF00] =	vst v63  }
0x2fc: {  	s22 =	sadd.s32 $0x200, s11;
	s24 =	simm.s32 $0x1A600  }
0x2fd: {  	[tilespmem:s24], [sflag:$0x2] =	stream.linear.gather [hbm4b:s22+s2], $0x80, $0x38;
	[tilespmem:$0x1CF00] =	vst v63  }
0x2fe: {  	s22 =	sadd.s32 $0x280, s11;
	s24 =	simm.s32 $0x1A700  }
0x2ff: {  	[tilespmem:s24], [sflag:$0x2] =	stream.linear.gather [hbm4b:s22+s2], $0x80, $0x38;
	[tilespmem:$0x1CF00] =	vst v63  }
0x300: {  	s22 =	sadd.s32 $0x300, s11;
	s24 =	simm.s32 $0x1A800  }
0x301: {  	[tilespmem:s24], [sflag:$0x2] =	stream.linear.gather [hbm4b:s22+s2], $0x80, $0x38;
	[tilespmem:$0x1CF00] =	vst v63  }
0x302: {  	s22 =	sadd.s32 $0x380, s11;
	s24 =	simm.s32 $0x1A900  }
0x303: {  	[tilespmem:s24], [sflag:$0x2] =	stream.linear.gather [hbm4b:s22+s2], $0x80, $0x38;
	[tilespmem:$0x1CF00] =	vst v63  }
0x304: {  	s22 =	sadd.s32 $0x400, s11;
	s24 =	simm.s32 $0x1AA00  }
0x305: {  	[tilespmem:s24], [sflag:$0x2] =	stream.linear.gather [hbm4b:s22+s2], $0x80, $0x38;
	[tilespmem:$0x1CF00] =	vst v63  }
0x306: {  	s22 =	sadd.s32 $0x480, s11;
	s24 =	simm.s32 $0x1AB00  }
0x307: {  	[tilespmem:s24], [sflag:$0x2] =	stream.linear.gather [hbm4b:s22+s2], $0x80, $0x38;
	[tilespmem:$0x1CF00] =	vst v63  }
0x308: {  	s22 =	sadd.s32 $0x500, s11;
	s24 =	simm.s32 $0x1AC00  }
0x309: {  	[tilespmem:s24], [sflag:$0x2] =	stream.linear.gather [hbm4b:s22+s2], $0x80, $0x38;
	[tilespmem:$0x1CF00] =	vst v63  }
0x30a: {  	s22 =	sadd.s32 $0x580, s11;
	s24 =	simm.s32 $0x1AD00  }
0x30b: {  	[tilespmem:s24], [sflag:$0x2] =	stream.linear.gather [hbm4b:s22+s2], $0x80, $0x38;
	[tilespmem:$0x1CF00] =	vst v63  }
0x30c: {  	s22 =	sadd.s32 $0x600, s11;
	s24 =	simm.s32 $0x1AE00  }
0x30d: {  	[tilespmem:s24], [sflag:$0x2] =	stream.linear.gather [hbm4b:s22+s2], $0x80, $0x38;
	[tilespmem:$0x1CF00] =	vst v63  }
0x30e: {  	s22 =	sadd.s32 $0x680, s11;
	s24 =	simm.s32 $0x1AF00  }
0x30f: {  	[tilespmem:s24], [sflag:$0x2] =	stream.linear.gather [hbm4b:s22+s2], $0x80, $0x38;
	[tilespmem:$0x1CF00] =	vst v63  }
0x310: {  	s22 =	sadd.s32 $0x700, s11;
	s24 =	simm.s32 $0x1B000  }
0x311: {  	[tilespmem:s24], [sflag:$0x2] =	stream.linear.gather [hbm4b:s22+s2], $0x80, $0x38;
	[tilespmem:$0x1CF00] =	vst v63  }
0x312: {  	s22 =	sadd.s32 $0x780, s11;
	s24 =	simm.s32 $0x1B100  }
0x313: {  	[tilespmem:s24], [sflag:$0x2] =	stream.linear.gather [hbm4b:s22+s2], $0x80, $0x38;
	[tilespmem:$0x1CF00] =	vst v63  }
0x314: {  	s22 =	sadd.s32 $0x800, s11;
	s24 =	simm.s32 $0x1B200  }
0x315: {  	[tilespmem:s24], [sflag:$0x2] =	stream.linear.gather [hbm4b:s22+s2], $0x80, $0x38;
	[tilespmem:$0x1CF00] =	vst v63  }
0x316: {  	s11 =	sadd.s32 $0x880, s11;
	s22 =	simm.s32 $0x1B300  }
0x317: {  	[tilespmem:s22], [sflag:$0x2] =	stream.linear.gather [hbm4b:s11+s2], $0x80, $0x38;
	[tilespmem:$0x1CF00] =	vst v63  }
0x318: {  	s10 =	sadd.s32 s5, s10;
	s24 =	simm.s32 $0x1B400  }
0x319: {  	[tilespmem:s24], [sflag:$0x2] =	stream.linear.gather [hbm4b:s10+s2], $0x80, $0x38;
	[tilespmem:$0x1CF00] =	vst v63  }
0x31a: {  	s20 =	sadd.s32 $0x80, s10  }
0x31b: {  	[tilespmem:s28], [sflag:$0x2] =	stream.linear.gather [hbm4b:s20+s2], $0x80, $0x38;
	[tilespmem:$0x1CF00] =	vst v63  }
0x31c: {  	s22 =	sadd.s32 $0x100, s10;
	s24 =	simm.s32 $0x1B600  }
0x31d: {  	[tilespmem:s24], [sflag:$0x2] =	stream.linear.gather [hbm4b:s22+s2], $0x80, $0x38;
	[tilespmem:$0x1CF00] =	vst v63  }
0x31e: {  	s22 =	sadd.s32 $0x180, s10;
	s24 =	simm.s32 $0x1B700  }
0x31f: {  	[tilespmem:s24], [sflag:$0x2] =	stream.linear.gather [hbm4b:s22+s2], $0x80, $0x38;
	[tilespmem:$0x1CF00] =	vst v63  }
0x320: {  	s22 =	sadd.s32 $0x200, s10;
	s24 =	simm.s32 $0x1B800  }
0x321: {  	[tilespmem:s24], [sflag:$0x2] =	stream.linear.gather [hbm4b:s22+s2], $0x80, $0x38;
	[tilespmem:$0x1CF00] =	vst v63  }
0x322: {  	s22 =	sadd.s32 $0x280, s10;
	s24 =	simm.s32 $0x1B900  }
0x323: {  	[tilespmem:s24], [sflag:$0x2] =	stream.linear.gather [hbm4b:s22+s2], $0x80, $0x38;
	[tilespmem:$0x1CF00] =	vst v63  }
0x324: {  	s22 =	sadd.s32 $0x300, s10;
	s24 =	simm.s32 $0x1BA00  }
0x325: {  	[tilespmem:s24], [sflag:$0x2] =	stream.linear.gather [hbm4b:s22+s2], $0x80, $0x38;
	[tilespmem:$0x1CF00] =	vst v63  }
0x326: {  	s22 =	sadd.s32 $0x380, s10;
	s24 =	simm.s32 $0x1BB00  }
0x327: {  	[tilespmem:s24], [sflag:$0x2] =	stream.linear.gather [hbm4b:s22+s2], $0x80, $0x38;
	[tilespmem:$0x1CF00] =	vst v63  }
0x328: {  	s22 =	sadd.s32 $0x400, s10;
	s24 =	simm.s32 $0x1BC00  }
0x329: {  	[tilespmem:s24], [sflag:$0x2] =	stream.linear.gather [hbm4b:s22+s2], $0x80, $0x38;
	[tilespmem:$0x1CF00] =	vst v63  }
0x32a: {  	s22 =	sadd.s32 $0x480, s10;
	s24 =	simm.s32 $0x1BD00  }
0x32b: {  	[tilespmem:s24], [sflag:$0x2] =	stream.linear.gather [hbm4b:s22+s2], $0x80, $0x38;
	[tilespmem:$0x1CF00] =	vst v63  }
0x32c: {  	s22 =	sadd.s32 $0x500, s10;
	s24 =	simm.s32 $0x1BE00  }
0x32d: {  	[tilespmem:s24], [sflag:$0x2] =	stream.linear.gather [hbm4b:s22+s2], $0x80, $0x38;
	[tilespmem:$0x1CF00] =	vst v63  }
0x32e: {  	s22 =	sadd.s32 $0x580, s10;
	s24 =	simm.s32 $0x1BF00  }
0x32f: {  	[tilespmem:s24], [sflag:$0x2] =	stream.linear.gather [hbm4b:s22+s2], $0x80, $0x38;
	[tilespmem:$0x1CF00] =	vst v63  }
0x330: {  	s22 =	sadd.s32 $0x600, s10;
	s24 =	simm.s32 $0x1C000  }
0x331: {  	[tilespmem:s24], [sflag:$0x2] =	stream.linear.gather [hbm4b:s22+s2], $0x80, $0x38;
	[tilespmem:$0x1CF00] =	vst v63  }
0x332: {  	s22 =	sadd.s32 $0x680, s10;
	s24 =	simm.s32 $0x1C100  }
0x333: {  	[tilespmem:s24], [sflag:$0x2] =	stream.linear.gather [hbm4b:s22+s2], $0x80, $0x38;
	[tilespmem:$0x1CF00] =	vst v63  }
0x334: {  	s22 =	sadd.s32 $0x700, s10;
	s24 =	simm.s32 $0x1C200  }
0x335: {  	[tilespmem:s24], [sflag:$0x2] =	stream.linear.gather [hbm4b:s22+s2], $0x80, $0x38;
	[tilespmem:$0x1CF00] =	vst v63  }
0x336: {  	s22 =	sadd.s32 $0x780, s10;
	s24 =	simm.s32 $0x1C300  }
0x337: {  	[tilespmem:s24], [sflag:$0x2] =	stream.linear.gather [hbm4b:s22+s2], $0x80, $0x38;
	[tilespmem:$0x1CF00] =	vst v63  }
0x338: {  	s20 =	sadd.s32 $0x800, s10;
	s22 =	simm.s32 $0x1C400  }
0x339: {  	[tilespmem:s22], [sflag:$0x2] =	stream.linear.gather [hbm4b:s20+s2], $0x80, $0x38;
	[tilespmem:$0x1CF00] =	vst v63  }
0x33a: {  	s10 =	sadd.s32 $0x880, s10;
	s24 =	simm.s32 $0x1C500  }
0x33b: {  	[tilespmem:s24], [sflag:$0x2] =	stream.linear.gather [hbm4b:s10+s2], $0x80, $0x38;
	[tilespmem:$0x1CF00] =	vst v63  }
.LBB2_10:
0x33c: {  	s20 =	smul.u32 $0x900, s3;
	_ =	sdelay $0x1  }
0x33d: {  	s10 =	sadd.s32 s12, s20  }
0x33e: {  	s10 =	sshll.u32 s10, $0x2  }
0x33f: {  	s10 =	sadd.s32 s18, s10  }
0x340: {  	s10 =	sshrl.u32 s10, $0x3  }
0x341: {  	s11 =	simm.s32 $0x1C600;
	s10 =	sadd.s32 s6, s10  }
0x342: {  	[hbm4b:s10+s2] =	stream.linear.scatter [tilespmem:s11], [sflag:$0x4], $0x80, $0x38;
	[tilespmem:$0x1CF00] =	vst v63  }
0x343: {  	s22 =	simm.s32 $0x1C700;
	s24 =	sadd.s32 $0x40, s10  }
0x344: {  	[hbm4b:s24+s2] =	stream.linear.scatter [tilespmem:s22], [sflag:$0x4], $0x80, $0x38;
	[tilespmem:$0x1CF00] =	vst v63  }
0x345: {  	s22 =	sadd.s32 $0x80, s10;
	s24 =	simm.s32 $0x1C800  }
0x346: {  	[hbm4b:s22+s2] =	stream.linear.scatter [tilespmem:s24], [sflag:$0x4], $0x80, $0x38;
	[tilespmem:$0x1CF00] =	vst v63  }
0x347: {  	s22 =	sadd.s32 $0xC0, s10;
	s24 =	simm.s32 $0x1C900  }
0x348: {  	[hbm4b:s22+s2] =	stream.linear.scatter [tilespmem:s24], [sflag:$0x4], $0x80, $0x38;
	[tilespmem:$0x1CF00] =	vst v63  }
0x349: {  	s22 =	sadd.s32 $0x100, s10;
	s24 =	simm.s32 $0x1CA00  }
0x34a: {  	[hbm4b:s22+s2] =	stream.linear.scatter [tilespmem:s24], [sflag:$0x4], $0x80, $0x38;
	[tilespmem:$0x1CF00] =	vst v63  }
0x34b: {  	s22 =	sadd.s32 $0x140, s10;
	s24 =	simm.s32 $0x1CB00  }
0x34c: {  	[hbm4b:s22+s2] =	stream.linear.scatter [tilespmem:s24], [sflag:$0x4], $0x80, $0x38;
	[tilespmem:$0x1CF00] =	vst v63  }
0x34d: {  	s22 =	sadd.s32 $0x180, s10;
	s24 =	simm.s32 $0x1CC00  }
0x34e: {  	[hbm4b:s22+s2] =	stream.linear.scatter [tilespmem:s24], [sflag:$0x4], $0x80, $0x38;
	[tilespmem:$0x1CF00] =	vst v63  }
0x34f: {  	s22 =	sadd.s32 $0x1C0, s10;
	s24 =	simm.s32 $0x1CD00  }
0x350: {  	[hbm4b:s22+s2] =	stream.linear.scatter [tilespmem:s24], [sflag:$0x4], $0x80, $0x38;
	[tilespmem:$0x1CF00] =	vst v63  }
0x351: {  	s10 =	sadd.s32 $0x200, s10;
	s22 =	simm.s32 $0x1CE00  }
0x352: {  	[hbm4b:s10+s2] =	stream.linear.scatter [tilespmem:s22], [sflag:$0x4], $0x80, $0x38;
	[tilespmem:$0x1CF00] =	vst v63  }
0x353: {  	_ =	swait.ge [sflag:s8], $0x900  }
0x354: {  	[sflag:s8] =	ssyncset.done $0x0  }
0x355: {  	[sflag:s8] =	ssyncadd.s32 $0xFFFFF700  }
0x356: {  	_ =	swait.ge [sflag:s8], $0x900  }
0x357: {  	[sflag:s8] =	ssyncset.done $0x0  }
0x358: {  	[sflag:s8] =	ssyncadd.s32 $0xFFFFF700  }
0x359: {  	_ =	swait.ge [sflag:s17], $0x480  }
0x35a: {  	[sflag:s17] =	ssyncset.done $0x0  }
0x35b: {  	s24 =	simm.s32 $0x1A380;
	[sflag:s17] =	ssyncadd.s32 $0xFFFFFB80  }
0x35c: {  	v0 =	vld [tilespmem:s24+$0x60]  }
0x35d: {  	s10 =	simm.s32 $0x1B580;
	v1 =	vld [tilespmem:s24+$0x70]  }
0x35e: {  	v2 =	vld [tilespmem:s10+$0x70]  }
0x35f: {  	v3 =	vld [tilespmem:s10+$0x60]  }
0x360: {  	v4 =	vld [tilespmem:s24+$0xFFFFFF10]  }
0x361: {  	v5 =	vld [tilespmem:s10+$0xFFFFFF10]  }
0x362: {  	v6 =	vld [tilespmem:s24+$0xFFFFFF20]  }
0x363: {  	v7 =	vld [tilespmem:s24+$0xFFFFFF30]  }
0x364: {  	v8 =	vld [tilespmem:s10+$0xFFFFFF30]  }
0x365: {  	v9 =	vld [tilespmem:s24+$0xFFFFFF40]  }
0x366: {  	v10 =	vld [tilespmem:s24+$0xFFFFFF50]  }
0x367: {  	v11 =	vld [tilespmem:s10+$0xFFFFFF50]  }
0x368: {  	v12 =	vld [tilespmem:s24+$0xFFFFFF60]  }
0x369: {  	v13 =	vld [tilespmem:s24+$0xFFFFFF70]  }
0x36a: {  	v14 =	vld [tilespmem:s10+$0xFFFFFF70]  }
0x36b: {  	v15 =	vld [tilespmem:s24+$0x0]  }
0x36c: {  	v16 =	vld [tilespmem:s24+$0x10]  }
0x36d: {  	v17 =	vld [tilespmem:s10+$0x10]  }
0x36e: {  	v18 =	vld [tilespmem:s24+$0x20]  }
0x36f: {  	v19 =	vld [tilespmem:s24+$0x30];
	v0 =	vshll.u32 v0, $0x7  }
0x370: {  	v23 =	vld [tilespmem:s24+$0x50];
	v1 =	vshll.u32 v1, $0x17;
	v2 =	vshll.u32 v2, $0x10;
	v25 =	vshll.u32 v6, $0x7  }
0x371: {  	v20 =	vld [tilespmem:s10+$0x30];
	v6 =	vshll.u32 v16, $0x17;
	v0 =	vadd.s32 v0, v3;
	v1 =	vadd.s32 v1, v2  }
0x372: {  	v22 =	vld [tilespmem:s24+$0x40];
	v2 =	vshll.u32 v4, $0x17;
	v21 =	vor.u32 v0, v1;
	v0 =	vshll.u32 v5, $0x10  }
0x373: {  	v26 =	vld [tilespmem:s10+$0x50];
	v3 =	vshll.u32 v8, $0x10;
	v1 =	vshll.u32 v7, $0x17;
	v24 =	vadd.s32 v2, v0  }
0x374: {  	v0 =	vadd.s32 v1, v3;
	v2 =	vshll.u32 v10, $0x17;
	v3 =	vshll.u32 v11, $0x10;
	v10 =	vld [tilespmem:s24+$0xFFFFFF00]  }
0x375: {  	v16 =	vshll.u32 v23, $0x17;
	v2 =	vadd.s32 v2, v3;
	v3 =	vshll.u32 v12, $0x7;
	v12 =	vld [tilespmem:s10+$0xFFFFFF00]  }
0x376: {  	v4 =	vshll.u32 v13, $0x17;
	v8 =	vshll.u32 v19, $0x17;
	v5 =	vshll.u32 v14, $0x10;
	v14 =	vld [tilespmem:s10+$0xFFFFFF20]  }
0x377: {  	v7 =	vshll.u32 v17, $0x10;
	v4 =	vadd.s32 v4, v5;
	v5 =	vshll.u32 v15, $0x7;
	v15 =	vld [tilespmem:s10+$0xFFFFFF40]  }
0x378: {  	v13 =	vld [tilespmem:s10+$0xFFFFFF60];
	v17 =	vshll.u32 v26, $0x10;
	v1 =	vshll.u32 v9, $0x7;
	v6 =	vadd.s32 v6, v7  }
0x379: {  	v7 =	vshll.u32 v18, $0x7;
	v9 =	vshll.u32 v20, $0x10;
	v11 =	vld [tilespmem:s10+$0x0];
	v10 =	vshll.u32 v10, $0x7  }
0x37a: {  	s11 =	simm.s32 $0x1C6F0;
	v8 =	vadd.s32 v8, v9;
	v9 =	vshll.u32 v22, $0x7;
	v18 =	vadd.s32 v10, v12;
	v12 =	vld [tilespmem:s10+$0x20]  }
0x37b: {  	s22 =	simm.s32 $0x0;
	[tilespmem:s11+$0x0] =	vst v21;
	s24 =	simm.s32 $0x1A580;
	v10 =	vadd.s32 v16, v17;
	v17 =	vadd.s32 v25, v14;
	v14 =	vld [tilespmem:s10+$0x40];
	v16 =	vor.u32 v18, v24  }
.LBB2_11:
0x37c: {  	v18 =	vld [tilespmem:s24+$0x60];
	[tilespmem:s11+$0xFFFFFF90] =	vst v16;
	v0 =	vor.u32 v17, v0;
	v1 =	vadd.s32 v1, v15  }
0x37d: {  	s10 =	sadd.s32 $0x200, s10;
	v15 =	vld [tilespmem:s24+$0x70];
	[tilespmem:s11+$0xFFFFFFA0] =	vst v0;
	v0 =	vor.u32 v1, v2;
	v1 =	vadd.s32 v3, v13  }
0x37e: {  	s22 =	sadd.s32 $0x100, s22;
	v2 =	vld [tilespmem:s10+$0x70];
	[tilespmem:s11+$0xFFFFFFB0] =	vst v0;
	v0 =	vor.u32 v1, v4;
	v1 =	vadd.s32 v5, v11  }
0x37f: {  	p1 =	slt.u32 s22, $0x800;
	v3 =	vld [tilespmem:s10+$0x60];
	[tilespmem:s11+$0xFFFFFFC0] =	vst v0;
	v0 =	vor.u32 v1, v6;
	v1 =	vadd.s32 v7, v12  }
0x380: {  	v4 =	vld [tilespmem:s24+$0xFFFFFF10];
	[tilespmem:s11+$0xFFFFFFD0] =	vst v0;
	v0 =	vor.u32 v1, v8;
	v1 =	vadd.s32 v9, v14  }
0x381: {  	v5 =	vld [tilespmem:s10+$0xFFFFFF10];
	[tilespmem:s11+$0xFFFFFFE0] =	vst v0;
	v0 =	vor.u32 v1, v10  }
0x382: {  	v1 =	vld [tilespmem:s24+$0xFFFFFF20];
	[tilespmem:s11+$0xFFFFFFF0] =	vst v0  }
0x383: {  	v6 =	vshll.u32 v18, $0x7;
	v7 =	vshll.u32 v15, $0x17;
	v0 =	vld [tilespmem:s24+$0xFFFFFF30];
	v2 =	vshll.u32 v2, $0x10  }
0x384: {  	v8 =	vld [tilespmem:s10+$0xFFFFFF30];
	v3 =	vadd.s32 v6, v3;
	v2 =	vadd.s32 v7, v2  }
0x385: {  	s11 =	sadd.s32 $0x100, s11;
	v4 =	vshll.u32 v4, $0x17;
	v6 =	vld [tilespmem:s24+$0xFFFFFF40];
	v2 =	vor.u32 v3, v2  }
0x386: {  	v3 =	vshll.u32 v5, $0x10;
	v5 =	vld [tilespmem:s24+$0xFFFFFF50];
	[tilespmem:s11+$0x0] =	vst v2  }
0x387: {  	v14 =	vadd.s32 v4, v3;
	v17 =	vshll.u32 v1, $0x7;
	v2 =	vld [tilespmem:s10+$0xFFFFFF50]  }
0x388: {  	v0 =	vshll.u32 v0, $0x17;
	v3 =	vld [tilespmem:s24+$0xFFFFFF60]  }
0x389: {  	v1 =	vshll.u32 v8, $0x10;
	v4 =	vld [tilespmem:s24+$0xFFFFFF70]  }
0x38a: {  	v0 =	vadd.s32 v0, v1;
	v1 =	vshll.u32 v6, $0x7;
	v6 =	vld [tilespmem:s10+$0xFFFFFF70]  }
0x38b: {  	v5 =	vshll.u32 v5, $0x17;
	v7 =	vld [tilespmem:s24+$0x0]  }
0x38c: {  	v2 =	vshll.u32 v2, $0x10;
	v8 =	vld [tilespmem:s24+$0x10]  }
0x38d: {  	v2 =	vadd.s32 v5, v2;
	v3 =	vshll.u32 v3, $0x7;
	v9 =	vld [tilespmem:s10+$0x10]  }
0x38e: {  	v4 =	vshll.u32 v4, $0x17;
	v10 =	vld [tilespmem:s24+$0x20]  }
0x38f: {  	v5 =	vshll.u32 v6, $0x10;
	v11 =	vld [tilespmem:s24+$0x30]  }
0x390: {  	v4 =	vadd.s32 v4, v5;
	v5 =	vshll.u32 v7, $0x7;
	v12 =	vld [tilespmem:s10+$0x30]  }
0x391: {  	v6 =	vshll.u32 v8, $0x17;
	v13 =	vld [tilespmem:s24+$0x40]  }
0x392: {  	v7 =	vshll.u32 v9, $0x10;
	v16 =	vld [tilespmem:s24+$0x50]  }
0x393: {  	v6 =	vadd.s32 v6, v7;
	v7 =	vshll.u32 v10, $0x7;
	v10 =	vld [tilespmem:s10+$0x50]  }
0x394: {  	v18 =	vld [tilespmem:s24+$0xFFFFFF00];
	v8 =	vshll.u32 v11, $0x17  }
0x395: {  	v19 =	vld [tilespmem:s10+$0xFFFFFF00];
	v9 =	vshll.u32 v12, $0x10  }
0x396: {  	v20 =	vld [tilespmem:s10+$0xFFFFFF20];
	v8 =	vadd.s32 v8, v9;
	v9 =	vshll.u32 v13, $0x7  }
.Ltmp6:
0x397: {  	v15 =	vld [tilespmem:s10+$0xFFFFFF40];
	v12 =	vshll.u32 v16, $0x17;
	(pc) =	sbr.rel @p1 .LBB2_11-.Ltmp6, $4  }
0x398: {  	v13 =	vld [tilespmem:s10+$0xFFFFFF60];
	v10 =	vshll.u32 v10, $0x10  }
0x399: {  	v16 =	vshll.u32 v18, $0x7;
	v11 =	vld [tilespmem:s10+$0x0];
	v10 =	vadd.s32 v12, v10  }
0x39a: {  	v16 =	vadd.s32 v16, v19;
	v12 =	vld [tilespmem:s10+$0x20]  }
0x39b: {  	s24 =	sadd.s32 $0x200, s24;
	v16 =	vor.u32 v16, v14;
	v17 =	vadd.s32 v17, v20;
	v14 =	vld [tilespmem:s10+$0x40]  }
0x39c: {  	[tilespmem:s11+$0xFFFFFF90] =	vst v16;
	v0 =	vor.u32 v17, v0;
	v1 =	vadd.s32 v1, v15  }
0x39d: {  	[tilespmem:s11+$0xFFFFFFA0] =	vst v0;
	v55 =	vor.u32 v1, v2;
	v56 =	vadd.s32 v3, v13  }
.Ltmp7:
0x39e: {  	[tilespmem:s11+$0xFFFFFFB0] =	vst v55;
	v57 =	vor.u32 v56, v4;
	v58 =	vadd.s32 v5, v11;
	(pc) =	sbr.rel @p0 .LBB2_14-.Ltmp7, $4  }
0x39f: {  	[tilespmem:s11+$0xFFFFFFC0] =	vst v57;
	v59 =	vor.u32 v58, v6;
	v60 =	vadd.s32 v7, v12  }
0x3a0: {  	[tilespmem:s11+$0xFFFFFFD0] =	vst v59;
	v61 =	vor.u32 v60, v8;
	v62 =	vadd.s32 v9, v14  }
0x3a1: {  	[tilespmem:s11+$0xFFFFFFE0] =	vst v61;
	v63 =	vor.u32 v62, v10  }
0x3a2: {  	[tilespmem:s11+$0xFFFFFFF0] =	vst v63  }
0x3a3: {  	s10 =	smul.u32 $0x9000, s3  }
0x3a4: {  	s11 =	rddreg [dreg:$0xd]  }
0x3a5: {  	s10 =	sadd.s32 s10, s11  }
0x3a6: {  	s10 =	sshrl.u32 s10, $0x3  }
0x3a7: {  	s22 =	simm.s32 $0x1A280;
	s11 =	sadd.s32 s4, s10  }
0x3a8: {  	[tilespmem:s22], [sflag:$0x3] =	stream.linear.gather [hbm4b:s11+s2], $0x80, $0x38;
	[tilespmem:$0x1CF00] =	vst v63  }
0x3a9: {  	s24 =	simm.s32 $0x1A380;
	s22 =	sadd.s32 $0x80, s11  }
0x3aa: {  	[tilespmem:s24], [sflag:$0x3] =	stream.linear.gather [hbm4b:s22+s2], $0x80, $0x38;
	[tilespmem:$0x1CF00] =	vst v63  }
0x3ab: {  	s22 =	sadd.s32 $0x100, s11;
	s24 =	simm.s32 $0x1A480  }
0x3ac: {  	[tilespmem:s24], [sflag:$0x3] =	stream.linear.gather [hbm4b:s22+s2], $0x80, $0x38;
	[tilespmem:$0x1CF00] =	vst v63  }
0x3ad: {  	s22 =	sadd.s32 $0x180, s11;
	s24 =	simm.s32 $0x1A580  }
0x3ae: {  	[tilespmem:s24], [sflag:$0x3] =	stream.linear.gather [hbm4b:s22+s2], $0x80, $0x38;
	[tilespmem:$0x1CF00] =	vst v63  }
0x3af: {  	s22 =	sadd.s32 $0x200, s11;
	s24 =	simm.s32 $0x1A680  }
0x3b0: {  	[tilespmem:s24], [sflag:$0x3] =	stream.linear.gather [hbm4b:s22+s2], $0x80, $0x38;
	[tilespmem:$0x1CF00] =	vst v63  }
0x3b1: {  	s22 =	sadd.s32 $0x280, s11;
	s24 =	simm.s32 $0x1A780  }
0x3b2: {  	[tilespmem:s24], [sflag:$0x3] =	stream.linear.gather [hbm4b:s22+s2], $0x80, $0x38;
	[tilespmem:$0x1CF00] =	vst v63  }
0x3b3: {  	s22 =	sadd.s32 $0x300, s11;
	s24 =	simm.s32 $0x1A880  }
0x3b4: {  	[tilespmem:s24], [sflag:$0x3] =	stream.linear.gather [hbm4b:s22+s2], $0x80, $0x38;
	[tilespmem:$0x1CF00] =	vst v63  }
0x3b5: {  	s22 =	sadd.s32 $0x380, s11;
	s24 =	simm.s32 $0x1A980  }
0x3b6: {  	[tilespmem:s24], [sflag:$0x3] =	stream.linear.gather [hbm4b:s22+s2], $0x80, $0x38;
	[tilespmem:$0x1CF00] =	vst v63  }
0x3b7: {  	s22 =	sadd.s32 $0x400, s11;
	s24 =	simm.s32 $0x1AA80  }
0x3b8: {  	[tilespmem:s24], [sflag:$0x3] =	stream.linear.gather [hbm4b:s22+s2], $0x80, $0x38;
	[tilespmem:$0x1CF00] =	vst v63  }
0x3b9: {  	s22 =	sadd.s32 $0x480, s11;
	s24 =	simm.s32 $0x1AB80  }
0x3ba: {  	[tilespmem:s24], [sflag:$0x3] =	stream.linear.gather [hbm4b:s22+s2], $0x80, $0x38;
	[tilespmem:$0x1CF00] =	vst v63  }
0x3bb: {  	s22 =	sadd.s32 $0x500, s11;
	s24 =	simm.s32 $0x1AC80  }
0x3bc: {  	[tilespmem:s24], [sflag:$0x3] =	stream.linear.gather [hbm4b:s22+s2], $0x80, $0x38;
	[tilespmem:$0x1CF00] =	vst v63  }
0x3bd: {  	s22 =	sadd.s32 $0x580, s11;
	s24 =	simm.s32 $0x1AD80  }
0x3be: {  	[tilespmem:s24], [sflag:$0x3] =	stream.linear.gather [hbm4b:s22+s2], $0x80, $0x38;
	[tilespmem:$0x1CF00] =	vst v63  }
0x3bf: {  	s22 =	sadd.s32 $0x600, s11;
	s24 =	simm.s32 $0x1AE80  }
0x3c0: {  	[tilespmem:s24], [sflag:$0x3] =	stream.linear.gather [hbm4b:s22+s2], $0x80, $0x38;
	[tilespmem:$0x1CF00] =	vst v63  }
0x3c1: {  	s22 =	sadd.s32 $0x680, s11;
	s24 =	simm.s32 $0x1AF80  }
0x3c2: {  	[tilespmem:s24], [sflag:$0x3] =	stream.linear.gather [hbm4b:s22+s2], $0x80, $0x38;
	[tilespmem:$0x1CF00] =	vst v63  }
0x3c3: {  	s22 =	sadd.s32 $0x700, s11;
	s24 =	simm.s32 $0x1B080  }
0x3c4: {  	[tilespmem:s24], [sflag:$0x3] =	stream.linear.gather [hbm4b:s22+s2], $0x80, $0x38;
	[tilespmem:$0x1CF00] =	vst v63  }
0x3c5: {  	s22 =	sadd.s32 $0x780, s11;
	s24 =	simm.s32 $0x1B180  }
0x3c6: {  	[tilespmem:s24], [sflag:$0x3] =	stream.linear.gather [hbm4b:s22+s2], $0x80, $0x38;
	[tilespmem:$0x1CF00] =	vst v63  }
0x3c7: {  	s22 =	sadd.s32 $0x800, s11;
	s24 =	simm.s32 $0x1B280  }
0x3c8: {  	[tilespmem:s24], [sflag:$0x3] =	stream.linear.gather [hbm4b:s22+s2], $0x80, $0x38;
	[tilespmem:$0x1CF00] =	vst v63  }
0x3c9: {  	s11 =	sadd.s32 $0x880, s11;
	s24 =	simm.s32 $0x1B380  }
0x3ca: {  	[tilespmem:s24], [sflag:$0x3] =	stream.linear.gather [hbm4b:s11+s2], $0x80, $0x38;
	[tilespmem:$0x1CF00] =	vst v63  }
0x3cb: {  	s10 =	sadd.s32 s5, s10;
	s24 =	simm.s32 $0x1B480  }
0x3cc: {  	[tilespmem:s24], [sflag:$0x3] =	stream.linear.gather [hbm4b:s10+s2], $0x80, $0x38;
	[tilespmem:$0x1CF00] =	vst v63  }
0x3cd: {  	s22 =	sadd.s32 $0x80, s10;
	s24 =	simm.s32 $0x1B580  }
0x3ce: {  	[tilespmem:s24], [sflag:$0x3] =	stream.linear.gather [hbm4b:s22+s2], $0x80, $0x38;
	[tilespmem:$0x1CF00] =	vst v63  }
0x3cf: {  	s22 =	sadd.s32 $0x100, s10;
	s24 =	simm.s32 $0x1B680  }
0x3d0: {  	[tilespmem:s24], [sflag:$0x3] =	stream.linear.gather [hbm4b:s22+s2], $0x80, $0x38;
	[tilespmem:$0x1CF00] =	vst v63  }
0x3d1: {  	s22 =	sadd.s32 $0x180, s10;
	s24 =	simm.s32 $0x1B780  }
0x3d2: {  	[tilespmem:s24], [sflag:$0x3] =	stream.linear.gather [hbm4b:s22+s2], $0x80, $0x38;
	[tilespmem:$0x1CF00] =	vst v63  }
0x3d3: {  	s22 =	sadd.s32 $0x200, s10;
	s24 =	simm.s32 $0x1B880  }
0x3d4: {  	[tilespmem:s24], [sflag:$0x3] =	stream.linear.gather [hbm4b:s22+s2], $0x80, $0x38;
	[tilespmem:$0x1CF00] =	vst v63  }
0x3d5: {  	s22 =	sadd.s32 $0x280, s10;
	s24 =	simm.s32 $0x1B980  }
0x3d6: {  	[tilespmem:s24], [sflag:$0x3] =	stream.linear.gather [hbm4b:s22+s2], $0x80, $0x38;
	[tilespmem:$0x1CF00] =	vst v63  }
0x3d7: {  	s22 =	sadd.s32 $0x300, s10;
	s24 =	simm.s32 $0x1BA80  }
0x3d8: {  	[tilespmem:s24], [sflag:$0x3] =	stream.linear.gather [hbm4b:s22+s2], $0x80, $0x38;
	[tilespmem:$0x1CF00] =	vst v63  }
0x3d9: {  	s22 =	sadd.s32 $0x380, s10;
	s24 =	simm.s32 $0x1BB80  }
0x3da: {  	[tilespmem:s24], [sflag:$0x3] =	stream.linear.gather [hbm4b:s22+s2], $0x80, $0x38;
	[tilespmem:$0x1CF00] =	vst v63  }
0x3db: {  	s22 =	sadd.s32 $0x400, s10;
	s24 =	simm.s32 $0x1BC80  }
0x3dc: {  	[tilespmem:s24], [sflag:$0x3] =	stream.linear.gather [hbm4b:s22+s2], $0x80, $0x38;
	[tilespmem:$0x1CF00] =	vst v63  }
0x3dd: {  	s22 =	sadd.s32 $0x480, s10;
	s24 =	simm.s32 $0x1BD80  }
0x3de: {  	[tilespmem:s24], [sflag:$0x3] =	stream.linear.gather [hbm4b:s22+s2], $0x80, $0x38;
	[tilespmem:$0x1CF00] =	vst v63  }
0x3df: {  	s22 =	sadd.s32 $0x500, s10;
	s24 =	simm.s32 $0x1BE80  }
0x3e0: {  	[tilespmem:s24], [sflag:$0x3] =	stream.linear.gather [hbm4b:s22+s2], $0x80, $0x38;
	[tilespmem:$0x1CF00] =	vst v63  }
0x3e1: {  	s22 =	sadd.s32 $0x580, s10;
	s24 =	simm.s32 $0x1BF80  }
0x3e2: {  	[tilespmem:s24], [sflag:$0x3] =	stream.linear.gather [hbm4b:s22+s2], $0x80, $0x38;
	[tilespmem:$0x1CF00] =	vst v63  }
0x3e3: {  	s22 =	sadd.s32 $0x600, s10;
	s24 =	simm.s32 $0x1C080  }
0x3e4: {  	[tilespmem:s24], [sflag:$0x3] =	stream.linear.gather [hbm4b:s22+s2], $0x80, $0x38;
	[tilespmem:$0x1CF00] =	vst v63  }
0x3e5: {  	s22 =	sadd.s32 $0x680, s10;
	s24 =	simm.s32 $0x1C180  }
0x3e6: {  	[tilespmem:s24], [sflag:$0x3] =	stream.linear.gather [hbm4b:s22+s2], $0x80, $0x38;
	[tilespmem:$0x1CF00] =	vst v63  }
0x3e7: {  	s22 =	sadd.s32 $0x700, s10;
	s24 =	simm.s32 $0x1C280  }
0x3e8: {  	[tilespmem:s24], [sflag:$0x3] =	stream.linear.gather [hbm4b:s22+s2], $0x80, $0x38;
	[tilespmem:$0x1CF00] =	vst v63  }
0x3e9: {  	s22 =	sadd.s32 $0x780, s10;
	s24 =	simm.s32 $0x1C380  }
0x3ea: {  	[tilespmem:s24], [sflag:$0x3] =	stream.linear.gather [hbm4b:s22+s2], $0x80, $0x38;
	[tilespmem:$0x1CF00] =	vst v63  }
.Ltmp8:
0x3eb: {  	_ = 	snop;
	(pc) =	sbr.rel .LBB2_14-.Ltmp8, $4  }
0x3ec: {  	s22 =	sadd.s32 $0x800, s10;
	s24 =	simm.s32 $0x1C480  }
0x3ed: {  	[tilespmem:s24], [sflag:$0x3] =	stream.linear.gather [hbm4b:s22+s2], $0x80, $0x38;
	[tilespmem:$0x1CF00] =	vst v63  }
0x3ee: {  	s10 =	sadd.s32 $0x880, s10;
	s24 =	simm.s32 $0x1C580  }
0x3ef: {  	[tilespmem:s24], [sflag:$0x3] =	stream.linear.gather [hbm4b:s10+s2], $0x80, $0x38;
	[tilespmem:$0x1CF00] =	vst v63  }
.LBB2_15:
0x3f0: {  	_ =	swait.ge [sflag:s21], $0x480  }
0x3f1: {  	[sflag:s21] =	ssyncset.done $0x0  }
0x3f2: {  	[sflag:s21] =	ssyncadd.s32 $0xFFFFFB80  }
0x3f3: {  	_ =	swait.ge [sflag:s17], $0x480  }
0x3f4: {  	[sflag:s17] =	ssyncset.done $0x0  }
0x3f5: {  	s3 =	simm.s32 $0x1;
	[sflag:s17] =	ssyncadd.s32 $0xFFFFFB80  }
0x3f6: {  	_ =	swait.ge [sflag:s3], $0x4000  }
0x3f7: {  	[sflag:s3] =	ssyncset.done $0x0  }
0x3f8: {  	[sflag:s3] =	ssyncadd.s32 $0xFFFFC000  }
0x3f9: {  	_ =	swait.ge [sflag:s3], $0x4000  }
0x3fa: {  	[sflag:s3] =	ssyncset.done $0x0  }
0x3fb: {  	[sflag:s3] =	ssyncadd.s32 $0xFFFFC000  }
0x3fc: {  	_ =	swait.ge [sflag:s3], $0x4000  }
0x3fd: {  	[sflag:s3] =	ssyncset.done $0x0  }
0x3fe: {  	[sflag:s3] =	ssyncadd.s32 $0xFFFFC000  }
0x3ff: {  	_ =	swait.ge [sflag:s3], $0x4000  }
0x400: {  	[sflag:s3] =	ssyncset.done $0x0  }
0x401: {  	[sflag:s3] =	ssyncadd.s32 $0xFFFFC000  }
0x402: {  	[bflag:$0x0] =	sbarrier.arrive $0xFFFF  }
0x403: {  	s10 =	sld [smem:$0x7C0];
	_ =	sdelay $0x1  }
0x404: {  	s11 =	simm.s32 $0x10000  }
0x405: {  	[tilespmem:s11], [sflag:$0x2] =	stream.linear.gather [hbm4b:s10+s2], $0x80, $0x38;
	[tilespmem:$0x1CF00] =	vst v63  }
0x406: {  	s22 =	simm.s32 $0x10100;
	s24 =	sadd.s32 $0x40, s10  }
0x407: {  	[tilespmem:s22], [sflag:$0x2] =	stream.linear.gather [hbm4b:s24+s2], $0x80, $0x38;
	[tilespmem:$0x1CF00] =	vst v63  }
0x408: {  	s25 =	sadd.s32 $0x80, s10;
	s24 =	simm.s32 $0x10200  }
0x409: {  	[tilespmem:s24], [sflag:$0x2] =	stream.linear.gather [hbm4b:s25+s2], $0x80, $0x38;
	[tilespmem:$0x1CF00] =	vst v63  }
0x40a: {  	s20 =	sadd.s32 $0xC0, s10;
	s25 =	simm.s32 $0x10300  }
0x40b: {  	[tilespmem:s25], [sflag:$0x2] =	stream.linear.gather [hbm4b:s20+s2], $0x80, $0x38;
	[tilespmem:$0x1CF00] =	vst v63  }
0x40c: {  	s28 =	simm.s32 $0x10400;
	s20 =	sadd.s32 $0x100, s10  }
0x40d: {  	[tilespmem:s28], [sflag:$0x2] =	stream.linear.gather [hbm4b:s20+s2], $0x80, $0x38;
	[tilespmem:$0x1CF00] =	vst v63  }
0x40e: {  	s29 =	simm.s32 $0x10500;
	s20 =	sadd.s32 $0x140, s10  }
0x40f: {  	[tilespmem:s29], [sflag:$0x2] =	stream.linear.gather [hbm4b:s20+s2], $0x80, $0x38;
	[tilespmem:$0x1CF00] =	vst v63  }
0x410: {  	s3 =	sadd.s32 $0x180, s10;
	s20 =	simm.s32 $0x10600  }
0x411: {  	[tilespmem:s20], [sflag:$0x2] =	stream.linear.gather [hbm4b:s3+s2], $0x80, $0x38;
	[tilespmem:$0x1CF00] =	vst v63  }
0x412: {  	s3 =	sadd.s32 $0x1C0, s10;
	s20 =	simm.s32 $0x10700  }
0x413: {  	[tilespmem:s20], [sflag:$0x2] =	stream.linear.gather [hbm4b:s3+s2], $0x80, $0x38;
	[tilespmem:$0x1CF00] =	vst v63  }
0x414: {  	s3 =	sadd.s32 $0x200, s10;
	s20 =	simm.s32 $0x10800  }
0x415: {  	[tilespmem:s20], [sflag:$0x2] =	stream.linear.gather [hbm4b:s3+s2], $0x80, $0x38;
	[tilespmem:$0x1CF00] =	vst v63  }
0x416: {  	s3 =	sadd.s32 $0x240, s10;
	s20 =	simm.s32 $0x10900  }
0x417: {  	[tilespmem:s20], [sflag:$0x2] =	stream.linear.gather [hbm4b:s3+s2], $0x80, $0x38;
	[tilespmem:$0x1CF00] =	vst v63  }
0x418: {  	s3 =	sadd.s32 $0x280, s10;
	s20 =	simm.s32 $0x10A00  }
0x419: {  	[tilespmem:s20], [sflag:$0x2] =	stream.linear.gather [hbm4b:s3+s2], $0x80, $0x38;
	[tilespmem:$0x1CF00] =	vst v63  }
0x41a: {  	s3 =	sadd.s32 $0x2C0, s10;
	s20 =	simm.s32 $0x10B00  }
0x41b: {  	[tilespmem:s20], [sflag:$0x2] =	stream.linear.gather [hbm4b:s3+s2], $0x80, $0x38;
	[tilespmem:$0x1CF00] =	vst v63  }
0x41c: {  	s3 =	sadd.s32 $0x300, s10;
	s20 =	simm.s32 $0x10C00  }
0x41d: {  	[tilespmem:s20], [sflag:$0x2] =	stream.linear.gather [hbm4b:s3+s2], $0x80, $0x38;
	[tilespmem:$0x1CF00] =	vst v63  }
0x41e: {  	s3 =	sadd.s32 $0x340, s10;
	s20 =	simm.s32 $0x10D00  }
0x41f: {  	[tilespmem:s20], [sflag:$0x2] =	stream.linear.gather [hbm4b:s3+s2], $0x80, $0x38;
	[tilespmem:$0x1CF00] =	vst v63  }
0x420: {  	s3 =	sadd.s32 $0x380, s10;
	s20 =	simm.s32 $0x10E00  }
0x421: {  	[tilespmem:s20], [sflag:$0x2] =	stream.linear.gather [hbm4b:s3+s2], $0x80, $0x38;
	[tilespmem:$0x1CF00] =	vst v63  }
0x422: {  	s3 =	sadd.s32 $0x3C0, s10;
	s20 =	simm.s32 $0x10F00  }
0x423: {  	[tilespmem:s20], [sflag:$0x2] =	stream.linear.gather [hbm4b:s3+s2], $0x80, $0x38;
	[tilespmem:$0x1CF00] =	vst v63  }
0x424: {  	s3 =	sadd.s32 $0x400, s10;
	s20 =	simm.s32 $0x11000  }
0x425: {  	[tilespmem:s20], [sflag:$0x2] =	stream.linear.gather [hbm4b:s3+s2], $0x80, $0x38;
	[tilespmem:$0x1CF00] =	vst v63  }
0x426: {  	s10 =	sadd.s32 $0x440, s10;
	s20 =	simm.s32 $0x11100  }
0x427: {  	[tilespmem:s20], [sflag:$0x2] =	stream.linear.gather [hbm4b:s10+s2], $0x80, $0x38;
	[tilespmem:$0x1CF00] =	vst v63  }
0x428: {  	s10 =	rddreg [dreg:$0x16];
	s20 =	simm.s32 $0x10080  }
0x429: {  	[tilespmem:s20], [sflag:$0x3] =	stream.linear.gather [hbm4b:s10+s2], $0x80, $0x38;
	[tilespmem:$0x1CF00] =	vst v63  }
0x42a: {  	s3 =	sadd.s32 $0x40, s10;
	s20 =	simm.s32 $0x10180  }
0x42b: {  	[tilespmem:s20], [sflag:$0x3] =	stream.linear.gather [hbm4b:s3+s2], $0x80, $0x38;
	[tilespmem:$0x1CF00] =	vst v63  }
0x42c: {  	s3 =	sadd.s32 $0x80, s10;
	s20 =	simm.s32 $0x10280  }
0x42d: {  	[tilespmem:s20], [sflag:$0x3] =	stream.linear.gather [hbm4b:s3+s2], $0x80, $0x38;
	[tilespmem:$0x1CF00] =	vst v63  }
0x42e: {  	s3 =	sadd.s32 $0xC0, s10;
	s20 =	simm.s32 $0x10380  }
0x42f: {  	[tilespmem:s20], [sflag:$0x3] =	stream.linear.gather [hbm4b:s3+s2], $0x80, $0x38;
	[tilespmem:$0x1CF00] =	vst v63  }
0x430: {  	s3 =	sadd.s32 $0x100, s10;
	s20 =	simm.s32 $0x10480  }
0x431: {  	[tilespmem:s20], [sflag:$0x3] =	stream.linear.gather [hbm4b:s3+s2], $0x80, $0x38;
	[tilespmem:$0x1CF00] =	vst v63  }
0x432: {  	s3 =	sadd.s32 $0x140, s10;
	s20 =	simm.s32 $0x10580  }
0x433: {  	[tilespmem:s20], [sflag:$0x3] =	stream.linear.gather [hbm4b:s3+s2], $0x80, $0x38;
	[tilespmem:$0x1CF00] =	vst v63  }
0x434: {  	s3 =	sadd.s32 $0x180, s10;
	s20 =	simm.s32 $0x10680  }
0x435: {  	[tilespmem:s20], [sflag:$0x3] =	stream.linear.gather [hbm4b:s3+s2], $0x80, $0x38;
	[tilespmem:$0x1CF00] =	vst v63  }
0x436: {  	s3 =	sadd.s32 $0x1C0, s10;
	s20 =	simm.s32 $0x10780  }
0x437: {  	[tilespmem:s20], [sflag:$0x3] =	stream.linear.gather [hbm4b:s3+s2], $0x80, $0x38;
	[tilespmem:$0x1CF00] =	vst v63  }
0x438: {  	s3 =	sadd.s32 $0x200, s10;
	s20 =	simm.s32 $0x10880  }
0x439: {  	[tilespmem:s20], [sflag:$0x3] =	stream.linear.gather [hbm4b:s3+s2], $0x80, $0x38;
	[tilespmem:$0x1CF00] =	vst v63  }
0x43a: {  	s3 =	sadd.s32 $0x240, s10;
	s20 =	simm.s32 $0x10980  }
0x43b: {  	[tilespmem:s20], [sflag:$0x3] =	stream.linear.gather [hbm4b:s3+s2], $0x80, $0x38;
	[tilespmem:$0x1CF00] =	vst v63  }
0x43c: {  	s3 =	sadd.s32 $0x280, s10;
	s20 =	simm.s32 $0x10A80  }
0x43d: {  	[tilespmem:s20], [sflag:$0x3] =	stream.linear.gather [hbm4b:s3+s2], $0x80, $0x38;
	[tilespmem:$0x1CF00] =	vst v63  }
0x43e: {  	s3 =	sadd.s32 $0x2C0, s10;
	s20 =	simm.s32 $0x10B80  }
0x43f: {  	[tilespmem:s20], [sflag:$0x3] =	stream.linear.gather [hbm4b:s3+s2], $0x80, $0x38;
	[tilespmem:$0x1CF00] =	vst v63  }
0x440: {  	s3 =	sadd.s32 $0x300, s10;
	s20 =	simm.s32 $0x10C80  }
0x441: {  	[tilespmem:s20], [sflag:$0x3] =	stream.linear.gather [hbm4b:s3+s2], $0x80, $0x38;
	[tilespmem:$0x1CF00] =	vst v63  }
0x442: {  	s3 =	sadd.s32 $0x340, s10;
	s20 =	simm.s32 $0x10D80  }
0x443: {  	[tilespmem:s20], [sflag:$0x3] =	stream.linear.gather [hbm4b:s3+s2], $0x80, $0x38;
	[tilespmem:$0x1CF00] =	vst v63  }
0x444: {  	s3 =	sadd.s32 $0x380, s10;
	s20 =	simm.s32 $0x10E80  }
0x445: {  	[tilespmem:s20], [sflag:$0x3] =	stream.linear.gather [hbm4b:s3+s2], $0x80, $0x38;
	[tilespmem:$0x1CF00] =	vst v63  }
0x446: {  	s3 =	sadd.s32 $0x3C0, s10;
	s20 =	simm.s32 $0x10F80  }
0x447: {  	[tilespmem:s20], [sflag:$0x3] =	stream.linear.gather [hbm4b:s3+s2], $0x80, $0x38;
	[tilespmem:$0x1CF00] =	vst v63  }
0x448: {  	s3 =	sadd.s32 $0x400, s10;
	s20 =	simm.s32 $0x11080  }
0x449: {  	[tilespmem:s20], [sflag:$0x3] =	stream.linear.gather [hbm4b:s3+s2], $0x80, $0x38;
	[tilespmem:$0x1CF00] =	vst v63  }
0x44a: {  	s10 =	sadd.s32 $0x440, s10;
	s20 =	simm.s32 $0x11180  }
0x44b: {  	[tilespmem:s20], [sflag:$0x3] =	stream.linear.gather [hbm4b:s10+s2], $0x80, $0x38;
	[tilespmem:$0x1CF00] =	vst v63  }
0x44c: {  	_ =	swait.ge [sflag:s23], $0x900  }
0x44d: {  	[sflag:s23] =	ssyncset.done $0x0  }
0x44e: {  	s20 =	simm.s32 $0x10040;
	[sflag:s23] =	ssyncadd.s32 $0xFFFFF700  }
0x44f: {  	v0 =	vld [tilespmem:s20+$0x30]  }
0x450: {  	v1 =	vld [tilespmem:s20+$0xFFFFFFD0]  }
0x451: {  	v2 =	vld [tilespmem:s20+$0xFFFFFFE0]  }
0x452: {  	v3 =	vld [tilespmem:s20+$0xFFFFFFF0]  }
0x453: {  	v4 =	vld [tilespmem:s20+$0x0]  }
0x454: {  	v5 =	vld [tilespmem:s20+$0x10];
	v6 =	vand.u32 $0xFFFF, v0  }
0x455: {  	v8 =	vld [tilespmem:s20+$0x20];
	v7 =	vand.u32 $0xFFFF, v1  }
0x456: {  	v10 =	vld [tilespmem:s20+$0xFFFFFFC0];
	v9 =	vand.u32 $0xFFFF, v2  }
0x457: {  	v11 =	vand.u32 $0xFFFF, v3  }
0x458: {  	v12 =	vand.u32 $0xFFFF, v4  }
0x459: {  	v13 =	vand.u32 $0xFFFF, v5;
	v14 =	vld.idx.msk [tilespmem:v6+s2+$0x0], $0xffff  }
0x45a: {  	v16 =	vand.u32 $0xFFFF, v8;
	v15 =	vld.idx.msk [tilespmem:v7+s2+$0x0], $0xffff  }
0x45b: {  	v19 =	vand.u32 $0xFFFF, v10;
	v17 =	vld.idx.msk [tilespmem:v9+s2+$0x0], $0xffff  }
0x45c: {  	v18 =	vshra.s32 v0, $0x10;
	v20 =	vld.idx.msk [tilespmem:v11+s2+$0x0], $0xffff  }
0x45d: {  	v21 =	vshra.s32 v1, $0x10;
	v1 =	vld.idx.msk [tilespmem:v12+s2+$0x0], $0xffff  }
0x45e: {  	s3 =	simm.s32 $0x11400;
	v22 =	vshra.s32 v2, $0x10;
	v2 =	vld.idx.msk [tilespmem:v13+s2+$0x0], $0xffff  }
0x45f: {  	v23 =	vshra.s32 v3, $0x10;
	v3 =	vld.idx.msk [tilespmem:v16+s2+$0x0], $0xffff;
	[tilespmem:s3+$0x60] =	vst v14  }
0x460: {  	v54 =	vshra.s32 v4, $0x10;
	v0 =	vshra.s32 v5, $0x10;
	v5 =	vld.idx.msk [tilespmem:v19+s2+$0x0], $0xffff;
	[tilespmem:s3+$0xFFFFFE20] =	vst v15  }
0x461: {  	[tilespmem:s3+$0xFFFFFE40] =	vst v17;
	v4 =	vld.idx.msk [tilespmem:v18+s2+$0x0], $0xffff  }
0x462: {  	v10 =	vshra.s32 v10, $0x10;
	[tilespmem:s3+$0xFFFFFE60] =	vst v20;
	v15 =	vld.idx.msk [tilespmem:v21+s2+$0x0], $0xffff  }
0x463: {  	[tilespmem:s3+$0x0] =	vst v1;
	v1 =	vshra.s32 v8, $0x10;
	v17 =	vld.idx.msk [tilespmem:v22+s2+$0x0], $0xffff  }
0x464: {  	[tilespmem:s3+$0x20] =	vst v2;
	v8 =	vld.idx.msk [tilespmem:v23+s2+$0x0], $0xffff  }
0x465: {  	[tilespmem:s3+$0x40] =	vst v3;
	v2 =	vld.idx.msk [tilespmem:v54+s2+$0x0], $0xffff  }
0x466: {  	[tilespmem:s3+$0xFFFFFE00] =	vst v5;
	v3 =	vld.idx.msk [tilespmem:v0+s2+$0x0], $0xffff  }
0x467: {  	v5 =	vld.idx.msk [tilespmem:v10+s2+$0x0], $0xffff;
	[tilespmem:s3+$0x70] =	vst v4  }
0x468: {  	v55 =	vld.idx.msk [tilespmem:v1+s2+$0x0], $0xffff;
	[tilespmem:s3+$0xFFFFFE30] =	vst v15  }
0x469: {  	[tilespmem:s3+$0xFFFFFE50] =	vst v17;
	v4 =	vld.idx.msk [tilespmem:v6+s14+$0x0], $0xffff  }
0x46a: {  	[tilespmem:s3+$0xFFFFFE70] =	vst v8;
	v56 =	vld.idx.msk [tilespmem:v7+s14+$0x0], $0xffff  }
0x46b: {  	[tilespmem:s3+$0x10] =	vst v2;
	v8 =	vld.idx.msk [tilespmem:v9+s14+$0x0], $0xffff  }
0x46c: {  	[tilespmem:s3+$0x30] =	vst v3;
	v2 =	vld.idx.msk [tilespmem:v11+s14+$0x0], $0xffff  }
0x46d: {  	[tilespmem:s3+$0xFFFFFE10] =	vst v5;
	v3 =	vld.idx.msk [tilespmem:v12+s14+$0x0], $0xffff  }
0x46e: {  	v5 =	vld.idx.msk [tilespmem:v19+s14+$0x0], $0xffff;
	[tilespmem:s3+$0x50] =	vst v55  }
0x46f: {  	v57 =	vld.idx.msk [tilespmem:v13+s14+$0x0], $0xffff;
	[tilespmem:s3+$0xE0] =	vst v4  }
0x470: {  	[tilespmem:s3+$0xFFFFFEC0] =	vst v8;
	v8 =	vld.idx.msk [tilespmem:v16+s14+$0x0], $0xffff  }
0x471: {  	[tilespmem:s3+$0xFFFFFEA0] =	vst v56;
	v4 =	vld.idx.msk [tilespmem:v18+s14+$0x0], $0xffff  }
0x472: {  	[tilespmem:s3+$0xFFFFFEE0] =	vst v2;
	v17 =	vld.idx.msk [tilespmem:v21+s14+$0x0], $0xffff  }
0x473: {  	[tilespmem:s3+$0x80] =	vst v3;
	v2 =	vld.idx.msk [tilespmem:v22+s14+$0x0], $0xffff  }
0x474: {  	[tilespmem:s3+$0xFFFFFE80] =	vst v5;
	v3 =	vld.idx.msk [tilespmem:v23+s14+$0x0], $0xffff  }
0x475: {  	[tilespmem:s3+$0xA0] =	vst v57;
	v5 =	vld.idx.msk [tilespmem:v10+s14+$0x0], $0xffff  }
0x476: {  	v58 =	vld.idx.msk [tilespmem:v54+s14+$0x0], $0xffff;
	[tilespmem:s3+$0xC0] =	vst v8  }
0x477: {  	v8 =	vld.idx.msk [tilespmem:v0+s14+$0x0], $0xffff;
	[tilespmem:s3+$0xF0] =	vst v4  }
0x478: {  	[tilespmem:s3+$0xFFFFFED0] =	vst v2;
	v2 =	vld.idx.msk [tilespmem:v1+s14+$0x0], $0xffff  }
0x479: {  	[tilespmem:s3+$0xFFFFFEB0] =	vst v17;
	v4 =	vld.idx.msk [tilespmem:v6+s15+$0x0], $0xffff  }
0x47a: {  	[tilespmem:s3+$0xFFFFFEF0] =	vst v3;
	v17 =	vld.idx.msk [tilespmem:v7+s15+$0x0], $0xffff  }
0x47b: {  	[tilespmem:s3+$0xFFFFFE90] =	vst v5;
	v3 =	vld.idx.msk [tilespmem:v9+s15+$0x0], $0xffff  }
0x47c: {  	[tilespmem:s3+$0x90] =	vst v58;
	v5 =	vld.idx.msk [tilespmem:v19+s15+$0x0], $0xffff  }
0x47d: {  	v59 =	vld.idx.msk [tilespmem:v11+s15+$0x0], $0xffff;
	[tilespmem:s3+$0xB0] =	vst v8  }
0x47e: {  	v8 =	vld.idx.msk [tilespmem:v12+s15+$0x0], $0xffff;
	[tilespmem:s3+$0xD0] =	vst v2  }
0x47f: {  	v2 =	vld.idx.msk [tilespmem:v13+s15+$0x0], $0xffff;
	[tilespmem:s3+$0x160] =	vst v4  }
0x480: {  	[tilespmem:s3+$0xFFFFFF40] =	vst v3;
	v3 =	vld.idx.msk [tilespmem:v16+s15+$0x0], $0xffff  }
0x481: {  	[tilespmem:s3+$0xFFFFFF20] =	vst v17;
	v4 =	vld.idx.msk [tilespmem:v18+s15+$0x0], $0xffff  }
0x482: {  	[tilespmem:s3+$0xFFFFFF00] =	vst v5;
	v17 =	vld.idx.msk [tilespmem:v21+s15+$0x0], $0xffff  }
0x483: {  	[tilespmem:s3+$0xFFFFFF60] =	vst v59;
	v5 =	vld.idx.msk [tilespmem:v10+s15+$0x0], $0xffff  }
0x484: {  	[tilespmem:s3+$0x100] =	vst v8;
	v8 =	vld.idx.msk [tilespmem:v23+s15+$0x0], $0xffff  }
0x485: {  	[tilespmem:s3+$0x120] =	vst v2;
	v2 =	vld.idx.msk [tilespmem:v54+s15+$0x0], $0xffff  }
0x486: {  	[tilespmem:s3+$0x140] =	vst v3;
	v3 =	vld.idx.msk [tilespmem:v0+s15+$0x0], $0xffff  }
0x487: {  	[tilespmem:s3+$0x170] =	vst v4;
	v60 =	vld.idx.msk [tilespmem:v1+s15+$0x0], $0xffff  }
0x488: {  	[tilespmem:s3+$0xFFFFFF30] =	vst v17;
	v4 =	vld.idx.msk [tilespmem:v6+s16+$0x0], $0xffff  }
0x489: {  	[tilespmem:s3+$0xFFFFFF10] =	vst v5;
	v6 =	vld.idx.msk [tilespmem:v22+s15+$0x0], $0xffff  }
0x48a: {  	v5 =	vld.idx.msk [tilespmem:v19+s16+$0x0], $0xffff;
	[tilespmem:s3+$0xFFFFFF70] =	vst v8  }
0x48b: {  	v17 =	vld.idx.msk [tilespmem:v7+s16+$0x0], $0xffff;
	[tilespmem:s3+$0x110] =	vst v2  }
0x48c: {  	v61 =	vld.idx.msk [tilespmem:v11+s16+$0x0], $0xffff;
	[tilespmem:s3+$0x130] =	vst v3  }
0x48d: {  	v62 =	vld.idx.msk [tilespmem:v12+s16+$0x0], $0xffff;
	[tilespmem:s3+$0x150] =	vst v60  }
0x48e: {  	v63 =	vld.idx.msk [tilespmem:v13+s16+$0x0], $0xffff;
	[tilespmem:s3+$0xFFFFFF50] =	vst v6  }
0x48f: {  	[tilespmem:s3+$0x1E0] =	vst v4;
	v8 =	vld.idx.msk [tilespmem:v9+s16+$0x0], $0xffff  }
0x490: {  	[tilespmem:s3+$0xFFFFFF80] =	vst v5;
	v7 =	vld.idx.msk [tilespmem:v16+s16+$0x0], $0xffff  }
0x491: {  	[tilespmem:s3+$0xFFFFFFA0] =	vst v17;
	v4 =	vld.idx.msk [tilespmem:v18+s16+$0x0], $0xffff  }
0x492: {  	v6 =	vld.idx.msk [tilespmem:v10+s16+$0x0], $0xffff;
	[tilespmem:s3+$0xFFFFFFE0] =	vst v61  }
0x493: {  	v2 =	vld.idx.msk [tilespmem:v21+s16+$0x0], $0xffff;
	[tilespmem:s3+$0x180] =	vst v62  }
0x494: {  	v5 =	vld.idx.msk [tilespmem:v54+s16+$0x0], $0xffff;
	[tilespmem:s3+$0xFFFFFFC0] =	vst v8  }
0x495: {  	[tilespmem:s3+$0x1A0] =	vst v63;
	v3 =	vld.idx.msk [tilespmem:v22+s16+$0x0], $0xffff  }
0x496: {  	s10 =	simm.s32 $0x10140;
	s20 =	simm.s32 $0x0;
	[tilespmem:s3+$0x1F0] =	vst v4;
	v4 =	vld.idx.msk [tilespmem:v23+s16+$0x0], $0xffff  }
.LBB2_16:
0x497: {  	v15 =	vld [tilespmem:s10+$0x30];
	s20 =	sadd.s32 $0x100, s20;
	[tilespmem:s3+$0x1C0] =	vst v7  }
0x498: {  	v7 =	vld [tilespmem:s10+$0xFFFFFFD0];
	p0 =	slt.u32 s20, $0x1100;
	[tilespmem:s3+$0xFFFFFF90] =	vst v6  }
0x499: {  	v8 =	vld [tilespmem:s10+$0xFFFFFFE0];
	[tilespmem:s3+$0xFFFFFFB0] =	vst v2  }
0x49a: {  	v9 =	vld [tilespmem:s10+$0xFFFFFFF0];
	[tilespmem:s3+$0xFFFFFFD0] =	vst v3  }
0x49b: {  	v10 =	vld [tilespmem:s10+$0x0];
	[tilespmem:s3+$0xFFFFFFF0] =	vst v4  }
0x49c: {  	v11 =	vld [tilespmem:s10+$0x10];
	v13 =	vand.u32 $0xFFFF, v15;
	[tilespmem:s3+$0x190] =	vst v5  }
0x49d: {  	v2 =	vshra.s32 v7, $0x10;
	v6 =	vand.u32 $0xFFFF, v7;
	v12 =	vld [tilespmem:s10+$0x20]  }
0x49e: {  	v14 =	vld [tilespmem:s10+$0xFFFFFFC0];
	v3 =	vshra.s32 v8, $0x10;
	v7 =	vand.u32 $0xFFFF, v8  }
0x49f: {  	v4 =	vshra.s32 v9, $0x10;
	v8 =	vand.u32 $0xFFFF, v9;
	v16 =	vld.idx.msk [tilespmem:v0+s16+$0x0], $0xffff  }
0x4a0: {  	v5 =	vshra.s32 v10, $0x10;
	v9 =	vand.u32 $0xFFFF, v10;
	v17 =	vld.idx.msk [tilespmem:v1+s16+$0x0], $0xffff  }
0x4a1: {  	v0 =	vshra.s32 v11, $0x10;
	v10 =	vand.u32 $0xFFFF, v11;
	v18 =	vld.idx.msk [tilespmem:v13+s2+$0x0], $0xffff  }
0x4a2: {  	v19 =	vld.idx.msk [tilespmem:v6+s2+$0x0], $0xffff;
	v1 =	vshra.s32 v12, $0x10;
	v12 =	vand.u32 $0xFFFF, v12  }
0x4a3: {  	v15 =	vshra.s32 v15, $0x10;
	v11 =	vshra.s32 v14, $0x10;
	v14 =	vand.u32 $0xFFFF, v14;
	v20 =	vld.idx.msk [tilespmem:v7+s2+$0x0], $0xffff  }
0x4a4: {  	v21 =	vld.idx.msk [tilespmem:v8+s2+$0x0], $0xffff  }
0x4a5: {  	v22 =	vld.idx.msk [tilespmem:v9+s2+$0x0], $0xffff;
	[tilespmem:s3+$0x1B0] =	vst v16  }
0x4a6: {  	v16 =	vld.idx.msk [tilespmem:v10+s2+$0x0], $0xffff;
	[tilespmem:s3+$0x1D0] =	vst v17;
	s3 =	sadd.s32 $0x400, s3  }
0x4a7: {  	v17 =	vld.idx.msk [tilespmem:v12+s2+$0x0], $0xffff;
	[tilespmem:s3+$0x60] =	vst v18  }
0x4a8: {  	[tilespmem:s3+$0xFFFFFE20] =	vst v19;
	v18 =	vld.idx.msk [tilespmem:v15+s2+$0x0], $0xffff  }
0x4a9: {  	v19 =	vld.idx.msk [tilespmem:v14+s2+$0x0], $0xffff;
	[tilespmem:s3+$0xFFFFFE40] =	vst v20  }
0x4aa: {  	v20 =	vld.idx.msk [tilespmem:v2+s2+$0x0], $0xffff;
	[tilespmem:s3+$0xFFFFFE60] =	vst v21  }
0x4ab: {  	v21 =	vld.idx.msk [tilespmem:v3+s2+$0x0], $0xffff;
	[tilespmem:s3+$0x0] =	vst v22  }
0x4ac: {  	v22 =	vld.idx.msk [tilespmem:v4+s2+$0x0], $0xffff;
	[tilespmem:s3+$0x20] =	vst v16  }
0x4ad: {  	v16 =	vld.idx.msk [tilespmem:v5+s2+$0x0], $0xffff;
	[tilespmem:s3+$0x40] =	vst v17  }
0x4ae: {  	v17 =	vld.idx.msk [tilespmem:v0+s2+$0x0], $0xffff;
	[tilespmem:s3+$0x70] =	vst v18  }
0x4af: {  	[tilespmem:s3+$0xFFFFFE00] =	vst v19;
	v18 =	vld.idx.msk [tilespmem:v13+s14+$0x0], $0xffff  }
0x4b0: {  	v19 =	vld.idx.msk [tilespmem:v11+s2+$0x0], $0xffff;
	[tilespmem:s3+$0xFFFFFE30] =	vst v20  }
0x4b1: {  	[tilespmem:s3+$0xFFFFFE50] =	vst v21;
	v20 =	vld.idx.msk [tilespmem:v1+s2+$0x0], $0xffff  }
0x4b2: {  	v21 =	vld.idx.msk [tilespmem:v6+s14+$0x0], $0xffff;
	[tilespmem:s3+$0xFFFFFE70] =	vst v22  }
0x4b3: {  	v22 =	vld.idx.msk [tilespmem:v7+s14+$0x0], $0xffff;
	[tilespmem:s3+$0x10] =	vst v16  }
0x4b4: {  	v16 =	vld.idx.msk [tilespmem:v8+s14+$0x0], $0xffff;
	[tilespmem:s3+$0x30] =	vst v17  }
0x4b5: {  	v17 =	vld.idx.msk [tilespmem:v9+s14+$0x0], $0xffff;
	[tilespmem:s3+$0xE0] =	vst v18  }
0x4b6: {  	[tilespmem:s3+$0xFFFFFE10] =	vst v19;
	v18 =	vld.idx.msk [tilespmem:v15+s14+$0x0], $0xffff  }
0x4b7: {  	v19 =	vld.idx.msk [tilespmem:v14+s14+$0x0], $0xffff;
	[tilespmem:s3+$0x50] =	vst v20  }
0x4b8: {  	[tilespmem:s3+$0xFFFFFEA0] =	vst v21;
	v20 =	vld.idx.msk [tilespmem:v10+s14+$0x0], $0xffff  }
0x4b9: {  	[tilespmem:s3+$0xFFFFFEC0] =	vst v22;
	v21 =	vld.idx.msk [tilespmem:v12+s14+$0x0], $0xffff  }
0x4ba: {  	v22 =	vld.idx.msk [tilespmem:v2+s14+$0x0], $0xffff;
	[tilespmem:s3+$0xFFFFFEE0] =	vst v16  }
0x4bb: {  	v16 =	vld.idx.msk [tilespmem:v3+s14+$0x0], $0xffff;
	[tilespmem:s3+$0x80] =	vst v17  }
0x4bc: {  	v17 =	vld.idx.msk [tilespmem:v4+s14+$0x0], $0xffff;
	[tilespmem:s3+$0xF0] =	vst v18  }
0x4bd: {  	[tilespmem:s3+$0xFFFFFE80] =	vst v19;
	v18 =	vld.idx.msk [tilespmem:v13+s15+$0x0], $0xffff  }
0x4be: {  	v19 =	vld.idx.msk [tilespmem:v11+s14+$0x0], $0xffff;
	[tilespmem:s3+$0xA0] =	vst v20  }
0x4bf: {  	v20 =	vld.idx.msk [tilespmem:v5+s14+$0x0], $0xffff;
	[tilespmem:s3+$0xC0] =	vst v21  }
0x4c0: {  	[tilespmem:s3+$0xFFFFFEB0] =	vst v22;
	v21 =	vld.idx.msk [tilespmem:v0+s14+$0x0], $0xffff  }
0x4c1: {  	[tilespmem:s3+$0xFFFFFED0] =	vst v16;
	v16 =	vld.idx.msk [tilespmem:v1+s14+$0x0], $0xffff  }
0x4c2: {  	v22 =	vld.idx.msk [tilespmem:v6+s15+$0x0], $0xffff;
	[tilespmem:s3+$0xFFFFFEF0] =	vst v17  }
0x4c3: {  	v17 =	vld.idx.msk [tilespmem:v7+s15+$0x0], $0xffff;
	[tilespmem:s3+$0x160] =	vst v18  }
0x4c4: {  	[tilespmem:s3+$0xFFFFFE90] =	vst v19;
	v18 =	vld.idx.msk [tilespmem:v15+s15+$0x0], $0xffff  }
0x4c5: {  	v19 =	vld.idx.msk [tilespmem:v14+s15+$0x0], $0xffff;
	[tilespmem:s3+$0x90] =	vst v20  }
0x4c6: {  	v20 =	vld.idx.msk [tilespmem:v8+s15+$0x0], $0xffff;
	[tilespmem:s3+$0xB0] =	vst v21  }
0x4c7: {  	v21 =	vld.idx.msk [tilespmem:v9+s15+$0x0], $0xffff;
	[tilespmem:s3+$0xD0] =	vst v16  }
0x4c8: {  	[tilespmem:s3+$0xFFFFFF20] =	vst v22;
	v16 =	vld.idx.msk [tilespmem:v10+s15+$0x0], $0xffff  }
0x4c9: {  	[tilespmem:s3+$0xFFFFFF40] =	vst v17;
	v17 =	vld.idx.msk [tilespmem:v12+s15+$0x0], $0xffff  }
0x4ca: {  	v22 =	vld.idx.msk [tilespmem:v2+s15+$0x0], $0xffff;
	[tilespmem:s3+$0x170] =	vst v18  }
0x4cb: {  	[tilespmem:s3+$0xFFFFFF00] =	vst v19;
	v13 =	vld.idx.msk [tilespmem:v13+s16+$0x0], $0xffff  }
0x4cc: {  	v18 =	vld.idx.msk [tilespmem:v11+s15+$0x0], $0xffff;
	[tilespmem:s3+$0xFFFFFF60] =	vst v20  }
0x4cd: {  	v19 =	vld.idx.msk [tilespmem:v3+s15+$0x0], $0xffff;
	[tilespmem:s3+$0x100] =	vst v21  }
0x4ce: {  	v20 =	vld.idx.msk [tilespmem:v4+s15+$0x0], $0xffff;
	[tilespmem:s3+$0x120] =	vst v16  }
0x4cf: {  	v16 =	vld.idx.msk [tilespmem:v5+s15+$0x0], $0xffff;
	[tilespmem:s3+$0x140] =	vst v17  }
0x4d0: {  	[tilespmem:s3+$0xFFFFFF30] =	vst v22;
	v17 =	vld.idx.msk [tilespmem:v0+s15+$0x0], $0xffff  }
0x4d1: {  	v21 =	vld.idx.msk [tilespmem:v1+s15+$0x0], $0xffff;
	[tilespmem:s3+$0x1E0] =	vst v13  }
0x4d2: {  	[tilespmem:s3+$0xFFFFFF10] =	vst v18;
	v13 =	vld.idx.msk [tilespmem:v15+s16+$0x0], $0xffff  }
0x4d3: {  	v14 =	vld.idx.msk [tilespmem:v14+s16+$0x0], $0xffff;
	[tilespmem:s3+$0xFFFFFF50] =	vst v19  }
0x4d4: {  	v15 =	vld.idx.msk [tilespmem:v6+s16+$0x0], $0xffff;
	[tilespmem:s3+$0xFFFFFF70] =	vst v20  }
0x4d5: {  	v18 =	vld.idx.msk [tilespmem:v7+s16+$0x0], $0xffff;
	[tilespmem:s3+$0x110] =	vst v16  }
0x4d6: {  	v8 =	vld.idx.msk [tilespmem:v8+s16+$0x0], $0xffff;
	[tilespmem:s3+$0x130] =	vst v17  }
0x4d7: {  	v9 =	vld.idx.msk [tilespmem:v9+s16+$0x0], $0xffff;
	[tilespmem:s3+$0x150] =	vst v21  }
0x4d8: {  	v10 =	vld.idx.msk [tilespmem:v10+s16+$0x0], $0xffff;
	[tilespmem:s3+$0x1F0] =	vst v13  }
0x4d9: {  	[tilespmem:s3+$0xFFFFFF80] =	vst v14;
	v7 =	vld.idx.msk [tilespmem:v12+s16+$0x0], $0xffff  }
.Ltmp9:
0x4da: {  	v6 =	vld.idx.msk [tilespmem:v11+s16+$0x0], $0xffff;
	[tilespmem:s3+$0xFFFFFFA0] =	vst v15;
	(pc) =	sbr.rel @p0 .LBB2_16-.Ltmp9, $4  }
0x4db: {  	v2 =	vld.idx.msk [tilespmem:v2+s16+$0x0], $0xffff;
	[tilespmem:s3+$0xFFFFFFC0] =	vst v18  }
0x4dc: {  	v3 =	vld.idx.msk [tilespmem:v3+s16+$0x0], $0xffff;
	[tilespmem:s3+$0xFFFFFFE0] =	vst v8  }
0x4dd: {  	v4 =	vld.idx.msk [tilespmem:v4+s16+$0x0], $0xffff;
	[tilespmem:s3+$0x180] =	vst v9  }
0x4de: {  	s10 =	sadd.s32 $0x100, s10;
	v5 =	vld.idx.msk [tilespmem:v5+s16+$0x0], $0xffff;
	[tilespmem:s3+$0x1A0] =	vst v10  }
0x4df: {  	_ =	sdelay $0x2  }
0x4e0: {  	[tilespmem:s3+$0x1C0] =	vst v7  }
0x4e1: {  	[tilespmem:s3+$0xFFFFFF90] =	vst v6;
	v0 =	vld.idx.msk [tilespmem:v0+s16+$0x0], $0xffff  }
0x4e2: {  	[tilespmem:s3+$0xFFFFFFB0] =	vst v2;
	v1 =	vld.idx.msk [tilespmem:v1+s16+$0x0], $0xffff  }
0x4e3: {  	[tilespmem:s3+$0xFFFFFFD0] =	vst v3  }
0x4e4: {  	[tilespmem:s3+$0xFFFFFFF0] =	vst v4  }
0x4e5: {  	[tilespmem:s3+$0x190] =	vst v5  }
0x4e6: {  	[tilespmem:s3+$0x1B0] =	vst v0  }
0x4e7: {  	[tilespmem:s3+$0x1D0] =	vst v1  }
0x4e8: {  	s10 =	rddreg [dreg:$0x17]  }
0x4e9: {  	[tilespmem:s11], [sflag:$0x2] =	stream.linear.gather [hbm4b:s10+s2], $0x80, $0x38;
	[tilespmem:$0x1CF00] =	vst v63  }
0x4ea: {  	s20 =	sadd.s32 $0x40, s10  }
0x4eb: {  	[tilespmem:s22], [sflag:$0x2] =	stream.linear.gather [hbm4b:s20+s2], $0x80, $0x38;
	[tilespmem:$0x1CF00] =	vst v63  }
0x4ec: {  	s11 =	sadd.s32 $0x80, s10  }
0x4ed: {  	[tilespmem:s24], [sflag:$0x2] =	stream.linear.gather [hbm4b:s11+s2], $0x80, $0x38;
	[tilespmem:$0x1CF00] =	vst v63  }
0x4ee: {  	s20 =	sadd.s32 $0xC0, s10  }
0x4ef: {  	[tilespmem:s25], [sflag:$0x2] =	stream.linear.gather [hbm4b:s20+s2], $0x80, $0x38;
	[tilespmem:$0x1CF00] =	vst v63  }
0x4f0: {  	s22 =	sadd.s32 $0x100, s10  }
0x4f1: {  	[tilespmem:s28], [sflag:$0x2] =	stream.linear.gather [hbm4b:s22+s2], $0x80, $0x38;
	[tilespmem:$0x1CF00] =	vst v63  }
0x4f2: {  	s24 =	sadd.s32 $0x140, s10  }
0x4f3: {  	[tilespmem:s29], [sflag:$0x2] =	stream.linear.gather [hbm4b:s24+s2], $0x80, $0x38;
	[tilespmem:$0x1CF00] =	vst v63  }
0x4f4: {  	s25 =	sadd.s32 $0x180, s10;
	s29 =	simm.s32 $0x10600  }
0x4f5: {  	[tilespmem:s29], [sflag:$0x2] =	stream.linear.gather [hbm4b:s25+s2], $0x80, $0x38;
	[tilespmem:$0x1CF00] =	vst v63  }
0x4f6: {  	s11 =	sadd.s32 $0x1C0, s10;
	s20 =	simm.s32 $0x10700  }
0x4f7: {  	[tilespmem:s20], [sflag:$0x2] =	stream.linear.gather [hbm4b:s11+s2], $0x80, $0x38;
	[tilespmem:$0x1CF00] =	vst v63  }
0x4f8: {  	s22 =	sadd.s32 $0x200, s10;
	s24 =	simm.s32 $0x10800  }
0x4f9: {  	[tilespmem:s24], [sflag:$0x2] =	stream.linear.gather [hbm4b:s22+s2], $0x80, $0x38;
	[tilespmem:$0x1CF00] =	vst v63  }
0x4fa: {  	s25 =	sadd.s32 $0x240, s10;
	s29 =	simm.s32 $0x10900  }
0x4fb: {  	[tilespmem:s29], [sflag:$0x2] =	stream.linear.gather [hbm4b:s25+s2], $0x80, $0x38;
	[tilespmem:$0x1CF00] =	vst v63  }
0x4fc: {  	s11 =	sadd.s32 $0x280, s10;
	s20 =	simm.s32 $0x10A00  }
0x4fd: {  	[tilespmem:s20], [sflag:$0x2] =	stream.linear.gather [hbm4b:s11+s2], $0x80, $0x38;
	[tilespmem:$0x1CF00] =	vst v63  }
0x4fe: {  	s22 =	sadd.s32 $0x2C0, s10;
	s24 =	simm.s32 $0x10B00  }
0x4ff: {  	[tilespmem:s24], [sflag:$0x2] =	stream.linear.gather [hbm4b:s22+s2], $0x80, $0x38;
	[tilespmem:$0x1CF00] =	vst v63  }
0x500: {  	s25 =	sadd.s32 $0x300, s10;
	s29 =	simm.s32 $0x10C00  }
0x501: {  	[tilespmem:s29], [sflag:$0x2] =	stream.linear.gather [hbm4b:s25+s2], $0x80, $0x38;
	[tilespmem:$0x1CF00] =	vst v63  }
0x502: {  	s11 =	sadd.s32 $0x340, s10;
	s20 =	simm.s32 $0x10D00  }
0x503: {  	[tilespmem:s20], [sflag:$0x2] =	stream.linear.gather [hbm4b:s11+s2], $0x80, $0x38;
	[tilespmem:$0x1CF00] =	vst v63  }
0x504: {  	s22 =	sadd.s32 $0x380, s10;
	s24 =	simm.s32 $0x10E00  }
0x505: {  	[tilespmem:s24], [sflag:$0x2] =	stream.linear.gather [hbm4b:s22+s2], $0x80, $0x38;
	[tilespmem:$0x1CF00] =	vst v63  }
0x506: {  	s25 =	sadd.s32 $0x3C0, s10;
	s29 =	simm.s32 $0x10F00  }
0x507: {  	[tilespmem:s29], [sflag:$0x2] =	stream.linear.gather [hbm4b:s25+s2], $0x80, $0x38;
	[tilespmem:$0x1CF00] =	vst v63  }
0x508: {  	s11 =	sadd.s32 $0x400, s10;
	s20 =	simm.s32 $0x11000  }
0x509: {  	[tilespmem:s20], [sflag:$0x2] =	stream.linear.gather [hbm4b:s11+s2], $0x80, $0x38;
	[tilespmem:$0x1CF00] =	vst v63  }
0x50a: {  	s22 =	sadd.s32 $0x440, s10;
	s24 =	simm.s32 $0x11100  }
0x50b: {  	[tilespmem:s24], [sflag:$0x2] =	stream.linear.gather [hbm4b:s22+s2], $0x80, $0x38;
	[tilespmem:$0x1CF00] =	vst v63  }
0x50c: {  	s28 =	simm.s32 $0x11200;
	s25 =	rddreg [dreg:$0x13]  }
0x50d: {  	[hbm4b:s25+s26] =	stream.strided.scatter [tilespmem:s28], [sflag:$0x4], $0x4800, s13, s26, $0x38;
	[tilespmem:$0x1CF00] =	vst v63  }
0x50e: {  	_ =	swait.ge [sflag:s8], $0x900  }
0x50f: {  	[sflag:s8] =	ssyncset.done $0x0  }
0x510: {  	s29 =	simm.s32 $0x100F0;
	[sflag:s8] =	ssyncadd.s32 $0xFFFFF700  }
0x511: {  	v0 =	vld [tilespmem:s29+$0x0]  }
0x512: {  	v1 =	vld [tilespmem:s29+$0xFFFFFFA0]  }
0x513: {  	v2 =	vld [tilespmem:s29+$0xFFFFFFB0]  }
0x514: {  	v3 =	vld [tilespmem:s29+$0xFFFFFFC0]  }
0x515: {  	v4 =	vld [tilespmem:s29+$0xFFFFFFD0]  }
0x516: {  	v5 =	vld [tilespmem:s29+$0xFFFFFFE0];
	v6 =	vand.u32 $0xFFFF, v0  }
0x517: {  	v8 =	vld [tilespmem:s29+$0xFFFFFFF0];
	v7 =	vand.u32 $0xFFFF, v1  }
0x518: {  	v10 =	vld [tilespmem:s29+$0xFFFFFF90];
	v9 =	vand.u32 $0xFFFF, v2  }
0x519: {  	v11 =	vand.u32 $0xFFFF, v3  }
0x51a: {  	v12 =	vand.u32 $0xFFFF, v4  }
0x51b: {  	v13 =	vand.u32 $0xFFFF, v5;
	v14 =	vld.idx.msk [tilespmem:v6+s2+$0x0], $0xffff  }
0x51c: {  	v16 =	vand.u32 $0xFFFF, v8;
	v15 =	vld.idx.msk [tilespmem:v7+s2+$0x0], $0xffff  }
0x51d: {  	v19 =	vand.u32 $0xFFFF, v10;
	v17 =	vld.idx.msk [tilespmem:v9+s2+$0x0], $0xffff  }
0x51e: {  	v18 =	vshra.s32 v0, $0x10;
	v20 =	vld.idx.msk [tilespmem:v11+s2+$0x0], $0xffff  }
0x51f: {  	v21 =	vshra.s32 v1, $0x10;
	v1 =	vld.idx.msk [tilespmem:v12+s2+$0x0], $0xffff  }
0x520: {  	s3 =	simm.s32 $0x15A00;
	v22 =	vshra.s32 v2, $0x10;
	v2 =	vld.idx.msk [tilespmem:v13+s2+$0x0], $0xffff  }
0x521: {  	v23 =	vshra.s32 v3, $0x10;
	v3 =	vld.idx.msk [tilespmem:v16+s2+$0x0], $0xffff;
	[tilespmem:s3+$0x260] =	vst v14  }
0x522: {  	v54 =	vshra.s32 v4, $0x10;
	v0 =	vshra.s32 v5, $0x10;
	v5 =	vld.idx.msk [tilespmem:v19+s2+$0x0], $0xffff;
	[tilespmem:s3+$0x20] =	vst v15  }
0x523: {  	[tilespmem:s3+$0x40] =	vst v17;
	v4 =	vld.idx.msk [tilespmem:v18+s2+$0x0], $0xffff  }
0x524: {  	v10 =	vshra.s32 v10, $0x10;
	[tilespmem:s3+$0x60] =	vst v20;
	v15 =	vld.idx.msk [tilespmem:v21+s2+$0x0], $0xffff  }
0x525: {  	[tilespmem:s3+$0x200] =	vst v1;
	v1 =	vshra.s32 v8, $0x10;
	v17 =	vld.idx.msk [tilespmem:v22+s2+$0x0], $0xffff  }
0x526: {  	[tilespmem:s3+$0x220] =	vst v2;
	v8 =	vld.idx.msk [tilespmem:v23+s2+$0x0], $0xffff  }
0x527: {  	[tilespmem:s3+$0x240] =	vst v3;
	v2 =	vld.idx.msk [tilespmem:v54+s2+$0x0], $0xffff  }
0x528: {  	[tilespmem:s3+$0x0] =	vst v5;
	v3 =	vld.idx.msk [tilespmem:v0+s2+$0x0], $0xffff  }
0x529: {  	v5 =	vld.idx.msk [tilespmem:v10+s2+$0x0], $0xffff;
	[tilespmem:s3+$0x270] =	vst v4  }
0x52a: {  	v55 =	vld.idx.msk [tilespmem:v1+s2+$0x0], $0xffff;
	[tilespmem:s3+$0x30] =	vst v15  }
0x52b: {  	[tilespmem:s3+$0x50] =	vst v17;
	v4 =	vld.idx.msk [tilespmem:v6+s14+$0x0], $0xffff  }
0x52c: {  	[tilespmem:s3+$0x70] =	vst v8;
	v56 =	vld.idx.msk [tilespmem:v7+s14+$0x0], $0xffff  }
0x52d: {  	[tilespmem:s3+$0x210] =	vst v2;
	v8 =	vld.idx.msk [tilespmem:v9+s14+$0x0], $0xffff  }
0x52e: {  	[tilespmem:s3+$0x230] =	vst v3;
	v2 =	vld.idx.msk [tilespmem:v11+s14+$0x0], $0xffff  }
0x52f: {  	[tilespmem:s3+$0x10] =	vst v5;
	v3 =	vld.idx.msk [tilespmem:v12+s14+$0x0], $0xffff  }
0x530: {  	v5 =	vld.idx.msk [tilespmem:v19+s14+$0x0], $0xffff;
	[tilespmem:s3+$0x250] =	vst v55  }
0x531: {  	v57 =	vld.idx.msk [tilespmem:v13+s14+$0x0], $0xffff;
	[tilespmem:s3+$0x2E0] =	vst v4  }
0x532: {  	[tilespmem:s3+$0xC0] =	vst v8;
	v8 =	vld.idx.msk [tilespmem:v16+s14+$0x0], $0xffff  }
0x533: {  	[tilespmem:s3+$0xA0] =	vst v56;
	v4 =	vld.idx.msk [tilespmem:v18+s14+$0x0], $0xffff  }
0x534: {  	[tilespmem:s3+$0xE0] =	vst v2;
	v17 =	vld.idx.msk [tilespmem:v21+s14+$0x0], $0xffff  }
0x535: {  	[tilespmem:s3+$0x280] =	vst v3;
	v2 =	vld.idx.msk [tilespmem:v22+s14+$0x0], $0xffff  }
0x536: {  	[tilespmem:s3+$0x80] =	vst v5;
	v3 =	vld.idx.msk [tilespmem:v23+s14+$0x0], $0xffff  }
0x537: {  	[tilespmem:s3+$0x2A0] =	vst v57;
	v5 =	vld.idx.msk [tilespmem:v10+s14+$0x0], $0xffff  }
0x538: {  	v58 =	vld.idx.msk [tilespmem:v54+s14+$0x0], $0xffff;
	[tilespmem:s3+$0x2C0] =	vst v8  }
0x539: {  	v8 =	vld.idx.msk [tilespmem:v0+s14+$0x0], $0xffff;
	[tilespmem:s3+$0x2F0] =	vst v4  }
0x53a: {  	[tilespmem:s3+$0xD0] =	vst v2;
	v2 =	vld.idx.msk [tilespmem:v1+s14+$0x0], $0xffff  }
0x53b: {  	[tilespmem:s3+$0xB0] =	vst v17;
	v4 =	vld.idx.msk [tilespmem:v6+s15+$0x0], $0xffff  }
0x53c: {  	[tilespmem:s3+$0xF0] =	vst v3;
	v17 =	vld.idx.msk [tilespmem:v7+s15+$0x0], $0xffff  }
0x53d: {  	[tilespmem:s3+$0x90] =	vst v5;
	v3 =	vld.idx.msk [tilespmem:v9+s15+$0x0], $0xffff  }
0x53e: {  	[tilespmem:s3+$0x290] =	vst v58;
	v5 =	vld.idx.msk [tilespmem:v19+s15+$0x0], $0xffff  }
0x53f: {  	v59 =	vld.idx.msk [tilespmem:v11+s15+$0x0], $0xffff;
	[tilespmem:s3+$0x2B0] =	vst v8  }
0x540: {  	v8 =	vld.idx.msk [tilespmem:v12+s15+$0x0], $0xffff;
	[tilespmem:s3+$0x2D0] =	vst v2  }
0x541: {  	v2 =	vld.idx.msk [tilespmem:v13+s15+$0x0], $0xffff;
	[tilespmem:s3+$0x360] =	vst v4  }
0x542: {  	[tilespmem:s3+$0x140] =	vst v3;
	v3 =	vld.idx.msk [tilespmem:v16+s15+$0x0], $0xffff  }
0x543: {  	[tilespmem:s3+$0x120] =	vst v17;
	v4 =	vld.idx.msk [tilespmem:v18+s15+$0x0], $0xffff  }
0x544: {  	[tilespmem:s3+$0x100] =	vst v5;
	v17 =	vld.idx.msk [tilespmem:v21+s15+$0x0], $0xffff  }
0x545: {  	[tilespmem:s3+$0x160] =	vst v59;
	v5 =	vld.idx.msk [tilespmem:v10+s15+$0x0], $0xffff  }
0x546: {  	[tilespmem:s3+$0x300] =	vst v8;
	v8 =	vld.idx.msk [tilespmem:v23+s15+$0x0], $0xffff  }
0x547: {  	[tilespmem:s3+$0x320] =	vst v2;
	v2 =	vld.idx.msk [tilespmem:v54+s15+$0x0], $0xffff  }
0x548: {  	[tilespmem:s3+$0x340] =	vst v3;
	v3 =	vld.idx.msk [tilespmem:v0+s15+$0x0], $0xffff  }
0x549: {  	[tilespmem:s3+$0x370] =	vst v4;
	v60 =	vld.idx.msk [tilespmem:v1+s15+$0x0], $0xffff  }
0x54a: {  	[tilespmem:s3+$0x130] =	vst v17;
	v4 =	vld.idx.msk [tilespmem:v6+s16+$0x0], $0xffff  }
0x54b: {  	[tilespmem:s3+$0x110] =	vst v5;
	v6 =	vld.idx.msk [tilespmem:v22+s15+$0x0], $0xffff  }
0x54c: {  	v5 =	vld.idx.msk [tilespmem:v19+s16+$0x0], $0xffff;
	[tilespmem:s3+$0x170] =	vst v8  }
0x54d: {  	v17 =	vld.idx.msk [tilespmem:v7+s16+$0x0], $0xffff;
	[tilespmem:s3+$0x310] =	vst v2  }
0x54e: {  	v61 =	vld.idx.msk [tilespmem:v11+s16+$0x0], $0xffff;
	[tilespmem:s3+$0x330] =	vst v3  }
0x54f: {  	v62 =	vld.idx.msk [tilespmem:v12+s16+$0x0], $0xffff;
	[tilespmem:s3+$0x350] =	vst v60  }
0x550: {  	v63 =	vld.idx.msk [tilespmem:v13+s16+$0x0], $0xffff;
	[tilespmem:s3+$0x150] =	vst v6  }
0x551: {  	[tilespmem:s3+$0x3E0] =	vst v4;
	v8 =	vld.idx.msk [tilespmem:v9+s16+$0x0], $0xffff  }
0x552: {  	[tilespmem:s3+$0x180] =	vst v5;
	v7 =	vld.idx.msk [tilespmem:v16+s16+$0x0], $0xffff  }
0x553: {  	[tilespmem:s3+$0x1A0] =	vst v17;
	v4 =	vld.idx.msk [tilespmem:v18+s16+$0x0], $0xffff  }
0x554: {  	v6 =	vld.idx.msk [tilespmem:v10+s16+$0x0], $0xffff;
	[tilespmem:s3+$0x1E0] =	vst v61  }
0x555: {  	v2 =	vld.idx.msk [tilespmem:v21+s16+$0x0], $0xffff;
	[tilespmem:s3+$0x380] =	vst v62  }
0x556: {  	v5 =	vld.idx.msk [tilespmem:v54+s16+$0x0], $0xffff;
	[tilespmem:s3+$0x1C0] =	vst v8  }
0x557: {  	[tilespmem:s3+$0x3A0] =	vst v63;
	v3 =	vld.idx.msk [tilespmem:v22+s16+$0x0], $0xffff  }
0x558: {  	s10 =	simm.s32 $0x101F0;
	s20 =	simm.s32 $0x0;
	[tilespmem:s3+$0x3F0] =	vst v4;
	v4 =	vld.idx.msk [tilespmem:v23+s16+$0x0], $0xffff  }
.LBB2_18:
0x559: {  	v15 =	vld [tilespmem:s10+$0x0];
	s20 =	sadd.s32 $0x100, s20;
	[tilespmem:s3+$0x3C0] =	vst v7  }
0x55a: {  	v7 =	vld [tilespmem:s10+$0xFFFFFFA0];
	p0 =	slt.u32 s20, $0x1100;
	[tilespmem:s3+$0x190] =	vst v6  }
0x55b: {  	v8 =	vld [tilespmem:s10+$0xFFFFFFB0];
	[tilespmem:s3+$0x1B0] =	vst v2  }
0x55c: {  	v9 =	vld [tilespmem:s10+$0xFFFFFFC0];
	[tilespmem:s3+$0x1D0] =	vst v3  }
0x55d: {  	v10 =	vld [tilespmem:s10+$0xFFFFFFD0];
	[tilespmem:s3+$0x1F0] =	vst v4  }
0x55e: {  	v11 =	vld [tilespmem:s10+$0xFFFFFFE0];
	v13 =	vand.u32 $0xFFFF, v15;
	[tilespmem:s3+$0x390] =	vst v5  }
0x55f: {  	v2 =	vshra.s32 v7, $0x10;
	v6 =	vand.u32 $0xFFFF, v7;
	v12 =	vld [tilespmem:s10+$0xFFFFFFF0]  }
0x560: {  	v14 =	vld [tilespmem:s10+$0xFFFFFF90];
	v3 =	vshra.s32 v8, $0x10;
	v7 =	vand.u32 $0xFFFF, v8  }
0x561: {  	v4 =	vshra.s32 v9, $0x10;
	v8 =	vand.u32 $0xFFFF, v9;
	v16 =	vld.idx.msk [tilespmem:v0+s16+$0x0], $0xffff  }
0x562: {  	v5 =	vshra.s32 v10, $0x10;
	v9 =	vand.u32 $0xFFFF, v10;
	v17 =	vld.idx.msk [tilespmem:v1+s16+$0x0], $0xffff  }
0x563: {  	v0 =	vshra.s32 v11, $0x10;
	v10 =	vand.u32 $0xFFFF, v11;
	v18 =	vld.idx.msk [tilespmem:v13+s2+$0x0], $0xffff  }
0x564: {  	v19 =	vld.idx.msk [tilespmem:v6+s2+$0x0], $0xffff;
	v1 =	vshra.s32 v12, $0x10;
	v12 =	vand.u32 $0xFFFF, v12  }
0x565: {  	v15 =	vshra.s32 v15, $0x10;
	v11 =	vshra.s32 v14, $0x10;
	v14 =	vand.u32 $0xFFFF, v14;
	v20 =	vld.idx.msk [tilespmem:v7+s2+$0x0], $0xffff  }
0x566: {  	v21 =	vld.idx.msk [tilespmem:v8+s2+$0x0], $0xffff  }
0x567: {  	v22 =	vld.idx.msk [tilespmem:v9+s2+$0x0], $0xffff;
	[tilespmem:s3+$0x3B0] =	vst v16  }
0x568: {  	v16 =	vld.idx.msk [tilespmem:v10+s2+$0x0], $0xffff;
	[tilespmem:s3+$0x3D0] =	vst v17;
	s3 =	sadd.s32 $0x400, s3  }
0x569: {  	v17 =	vld.idx.msk [tilespmem:v12+s2+$0x0], $0xffff;
	[tilespmem:s3+$0x260] =	vst v18  }
0x56a: {  	[tilespmem:s3+$0x20] =	vst v19;
	v18 =	vld.idx.msk [tilespmem:v15+s2+$0x0], $0xffff  }
0x56b: {  	v19 =	vld.idx.msk [tilespmem:v14+s2+$0x0], $0xffff;
	[tilespmem:s3+$0x40] =	vst v20  }
0x56c: {  	v20 =	vld.idx.msk [tilespmem:v2+s2+$0x0], $0xffff;
	[tilespmem:s3+$0x60] =	vst v21  }
0x56d: {  	v21 =	vld.idx.msk [tilespmem:v3+s2+$0x0], $0xffff;
	[tilespmem:s3+$0x200] =	vst v22  }
0x56e: {  	v22 =	vld.idx.msk [tilespmem:v4+s2+$0x0], $0xffff;
	[tilespmem:s3+$0x220] =	vst v16  }
0x56f: {  	v16 =	vld.idx.msk [tilespmem:v5+s2+$0x0], $0xffff;
	[tilespmem:s3+$0x240] =	vst v17  }
0x570: {  	v17 =	vld.idx.msk [tilespmem:v0+s2+$0x0], $0xffff;
	[tilespmem:s3+$0x270] =	vst v18  }
0x571: {  	[tilespmem:s3+$0x0] =	vst v19;
	v18 =	vld.idx.msk [tilespmem:v13+s14+$0x0], $0xffff  }
0x572: {  	v19 =	vld.idx.msk [tilespmem:v11+s2+$0x0], $0xffff;
	[tilespmem:s3+$0x30] =	vst v20  }
0x573: {  	[tilespmem:s3+$0x50] =	vst v21;
	v20 =	vld.idx.msk [tilespmem:v1+s2+$0x0], $0xffff  }
0x574: {  	v21 =	vld.idx.msk [tilespmem:v6+s14+$0x0], $0xffff;
	[tilespmem:s3+$0x70] =	vst v22  }
0x575: {  	v22 =	vld.idx.msk [tilespmem:v7+s14+$0x0], $0xffff;
	[tilespmem:s3+$0x210] =	vst v16  }
0x576: {  	v16 =	vld.idx.msk [tilespmem:v8+s14+$0x0], $0xffff;
	[tilespmem:s3+$0x230] =	vst v17  }
0x577: {  	v17 =	vld.idx.msk [tilespmem:v9+s14+$0x0], $0xffff;
	[tilespmem:s3+$0x2E0] =	vst v18  }
0x578: {  	[tilespmem:s3+$0x10] =	vst v19;
	v18 =	vld.idx.msk [tilespmem:v15+s14+$0x0], $0xffff  }
0x579: {  	v19 =	vld.idx.msk [tilespmem:v14+s14+$0x0], $0xffff;
	[tilespmem:s3+$0x250] =	vst v20  }
0x57a: {  	[tilespmem:s3+$0xA0] =	vst v21;
	v20 =	vld.idx.msk [tilespmem:v10+s14+$0x0], $0xffff  }
0x57b: {  	[tilespmem:s3+$0xC0] =	vst v22;
	v21 =	vld.idx.msk [tilespmem:v12+s14+$0x0], $0xffff  }
0x57c: {  	v22 =	vld.idx.msk [tilespmem:v2+s14+$0x0], $0xffff;
	[tilespmem:s3+$0xE0] =	vst v16  }
0x57d: {  	v16 =	vld.idx.msk [tilespmem:v3+s14+$0x0], $0xffff;
	[tilespmem:s3+$0x280] =	vst v17  }
0x57e: {  	v17 =	vld.idx.msk [tilespmem:v4+s14+$0x0], $0xffff;
	[tilespmem:s3+$0x2F0] =	vst v18  }
0x57f: {  	[tilespmem:s3+$0x80] =	vst v19;
	v18 =	vld.idx.msk [tilespmem:v13+s15+$0x0], $0xffff  }
0x580: {  	v19 =	vld.idx.msk [tilespmem:v11+s14+$0x0], $0xffff;
	[tilespmem:s3+$0x2A0] =	vst v20  }
0x581: {  	v20 =	vld.idx.msk [tilespmem:v5+s14+$0x0], $0xffff;
	[tilespmem:s3+$0x2C0] =	vst v21  }
0x582: {  	[tilespmem:s3+$0xB0] =	vst v22;
	v21 =	vld.idx.msk [tilespmem:v0+s14+$0x0], $0xffff  }
0x583: {  	[tilespmem:s3+$0xD0] =	vst v16;
	v16 =	vld.idx.msk [tilespmem:v1+s14+$0x0], $0xffff  }
0x584: {  	v22 =	vld.idx.msk [tilespmem:v6+s15+$0x0], $0xffff;
	[tilespmem:s3+$0xF0] =	vst v17  }
0x585: {  	v17 =	vld.idx.msk [tilespmem:v7+s15+$0x0], $0xffff;
	[tilespmem:s3+$0x360] =	vst v18  }
0x586: {  	[tilespmem:s3+$0x90] =	vst v19;
	v18 =	vld.idx.msk [tilespmem:v15+s15+$0x0], $0xffff  }
0x587: {  	v19 =	vld.idx.msk [tilespmem:v14+s15+$0x0], $0xffff;
	[tilespmem:s3+$0x290] =	vst v20  }
0x588: {  	v20 =	vld.idx.msk [tilespmem:v8+s15+$0x0], $0xffff;
	[tilespmem:s3+$0x2B0] =	vst v21  }
0x589: {  	v21 =	vld.idx.msk [tilespmem:v9+s15+$0x0], $0xffff;
	[tilespmem:s3+$0x2D0] =	vst v16  }
0x58a: {  	[tilespmem:s3+$0x120] =	vst v22;
	v16 =	vld.idx.msk [tilespmem:v10+s15+$0x0], $0xffff  }
0x58b: {  	[tilespmem:s3+$0x140] =	vst v17;
	v17 =	vld.idx.msk [tilespmem:v12+s15+$0x0], $0xffff  }
0x58c: {  	v22 =	vld.idx.msk [tilespmem:v2+s15+$0x0], $0xffff;
	[tilespmem:s3+$0x370] =	vst v18  }
0x58d: {  	[tilespmem:s3+$0x100] =	vst v19;
	v13 =	vld.idx.msk [tilespmem:v13+s16+$0x0], $0xffff  }
0x58e: {  	v18 =	vld.idx.msk [tilespmem:v11+s15+$0x0], $0xffff;
	[tilespmem:s3+$0x160] =	vst v20  }
0x58f: {  	v19 =	vld.idx.msk [tilespmem:v3+s15+$0x0], $0xffff;
	[tilespmem:s3+$0x300] =	vst v21  }
0x590: {  	v20 =	vld.idx.msk [tilespmem:v4+s15+$0x0], $0xffff;
	[tilespmem:s3+$0x320] =	vst v16  }
0x591: {  	v16 =	vld.idx.msk [tilespmem:v5+s15+$0x0], $0xffff;
	[tilespmem:s3+$0x340] =	vst v17  }
0x592: {  	[tilespmem:s3+$0x130] =	vst v22;
	v17 =	vld.idx.msk [tilespmem:v0+s15+$0x0], $0xffff  }
0x593: {  	v21 =	vld.idx.msk [tilespmem:v1+s15+$0x0], $0xffff;
	[tilespmem:s3+$0x3E0] =	vst v13  }
0x594: {  	[tilespmem:s3+$0x110] =	vst v18;
	v13 =	vld.idx.msk [tilespmem:v15+s16+$0x0], $0xffff  }
0x595: {  	v14 =	vld.idx.msk [tilespmem:v14+s16+$0x0], $0xffff;
	[tilespmem:s3+$0x150] =	vst v19  }
0x596: {  	v15 =	vld.idx.msk [tilespmem:v6+s16+$0x0], $0xffff;
	[tilespmem:s3+$0x170] =	vst v20  }
0x597: {  	v18 =	vld.idx.msk [tilespmem:v7+s16+$0x0], $0xffff;
	[tilespmem:s3+$0x310] =	vst v16  }
0x598: {  	v8 =	vld.idx.msk [tilespmem:v8+s16+$0x0], $0xffff;
	[tilespmem:s3+$0x330] =	vst v17  }
0x599: {  	v9 =	vld.idx.msk [tilespmem:v9+s16+$0x0], $0xffff;
	[tilespmem:s3+$0x350] =	vst v21  }
0x59a: {  	v10 =	vld.idx.msk [tilespmem:v10+s16+$0x0], $0xffff;
	[tilespmem:s3+$0x3F0] =	vst v13  }
0x59b: {  	[tilespmem:s3+$0x180] =	vst v14;
	v7 =	vld.idx.msk [tilespmem:v12+s16+$0x0], $0xffff  }
.Ltmp10:
0x59c: {  	v6 =	vld.idx.msk [tilespmem:v11+s16+$0x0], $0xffff;
	[tilespmem:s3+$0x1A0] =	vst v15;
	(pc) =	sbr.rel @p0 .LBB2_18-.Ltmp10, $4  }
0x59d: {  	v2 =	vld.idx.msk [tilespmem:v2+s16+$0x0], $0xffff;
	[tilespmem:s3+$0x1C0] =	vst v18  }
0x59e: {  	v3 =	vld.idx.msk [tilespmem:v3+s16+$0x0], $0xffff;
	[tilespmem:s3+$0x1E0] =	vst v8  }
0x59f: {  	v4 =	vld.idx.msk [tilespmem:v4+s16+$0x0], $0xffff;
	[tilespmem:s3+$0x380] =	vst v9  }
0x5a0: {  	s10 =	sadd.s32 $0x100, s10;
	v5 =	vld.idx.msk [tilespmem:v5+s16+$0x0], $0xffff;
	[tilespmem:s3+$0x3A0] =	vst v10  }
0x5a1: {  	_ =	sdelay $0x2  }
0x5a2: {  	[tilespmem:s3+$0x3C0] =	vst v7  }
0x5a3: {  	[tilespmem:s3+$0x190] =	vst v6;
	v0 =	vld.idx.msk [tilespmem:v0+s16+$0x0], $0xffff  }
0x5a4: {  	[tilespmem:s3+$0x1B0] =	vst v2;
	v1 =	vld.idx.msk [tilespmem:v1+s16+$0x0], $0xffff  }
0x5a5: {  	[tilespmem:s3+$0x1D0] =	vst v3  }
0x5a6: {  	[tilespmem:s3+$0x1F0] =	vst v4  }
0x5a7: {  	[tilespmem:s3+$0x390] =	vst v5  }
0x5a8: {  	[tilespmem:s3+$0x3B0] =	vst v0  }
0x5a9: {  	[tilespmem:s3+$0x3D0] =	vst v1  }
0x5aa: {  	s10 =	sld [smem:$0x7C1];
	_ =	sdelay $0x1  }
0x5ab: {  	s24 =	simm.s32 $0x10080  }
0x5ac: {  	[tilespmem:s24], [sflag:$0x3] =	stream.linear.gather [hbm4b:s10+s2], $0x80, $0x38;
	[tilespmem:$0x1CF00] =	vst v63  }
0x5ad: {  	s11 =	simm.s32 $0x10180;
	s25 =	sadd.s32 $0x40, s10  }
0x5ae: {  	[tilespmem:s11], [sflag:$0x3] =	stream.linear.gather [hbm4b:s25+s2], $0x80, $0x38;
	[tilespmem:$0x1CF00] =	vst v63  }
0x5af: {  	s22 =	simm.s32 $0x10280;
	s20 =	sadd.s32 $0x80, s10  }
0x5b0: {  	[tilespmem:s22], [sflag:$0x3] =	stream.linear.gather [hbm4b:s20+s2], $0x80, $0x38;
	[tilespmem:$0x1CF00] =	vst v63  }
0x5b1: {  	s24 =	sadd.s32 $0xC0, s10;
	s25 =	simm.s32 $0x10380  }
0x5b2: {  	[tilespmem:s25], [sflag:$0x3] =	stream.linear.gather [hbm4b:s24+s2], $0x80, $0x38;
	[tilespmem:$0x1CF00] =	vst v63  }
0x5b3: {  	s20 =	sadd.s32 $0x100, s10;
	s22 =	simm.s32 $0x10480  }
0x5b4: {  	[tilespmem:s22], [sflag:$0x3] =	stream.linear.gather [hbm4b:s20+s2], $0x80, $0x38;
	[tilespmem:$0x1CF00] =	vst v63  }
0x5b5: {  	s24 =	sadd.s32 $0x140, s10;
	s25 =	simm.s32 $0x10580  }
0x5b6: {  	[tilespmem:s25], [sflag:$0x3] =	stream.linear.gather [hbm4b:s24+s2], $0x80, $0x38;
	[tilespmem:$0x1CF00] =	vst v63  }
0x5b7: {  	s20 =	sadd.s32 $0x180, s10;
	s22 =	simm.s32 $0x10680  }
0x5b8: {  	[tilespmem:s22], [sflag:$0x3] =	stream.linear.gather [hbm4b:s20+s2], $0x80, $0x38;
	[tilespmem:$0x1CF00] =	vst v63  }
0x5b9: {  	s24 =	sadd.s32 $0x1C0, s10;
	s25 =	simm.s32 $0x10780  }
0x5ba: {  	[tilespmem:s25], [sflag:$0x3] =	stream.linear.gather [hbm4b:s24+s2], $0x80, $0x38;
	[tilespmem:$0x1CF00] =	vst v63  }
0x5bb: {  	s20 =	sadd.s32 $0x200, s10;
	s22 =	simm.s32 $0x10880  }
0x5bc: {  	[tilespmem:s22], [sflag:$0x3] =	stream.linear.gather [hbm4b:s20+s2], $0x80, $0x38;
	[tilespmem:$0x1CF00] =	vst v63  }
0x5bd: {  	s24 =	sadd.s32 $0x240, s10;
	s25 =	simm.s32 $0x10980  }
0x5be: {  	[tilespmem:s25], [sflag:$0x3] =	stream.linear.gather [hbm4b:s24+s2], $0x80, $0x38;
	[tilespmem:$0x1CF00] =	vst v63  }
0x5bf: {  	s20 =	sadd.s32 $0x280, s10;
	s22 =	simm.s32 $0x10A80  }
0x5c0: {  	[tilespmem:s22], [sflag:$0x3] =	stream.linear.gather [hbm4b:s20+s2], $0x80, $0x38;
	[tilespmem:$0x1CF00] =	vst v63  }
0x5c1: {  	s24 =	sadd.s32 $0x2C0, s10;
	s25 =	simm.s32 $0x10B80  }
0x5c2: {  	[tilespmem:s25], [sflag:$0x3] =	stream.linear.gather [hbm4b:s24+s2], $0x80, $0x38;
	[tilespmem:$0x1CF00] =	vst v63  }
0x5c3: {  	s20 =	sadd.s32 $0x300, s10;
	s22 =	simm.s32 $0x10C80  }
0x5c4: {  	[tilespmem:s22], [sflag:$0x3] =	stream.linear.gather [hbm4b:s20+s2], $0x80, $0x38;
	[tilespmem:$0x1CF00] =	vst v63  }
0x5c5: {  	s24 =	sadd.s32 $0x340, s10;
	s25 =	simm.s32 $0x10D80  }
0x5c6: {  	[tilespmem:s25], [sflag:$0x3] =	stream.linear.gather [hbm4b:s24+s2], $0x80, $0x38;
	[tilespmem:$0x1CF00] =	vst v63  }
0x5c7: {  	s20 =	sadd.s32 $0x380, s10;
	s22 =	simm.s32 $0x10E80  }
0x5c8: {  	[tilespmem:s22], [sflag:$0x3] =	stream.linear.gather [hbm4b:s20+s2], $0x80, $0x38;
	[tilespmem:$0x1CF00] =	vst v63  }
0x5c9: {  	s24 =	sadd.s32 $0x3C0, s10;
	s25 =	simm.s32 $0x10F80  }
0x5ca: {  	[tilespmem:s25], [sflag:$0x3] =	stream.linear.gather [hbm4b:s24+s2], $0x80, $0x38;
	[tilespmem:$0x1CF00] =	vst v63  }
0x5cb: {  	s11 =	sadd.s32 $0x400, s10;
	s20 =	simm.s32 $0x11080  }
0x5cc: {  	[tilespmem:s20], [sflag:$0x3] =	stream.linear.gather [hbm4b:s11+s2], $0x80, $0x38;
	[tilespmem:$0x1CF00] =	vst v63  }
0x5cd: {  	s22 =	sadd.s32 $0x440, s10;
	s24 =	simm.s32 $0x11180  }
0x5ce: {  	[tilespmem:s24], [sflag:$0x3] =	stream.linear.gather [hbm4b:s22+s2], $0x80, $0x38;
	[tilespmem:$0x1CF00] =	vst v63  }
0x5cf: {  	s29 =	simm.s32 $0x15A00;
	s3 =	simm.s32 $0x1;
	s25 =	rddreg [dreg:$0x14]  }
0x5d0: {  	[hbm4b:s25+s26] =	stream.strided.scatter [tilespmem:s29], [sflag:$0x5], $0x4800, s13, s26, $0x38;
	[tilespmem:$0x1CF00] =	vst v63  }
.LBB2_20:
0x5d1: {  	_ =	swait.ge [sflag:s23], $0x900  }
0x5d2: {  	[sflag:s23] =	ssyncset.done $0x0  }
0x5d3: {  	[sflag:s23] =	ssyncadd.s32 $0xFFFFF700  }
0x5d4: {  	_ =	swait.ge [sflag:s21], $0x4800  }
0x5d5: {  	[sflag:s21] =	ssyncset.done $0x0  }
0x5d6: {  	s10 =	simm.s32 $0x10040;
	[sflag:s21] =	ssyncadd.s32 $0xFFFFB800  }
0x5d7: {  	v0 =	vld [tilespmem:s10+$0x30]  }
0x5d8: {  	v1 =	vld [tilespmem:s10+$0xFFFFFFD0]  }
0x5d9: {  	v2 =	vld [tilespmem:s10+$0xFFFFFFE0]  }
0x5da: {  	v3 =	vld [tilespmem:s10+$0xFFFFFFF0]  }
0x5db: {  	v4 =	vld [tilespmem:s10+$0x0]  }
0x5dc: {  	v5 =	vld [tilespmem:s10+$0x10];
	v6 =	vand.u32 $0xFFFF, v0  }
0x5dd: {  	v8 =	vld [tilespmem:s10+$0x20];
	v7 =	vand.u32 $0xFFFF, v1  }
0x5de: {  	v10 =	vld [tilespmem:s10+$0xFFFFFFC0];
	v9 =	vand.u32 $0xFFFF, v2  }
0x5df: {  	v11 =	vand.u32 $0xFFFF, v3  }
0x5e0: {  	v12 =	vand.u32 $0xFFFF, v4  }
0x5e1: {  	v13 =	vand.u32 $0xFFFF, v5;
	v14 =	vld.idx.msk [tilespmem:v6+s2+$0x0], $0xffff  }
0x5e2: {  	v16 =	vand.u32 $0xFFFF, v8;
	v15 =	vld.idx.msk [tilespmem:v7+s2+$0x0], $0xffff  }
0x5e3: {  	v19 =	vand.u32 $0xFFFF, v10;
	v17 =	vld.idx.msk [tilespmem:v9+s2+$0x0], $0xffff  }
0x5e4: {  	v18 =	vshra.s32 v0, $0x10;
	v20 =	vld.idx.msk [tilespmem:v11+s2+$0x0], $0xffff  }
0x5e5: {  	v21 =	vshra.s32 v1, $0x10;
	v1 =	vld.idx.msk [tilespmem:v12+s2+$0x0], $0xffff  }
0x5e6: {  	s22 =	simm.s32 $0x11400;
	v2 =	vshra.s32 v2, $0x10;
	v22 =	vld.idx.msk [tilespmem:v13+s2+$0x0], $0xffff  }
0x5e7: {  	v3 =	vshra.s32 v3, $0x10;
	v23 =	vld.idx.msk [tilespmem:v16+s2+$0x0], $0xffff;
	[tilespmem:s22+$0x60] =	vst v14  }
0x5e8: {  	v4 =	vshra.s32 v4, $0x10;
	v0 =	vshra.s32 v5, $0x10;
	v5 =	vld.idx.msk [tilespmem:v19+s2+$0x0], $0xffff;
	[tilespmem:s22+$0xFFFFFE20] =	vst v15  }
0x5e9: {  	[tilespmem:s22+$0xFFFFFE40] =	vst v17;
	v14 =	vld.idx.msk [tilespmem:v18+s2+$0x0], $0xffff  }
0x5ea: {  	v10 =	vshra.s32 v10, $0x10;
	[tilespmem:s22+$0xFFFFFE60] =	vst v20;
	v15 =	vld.idx.msk [tilespmem:v21+s2+$0x0], $0xffff  }
0x5eb: {  	[tilespmem:s22+$0x0] =	vst v1;
	v1 =	vshra.s32 v8, $0x10;
	v17 =	vld.idx.msk [tilespmem:v2+s2+$0x0], $0xffff  }
0x5ec: {  	[tilespmem:s22+$0x20] =	vst v22;
	v8 =	vld.idx.msk [tilespmem:v3+s2+$0x0], $0xffff  }
0x5ed: {  	[tilespmem:s22+$0x40] =	vst v23;
	v45 =	vld.idx.msk [tilespmem:v4+s2+$0x0], $0xffff  }
0x5ee: {  	[tilespmem:s22+$0xFFFFFE00] =	vst v5;
	v22 =	vld.idx.msk [tilespmem:v0+s2+$0x0], $0xffff  }
0x5ef: {  	v46 =	vld.idx.msk [tilespmem:v10+s2+$0x0], $0xffff;
	[tilespmem:s22+$0x70] =	vst v14  }
0x5f0: {  	v47 =	vld.idx.msk [tilespmem:v1+s2+$0x0], $0xffff;
	[tilespmem:s22+$0xFFFFFE30] =	vst v15  }
0x5f1: {  	[tilespmem:s22+$0xFFFFFE50] =	vst v17;
	v5 =	vld.idx.msk [tilespmem:v6+s14+$0x0], $0xffff  }
0x5f2: {  	[tilespmem:s22+$0xFFFFFE70] =	vst v8;
	v48 =	vld.idx.msk [tilespmem:v7+s14+$0x0], $0xffff  }
0x5f3: {  	[tilespmem:s22+$0x10] =	vst v45;
	v8 =	vld.idx.msk [tilespmem:v9+s14+$0x0], $0xffff  }
0x5f4: {  	[tilespmem:s22+$0x30] =	vst v22;
	v49 =	vld.idx.msk [tilespmem:v11+s14+$0x0], $0xffff  }
0x5f5: {  	[tilespmem:s22+$0xFFFFFE10] =	vst v46;
	v50 =	vld.idx.msk [tilespmem:v12+s14+$0x0], $0xffff  }
0x5f6: {  	v14 =	vld.idx.msk [tilespmem:v19+s14+$0x0], $0xffff;
	[tilespmem:s22+$0x50] =	vst v47  }
0x5f7: {  	v51 =	vld.idx.msk [tilespmem:v13+s14+$0x0], $0xffff;
	[tilespmem:s22+$0xE0] =	vst v5  }
0x5f8: {  	[tilespmem:s22+$0xFFFFFEC0] =	vst v8;
	v8 =	vld.idx.msk [tilespmem:v16+s14+$0x0], $0xffff  }
0x5f9: {  	[tilespmem:s22+$0xFFFFFEA0] =	vst v48;
	v5 =	vld.idx.msk [tilespmem:v18+s14+$0x0], $0xffff  }
0x5fa: {  	[tilespmem:s22+$0xFFFFFEE0] =	vst v49;
	v17 =	vld.idx.msk [tilespmem:v21+s14+$0x0], $0xffff  }
0x5fb: {  	[tilespmem:s22+$0x80] =	vst v50;
	v52 =	vld.idx.msk [tilespmem:v2+s14+$0x0], $0xffff  }
0x5fc: {  	[tilespmem:s22+$0xFFFFFE80] =	vst v14;
	v53 =	vld.idx.msk [tilespmem:v3+s14+$0x0], $0xffff  }
0x5fd: {  	[tilespmem:s22+$0xA0] =	vst v51;
	v14 =	vld.idx.msk [tilespmem:v10+s14+$0x0], $0xffff  }
0x5fe: {  	v54 =	vld.idx.msk [tilespmem:v4+s14+$0x0], $0xffff;
	[tilespmem:s22+$0xC0] =	vst v8  }
0x5ff: {  	v8 =	vld.idx.msk [tilespmem:v0+s14+$0x0], $0xffff;
	[tilespmem:s22+$0xF0] =	vst v5  }
0x600: {  	[tilespmem:s22+$0xFFFFFEB0] =	vst v17;
	v55 =	vld.idx.msk [tilespmem:v1+s14+$0x0], $0xffff  }
0x601: {  	[tilespmem:s22+$0xFFFFFED0] =	vst v52;
	v5 =	vld.idx.msk [tilespmem:v6+s15+$0x0], $0xffff  }
0x602: {  	[tilespmem:s22+$0xFFFFFEF0] =	vst v53;
	v56 =	vld.idx.msk [tilespmem:v7+s15+$0x0], $0xffff  }
0x603: {  	[tilespmem:s22+$0xFFFFFE90] =	vst v14;
	v57 =	vld.idx.msk [tilespmem:v9+s15+$0x0], $0xffff  }
0x604: {  	[tilespmem:s22+$0x90] =	vst v54;
	v14 =	vld.idx.msk [tilespmem:v19+s15+$0x0], $0xffff  }
0x605: {  	v58 =	vld.idx.msk [tilespmem:v11+s15+$0x0], $0xffff;
	[tilespmem:s22+$0xB0] =	vst v8  }
0x606: {  	v8 =	vld.idx.msk [tilespmem:v12+s15+$0x0], $0xffff;
	[tilespmem:s22+$0xD0] =	vst v55  }
0x607: {  	v59 =	vld.idx.msk [tilespmem:v13+s15+$0x0], $0xffff;
	[tilespmem:s22+$0x160] =	vst v5  }
0x608: {  	[tilespmem:s22+$0xFFFFFF20] =	vst v56;
	v5 =	vld.idx.msk [tilespmem:v18+s15+$0x0], $0xffff  }
0x609: {  	[tilespmem:s22+$0xFFFFFF40] =	vst v57;
	v60 =	vld.idx.msk [tilespmem:v16+s15+$0x0], $0xffff  }
0x60a: {  	[tilespmem:s22+$0xFFFFFF00] =	vst v14;
	v61 =	vld.idx.msk [tilespmem:v21+s15+$0x0], $0xffff  }
0x60b: {  	[tilespmem:s22+$0xFFFFFF60] =	vst v58;
	v62 =	vld.idx.msk [tilespmem:v2+s15+$0x0], $0xffff  }
0x60c: {  	[tilespmem:s22+$0x100] =	vst v8;
	v8 =	vld.idx.msk [tilespmem:v3+s15+$0x0], $0xffff  }
0x60d: {  	v63 =	vld.idx.msk [tilespmem:v4+s15+$0x0], $0xffff;
	[tilespmem:s22+$0x170] =	vst v5  }
0x60e: {  	[tilespmem:s22+$0x120] =	vst v59;
	v5 =	vld.idx.msk [tilespmem:v6+s16+$0x0], $0xffff  }
0x60f: {  	[tilespmem:s22+$0x140] =	vst v60;
	v6 =	vld.idx.msk [tilespmem:v10+s15+$0x0], $0xffff  }
0x610: {  	v17 =	vld.idx.msk [tilespmem:v0+s15+$0x0], $0xffff;
	[tilespmem:s22+$0xFFFFFF30] =	vst v61  }
0x611: {  	v20 =	vld.idx.msk [tilespmem:v1+s15+$0x0], $0xffff;
	[tilespmem:s22+$0xFFFFFF50] =	vst v62  }
0x612: {  	v7 =	vld.idx.msk [tilespmem:v7+s16+$0x0], $0xffff;
	[tilespmem:s22+$0xFFFFFF70] =	vst v8  }
0x613: {  	v9 =	vld.idx.msk [tilespmem:v9+s16+$0x0], $0xffff;
	[tilespmem:s22+$0x110] =	vst v63  }
0x614: {  	v11 =	vld.idx.msk [tilespmem:v11+s16+$0x0], $0xffff;
	[tilespmem:s22+$0xFFFFFF10] =	vst v6  }
0x615: {  	[tilespmem:s22+$0x130] =	vst v17;
	v6 =	vld.idx.msk [tilespmem:v19+s16+$0x0], $0xffff  }
0x616: {  	v12 =	vld.idx.msk [tilespmem:v12+s16+$0x0], $0xffff;
	[tilespmem:s22+$0x150] =	vst v20  }
0x617: {  	v13 =	vld.idx.msk [tilespmem:v13+s16+$0x0], $0xffff;
	[tilespmem:s22+$0x1E0] =	vst v5  }
0x618: {  	v8 =	vld.idx.msk [tilespmem:v16+s16+$0x0], $0xffff;
	[tilespmem:s22+$0xFFFFFFA0] =	vst v7  }
0x619: {  	[tilespmem:s22+$0xFFFFFFC0] =	vst v9;
	v5 =	vld.idx.msk [tilespmem:v18+s16+$0x0], $0xffff  }
0x61a: {  	v7 =	vld.idx.msk [tilespmem:v21+s16+$0x0], $0xffff;
	[tilespmem:s22+$0xFFFFFF80] =	vst v6  }
0x61b: {  	[tilespmem:s22+$0xFFFFFFE0] =	vst v11;
	v6 =	vld.idx.msk [tilespmem:v10+s16+$0x0], $0xffff  }
0x61c: {  	v2 =	vld.idx.msk [tilespmem:v2+s16+$0x0], $0xffff;
	[tilespmem:s22+$0x180] =	vst v12  }
0x61d: {  	v3 =	vld.idx.msk [tilespmem:v3+s16+$0x0], $0xffff;
	[tilespmem:s22+$0x1A0] =	vst v13  }
0x61e: {  	s20 =	simm.s32 $0x0;
	s10 =	simm.s32 $0x10140;
	v4 =	vld.idx.msk [tilespmem:v4+s16+$0x0], $0xffff;
	[tilespmem:s22+$0x1F0] =	vst v5  }
.LBB2_21:
0x61f: {  	v15 =	vld [tilespmem:s10+$0x30];
	s20 =	sadd.s32 $0x100, s20;
	[tilespmem:s22+$0x1C0] =	vst v8  }
0x620: {  	v5 =	vld [tilespmem:s10+$0xFFFFFFD0];
	p0 =	slt.u32 s20, $0x1100;
	[tilespmem:s22+$0xFFFFFF90] =	vst v6  }
0x621: {  	v8 =	vld [tilespmem:s10+$0xFFFFFFE0];
	[tilespmem:s22+$0xFFFFFFB0] =	vst v7  }
0x622: {  	v9 =	vld [tilespmem:s10+$0xFFFFFFF0];
	[tilespmem:s22+$0xFFFFFFD0] =	vst v2  }
0x623: {  	v10 =	vld [tilespmem:s10+$0x0];
	[tilespmem:s22+$0xFFFFFFF0] =	vst v3  }
0x624: {  	v11 =	vld [tilespmem:s10+$0x10];
	v13 =	vand.u32 $0xFFFF, v15;
	[tilespmem:s22+$0x190] =	vst v4  }
0x625: {  	v2 =	vshra.s32 v5, $0x10;
	v6 =	vand.u32 $0xFFFF, v5;
	v12 =	vld [tilespmem:s10+$0x20]  }
0x626: {  	v14 =	vld [tilespmem:s10+$0xFFFFFFC0];
	v3 =	vshra.s32 v8, $0x10;
	v7 =	vand.u32 $0xFFFF, v8  }
0x627: {  	v4 =	vshra.s32 v9, $0x10;
	v8 =	vand.u32 $0xFFFF, v9;
	v16 =	vld.idx.msk [tilespmem:v0+s16+$0x0], $0xffff  }
0x628: {  	v5 =	vshra.s32 v10, $0x10;
	v9 =	vand.u32 $0xFFFF, v10;
	v17 =	vld.idx.msk [tilespmem:v1+s16+$0x0], $0xffff  }
0x629: {  	v0 =	vshra.s32 v11, $0x10;
	v10 =	vand.u32 $0xFFFF, v11;
	v18 =	vld.idx.msk [tilespmem:v13+s2+$0x0], $0xffff  }
0x62a: {  	v19 =	vld.idx.msk [tilespmem:v6+s2+$0x0], $0xffff;
	v1 =	vshra.s32 v12, $0x10;
	v12 =	vand.u32 $0xFFFF, v12  }
0x62b: {  	v15 =	vshra.s32 v15, $0x10;
	v11 =	vshra.s32 v14, $0x10;
	v14 =	vand.u32 $0xFFFF, v14;
	v20 =	vld.idx.msk [tilespmem:v7+s2+$0x0], $0xffff  }
0x62c: {  	v21 =	vld.idx.msk [tilespmem:v8+s2+$0x0], $0xffff  }
0x62d: {  	v22 =	vld.idx.msk [tilespmem:v9+s2+$0x0], $0xffff;
	[tilespmem:s22+$0x1B0] =	vst v16  }
0x62e: {  	v16 =	vld.idx.msk [tilespmem:v10+s2+$0x0], $0xffff;
	[tilespmem:s22+$0x1D0] =	vst v17;
	s22 =	sadd.s32 $0x400, s22  }
0x62f: {  	v17 =	vld.idx.msk [tilespmem:v12+s2+$0x0], $0xffff;
	[tilespmem:s22+$0x60] =	vst v18  }
0x630: {  	[tilespmem:s22+$0xFFFFFE20] =	vst v19;
	v18 =	vld.idx.msk [tilespmem:v15+s2+$0x0], $0xffff  }
0x631: {  	v19 =	vld.idx.msk [tilespmem:v14+s2+$0x0], $0xffff;
	[tilespmem:s22+$0xFFFFFE40] =	vst v20  }
0x632: {  	v20 =	vld.idx.msk [tilespmem:v2+s2+$0x0], $0xffff;
	[tilespmem:s22+$0xFFFFFE60] =	vst v21  }
0x633: {  	v21 =	vld.idx.msk [tilespmem:v3+s2+$0x0], $0xffff;
	[tilespmem:s22+$0x0] =	vst v22  }
0x634: {  	v22 =	vld.idx.msk [tilespmem:v4+s2+$0x0], $0xffff;
	[tilespmem:s22+$0x20] =	vst v16  }
0x635: {  	v16 =	vld.idx.msk [tilespmem:v5+s2+$0x0], $0xffff;
	[tilespmem:s22+$0x40] =	vst v17  }
0x636: {  	v17 =	vld.idx.msk [tilespmem:v0+s2+$0x0], $0xffff;
	[tilespmem:s22+$0x70] =	vst v18  }
0x637: {  	[tilespmem:s22+$0xFFFFFE00] =	vst v19;
	v18 =	vld.idx.msk [tilespmem:v13+s14+$0x0], $0xffff  }
0x638: {  	v19 =	vld.idx.msk [tilespmem:v11+s2+$0x0], $0xffff;
	[tilespmem:s22+$0xFFFFFE30] =	vst v20  }
0x639: {  	[tilespmem:s22+$0xFFFFFE50] =	vst v21;
	v20 =	vld.idx.msk [tilespmem:v1+s2+$0x0], $0xffff  }
0x63a: {  	v21 =	vld.idx.msk [tilespmem:v6+s14+$0x0], $0xffff;
	[tilespmem:s22+$0xFFFFFE70] =	vst v22  }
0x63b: {  	v22 =	vld.idx.msk [tilespmem:v7+s14+$0x0], $0xffff;
	[tilespmem:s22+$0x10] =	vst v16  }
0x63c: {  	v16 =	vld.idx.msk [tilespmem:v8+s14+$0x0], $0xffff;
	[tilespmem:s22+$0x30] =	vst v17  }
0x63d: {  	v17 =	vld.idx.msk [tilespmem:v9+s14+$0x0], $0xffff;
	[tilespmem:s22+$0xE0] =	vst v18  }
0x63e: {  	[tilespmem:s22+$0xFFFFFE10] =	vst v19;
	v18 =	vld.idx.msk [tilespmem:v15+s14+$0x0], $0xffff  }
0x63f: {  	v19 =	vld.idx.msk [tilespmem:v14+s14+$0x0], $0xffff;
	[tilespmem:s22+$0x50] =	vst v20  }
0x640: {  	[tilespmem:s22+$0xFFFFFEA0] =	vst v21;
	v20 =	vld.idx.msk [tilespmem:v10+s14+$0x0], $0xffff  }
0x641: {  	[tilespmem:s22+$0xFFFFFEC0] =	vst v22;
	v21 =	vld.idx.msk [tilespmem:v12+s14+$0x0], $0xffff  }
0x642: {  	v22 =	vld.idx.msk [tilespmem:v2+s14+$0x0], $0xffff;
	[tilespmem:s22+$0xFFFFFEE0] =	vst v16  }
0x643: {  	v16 =	vld.idx.msk [tilespmem:v3+s14+$0x0], $0xffff;
	[tilespmem:s22+$0x80] =	vst v17  }
0x644: {  	v17 =	vld.idx.msk [tilespmem:v4+s14+$0x0], $0xffff;
	[tilespmem:s22+$0xF0] =	vst v18  }
0x645: {  	[tilespmem:s22+$0xFFFFFE80] =	vst v19;
	v18 =	vld.idx.msk [tilespmem:v13+s15+$0x0], $0xffff  }
0x646: {  	v19 =	vld.idx.msk [tilespmem:v11+s14+$0x0], $0xffff;
	[tilespmem:s22+$0xA0] =	vst v20  }
0x647: {  	v20 =	vld.idx.msk [tilespmem:v5+s14+$0x0], $0xffff;
	[tilespmem:s22+$0xC0] =	vst v21  }
0x648: {  	[tilespmem:s22+$0xFFFFFEB0] =	vst v22;
	v21 =	vld.idx.msk [tilespmem:v0+s14+$0x0], $0xffff  }
0x649: {  	[tilespmem:s22+$0xFFFFFED0] =	vst v16;
	v16 =	vld.idx.msk [tilespmem:v1+s14+$0x0], $0xffff  }
0x64a: {  	v22 =	vld.idx.msk [tilespmem:v6+s15+$0x0], $0xffff;
	[tilespmem:s22+$0xFFFFFEF0] =	vst v17  }
0x64b: {  	v17 =	vld.idx.msk [tilespmem:v7+s15+$0x0], $0xffff;
	[tilespmem:s22+$0x160] =	vst v18  }
0x64c: {  	[tilespmem:s22+$0xFFFFFE90] =	vst v19;
	v18 =	vld.idx.msk [tilespmem:v15+s15+$0x0], $0xffff  }
0x64d: {  	v19 =	vld.idx.msk [tilespmem:v14+s15+$0x0], $0xffff;
	[tilespmem:s22+$0x90] =	vst v20  }
0x64e: {  	v20 =	vld.idx.msk [tilespmem:v8+s15+$0x0], $0xffff;
	[tilespmem:s22+$0xB0] =	vst v21  }
0x64f: {  	v21 =	vld.idx.msk [tilespmem:v9+s15+$0x0], $0xffff;
	[tilespmem:s22+$0xD0] =	vst v16  }
0x650: {  	[tilespmem:s22+$0xFFFFFF20] =	vst v22;
	v16 =	vld.idx.msk [tilespmem:v10+s15+$0x0], $0xffff  }
0x651: {  	[tilespmem:s22+$0xFFFFFF40] =	vst v17;
	v17 =	vld.idx.msk [tilespmem:v12+s15+$0x0], $0xffff  }
0x652: {  	v22 =	vld.idx.msk [tilespmem:v2+s15+$0x0], $0xffff;
	[tilespmem:s22+$0x170] =	vst v18  }
0x653: {  	[tilespmem:s22+$0xFFFFFF00] =	vst v19;
	v13 =	vld.idx.msk [tilespmem:v13+s16+$0x0], $0xffff  }
0x654: {  	v18 =	vld.idx.msk [tilespmem:v11+s15+$0x0], $0xffff;
	[tilespmem:s22+$0xFFFFFF60] =	vst v20  }
0x655: {  	v19 =	vld.idx.msk [tilespmem:v3+s15+$0x0], $0xffff;
	[tilespmem:s22+$0x100] =	vst v21  }
0x656: {  	v20 =	vld.idx.msk [tilespmem:v4+s15+$0x0], $0xffff;
	[tilespmem:s22+$0x120] =	vst v16  }
0x657: {  	v16 =	vld.idx.msk [tilespmem:v5+s15+$0x0], $0xffff;
	[tilespmem:s22+$0x140] =	vst v17  }
0x658: {  	[tilespmem:s22+$0xFFFFFF30] =	vst v22;
	v17 =	vld.idx.msk [tilespmem:v0+s15+$0x0], $0xffff  }
0x659: {  	v21 =	vld.idx.msk [tilespmem:v1+s15+$0x0], $0xffff;
	[tilespmem:s22+$0x1E0] =	vst v13  }
0x65a: {  	[tilespmem:s22+$0xFFFFFF10] =	vst v18;
	v13 =	vld.idx.msk [tilespmem:v15+s16+$0x0], $0xffff  }
0x65b: {  	v14 =	vld.idx.msk [tilespmem:v14+s16+$0x0], $0xffff;
	[tilespmem:s22+$0xFFFFFF50] =	vst v19  }
0x65c: {  	v15 =	vld.idx.msk [tilespmem:v6+s16+$0x0], $0xffff;
	[tilespmem:s22+$0xFFFFFF70] =	vst v20  }
0x65d: {  	v18 =	vld.idx.msk [tilespmem:v7+s16+$0x0], $0xffff;
	[tilespmem:s22+$0x110] =	vst v16  }
0x65e: {  	v16 =	vld.idx.msk [tilespmem:v8+s16+$0x0], $0xffff;
	[tilespmem:s22+$0x130] =	vst v17  }
0x65f: {  	v9 =	vld.idx.msk [tilespmem:v9+s16+$0x0], $0xffff;
	[tilespmem:s22+$0x150] =	vst v21  }
0x660: {  	v10 =	vld.idx.msk [tilespmem:v10+s16+$0x0], $0xffff;
	[tilespmem:s22+$0x1F0] =	vst v13  }
0x661: {  	[tilespmem:s22+$0xFFFFFF80] =	vst v14;
	v8 =	vld.idx.msk [tilespmem:v12+s16+$0x0], $0xffff  }
.Ltmp11:
0x662: {  	v6 =	vld.idx.msk [tilespmem:v11+s16+$0x0], $0xffff;
	[tilespmem:s22+$0xFFFFFFA0] =	vst v15;
	(pc) =	sbr.rel @p0 .LBB2_21-.Ltmp11, $4  }
0x663: {  	v7 =	vld.idx.msk [tilespmem:v2+s16+$0x0], $0xffff;
	[tilespmem:s22+$0xFFFFFFC0] =	vst v18  }
0x664: {  	v2 =	vld.idx.msk [tilespmem:v3+s16+$0x0], $0xffff;
	[tilespmem:s22+$0xFFFFFFE0] =	vst v16  }
0x665: {  	v3 =	vld.idx.msk [tilespmem:v4+s16+$0x0], $0xffff;
	[tilespmem:s22+$0x180] =	vst v9  }
0x666: {  	s10 =	sadd.s32 $0x100, s10;
	v4 =	vld.idx.msk [tilespmem:v5+s16+$0x0], $0xffff;
	[tilespmem:s22+$0x1A0] =	vst v10  }
0x667: {  	_ =	sdelay $0x2  }
0x668: {  	[tilespmem:s22+$0x1C0] =	vst v8  }
0x669: {  	[tilespmem:s22+$0xFFFFFF90] =	vst v6;
	v0 =	vld.idx.msk [tilespmem:v0+s16+$0x0], $0xffff  }
0x66a: {  	p0 =	seq.s32 s3, $0x23;
	[tilespmem:s22+$0xFFFFFFB0] =	vst v7;
	v1 =	vld.idx.msk [tilespmem:v1+s16+$0x0], $0xffff  }
0x66b: {  	s20 =	smul.u32 @!p0 $0x4800, s3;
	[tilespmem:s22+$0xFFFFFFD0] =	vst v2  }
0x66c: {  	[tilespmem:s22+$0xFFFFFFF0] =	vst v3  }
0x66d: {  	s10 =	sadd.s32 @!p0 s31, s20;
	[tilespmem:s22+$0x190] =	vst v4  }
0x66e: {  	s10 =	sshrl.u32 @!p0 s10, $0x3;
	[tilespmem:s22+$0x1B0] =	vst v0  }
0x66f: {  	s11 =	simm.s32 @!p0 $0x0;
	s10 =	sadd.s32 @!p0 s6, s10;
	[tilespmem:s22+$0x1D0] =	vst v1;
	s22 =	simm.s32 @!p0 $0x10000  }
0x670: {  	[tilespmem:s22], [sflag:$0x2] =	stream.linear.gather @!p0 [hbm4b:s10+s11], $0x80, $0x38;
	[tilespmem:$0x1CF00] =	vst v63  }
0x671: {  	s24 =	simm.s32 @!p0 $0x10100;
	s22 =	sadd.s32 @!p0 $0x40, s10  }
0x672: {  	[tilespmem:s24], [sflag:$0x2] =	stream.linear.gather @!p0 [hbm4b:s22+s11], $0x80, $0x38;
	[tilespmem:$0x1CF00] =	vst v63  }
0x673: {  	s22 =	sadd.s32 @!p0 $0x80, s10;
	s24 =	simm.s32 @!p0 $0x10200  }
0x674: {  	[tilespmem:s24], [sflag:$0x2] =	stream.linear.gather @!p0 [hbm4b:s22+s11], $0x80, $0x38;
	[tilespmem:$0x1CF00] =	vst v63  }
0x675: {  	s22 =	sadd.s32 @!p0 $0xC0, s10;
	s24 =	simm.s32 @!p0 $0x10300  }
0x676: {  	[tilespmem:s24], [sflag:$0x2] =	stream.linear.gather @!p0 [hbm4b:s22+s11], $0x80, $0x38;
	[tilespmem:$0x1CF00] =	vst v63  }
0x677: {  	s22 =	sadd.s32 @!p0 $0x100, s10;
	s24 =	simm.s32 @!p0 $0x10400  }
0x678: {  	[tilespmem:s24], [sflag:$0x2] =	stream.linear.gather @!p0 [hbm4b:s22+s11], $0x80, $0x38;
	[tilespmem:$0x1CF00] =	vst v63  }
0x679: {  	s22 =	sadd.s32 @!p0 $0x140, s10;
	s24 =	simm.s32 @!p0 $0x10500  }
0x67a: {  	[tilespmem:s24], [sflag:$0x2] =	stream.linear.gather @!p0 [hbm4b:s22+s11], $0x80, $0x38;
	[tilespmem:$0x1CF00] =	vst v63  }
0x67b: {  	s22 =	sadd.s32 @!p0 $0x180, s10;
	s24 =	simm.s32 @!p0 $0x10600  }
0x67c: {  	[tilespmem:s24], [sflag:$0x2] =	stream.linear.gather @!p0 [hbm4b:s22+s11], $0x80, $0x38;
	[tilespmem:$0x1CF00] =	vst v63  }
0x67d: {  	s22 =	sadd.s32 @!p0 $0x1C0, s10;
	s24 =	simm.s32 @!p0 $0x10700  }
0x67e: {  	[tilespmem:s24], [sflag:$0x2] =	stream.linear.gather @!p0 [hbm4b:s22+s11], $0x80, $0x38;
	[tilespmem:$0x1CF00] =	vst v63  }
0x67f: {  	s22 =	sadd.s32 @!p0 $0x200, s10;
	s24 =	simm.s32 @!p0 $0x10800  }
0x680: {  	[tilespmem:s24], [sflag:$0x2] =	stream.linear.gather @!p0 [hbm4b:s22+s11], $0x80, $0x38;
	[tilespmem:$0x1CF00] =	vst v63  }
0x681: {  	s22 =	sadd.s32 @!p0 $0x240, s10;
	s24 =	simm.s32 @!p0 $0x10900  }
0x682: {  	[tilespmem:s24], [sflag:$0x2] =	stream.linear.gather @!p0 [hbm4b:s22+s11], $0x80, $0x38;
	[tilespmem:$0x1CF00] =	vst v63  }
0x683: {  	s22 =	sadd.s32 @!p0 $0x280, s10;
	s24 =	simm.s32 @!p0 $0x10A00  }
0x684: {  	[tilespmem:s24], [sflag:$0x2] =	stream.linear.gather @!p0 [hbm4b:s22+s11], $0x80, $0x38;
	[tilespmem:$0x1CF00] =	vst v63  }
0x685: {  	s22 =	sadd.s32 @!p0 $0x2C0, s10;
	s24 =	simm.s32 @!p0 $0x10B00  }
0x686: {  	[tilespmem:s24], [sflag:$0x2] =	stream.linear.gather @!p0 [hbm4b:s22+s11], $0x80, $0x38;
	[tilespmem:$0x1CF00] =	vst v63  }
0x687: {  	s22 =	sadd.s32 @!p0 $0x300, s10;
	s24 =	simm.s32 @!p0 $0x10C00  }
0x688: {  	[tilespmem:s24], [sflag:$0x2] =	stream.linear.gather @!p0 [hbm4b:s22+s11], $0x80, $0x38;
	[tilespmem:$0x1CF00] =	vst v63  }
0x689: {  	s22 =	sadd.s32 @!p0 $0x340, s10;
	s24 =	simm.s32 @!p0 $0x10D00  }
0x68a: {  	[tilespmem:s24], [sflag:$0x2] =	stream.linear.gather @!p0 [hbm4b:s22+s11], $0x80, $0x38;
	[tilespmem:$0x1CF00] =	vst v63  }
0x68b: {  	s22 =	sadd.s32 @!p0 $0x380, s10;
	s24 =	simm.s32 @!p0 $0x10E00  }
0x68c: {  	[tilespmem:s24], [sflag:$0x2] =	stream.linear.gather @!p0 [hbm4b:s22+s11], $0x80, $0x38;
	[tilespmem:$0x1CF00] =	vst v63  }
0x68d: {  	s22 =	sadd.s32 @!p0 $0x3C0, s10;
	s24 =	simm.s32 @!p0 $0x10F00  }
0x68e: {  	[tilespmem:s24], [sflag:$0x2] =	stream.linear.gather @!p0 [hbm4b:s22+s11], $0x80, $0x38;
	[tilespmem:$0x1CF00] =	vst v63  }
0x68f: {  	s22 =	sadd.s32 @!p0 $0x400, s10;
	s24 =	simm.s32 @!p0 $0x11000  }
0x690: {  	[tilespmem:s24], [sflag:$0x2] =	stream.linear.gather @!p0 [hbm4b:s22+s11], $0x80, $0x38;
	[tilespmem:$0x1CF00] =	vst v63  }
0x691: {  	s10 =	sadd.s32 @!p0 $0x440, s10;
	s22 =	simm.s32 @!p0 $0x11100  }
0x692: {  	[tilespmem:s22], [sflag:$0x2] =	stream.linear.gather @!p0 [hbm4b:s10+s11], $0x80, $0x38;
	[tilespmem:$0x1CF00] =	vst v63  }
0x693: {  	s24 =	sshrl.u32 s3, $0x2;
	s22 =	sshll.u32 s3, $0x1  }
0x694: {  	s11 =	smul.u32 $0x120000, s24;
	s10 =	sand.u32 $0x6, s22  }
0x695: {  	s24 =	smul.u32 $0x9000, s10  }
0x696: {  	s22 =	sadd.s32 s11, s19  }
0x697: {  	s10 =	sadd.s32 s24, s22  }
0x698: {  	s10 =	sor.u32 s7, s10  }
0x699: {  	s10 =	sshrl.u32 s10, $0x3  }
0x69a: {  	s10 =	sadd.s32 s1, s10  }
0x69b: {  	[hbm4b:s10+s26] =	stream.strided.scatter [tilespmem:s28], [sflag:$0x4], $0x4800, s13, s26, $0x38;
	[tilespmem:$0x1CF00] =	vst v63  }
0x69c: {  	_ =	swait.ge [sflag:s8], $0x900  }
0x69d: {  	[sflag:s8] =	ssyncset.done $0x0  }
0x69e: {  	[sflag:s8] =	ssyncadd.s32 $0xFFFFF700  }
0x69f: {  	_ =	swait.ge [sflag:s17], $0x4800  }
0x6a0: {  	[sflag:s17] =	ssyncset.done $0x0  }
0x6a1: {  	s25 =	simm.s32 $0x100F0;
	[sflag:s17] =	ssyncadd.s32 $0xFFFFB800  }
0x6a2: {  	v0 =	vld [tilespmem:s25+$0x0]  }
0x6a3: {  	v1 =	vld [tilespmem:s25+$0xFFFFFFA0]  }
0x6a4: {  	v2 =	vld [tilespmem:s25+$0xFFFFFFB0]  }
0x6a5: {  	v3 =	vld [tilespmem:s25+$0xFFFFFFC0]  }
0x6a6: {  	v4 =	vld [tilespmem:s25+$0xFFFFFFD0]  }
0x6a7: {  	v5 =	vld [tilespmem:s25+$0xFFFFFFE0];
	v6 =	vand.u32 $0xFFFF, v0  }
0x6a8: {  	v8 =	vld [tilespmem:s25+$0xFFFFFFF0];
	v7 =	vand.u32 $0xFFFF, v1  }
0x6a9: {  	v10 =	vld [tilespmem:s25+$0xFFFFFF90];
	v9 =	vand.u32 $0xFFFF, v2  }
0x6aa: {  	v11 =	vand.u32 $0xFFFF, v3  }
0x6ab: {  	v12 =	vand.u32 $0xFFFF, v4  }
0x6ac: {  	v13 =	vand.u32 $0xFFFF, v5;
	v14 =	vld.idx.msk [tilespmem:v6+s2+$0x0], $0xffff  }
0x6ad: {  	v16 =	vand.u32 $0xFFFF, v8;
	v15 =	vld.idx.msk [tilespmem:v7+s2+$0x0], $0xffff  }
0x6ae: {  	v19 =	vand.u32 $0xFFFF, v10;
	v17 =	vld.idx.msk [tilespmem:v9+s2+$0x0], $0xffff  }
0x6af: {  	v18 =	vshra.s32 v0, $0x10;
	v20 =	vld.idx.msk [tilespmem:v11+s2+$0x0], $0xffff  }
0x6b0: {  	v21 =	vshra.s32 v1, $0x10;
	v1 =	vld.idx.msk [tilespmem:v12+s2+$0x0], $0xffff  }
0x6b1: {  	s25 =	simm.s32 $0x15A00;
	v22 =	vshra.s32 v2, $0x10;
	v2 =	vld.idx.msk [tilespmem:v13+s2+$0x0], $0xffff  }
0x6b2: {  	v23 =	vshra.s32 v3, $0x10;
	v3 =	vld.idx.msk [tilespmem:v16+s2+$0x0], $0xffff;
	[tilespmem:s25+$0x260] =	vst v14  }
0x6b3: {  	v54 =	vshra.s32 v4, $0x10;
	v0 =	vshra.s32 v5, $0x10;
	v5 =	vld.idx.msk [tilespmem:v19+s2+$0x0], $0xffff;
	[tilespmem:s25+$0x20] =	vst v15  }
0x6b4: {  	[tilespmem:s25+$0x40] =	vst v17;
	v4 =	vld.idx.msk [tilespmem:v18+s2+$0x0], $0xffff  }
0x6b5: {  	v10 =	vshra.s32 v10, $0x10;
	[tilespmem:s25+$0x60] =	vst v20;
	v15 =	vld.idx.msk [tilespmem:v21+s2+$0x0], $0xffff  }
0x6b6: {  	[tilespmem:s25+$0x200] =	vst v1;
	v1 =	vshra.s32 v8, $0x10;
	v17 =	vld.idx.msk [tilespmem:v22+s2+$0x0], $0xffff  }
0x6b7: {  	[tilespmem:s25+$0x220] =	vst v2;
	v8 =	vld.idx.msk [tilespmem:v23+s2+$0x0], $0xffff  }
0x6b8: {  	[tilespmem:s25+$0x240] =	vst v3;
	v2 =	vld.idx.msk [tilespmem:v54+s2+$0x0], $0xffff  }
0x6b9: {  	[tilespmem:s25+$0x0] =	vst v5;
	v3 =	vld.idx.msk [tilespmem:v0+s2+$0x0], $0xffff  }
0x6ba: {  	v5 =	vld.idx.msk [tilespmem:v10+s2+$0x0], $0xffff;
	[tilespmem:s25+$0x270] =	vst v4  }
0x6bb: {  	v55 =	vld.idx.msk [tilespmem:v1+s2+$0x0], $0xffff;
	[tilespmem:s25+$0x30] =	vst v15  }
0x6bc: {  	[tilespmem:s25+$0x50] =	vst v17;
	v4 =	vld.idx.msk [tilespmem:v6+s14+$0x0], $0xffff  }
0x6bd: {  	[tilespmem:s25+$0x70] =	vst v8;
	v56 =	vld.idx.msk [tilespmem:v7+s14+$0x0], $0xffff  }
0x6be: {  	[tilespmem:s25+$0x210] =	vst v2;
	v8 =	vld.idx.msk [tilespmem:v9+s14+$0x0], $0xffff  }
0x6bf: {  	[tilespmem:s25+$0x230] =	vst v3;
	v2 =	vld.idx.msk [tilespmem:v11+s14+$0x0], $0xffff  }
0x6c0: {  	[tilespmem:s25+$0x10] =	vst v5;
	v3 =	vld.idx.msk [tilespmem:v12+s14+$0x0], $0xffff  }
0x6c1: {  	v5 =	vld.idx.msk [tilespmem:v19+s14+$0x0], $0xffff;
	[tilespmem:s25+$0x250] =	vst v55  }
0x6c2: {  	v57 =	vld.idx.msk [tilespmem:v13+s14+$0x0], $0xffff;
	[tilespmem:s25+$0x2E0] =	vst v4  }
0x6c3: {  	[tilespmem:s25+$0xC0] =	vst v8;
	v8 =	vld.idx.msk [tilespmem:v16+s14+$0x0], $0xffff  }
0x6c4: {  	[tilespmem:s25+$0xA0] =	vst v56;
	v4 =	vld.idx.msk [tilespmem:v18+s14+$0x0], $0xffff  }
0x6c5: {  	[tilespmem:s25+$0xE0] =	vst v2;
	v17 =	vld.idx.msk [tilespmem:v21+s14+$0x0], $0xffff  }
0x6c6: {  	[tilespmem:s25+$0x280] =	vst v3;
	v2 =	vld.idx.msk [tilespmem:v22+s14+$0x0], $0xffff  }
0x6c7: {  	[tilespmem:s25+$0x80] =	vst v5;
	v3 =	vld.idx.msk [tilespmem:v23+s14+$0x0], $0xffff  }
0x6c8: {  	[tilespmem:s25+$0x2A0] =	vst v57;
	v5 =	vld.idx.msk [tilespmem:v10+s14+$0x0], $0xffff  }
0x6c9: {  	v58 =	vld.idx.msk [tilespmem:v54+s14+$0x0], $0xffff;
	[tilespmem:s25+$0x2C0] =	vst v8  }
0x6ca: {  	v8 =	vld.idx.msk [tilespmem:v0+s14+$0x0], $0xffff;
	[tilespmem:s25+$0x2F0] =	vst v4  }
0x6cb: {  	[tilespmem:s25+$0xD0] =	vst v2;
	v2 =	vld.idx.msk [tilespmem:v1+s14+$0x0], $0xffff  }
0x6cc: {  	[tilespmem:s25+$0xB0] =	vst v17;
	v4 =	vld.idx.msk [tilespmem:v6+s15+$0x0], $0xffff  }
0x6cd: {  	[tilespmem:s25+$0xF0] =	vst v3;
	v17 =	vld.idx.msk [tilespmem:v7+s15+$0x0], $0xffff  }
0x6ce: {  	[tilespmem:s25+$0x90] =	vst v5;
	v3 =	vld.idx.msk [tilespmem:v9+s15+$0x0], $0xffff  }
0x6cf: {  	[tilespmem:s25+$0x290] =	vst v58;
	v5 =	vld.idx.msk [tilespmem:v19+s15+$0x0], $0xffff  }
0x6d0: {  	v59 =	vld.idx.msk [tilespmem:v11+s15+$0x0], $0xffff;
	[tilespmem:s25+$0x2B0] =	vst v8  }
0x6d1: {  	v8 =	vld.idx.msk [tilespmem:v12+s15+$0x0], $0xffff;
	[tilespmem:s25+$0x2D0] =	vst v2  }
0x6d2: {  	v2 =	vld.idx.msk [tilespmem:v13+s15+$0x0], $0xffff;
	[tilespmem:s25+$0x360] =	vst v4  }
0x6d3: {  	[tilespmem:s25+$0x140] =	vst v3;
	v3 =	vld.idx.msk [tilespmem:v16+s15+$0x0], $0xffff  }
0x6d4: {  	[tilespmem:s25+$0x120] =	vst v17;
	v4 =	vld.idx.msk [tilespmem:v18+s15+$0x0], $0xffff  }
0x6d5: {  	[tilespmem:s25+$0x100] =	vst v5;
	v17 =	vld.idx.msk [tilespmem:v21+s15+$0x0], $0xffff  }
0x6d6: {  	[tilespmem:s25+$0x160] =	vst v59;
	v5 =	vld.idx.msk [tilespmem:v10+s15+$0x0], $0xffff  }
0x6d7: {  	[tilespmem:s25+$0x300] =	vst v8;
	v8 =	vld.idx.msk [tilespmem:v23+s15+$0x0], $0xffff  }
0x6d8: {  	[tilespmem:s25+$0x320] =	vst v2;
	v2 =	vld.idx.msk [tilespmem:v54+s15+$0x0], $0xffff  }
0x6d9: {  	[tilespmem:s25+$0x340] =	vst v3;
	v3 =	vld.idx.msk [tilespmem:v0+s15+$0x0], $0xffff  }
0x6da: {  	[tilespmem:s25+$0x370] =	vst v4;
	v60 =	vld.idx.msk [tilespmem:v1+s15+$0x0], $0xffff  }
0x6db: {  	[tilespmem:s25+$0x130] =	vst v17;
	v4 =	vld.idx.msk [tilespmem:v6+s16+$0x0], $0xffff  }
0x6dc: {  	[tilespmem:s25+$0x110] =	vst v5;
	v6 =	vld.idx.msk [tilespmem:v22+s15+$0x0], $0xffff  }
0x6dd: {  	v5 =	vld.idx.msk [tilespmem:v19+s16+$0x0], $0xffff;
	[tilespmem:s25+$0x170] =	vst v8  }
0x6de: {  	v17 =	vld.idx.msk [tilespmem:v7+s16+$0x0], $0xffff;
	[tilespmem:s25+$0x310] =	vst v2  }
0x6df: {  	v61 =	vld.idx.msk [tilespmem:v11+s16+$0x0], $0xffff;
	[tilespmem:s25+$0x330] =	vst v3  }
0x6e0: {  	v62 =	vld.idx.msk [tilespmem:v12+s16+$0x0], $0xffff;
	[tilespmem:s25+$0x350] =	vst v60  }
0x6e1: {  	v63 =	vld.idx.msk [tilespmem:v13+s16+$0x0], $0xffff;
	[tilespmem:s25+$0x150] =	vst v6  }
0x6e2: {  	[tilespmem:s25+$0x3E0] =	vst v4;
	v8 =	vld.idx.msk [tilespmem:v9+s16+$0x0], $0xffff  }
0x6e3: {  	[tilespmem:s25+$0x180] =	vst v5;
	v7 =	vld.idx.msk [tilespmem:v16+s16+$0x0], $0xffff  }
0x6e4: {  	[tilespmem:s25+$0x1A0] =	vst v17;
	v4 =	vld.idx.msk [tilespmem:v18+s16+$0x0], $0xffff  }
0x6e5: {  	v6 =	vld.idx.msk [tilespmem:v10+s16+$0x0], $0xffff;
	[tilespmem:s25+$0x1E0] =	vst v61  }
0x6e6: {  	v2 =	vld.idx.msk [tilespmem:v21+s16+$0x0], $0xffff;
	[tilespmem:s25+$0x380] =	vst v62  }
0x6e7: {  	v5 =	vld.idx.msk [tilespmem:v54+s16+$0x0], $0xffff;
	[tilespmem:s25+$0x1C0] =	vst v8  }
0x6e8: {  	[tilespmem:s25+$0x3A0] =	vst v63;
	v3 =	vld.idx.msk [tilespmem:v22+s16+$0x0], $0xffff  }
0x6e9: {  	s11 =	simm.s32 $0x101F0;
	s10 =	simm.s32 $0x0;
	[tilespmem:s25+$0x3F0] =	vst v4;
	v4 =	vld.idx.msk [tilespmem:v23+s16+$0x0], $0xffff  }
.LBB2_23:
0x6ea: {  	v15 =	vld [tilespmem:s11+$0x0];
	s10 =	sadd.s32 $0x100, s10;
	[tilespmem:s25+$0x3C0] =	vst v7  }
0x6eb: {  	v7 =	vld [tilespmem:s11+$0xFFFFFFA0];
	p1 =	slt.u32 s10, $0x1100;
	[tilespmem:s25+$0x190] =	vst v6  }
0x6ec: {  	v8 =	vld [tilespmem:s11+$0xFFFFFFB0];
	[tilespmem:s25+$0x1B0] =	vst v2  }
0x6ed: {  	v9 =	vld [tilespmem:s11+$0xFFFFFFC0];
	[tilespmem:s25+$0x1D0] =	vst v3  }
0x6ee: {  	v10 =	vld [tilespmem:s11+$0xFFFFFFD0];
	[tilespmem:s25+$0x1F0] =	vst v4  }
0x6ef: {  	v11 =	vld [tilespmem:s11+$0xFFFFFFE0];
	v13 =	vand.u32 $0xFFFF, v15;
	[tilespmem:s25+$0x390] =	vst v5  }
0x6f0: {  	v2 =	vshra.s32 v7, $0x10;
	v6 =	vand.u32 $0xFFFF, v7;
	v12 =	vld [tilespmem:s11+$0xFFFFFFF0]  }
0x6f1: {  	v14 =	vld [tilespmem:s11+$0xFFFFFF90];
	v3 =	vshra.s32 v8, $0x10;
	v7 =	vand.u32 $0xFFFF, v8  }
0x6f2: {  	v4 =	vshra.s32 v9, $0x10;
	v8 =	vand.u32 $0xFFFF, v9;
	v16 =	vld.idx.msk [tilespmem:v0+s16+$0x0], $0xffff  }
0x6f3: {  	v5 =	vshra.s32 v10, $0x10;
	v9 =	vand.u32 $0xFFFF, v10;
	v17 =	vld.idx.msk [tilespmem:v1+s16+$0x0], $0xffff  }
0x6f4: {  	v0 =	vshra.s32 v11, $0x10;
	v10 =	vand.u32 $0xFFFF, v11;
	v18 =	vld.idx.msk [tilespmem:v13+s2+$0x0], $0xffff  }
0x6f5: {  	v19 =	vld.idx.msk [tilespmem:v6+s2+$0x0], $0xffff;
	v1 =	vshra.s32 v12, $0x10;
	v12 =	vand.u32 $0xFFFF, v12  }
0x6f6: {  	v15 =	vshra.s32 v15, $0x10;
	v11 =	vshra.s32 v14, $0x10;
	v14 =	vand.u32 $0xFFFF, v14;
	v20 =	vld.idx.msk [tilespmem:v7+s2+$0x0], $0xffff  }
0x6f7: {  	v21 =	vld.idx.msk [tilespmem:v8+s2+$0x0], $0xffff  }
0x6f8: {  	v22 =	vld.idx.msk [tilespmem:v9+s2+$0x0], $0xffff;
	[tilespmem:s25+$0x3B0] =	vst v16  }
0x6f9: {  	v16 =	vld.idx.msk [tilespmem:v10+s2+$0x0], $0xffff;
	[tilespmem:s25+$0x3D0] =	vst v17;
	s25 =	sadd.s32 $0x400, s25  }
0x6fa: {  	v17 =	vld.idx.msk [tilespmem:v12+s2+$0x0], $0xffff;
	[tilespmem:s25+$0x260] =	vst v18  }
0x6fb: {  	[tilespmem:s25+$0x20] =	vst v19;
	v18 =	vld.idx.msk [tilespmem:v15+s2+$0x0], $0xffff  }
0x6fc: {  	v19 =	vld.idx.msk [tilespmem:v14+s2+$0x0], $0xffff;
	[tilespmem:s25+$0x40] =	vst v20  }
0x6fd: {  	v20 =	vld.idx.msk [tilespmem:v2+s2+$0x0], $0xffff;
	[tilespmem:s25+$0x60] =	vst v21  }
0x6fe: {  	v21 =	vld.idx.msk [tilespmem:v3+s2+$0x0], $0xffff;
	[tilespmem:s25+$0x200] =	vst v22  }
0x6ff: {  	v22 =	vld.idx.msk [tilespmem:v4+s2+$0x0], $0xffff;
	[tilespmem:s25+$0x220] =	vst v16  }
0x700: {  	v16 =	vld.idx.msk [tilespmem:v5+s2+$0x0], $0xffff;
	[tilespmem:s25+$0x240] =	vst v17  }
0x701: {  	v17 =	vld.idx.msk [tilespmem:v0+s2+$0x0], $0xffff;
	[tilespmem:s25+$0x270] =	vst v18  }
0x702: {  	[tilespmem:s25+$0x0] =	vst v19;
	v18 =	vld.idx.msk [tilespmem:v13+s14+$0x0], $0xffff  }
0x703: {  	v19 =	vld.idx.msk [tilespmem:v11+s2+$0x0], $0xffff;
	[tilespmem:s25+$0x30] =	vst v20  }
0x704: {  	[tilespmem:s25+$0x50] =	vst v21;
	v20 =	vld.idx.msk [tilespmem:v1+s2+$0x0], $0xffff  }
0x705: {  	v21 =	vld.idx.msk [tilespmem:v6+s14+$0x0], $0xffff;
	[tilespmem:s25+$0x70] =	vst v22  }
0x706: {  	v22 =	vld.idx.msk [tilespmem:v7+s14+$0x0], $0xffff;
	[tilespmem:s25+$0x210] =	vst v16  }
0x707: {  	v16 =	vld.idx.msk [tilespmem:v8+s14+$0x0], $0xffff;
	[tilespmem:s25+$0x230] =	vst v17  }
0x708: {  	v17 =	vld.idx.msk [tilespmem:v9+s14+$0x0], $0xffff;
	[tilespmem:s25+$0x2E0] =	vst v18  }
0x709: {  	[tilespmem:s25+$0x10] =	vst v19;
	v18 =	vld.idx.msk [tilespmem:v15+s14+$0x0], $0xffff  }
0x70a: {  	v19 =	vld.idx.msk [tilespmem:v14+s14+$0x0], $0xffff;
	[tilespmem:s25+$0x250] =	vst v20  }
0x70b: {  	[tilespmem:s25+$0xA0] =	vst v21;
	v20 =	vld.idx.msk [tilespmem:v10+s14+$0x0], $0xffff  }
0x70c: {  	[tilespmem:s25+$0xC0] =	vst v22;
	v21 =	vld.idx.msk [tilespmem:v12+s14+$0x0], $0xffff  }
0x70d: {  	v22 =	vld.idx.msk [tilespmem:v2+s14+$0x0], $0xffff;
	[tilespmem:s25+$0xE0] =	vst v16  }
0x70e: {  	v16 =	vld.idx.msk [tilespmem:v3+s14+$0x0], $0xffff;
	[tilespmem:s25+$0x280] =	vst v17  }
0x70f: {  	v17 =	vld.idx.msk [tilespmem:v4+s14+$0x0], $0xffff;
	[tilespmem:s25+$0x2F0] =	vst v18  }
0x710: {  	[tilespmem:s25+$0x80] =	vst v19;
	v18 =	vld.idx.msk [tilespmem:v13+s15+$0x0], $0xffff  }
0x711: {  	v19 =	vld.idx.msk [tilespmem:v11+s14+$0x0], $0xffff;
	[tilespmem:s25+$0x2A0] =	vst v20  }
0x712: {  	v20 =	vld.idx.msk [tilespmem:v5+s14+$0x0], $0xffff;
	[tilespmem:s25+$0x2C0] =	vst v21  }
0x713: {  	[tilespmem:s25+$0xB0] =	vst v22;
	v21 =	vld.idx.msk [tilespmem:v0+s14+$0x0], $0xffff  }
0x714: {  	[tilespmem:s25+$0xD0] =	vst v16;
	v16 =	vld.idx.msk [tilespmem:v1+s14+$0x0], $0xffff  }
0x715: {  	v22 =	vld.idx.msk [tilespmem:v6+s15+$0x0], $0xffff;
	[tilespmem:s25+$0xF0] =	vst v17  }
0x716: {  	v17 =	vld.idx.msk [tilespmem:v7+s15+$0x0], $0xffff;
	[tilespmem:s25+$0x360] =	vst v18  }
0x717: {  	[tilespmem:s25+$0x90] =	vst v19;
	v18 =	vld.idx.msk [tilespmem:v15+s15+$0x0], $0xffff  }
0x718: {  	v19 =	vld.idx.msk [tilespmem:v14+s15+$0x0], $0xffff;
	[tilespmem:s25+$0x290] =	vst v20  }
0x719: {  	v20 =	vld.idx.msk [tilespmem:v8+s15+$0x0], $0xffff;
	[tilespmem:s25+$0x2B0] =	vst v21  }
0x71a: {  	v21 =	vld.idx.msk [tilespmem:v9+s15+$0x0], $0xffff;
	[tilespmem:s25+$0x2D0] =	vst v16  }
0x71b: {  	[tilespmem:s25+$0x120] =	vst v22;
	v16 =	vld.idx.msk [tilespmem:v10+s15+$0x0], $0xffff  }
0x71c: {  	[tilespmem:s25+$0x140] =	vst v17;
	v17 =	vld.idx.msk [tilespmem:v12+s15+$0x0], $0xffff  }
0x71d: {  	v22 =	vld.idx.msk [tilespmem:v2+s15+$0x0], $0xffff;
	[tilespmem:s25+$0x370] =	vst v18  }
0x71e: {  	[tilespmem:s25+$0x100] =	vst v19;
	v13 =	vld.idx.msk [tilespmem:v13+s16+$0x0], $0xffff  }
0x71f: {  	v18 =	vld.idx.msk [tilespmem:v11+s15+$0x0], $0xffff;
	[tilespmem:s25+$0x160] =	vst v20  }
0x720: {  	v19 =	vld.idx.msk [tilespmem:v3+s15+$0x0], $0xffff;
	[tilespmem:s25+$0x300] =	vst v21  }
0x721: {  	v20 =	vld.idx.msk [tilespmem:v4+s15+$0x0], $0xffff;
	[tilespmem:s25+$0x320] =	vst v16  }
0x722: {  	v16 =	vld.idx.msk [tilespmem:v5+s15+$0x0], $0xffff;
	[tilespmem:s25+$0x340] =	vst v17  }
0x723: {  	[tilespmem:s25+$0x130] =	vst v22;
	v17 =	vld.idx.msk [tilespmem:v0+s15+$0x0], $0xffff  }
0x724: {  	v21 =	vld.idx.msk [tilespmem:v1+s15+$0x0], $0xffff;
	[tilespmem:s25+$0x3E0] =	vst v13  }
0x725: {  	[tilespmem:s25+$0x110] =	vst v18;
	v13 =	vld.idx.msk [tilespmem:v15+s16+$0x0], $0xffff  }
0x726: {  	v14 =	vld.idx.msk [tilespmem:v14+s16+$0x0], $0xffff;
	[tilespmem:s25+$0x150] =	vst v19  }
0x727: {  	v15 =	vld.idx.msk [tilespmem:v6+s16+$0x0], $0xffff;
	[tilespmem:s25+$0x170] =	vst v20  }
0x728: {  	v18 =	vld.idx.msk [tilespmem:v7+s16+$0x0], $0xffff;
	[tilespmem:s25+$0x310] =	vst v16  }
0x729: {  	v8 =	vld.idx.msk [tilespmem:v8+s16+$0x0], $0xffff;
	[tilespmem:s25+$0x330] =	vst v17  }
0x72a: {  	v9 =	vld.idx.msk [tilespmem:v9+s16+$0x0], $0xffff;
	[tilespmem:s25+$0x350] =	vst v21  }
0x72b: {  	v10 =	vld.idx.msk [tilespmem:v10+s16+$0x0], $0xffff;
	[tilespmem:s25+$0x3F0] =	vst v13  }
0x72c: {  	[tilespmem:s25+$0x180] =	vst v14;
	v7 =	vld.idx.msk [tilespmem:v12+s16+$0x0], $0xffff  }
.Ltmp12:
0x72d: {  	v6 =	vld.idx.msk [tilespmem:v11+s16+$0x0], $0xffff;
	[tilespmem:s25+$0x1A0] =	vst v15;
	(pc) =	sbr.rel @p1 .LBB2_23-.Ltmp12, $4  }
0x72e: {  	v2 =	vld.idx.msk [tilespmem:v2+s16+$0x0], $0xffff;
	[tilespmem:s25+$0x1C0] =	vst v18  }
0x72f: {  	v3 =	vld.idx.msk [tilespmem:v3+s16+$0x0], $0xffff;
	[tilespmem:s25+$0x1E0] =	vst v8  }
0x730: {  	v4 =	vld.idx.msk [tilespmem:v4+s16+$0x0], $0xffff;
	[tilespmem:s25+$0x380] =	vst v9  }
0x731: {  	s11 =	sadd.s32 $0x100, s11;
	v5 =	vld.idx.msk [tilespmem:v5+s16+$0x0], $0xffff;
	[tilespmem:s25+$0x3A0] =	vst v10  }
0x732: {  	_ =	sdelay $0x2  }
0x733: {  	[tilespmem:s25+$0x3C0] =	vst v7  }
0x734: {  	[tilespmem:s25+$0x190] =	vst v6;
	v0 =	vld.idx.msk [tilespmem:v0+s16+$0x0], $0xffff  }
0x735: {  	[tilespmem:s25+$0x1B0] =	vst v2;
	v1 =	vld.idx.msk [tilespmem:v1+s16+$0x0], $0xffff  }
0x736: {  	[tilespmem:s25+$0x1D0] =	vst v3  }
0x737: {  	[tilespmem:s25+$0x1F0] =	vst v4  }
0x738: {  	s10 =	sadd.s32 @!p0 s0, s20;
	[tilespmem:s25+$0x390] =	vst v5  }
0x739: {  	s10 =	sshrl.u32 @!p0 s10, $0x3;
	[tilespmem:s25+$0x3B0] =	vst v0  }
0x73a: {  	s11 =	simm.s32 @!p0 $0x0;
	s20 =	simm.s32 @!p0 $0x10080;
	s10 =	sadd.s32 @!p0 s6, s10;
	[tilespmem:s25+$0x3D0] =	vst v1  }
0x73b: {  	[tilespmem:s20], [sflag:$0x3] =	stream.linear.gather @!p0 [hbm4b:s10+s11], $0x80, $0x38;
	[tilespmem:$0x1CF00] =	vst v63  }
0x73c: {  	s25 =	simm.s32 @!p0 $0x10180;
	s20 =	sadd.s32 @!p0 $0x40, s10  }
0x73d: {  	[tilespmem:s25], [sflag:$0x3] =	stream.linear.gather @!p0 [hbm4b:s20+s11], $0x80, $0x38;
	[tilespmem:$0x1CF00] =	vst v63  }
0x73e: {  	s20 =	sadd.s32 @!p0 $0x80, s10;
	s25 =	simm.s32 @!p0 $0x10280  }
0x73f: {  	[tilespmem:s25], [sflag:$0x3] =	stream.linear.gather @!p0 [hbm4b:s20+s11], $0x80, $0x38;
	[tilespmem:$0x1CF00] =	vst v63  }
0x740: {  	s20 =	sadd.s32 @!p0 $0xC0, s10;
	s25 =	simm.s32 @!p0 $0x10380  }
0x741: {  	[tilespmem:s25], [sflag:$0x3] =	stream.linear.gather @!p0 [hbm4b:s20+s11], $0x80, $0x38;
	[tilespmem:$0x1CF00] =	vst v63  }
0x742: {  	s20 =	sadd.s32 @!p0 $0x100, s10;
	s25 =	simm.s32 @!p0 $0x10480  }
0x743: {  	[tilespmem:s25], [sflag:$0x3] =	stream.linear.gather @!p0 [hbm4b:s20+s11], $0x80, $0x38;
	[tilespmem:$0x1CF00] =	vst v63  }
0x744: {  	s20 =	sadd.s32 @!p0 $0x140, s10;
	s25 =	simm.s32 @!p0 $0x10580  }
0x745: {  	[tilespmem:s25], [sflag:$0x3] =	stream.linear.gather @!p0 [hbm4b:s20+s11], $0x80, $0x38;
	[tilespmem:$0x1CF00] =	vst v63  }
0x746: {  	s20 =	sadd.s32 @!p0 $0x180, s10;
	s25 =	simm.s32 @!p0 $0x10680  }
0x747: {  	[tilespmem:s25], [sflag:$0x3] =	stream.linear.gather @!p0 [hbm4b:s20+s11], $0x80, $0x38;
	[tilespmem:$0x1CF00] =	vst v63  }
0x748: {  	s20 =	sadd.s32 @!p0 $0x1C0, s10;
	s25 =	simm.s32 @!p0 $0x10780  }
0x749: {  	[tilespmem:s25], [sflag:$0x3] =	stream.linear.gather @!p0 [hbm4b:s20+s11], $0x80, $0x38;
	[tilespmem:$0x1CF00] =	vst v63  }
0x74a: {  	s20 =	sadd.s32 @!p0 $0x200, s10;
	s25 =	simm.s32 @!p0 $0x10880  }
0x74b: {  	[tilespmem:s25], [sflag:$0x3] =	stream.linear.gather @!p0 [hbm4b:s20+s11], $0x80, $0x38;
	[tilespmem:$0x1CF00] =	vst v63  }
0x74c: {  	s20 =	sadd.s32 @!p0 $0x240, s10;
	s25 =	simm.s32 @!p0 $0x10980  }
0x74d: {  	[tilespmem:s25], [sflag:$0x3] =	stream.linear.gather @!p0 [hbm4b:s20+s11], $0x80, $0x38;
	[tilespmem:$0x1CF00] =	vst v63  }
0x74e: {  	s20 =	sadd.s32 @!p0 $0x280, s10;
	s25 =	simm.s32 @!p0 $0x10A80  }
0x74f: {  	[tilespmem:s25], [sflag:$0x3] =	stream.linear.gather @!p0 [hbm4b:s20+s11], $0x80, $0x38;
	[tilespmem:$0x1CF00] =	vst v63  }
0x750: {  	s20 =	sadd.s32 @!p0 $0x2C0, s10;
	s25 =	simm.s32 @!p0 $0x10B80  }
0x751: {  	[tilespmem:s25], [sflag:$0x3] =	stream.linear.gather @!p0 [hbm4b:s20+s11], $0x80, $0x38;
	[tilespmem:$0x1CF00] =	vst v63  }
0x752: {  	s20 =	sadd.s32 @!p0 $0x300, s10;
	s25 =	simm.s32 @!p0 $0x10C80  }
0x753: {  	[tilespmem:s25], [sflag:$0x3] =	stream.linear.gather @!p0 [hbm4b:s20+s11], $0x80, $0x38;
	[tilespmem:$0x1CF00] =	vst v63  }
0x754: {  	s20 =	sadd.s32 @!p0 $0x340, s10;
	s25 =	simm.s32 @!p0 $0x10D80  }
0x755: {  	[tilespmem:s25], [sflag:$0x3] =	stream.linear.gather @!p0 [hbm4b:s20+s11], $0x80, $0x38;
	[tilespmem:$0x1CF00] =	vst v63  }
0x756: {  	s20 =	sadd.s32 @!p0 $0x380, s10;
	s25 =	simm.s32 @!p0 $0x10E80  }
0x757: {  	[tilespmem:s25], [sflag:$0x3] =	stream.linear.gather @!p0 [hbm4b:s20+s11], $0x80, $0x38;
	[tilespmem:$0x1CF00] =	vst v63  }
0x758: {  	s20 =	sadd.s32 @!p0 $0x3C0, s10;
	s25 =	simm.s32 @!p0 $0x10F80  }
0x759: {  	[tilespmem:s25], [sflag:$0x3] =	stream.linear.gather @!p0 [hbm4b:s20+s11], $0x80, $0x38;
	[tilespmem:$0x1CF00] =	vst v63  }
0x75a: {  	s20 =	sadd.s32 @!p0 $0x400, s10;
	s25 =	simm.s32 @!p0 $0x11080  }
0x75b: {  	[tilespmem:s25], [sflag:$0x3] =	stream.linear.gather @!p0 [hbm4b:s20+s11], $0x80, $0x38;
	[tilespmem:$0x1CF00] =	vst v63  }
0x75c: {  	s3 =	sadd.s32 $0x1, s3;
	s10 =	sadd.s32 @!p0 $0x440, s10;
	s20 =	simm.s32 @!p0 $0x11180  }
0x75d: {  	[tilespmem:s20], [sflag:$0x3] =	stream.linear.gather @!p0 [hbm4b:s10+s11], $0x80, $0x38;
	[tilespmem:$0x1CF00] =	vst v63  }
0x75e: {  	p0 =	sne.s32 s3, $0x24  }
.Ltmp13:
0x75f: {  	s25 =	sadd.s32 s24, s30;
	(pc) =	sbr.rel @p0 .LBB2_20-.Ltmp13, $4  }
0x760: {  	s10 =	sadd.s32 s22, s25  }
0x761: {  	s10 =	sshrl.u32 s10, $0x3  }
0x762: {  	s10 =	sadd.s32 s1, s10  }
0x763: {  	[hbm4b:s10+s26] =	stream.strided.scatter [tilespmem:s29], [sflag:$0x5], $0x4800, s13, s26, $0x38;
	[tilespmem:$0x1CF00] =	vst v63  }
0x764: {  	_ =	swait.ge [sflag:s21], $0x4800  }
0x765: {  	[sflag:s21] =	ssyncset.done $0x0  }
0x766: {  	[sflag:s21] =	ssyncadd.s32 $0xFFFFB800  }
0x767: {  	_ =	swait.ge [sflag:s17], $0x4800  }
0x768: {  	s10 =	sld [smem:$0x7BF];
	_ =	sdelay $0x2  }
0x769: {  	s3 =	rddreg [dreg:$0x15];
	s10 =	sadd.s32 $0x1, s10  }
0x76a: {  	p0 =	sne.s32 s10, s3  }
.Ltmp14:
0x76b: {  	_ = 	snop;
	(pc) =	sbr.rel @p0 .LBB2_1-.Ltmp14, $3  }
0x76c: {  	_ =	sdelay $0x1  }
0x76d: {  	[sflag:s17] =	ssyncset.done $0x0  }
0x76e: {  	s25 =	rddreg [dreg:$0xb];
	[sflag:s17] =	ssyncadd.s32 $0xFFFFB800  }
0x76f: {  	_ =	sfence.sel $0x180000  }
0x770: {  	[bflag:$0x0] =	sbarrier.arrive $0xFFFF  }
0x771: {  	_ =	strace $0x90000047  }
0x772: {  	s0 =	stileid.u32;
	[bflag:$0x2] =	sbarrier.arrive $0xFFFF  }
0x773: {  	p0 =	sne.s32 s0, $0x0;
	s0 =	rddreg [dreg:$0x2]  }
0x774: {  	s0 =	sadd.s32 @!p0 $0x100000, s0  }
0x775: {  	[sflag:s0] =	ssyncadd.tile.s32 @!p0 $0x1;
	_ =	shalt  }
.Lfunc_end2:
_tile_overlayer_lowered:
.L_overlay_start_2:
0x776: {  	(tag) =	ssettag $0x2  }
0x777: {  	s0 =	rddreg [dreg:$0x0];
	s2 =	stileid.u32  }
0x778: {  	s1 =	rddreg [dreg:$0x1];
	p0 =	sne.s32 s2, $0x0  }
0x779: {  	s3 =	rddreg [dreg:$0x2];
	[bflag:$0x3] =	sbarrier.arrive $0xFFFF;
	s2 =	simm.s32 @!p0 $0x1C06  }
0x77a: {  	[timem:s3], [sflag:s2] =	dma.local @!p0 [hbm:s0], s1  }
0x77b: {  	s0 =	simm.s32 @!p0 $0x6  }
0x77c: {  	_ =	swait.ge @!p0 [sflag:s0], s1  }
0x77d: {  	s1 =	ssub.s32 @!p0 $0x0, s1;
	[sflag:s0] =	ssyncset.done @!p0 $0x0  }
0x77e: {  	[sflag:s0] =	ssyncadd.s32 @!p0 s1  }
0x77f: {  	[bflag:$0x3] =	sbarrier.arrive $0xFFFF  }
0x780: {  	_ =	shalt  }

</sc_bundles>
